<compile_context>
chip_gen: v7x
topology: tpu7x:2x2x1
jax: 0.10.2.dev20260603
libtpu: 0.0.44.dev20260713+nightly
codegen_flags: <defaults>
</compile_context>

<pallas_src>
import functools

import jax
import jax.numpy as jnp
from jax import lax
from jax.experimental import pallas as pl
from jax.experimental.pallas import tpu as pltpu
from jax.experimental.pallas import tpu_sc as plsc

L = 16
NTILES = 32
GB = 128


def _pack32(v):
    r, c = v.shape
    return lax.bitcast_convert_type(v.reshape(r, c // 2, 2), jnp.int32)


def _unpack32(v):
    r, cw = v.shape
    return lax.bitcast_convert_type(v, jnp.bfloat16).reshape(r, 2 * cw)


def _k1_body(x_ref, wa_ref, wb_ref, b1_ref, a_ref, b_ref):
    x = x_ref[...]
    a_ref[...] = jnp.dot(x, wa_ref[...], preferred_element_type=jnp.float32) + b1_ref[...]
    b_ref[...] = jnp.dot(x, wb_ref[...], preferred_element_type=jnp.float32)


def _node_tables(x, W1, b1):
    n, d = x.shape
    wa = (W1[:, :d] - W1[:, d:]).T
    wb = W1[:, d:].T
    br = 1000
    grid = (n // br,)
    a, b = pl.pallas_call(
        _k1_body,
        grid=grid,
        in_specs=[
            pl.BlockSpec((br, d), lambda i: (i, 0)),
            pl.BlockSpec((d, d), lambda i: (0, 0)),
            pl.BlockSpec((d, d), lambda i: (0, 0)),
            pl.BlockSpec((1, d), lambda i: (0, 0)),
        ],
        out_specs=[
            pl.BlockSpec((br, d), lambda i: (i, 0)),
            pl.BlockSpec((br, d), lambda i: (i, 0)),
        ],
        out_shape=[
            jax.ShapeDtypeStruct((n, d), jnp.float32),
            jax.ShapeDtypeStruct((n, d), jnp.float32),
        ],
    )(x, wa, wb, b1.reshape(1, d))
    return a, b


GB2 = 128
NSLOT = 2


def _k2_body(e, d, n, rows_pt, a_hbm, b_hbm, dst_hbm, src_hbm, g_hbm,
             idxd, idxs, bufa, bufb, bufo, semg, semw):
    sub = lax.axis_index("s")
    wid = sub * 2 + lax.axis_index("c")
    tile_base = wid * rows_pt
    nch = (rows_pt + GB2 - 1) // GB2

    def base_of(c):
        return tile_base + jnp.minimum(c * GB2, rows_pt - GB2)

    def stage(c, s):
        base = base_of(c)
        pltpu.sync_copy(dst_hbm.at[pl.ds(base, GB2)], idxd[s])
        pltpu.sync_copy(src_hbm.at[pl.ds(base, GB2)], idxs[s])
        pltpu.async_copy(a_hbm.at[idxd[s]], bufa[s], semg[s])
        pltpu.async_copy(b_hbm.at[idxs[s]], bufb[s], semg[s])

    def run(c, s):
        @pl.when(c + NSLOT - 1 < nch)
        def _():
            stage(c + NSLOT - 1, (s + NSLOT - 1) % NSLOT)

        pltpu.make_async_copy(a_hbm.at[pl.ds(0, GB2)], bufa[s], semg[s]).wait()
        pltpu.make_async_copy(b_hbm.at[pl.ds(0, GB2)], bufb[s], semg[s]).wait()

        @pl.when(c >= NSLOT)
        def _():
            pltpu.make_async_copy(bufo[s], g_hbm.at[pl.ds(0, GB2)], semw[s]).wait()

        def row(r, _):
            for v in range(d // L):
                av = bufa[s][r, pl.ds(v * L, L)]
                bv = bufb[s][r, pl.ds(v * L, L)]
                bufo[s][r, pl.ds(v * L, L)] = jnp.maximum(av + bv, 0.0)
            return 0

        lax.fori_loop(0, GB2, row, 0, unroll=2)
        pltpu.async_copy(bufo[s], g_hbm.at[pl.ds(base_of(c), GB2)], semw[s])

    for s in range(NSLOT - 1):
        stage(s, s)

    def chunk(i, _):
        c = i * NSLOT
        for k in range(NSLOT):
            run(c + k, k)
        return 0

    lax.fori_loop(0, nch // NSLOT, chunk, 0)
    for k in range(nch % NSLOT):
        run(nch - nch % NSLOT + k, k)
    for s in range(NSLOT):
        if nch > s:
            pltpu.make_async_copy(bufo[s], g_hbm.at[pl.ds(0, GB2)], semw[s]).wait()


def _gather_add_relu(a, b, dst, src):
    n, d = a.shape
    e = dst.shape[0]
    rows_pt = e // NTILES
    mesh = plsc.VectorSubcoreMesh(core_axis_name="c", subcore_axis_name="s")
    f = pl.kernel(
        functools.partial(_k2_body, e, d, n, rows_pt),
        out_type=jax.ShapeDtypeStruct((e, d), jnp.float32),
        mesh=mesh,
        compiler_params=pltpu.CompilerParams(needs_layout_passes=False),
        scratch_types=[
            [pltpu.VMEM((GB2,), jnp.int32)] * NSLOT,
            [pltpu.VMEM((GB2,), jnp.int32)] * NSLOT,
            [pltpu.VMEM((GB2, d), jnp.float32)] * NSLOT,
            [pltpu.VMEM((GB2, d), jnp.float32)] * NSLOT,
            [pltpu.VMEM((GB2, d), jnp.float32)] * NSLOT,
            [pltpu.SemaphoreType.DMA] * NSLOT,
            [pltpu.SemaphoreType.DMA] * NSLOT,
        ],
    )
    return f(a, b, dst, src)


def _k3_body(g_ref, w_ref, b2_ref, h_ref):
    h_ref[...] = (
        jnp.dot(g_ref[...], w_ref[...], preferred_element_type=jnp.float32)
        + b2_ref[...]
    )


def _edge_matmul(g, W2, b2):
    e, d = g.shape
    br = 1280
    grid = (e // br,)
    return pl.pallas_call(
        _k3_body,
        grid=grid,
        in_specs=[
            pl.BlockSpec((br, d), lambda i: (i, 0)),
            pl.BlockSpec((d, d), lambda i: (0, 0)),
            pl.BlockSpec((1, d), lambda i: (0, 0)),
        ],
        out_specs=pl.BlockSpec((br, d), lambda i: (i, 0)),
        out_shape=jax.ShapeDtypeStruct((e, d), jnp.float32),
    )(g, W2.T, b2.reshape(1, d))


NPT = 320
CH = 8000
MCAP = 8192


FIRE = 4


def _k4_body(e, d, h_hbm, dst_hbm, agg_hbm,
             dstc, midx, dval, hbuf, aggb, semb):
    wid = lax.axis_index("s") * 2 + lax.axis_index("c")
    lo = wid * NPT
    vpr = d // L
    nchunk = e // CH
    iota = lax.iota(jnp.int32, L)

    def initv(i, _):
        aggb[pl.ds(i * L, L)] = jnp.full((L,), -jnp.inf, jnp.float32)
        return 0
    lax.fori_loop(0, (NPT + 1) * d // L, initv, 0, unroll=4)

    def initm(i, _):
        midx[pl.ds(i * L, L)] = i * L + iota
        return 0
    lax.fori_loop(0, MCAP // L, initm, 0, unroll=4)

    def rmw(f, nedge):
        fb = f * GB

        def edge(j, _):
            djv = plsc.load_gather(dval, [jnp.zeros((L,), jnp.int32) + (fb + j)])
            ldv = djv - lo
            valid = (ldv >= 0) & (ldv < NPT)
            row = jnp.where(valid, ldv, NPT)
            base = row * d
            idxs = [base + (iota + v * L) for v in range(vpr)]
            olds = [plsc.load_gather(aggb, [idxs[v]]) for v in range(vpr)]
            hvs = [hbuf[fb + j, pl.ds(v * L, L)] for v in range(vpr)]
            for v in range(vpr):
                plsc.store_scatter(aggb, [idxs[v]], jnp.maximum(olds[v], hvs[v]))
            return 0

        lax.fori_loop(0, nedge, edge, 0)

    def chunk(c, _):
        pltpu.sync_copy(dst_hbm.at[pl.ds(c * CH, CH)], dstc)

        def scan(v, cnt):
            dv = dstc[pl.ds(v * L, L)]
            ld = dv - lo
            m = (ld >= 0) & (ld < NPT)
            pc = plsc.all_reduce_population_count(m)
            pos = plsc.cumsum(m.astype(jnp.int32)) + cnt - 1
            eidx = (c * CH + v * L) + iota
            plsc.store_scatter(midx, [pos], eidx, mask=m)
            return cnt + pc

        cntv = lax.fori_loop(0, CH // L, scan, jnp.zeros((L,), jnp.int32),
                             unroll=4)
        cnt = jnp.max(cntv)
        nb = (cnt + GB - 1) // GB

        def rnd(r, _):
            r0 = r * FIRE
            for f in range(FIRE):
                @pl.when(r0 + f < nb)
                def _(f=f):
                    mslice = midx.at[pl.ds((r0 + f) * GB, GB)]
                    pltpu.async_copy(h_hbm.at[mslice],
                                     hbuf.at[pl.ds(f * GB, GB)], semb)
                    pltpu.async_copy(dst_hbm.at[mslice],
                                     dval.at[pl.ds(f * GB, GB)], semb)
            for f in range(FIRE):
                @pl.when(r0 + f < nb)
                def _(f=f):
                    pltpu.make_async_copy(
                        h_hbm.at[pl.ds(0, GB)],
                        hbuf.at[pl.ds(f * GB, GB)], semb).wait()
                    pltpu.make_async_copy(
                        dst_hbm.at[pl.ds(0, GB)],
                        dval.at[pl.ds(f * GB, GB)], semb).wait()
                    rmw(f, jnp.minimum(GB, cnt - (r0 + f) * GB))
            return 0

        lax.fori_loop(0, (nb + FIRE - 1) // FIRE, rnd, 0)
        return 0

    lax.fori_loop(0, nchunk, chunk, 0)
    pltpu.sync_copy(aggb.at[pl.ds(0, NPT * d)],
                    agg_hbm.at[pl.ds(wid * NPT * d, NPT * d)])


def _segment_max(h, dst):
    e, d = h.shape
    mesh = plsc.VectorSubcoreMesh(core_axis_name="c", subcore_axis_name="s")
    f = pl.kernel(
        functools.partial(_k4_body, e, d),
        out_type=jax.ShapeDtypeStruct((NTILES * NPT * d,), jnp.float32),
        mesh=mesh,
        compiler_params=pltpu.CompilerParams(needs_layout_passes=False),
        scratch_types=[
            pltpu.VMEM((CH,), jnp.int32),
            pltpu.VMEM((MCAP,), jnp.int32),
            pltpu.VMEM((FIRE * GB,), jnp.int32),
            pltpu.VMEM((FIRE * GB, d), jnp.float32),
            pltpu.VMEM(((NPT + 1) * d,), jnp.float32),
            pltpu.SemaphoreType.DMA,
        ],
    )
    return f(h, dst).reshape(NTILES * NPT, d)


def _k5_body(n, agg_ref, g_ref, b_ref, y_ref):
    a = agg_ref[...]
    a = jnp.where(a == -jnp.inf, 0.0, a)
    s = jnp.sum(a, axis=0, keepdims=True)
    sq = jnp.sum(a * a, axis=0, keepdims=True)
    mean = s / n
    var = sq / n - mean * mean
    y = (a[:n] - mean) / jnp.sqrt(var + 1e-5) * g_ref[...] + b_ref[...]
    y_ref[...] = y


def _batchnorm(agg, n, gamma, beta):
    npad, d = agg.shape
    return pl.pallas_call(
        functools.partial(_k5_body, n),
        out_shape=jax.ShapeDtypeStruct((n, d), jnp.float32),
    )(agg, gamma.reshape(1, d), beta.reshape(1, d))


def kernel(x, edge_index, edge_attr, W1, b1, W2, b2, gamma, beta):
    src = edge_index[0]
    dst = edge_index[1]
    a, b = _node_tables(x, W1, b1)
    g = _gather_add_relu(a, b, dst, src)
    h = _edge_matmul(g, W2, b2)
    agg = _segment_max(h, dst)
    y = _batchnorm(agg, x.shape[0], gamma, beta)
    return (y, edge_index, edge_attr)

# --- scband reference (transcript-rebuilt; emitter-appended) ---
"""Pipeline reference for scband-my-nnconv-82798379532675 (READ-ONLY COPY).

The authoritative reference and input builder live on the scoring server;
editing this copy changes nothing except your own understanding.
"""

import jax, jax.numpy as jnp
import numpy as np

N = 10000
E = 320000
D = 128
D_EDGE = 16


def setup_inputs(seed: int = 0) -> dict:
    key = jax.random.key(seed)
    ks = jax.random.split(key, 8)
    x = jax.random.normal(ks[0], (N, D), dtype=jnp.float32)
    edge_index = jax.random.randint(ks[1], (2, E), 0, N, dtype=jnp.int32)
    edge_attr = jax.random.normal(ks[2], (E, D_EDGE), dtype=jnp.float32)
    # EdgeConv MLP: Linear(2*in_c, out_c) -> ReLU -> Linear(out_c, out_c)
    W1 = jax.random.normal(ks[3], (D, 2 * D), dtype=jnp.float32) * 0.05
    b1 = jnp.zeros((D,), dtype=jnp.float32)
    W2 = jax.random.normal(ks[4], (D, D), dtype=jnp.float32) * 0.05
    b2 = jnp.zeros((D,), dtype=jnp.float32)
    # BatchNorm1d params
    gamma = jnp.ones((D,), dtype=jnp.float32)
    beta = jnp.zeros((D,), dtype=jnp.float32)
    return {"x": x, "edge_index": edge_index, "edge_attr": edge_attr,
            "W1": W1, "b1": b1, "W2": W2, "b2": b2,
            "gamma": gamma, "beta": beta}


def reference(x, edge_index, edge_attr, W1, b1, W2, b2, gamma, beta):
    # EdgeConv: message = mlp(concat[x_i, x_j - x_i]), max-aggregated at dst i.
    # (dropout_adj from the original forward is stochastic and omitted for a
    #  deterministic reference; equivalent to keep-all edges.)
    src = edge_index[0]
    dst = edge_index[1]
    x_i = x[dst]            # gather: target node features [E, D]
    x_j = x[src]            # gather: source node features [E, D]
    h = jnp.concatenate([x_i, x_j - x_i], axis=-1)   # [E, 2D]
    h = jnp.maximum(h @ W1.T + b1, 0.0)
    h = h @ W2.T + b2                                 # [E, D]
    agg = jax.ops.segment_max(h, dst, num_segments=N) # max scatter-reduce
    agg = jnp.where(jnp.isneginf(agg), 0.0, agg)      # empty segments -> 0
    # BatchNorm1d (training mode: batch statistics over node dim)
    mean = jnp.mean(agg, axis=0)
    var = jnp.var(agg, axis=0)
    y = (agg - mean) / jnp.sqrt(var + 1e-5) * gamma + beta
    return (y, edge_index, edge_attr)

if __name__ == "__main__":
    import jax
    _d = setup_inputs()
    print(jax.jit(kernel)(*tuple(_d.values())))

</pallas_src>

<mosaic_0001>
#map = affine_map<(d0, d1) -> (0, 0)>
#map1 = affine_map<(d0, d1) -> (0)>
module attributes {stable_mosaic.version = 14 : i64} {
  func.func @_k4_body(%arg0: i32, %arg1: i32, %arg2: memref<320000x128xf32, #tpu.memory_space<hbm>>, %arg3: memref<320000xi32, #tpu.memory_space<hbm>>, %arg4: memref<1310720xf32, #tpu.memory_space<hbm>>, %arg5: memref<8000xi32, #tpu.memory_space<vmem>>, %arg6: memref<8192xi32, #tpu.memory_space<vmem>>, %arg7: memref<512xi32, #tpu.memory_space<vmem>>, %arg8: memref<512x128xf32, #tpu.memory_space<vmem>>, %arg9: memref<41088xf32, #tpu.memory_space<vmem>>, %arg10: memref<!tpu.dma_semaphore, #tpu.memory_space<semaphore_mem>>) attributes {dimension_semantics = [#tpu.dimension_semantics<core_parallel>, #tpu.dimension_semantics<subcore_parallel>], iteration_bounds = array<i64: 2, 16>, scalar_prefetch = 0 : i64, scratch_operands = 6 : i64, tpu.core_type = #tpu.core_type<sc_vector_subcore>, window_params = [{transform_indices = #map}, {transform_indices = #map1}, {transform_indices = #map1}]} {
    %mul3A = arith.constant 2 : i32
    %mul3A_0 = arith.muli %arg1, %mul3A : i32
    %add3A = arith.addi %mul3A_0, %arg0 : i32
    %mul3A_1 = arith.constant 320 : i32
    %mul3A_2 = arith.muli %add3A, %mul3A_1 : i32
    %iota3A = tpu.iota {dimensions = array<i32: 0>} : vector<16xi32>
    %scan3A = arith.constant 0 : i32
    %scan3A_3 = arith.constant 0 : i32
    %scan3A_4 = arith.constant 2568 : i32
    %scan3A_5 = arith.addi %scan3A_3, %scan3A_4 : i32
    %scan3A_6 = arith.constant 4 : i32
    %scan3A_7 = scf.for %scan3A_27 = %scan3A_3 to %scan3A_5 step %scan3A_6 iter_args(%scan3A_28 = %scan3A) -> (i32)  : i32 {
      %broadcast_in_dim3A = arith.constant 0xFF800000 : f32
      %broadcast_in_dim3A_29 = vector.broadcast %broadcast_in_dim3A : f32 to vector<16xf32>
      %mul3A_30 = arith.constant 16 : i32
      %mul3A_31 = arith.muli %scan3A_27, %mul3A_30 : i32
      %swap3A = arith.index_cast %mul3A_31 : i32 to index
      %swap3A_32 = tpu.vector_load %arg9[%swap3A] {strides = array<i32>} : memref<41088xf32, #tpu.memory_space<vmem>>, vector<16xf32>,
      tpu.vector_store %arg9[%swap3A], %broadcast_in_dim3A_29 {strides = array<i32>} : memref<41088xf32, #tpu.memory_space<vmem>>, vector<16xf32>,
      %scan3A_33 = arith.constant 0 : i32
      %scan3A_34 = arith.constant 1 : i32
      %scan3A_35 = arith.addi %scan3A_27, %scan3A_34 : i32
      %broadcast_in_dim3A_36 = arith.constant 0xFF800000 : f32
      %broadcast_in_dim3A_37 = vector.broadcast %broadcast_in_dim3A_36 : f32 to vector<16xf32>
      %mul3A_38 = arith.constant 16 : i32
      %mul3A_39 = arith.muli %scan3A_35, %mul3A_38 : i32
      %swap3A_40 = arith.index_cast %mul3A_39 : i32 to index
      %swap3A_41 = tpu.vector_load %arg9[%swap3A_40] {strides = array<i32>} : memref<41088xf32, #tpu.memory_space<vmem>>, vector<16xf32>,
      tpu.vector_store %arg9[%swap3A_40], %broadcast_in_dim3A_37 {strides = array<i32>} : memref<41088xf32, #tpu.memory_space<vmem>>, vector<16xf32>,
      %scan3A_42 = arith.constant 0 : i32
      %scan3A_43 = arith.constant 2 : i32
      %scan3A_44 = arith.addi %scan3A_27, %scan3A_43 : i32
      %broadcast_in_dim3A_45 = arith.constant 0xFF800000 : f32
      %broadcast_in_dim3A_46 = vector.broadcast %broadcast_in_dim3A_45 : f32 to vector<16xf32>
      %mul3A_47 = arith.constant 16 : i32
      %mul3A_48 = arith.muli %scan3A_44, %mul3A_47 : i32
      %swap3A_49 = arith.index_cast %mul3A_48 : i32 to index
      %swap3A_50 = tpu.vector_load %arg9[%swap3A_49] {strides = array<i32>} : memref<41088xf32, #tpu.memory_space<vmem>>, vector<16xf32>,
      tpu.vector_store %arg9[%swap3A_49], %broadcast_in_dim3A_46 {strides = array<i32>} : memref<41088xf32, #tpu.memory_space<vmem>>, vector<16xf32>,
      %scan3A_51 = arith.constant 0 : i32
      %scan3A_52 = arith.constant 3 : i32
      %scan3A_53 = arith.addi %scan3A_27, %scan3A_52 : i32
      %broadcast_in_dim3A_54 = arith.constant 0xFF800000 : f32
      %broadcast_in_dim3A_55 = vector.broadcast %broadcast_in_dim3A_54 : f32 to vector<16xf32>
      %mul3A_56 = arith.constant 16 : i32
      %mul3A_57 = arith.muli %scan3A_53, %mul3A_56 : i32
      %swap3A_58 = arith.index_cast %mul3A_57 : i32 to index
      %swap3A_59 = tpu.vector_load %arg9[%swap3A_58] {strides = array<i32>} : memref<41088xf32, #tpu.memory_space<vmem>>, vector<16xf32>,
      tpu.vector_store %arg9[%swap3A_58], %broadcast_in_dim3A_55 {strides = array<i32>} : memref<41088xf32, #tpu.memory_space<vmem>>, vector<16xf32>,
      %scan3A_60 = arith.constant 0 : i32
      scf.yield %scan3A_60 : i32
    }
    %scan3A_8 = arith.constant 2568 : i32
    %scan3A_9 = arith.constant 0 : i32
    %scan3A_10 = arith.constant 0 : i32
    %scan3A_11 = arith.constant 512 : i32
    %scan3A_12 = arith.addi %scan3A_10, %scan3A_11 : i32
    %scan3A_13 = arith.constant 4 : i32
    %scan3A_14 = scf.for %scan3A_27 = %scan3A_10 to %scan3A_12 step %scan3A_13 iter_args(%scan3A_28 = %scan3A_9) -> (i32)  : i32 {
      %mul3A_29 = arith.constant 16 : i32
      %mul3A_30 = arith.muli %scan3A_27, %mul3A_29 : i32
      %add3A_31 = vector.broadcast %mul3A_30 : i32 to vector<16xi32>
      %add3A_32 = arith.addi %add3A_31, %iota3A : vector<16xi32>
      %mul3A_33 = arith.constant 16 : i32
      %mul3A_34 = arith.muli %scan3A_27, %mul3A_33 : i32
      %swap3A = arith.index_cast %mul3A_34 : i32 to index
      %swap3A_35 = tpu.vector_load %arg6[%swap3A] {strides = array<i32>} : memref<8192xi32, #tpu.memory_space<vmem>>, vector<16xi32>,
      tpu.vector_store %arg6[%swap3A], %add3A_32 {strides = array<i32>} : memref<8192xi32, #tpu.memory_space<vmem>>, vector<16xi32>,
      %scan3A_36 = arith.constant 0 : i32
      %scan3A_37 = arith.constant 1 : i32
      %scan3A_38 = arith.addi %scan3A_27, %scan3A_37 : i32
      %mul3A_39 = arith.constant 16 : i32
      %mul3A_40 = arith.muli %scan3A_38, %mul3A_39 : i32
      %add3A_41 = vector.broadcast %mul3A_40 : i32 to vector<16xi32>
      %add3A_42 = arith.addi %add3A_41, %iota3A : vector<16xi32>
      %mul3A_43 = arith.constant 16 : i32
      %mul3A_44 = arith.muli %scan3A_38, %mul3A_43 : i32
      %swap3A_45 = arith.index_cast %mul3A_44 : i32 to index
      %swap3A_46 = tpu.vector_load %arg6[%swap3A_45] {strides = array<i32>} : memref<8192xi32, #tpu.memory_space<vmem>>, vector<16xi32>,
      tpu.vector_store %arg6[%swap3A_45], %add3A_42 {strides = array<i32>} : memref<8192xi32, #tpu.memory_space<vmem>>, vector<16xi32>,
      %scan3A_47 = arith.constant 0 : i32
      %scan3A_48 = arith.constant 2 : i32
      %scan3A_49 = arith.addi %scan3A_27, %scan3A_48 : i32
      %mul3A_50 = arith.constant 16 : i32
      %mul3A_51 = arith.muli %scan3A_49, %mul3A_50 : i32
      %add3A_52 = vector.broadcast %mul3A_51 : i32 to vector<16xi32>
      %add3A_53 = arith.addi %add3A_52, %iota3A : vector<16xi32>
      %mul3A_54 = arith.constant 16 : i32
      %mul3A_55 = arith.muli %scan3A_49, %mul3A_54 : i32
      %swap3A_56 = arith.index_cast %mul3A_55 : i32 to index
      %swap3A_57 = tpu.vector_load %arg6[%swap3A_56] {strides = array<i32>} : memref<8192xi32, #tpu.memory_space<vmem>>, vector<16xi32>,
      tpu.vector_store %arg6[%swap3A_56], %add3A_53 {strides = array<i32>} : memref<8192xi32, #tpu.memory_space<vmem>>, vector<16xi32>,
      %scan3A_58 = arith.constant 0 : i32
      %scan3A_59 = arith.constant 3 : i32
      %scan3A_60 = arith.addi %scan3A_27, %scan3A_59 : i32
      %mul3A_61 = arith.constant 16 : i32
      %mul3A_62 = arith.muli %scan3A_60, %mul3A_61 : i32
      %add3A_63 = vector.broadcast %mul3A_62 : i32 to vector<16xi32>
      %add3A_64 = arith.addi %add3A_63, %iota3A : vector<16xi32>
      %mul3A_65 = arith.constant 16 : i32
      %mul3A_66 = arith.muli %scan3A_60, %mul3A_65 : i32
      %swap3A_67 = arith.index_cast %mul3A_66 : i32 to index
      %swap3A_68 = tpu.vector_load %arg6[%swap3A_67] {strides = array<i32>} : memref<8192xi32, #tpu.memory_space<vmem>>, vector<16xi32>,
      tpu.vector_store %arg6[%swap3A_67], %add3A_64 {strides = array<i32>} : memref<8192xi32, #tpu.memory_space<vmem>>, vector<16xi32>,
      %scan3A_69 = arith.constant 0 : i32
      scf.yield %scan3A_69 : i32
    }
    %scan3A_15 = arith.constant 512 : i32
    %scan3A_16 = arith.constant 0 : i32
    %scan3A_17 = arith.constant 0 : i32
    %scan3A_18 = arith.constant 40 : i32
    %scan3A_19 = arith.addi %scan3A_17, %scan3A_18 : i32
    %scan3A_20 = arith.constant 1 : i32
    %scan3A_21 = scf.for %scan3A_27 = %scan3A_17 to %scan3A_19 step %scan3A_20 iter_args(%scan3A_28 = %scan3A_16) -> (i32)  : i32 {
      %mul3A_29 = arith.constant 8000 : i32
      %mul3A_30 = arith.muli %scan3A_27, %mul3A_29 : i32
      "tpu.region"() ({
        %run_scoped3A = tpu.sem_alloc : memref<!tpu.dma_semaphore, #tpu.memory_space<semaphore_mem>>
        %dma_start3A = tpu.memref_slice %arg3[%mul3A_30] : memref<320000xi32, #tpu.memory_space<hbm>> -> memref<8000xi32, #tpu.memory_space<hbm>>
        %dma_start3A_105 = tpu.memref_slice %arg3[%mul3A_30] : memref<320000xi32, #tpu.memory_space<hbm>> -> memref<8000xi32, #tpu.memory_space<hbm>>
        tpu.enqueue_dma source(%dma_start3A_105 : memref<8000xi32, #tpu.memory_space<hbm>>) target(%arg5 : memref<8000xi32, #tpu.memory_space<vmem>>) target_semaphore(%run_scoped3A : memref<!tpu.dma_semaphore, #tpu.memory_space<semaphore_mem>>)
        %dma_wait3A = tpu.memref_slice %arg3[%mul3A_30] : memref<320000xi32, #tpu.memory_space<hbm>> -> memref<8000xi32, #tpu.memory_space<hbm>>
        %dma_wait3A_106 = tpu.memref_slice %arg3[%mul3A_30] : memref<320000xi32, #tpu.memory_space<hbm>> -> memref<8000xi32, #tpu.memory_space<hbm>>
        tpu.wait_dma2 semaphore(%run_scoped3A : memref<!tpu.dma_semaphore, #tpu.memory_space<semaphore_mem>>) src(%dma_wait3A_106 : memref<8000xi32, #tpu.memory_space<hbm>>) dst(%arg5 : memref<8000xi32, #tpu.memory_space<vmem>>)
        tpu.yield
      }) : () -> ()
      %broadcast_in_dim3A = arith.constant 0 : i32
      %broadcast_in_dim3A_31 = vector.broadcast %broadcast_in_dim3A : i32 to vector<16xi32>
      %scan3A_32 = arith.constant 0 : i32
      %scan3A_33 = arith.constant 500 : i32
      %scan3A_34 = arith.addi %scan3A_32, %scan3A_33 : i32
      %scan3A_35 = arith.constant 4 : i32
      %scan3A_36 = scf.for %scan3A_105 = %scan3A_32 to %scan3A_34 step %scan3A_35 iter_args(%scan3A_106 = %broadcast_in_dim3A_31) -> (vector<16xi32>)  : i32 {
        %mul3A_107 = arith.constant 16 : i32
        %mul3A_108 = arith.muli %scan3A_105, %mul3A_107 : i32
        %get3A = arith.index_cast %mul3A_108 : i32 to index
        %get3A_109 = tpu.vector_load %arg5[%get3A] {strides = array<i32>} : memref<8000xi32, #tpu.memory_space<vmem>>, vector<16xi32>,
        %sub3A_110 = vector.broadcast %mul3A_2 : i32 to vector<16xi32>
        %sub3A_111 = arith.subi %get3A_109, %sub3A_110 : vector<16xi32>
        %ge3A = arith.constant 0 : i32
        %ge3A_112 = vector.broadcast %ge3A : i32 to vector<16xi32>
        %ge3A_113 = arith.cmpi sge, %sub3A_111, %ge3A_112 : vector<16xi32>
        %lt3A = arith.constant 320 : i32
        %lt3A_114 = vector.broadcast %lt3A : i32 to vector<16xi32>
        %lt3A_115 = arith.cmpi slt, %sub3A_111, %lt3A_114 : vector<16xi32>
        %and3A_116 = arith.andi %ge3A_113, %lt3A_115 : vector<16xi1>
        %all_reduce_population_count3A = tpu.all_reduce %and3A_116 {dim = 0 : i64, kind = #tpu.reduction_kind<sum>} : vector<16xi1> -> vector<16xi32>
        %convert_element_type3A = arith.extui %and3A_116 : vector<16xi1> to vector<16xi32>
        %broadcast_in_dim3A_117 = arith.constant true
        %broadcast_in_dim3A_118 = vector.broadcast %broadcast_in_dim3A_117 : i1 to vector<16xi1>
        %masked_cumsum3A = tpu.scan <sum>, %convert_element_type3A masked %broadcast_in_dim3A_118 : vector<16xi32>, vector<16xi1> -> vector<16xi32>
        %add3A_119 = arith.addi %masked_cumsum3A, %scan3A_106 : vector<16xi32>
        %sub3A_120 = arith.constant 1 : i32
        %sub3A_121 = vector.broadcast %sub3A_120 : i32 to vector<16xi32>
        %sub3A_122 = arith.subi %add3A_119, %sub3A_121 : vector<16xi32>
        %mul3A_123 = arith.constant 8000 : i32
        %mul3A_124 = arith.muli %scan3A_27, %mul3A_123 : i32
        %mul3A_125 = arith.constant 16 : i32
        %mul3A_126 = arith.muli %scan3A_105, %mul3A_125 : i32
        %add3A_127 = arith.addi %mul3A_124, %mul3A_126 : i32
        %add3A_128 = vector.broadcast %add3A_127 : i32 to vector<16xi32>
        %add3A_129 = arith.addi %add3A_128, %iota3A : vector<16xi32>
        tpu.vector_store_idx %arg6[%sub3A_122], %add3A_129 masked %and3A_116 : memref<8192xi32, #tpu.memory_space<vmem>>[vector<16xi32>], vector<16xi32>, vector<16xi1>
        %add3A_130 = arith.addi %scan3A_106, %all_reduce_population_count3A : vector<16xi32>
        %scan3A_131 = arith.constant 1 : i32
        %scan3A_132 = arith.addi %scan3A_105, %scan3A_131 : i32
        %mul3A_133 = arith.constant 16 : i32
        %mul3A_134 = arith.muli %scan3A_132, %mul3A_133 : i32
        %get3A_135 = arith.index_cast %mul3A_134 : i32 to index
        %get3A_136 = tpu.vector_load %arg5[%get3A_135] {strides = array<i32>} : memref<8000xi32, #tpu.memory_space<vmem>>, vector<16xi32>,
        %sub3A_137 = vector.broadcast %mul3A_2 : i32 to vector<16xi32>
        %sub3A_138 = arith.subi %get3A_136, %sub3A_137 : vector<16xi32>
        %ge3A_139 = arith.constant 0 : i32
        %ge3A_140 = vector.broadcast %ge3A_139 : i32 to vector<16xi32>
        %ge3A_141 = arith.cmpi sge, %sub3A_138, %ge3A_140 : vector<16xi32>
        %lt3A_142 = arith.constant 320 : i32
        %lt3A_143 = vector.broadcast %lt3A_142 : i32 to vector<16xi32>
        %lt3A_144 = arith.cmpi slt, %sub3A_138, %lt3A_143 : vector<16xi32>
        %and3A_145 = arith.andi %ge3A_141, %lt3A_144 : vector<16xi1>
        %all_reduce_population_count3A_146 = tpu.all_reduce %and3A_145 {dim = 0 : i64, kind = #tpu.reduction_kind<sum>} : vector<16xi1> -> vector<16xi32>
        %convert_element_type3A_147 = arith.extui %and3A_145 : vector<16xi1> to vector<16xi32>
        %broadcast_in_dim3A_148 = arith.constant true
        %broadcast_in_dim3A_149 = vector.broadcast %broadcast_in_dim3A_148 : i1 to vector<16xi1>
        %masked_cumsum3A_150 = tpu.scan <sum>, %convert_element_type3A_147 masked %broadcast_in_dim3A_149 : vector<16xi32>, vector<16xi1> -> vector<16xi32>
        %add3A_151 = arith.addi %masked_cumsum3A_150, %add3A_130 : vector<16xi32>
        %sub3A_152 = arith.constant 1 : i32
        %sub3A_153 = vector.broadcast %sub3A_152 : i32 to vector<16xi32>
        %sub3A_154 = arith.subi %add3A_151, %sub3A_153 : vector<16xi32>
        %mul3A_155 = arith.constant 8000 : i32
        %mul3A_156 = arith.muli %scan3A_27, %mul3A_155 : i32
        %mul3A_157 = arith.constant 16 : i32
        %mul3A_158 = arith.muli %scan3A_132, %mul3A_157 : i32
        %add3A_159 = arith.addi %mul3A_156, %mul3A_158 : i32
        %add3A_160 = vector.broadcast %add3A_159 : i32 to vector<16xi32>
        %add3A_161 = arith.addi %add3A_160, %iota3A : vector<16xi32>
        tpu.vector_store_idx %arg6[%sub3A_154], %add3A_161 masked %and3A_145 : memref<8192xi32, #tpu.memory_space<vmem>>[vector<16xi32>], vector<16xi32>, vector<16xi1>
        %add3A_162 = arith.addi %add3A_130, %all_reduce_population_count3A_146 : vector<16xi32>
        %scan3A_163 = arith.constant 2 : i32
        %scan3A_164 = arith.addi %scan3A_105, %scan3A_163 : i32
        %mul3A_165 = arith.constant 16 : i32
        %mul3A_166 = arith.muli %scan3A_164, %mul3A_165 : i32
        %get3A_167 = arith.index_cast %mul3A_166 : i32 to index
        %get3A_168 = tpu.vector_load %arg5[%get3A_167] {strides = array<i32>} : memref<8000xi32, #tpu.memory_space<vmem>>, vector<16xi32>,
        %sub3A_169 = vector.broadcast %mul3A_2 : i32 to vector<16xi32>
        %sub3A_170 = arith.subi %get3A_168, %sub3A_169 : vector<16xi32>
        %ge3A_171 = arith.constant 0 : i32
        %ge3A_172 = vector.broadcast %ge3A_171 : i32 to vector<16xi32>
        %ge3A_173 = arith.cmpi sge, %sub3A_170, %ge3A_172 : vector<16xi32>
        %lt3A_174 = arith.constant 320 : i32
        %lt3A_175 = vector.broadcast %lt3A_174 : i32 to vector<16xi32>
        %lt3A_176 = arith.cmpi slt, %sub3A_170, %lt3A_175 : vector<16xi32>
        %and3A_177 = arith.andi %ge3A_173, %lt3A_176 : vector<16xi1>
        %all_reduce_population_count3A_178 = tpu.all_reduce %and3A_177 {dim = 0 : i64, kind = #tpu.reduction_kind<sum>} : vector<16xi1> -> vector<16xi32>
        %convert_element_type3A_179 = arith.extui %and3A_177 : vector<16xi1> to vector<16xi32>
        %broadcast_in_dim3A_180 = arith.constant true
        %broadcast_in_dim3A_181 = vector.broadcast %broadcast_in_dim3A_180 : i1 to vector<16xi1>
        %masked_cumsum3A_182 = tpu.scan <sum>, %convert_element_type3A_179 masked %broadcast_in_dim3A_181 : vector<16xi32>, vector<16xi1> -> vector<16xi32>
        %add3A_183 = arith.addi %masked_cumsum3A_182, %add3A_162 : vector<16xi32>
        %sub3A_184 = arith.constant 1 : i32
        %sub3A_185 = vector.broadcast %sub3A_184 : i32 to vector<16xi32>
        %sub3A_186 = arith.subi %add3A_183, %sub3A_185 : vector<16xi32>
        %mul3A_187 = arith.constant 8000 : i32
        %mul3A_188 = arith.muli %scan3A_27, %mul3A_187 : i32
        %mul3A_189 = arith.constant 16 : i32
        %mul3A_190 = arith.muli %scan3A_164, %mul3A_189 : i32
        %add3A_191 = arith.addi %mul3A_188, %mul3A_190 : i32
        %add3A_192 = vector.broadcast %add3A_191 : i32 to vector<16xi32>
        %add3A_193 = arith.addi %add3A_192, %iota3A : vector<16xi32>
        tpu.vector_store_idx %arg6[%sub3A_186], %add3A_193 masked %and3A_177 : memref<8192xi32, #tpu.memory_space<vmem>>[vector<16xi32>], vector<16xi32>, vector<16xi1>
        %add3A_194 = arith.addi %add3A_162, %all_reduce_population_count3A_178 : vector<16xi32>
        %scan3A_195 = arith.constant 3 : i32
        %scan3A_196 = arith.addi %scan3A_105, %scan3A_195 : i32
        %mul3A_197 = arith.constant 16 : i32
        %mul3A_198 = arith.muli %scan3A_196, %mul3A_197 : i32
        %get3A_199 = arith.index_cast %mul3A_198 : i32 to index
        %get3A_200 = tpu.vector_load %arg5[%get3A_199] {strides = array<i32>} : memref<8000xi32, #tpu.memory_space<vmem>>, vector<16xi32>,
        %sub3A_201 = vector.broadcast %mul3A_2 : i32 to vector<16xi32>
        %sub3A_202 = arith.subi %get3A_200, %sub3A_201 : vector<16xi32>
        %ge3A_203 = arith.constant 0 : i32
        %ge3A_204 = vector.broadcast %ge3A_203 : i32 to vector<16xi32>
        %ge3A_205 = arith.cmpi sge, %sub3A_202, %ge3A_204 : vector<16xi32>
        %lt3A_206 = arith.constant 320 : i32
        %lt3A_207 = vector.broadcast %lt3A_206 : i32 to vector<16xi32>
        %lt3A_208 = arith.cmpi slt, %sub3A_202, %lt3A_207 : vector<16xi32>
        %and3A_209 = arith.andi %ge3A_205, %lt3A_208 : vector<16xi1>
        %all_reduce_population_count3A_210 = tpu.all_reduce %and3A_209 {dim = 0 : i64, kind = #tpu.reduction_kind<sum>} : vector<16xi1> -> vector<16xi32>
        %convert_element_type3A_211 = arith.extui %and3A_209 : vector<16xi1> to vector<16xi32>
        %broadcast_in_dim3A_212 = arith.constant true
        %broadcast_in_dim3A_213 = vector.broadcast %broadcast_in_dim3A_212 : i1 to vector<16xi1>
        %masked_cumsum3A_214 = tpu.scan <sum>, %convert_element_type3A_211 masked %broadcast_in_dim3A_213 : vector<16xi32>, vector<16xi1> -> vector<16xi32>
        %add3A_215 = arith.addi %masked_cumsum3A_214, %add3A_194 : vector<16xi32>
        %sub3A_216 = arith.constant 1 : i32
        %sub3A_217 = vector.broadcast %sub3A_216 : i32 to vector<16xi32>
        %sub3A_218 = arith.subi %add3A_215, %sub3A_217 : vector<16xi32>
        %mul3A_219 = arith.constant 8000 : i32
        %mul3A_220 = arith.muli %scan3A_27, %mul3A_219 : i32
        %mul3A_221 = arith.constant 16 : i32
        %mul3A_222 = arith.muli %scan3A_196, %mul3A_221 : i32
        %add3A_223 = arith.addi %mul3A_220, %mul3A_222 : i32
        %add3A_224 = vector.broadcast %add3A_223 : i32 to vector<16xi32>
        %add3A_225 = arith.addi %add3A_224, %iota3A : vector<16xi32>
        tpu.vector_store_idx %arg6[%sub3A_218], %add3A_225 masked %and3A_209 : memref<8192xi32, #tpu.memory_space<vmem>>[vector<16xi32>], vector<16xi32>, vector<16xi1>
        %add3A_226 = arith.addi %add3A_194, %all_reduce_population_count3A_210 : vector<16xi32>
        scf.yield %add3A_226 : vector<16xi32>
      }
      %scan3A_37 = arith.constant 500 : i32
      %reduce_max3A = arith.constant true
      %reduce_max3A_38 = vector.broadcast %reduce_max3A : i1 to vector<16xi1>
      %reduce_max3A_39 = arith.constant -2147483648 : i32
      %reduce_max3A_40 = vector.broadcast %reduce_max3A_39 : i32 to vector<16xi32>
      %reduce_max3A_41 = arith.xori %scan3A_36, %reduce_max3A_40 : vector<16xi32>
      %reduce_max3A_42 = tpu.scan <max>, %reduce_max3A_41 masked %reduce_max3A_38 : vector<16xi32>, vector<16xi1> -> vector<16xi32>
      %reduce_max3A_43 = arith.xori %reduce_max3A_42, %reduce_max3A_40 : vector<16xi32>
      %reduce_max3A_44 = vector.extract %reduce_max3A_43[15] : i32 from vector<16xi32>
      %add3A_45 = arith.constant 128 : i32
      %add3A_46 = arith.addi %reduce_max3A_44, %add3A_45 : i32
      %sub3A = arith.constant 1 : i32
      %sub3A_47 = arith.subi %add3A_46, %sub3A : i32
      %jit3A = arith.constant 128 : i32
      %div3A = arith.divsi %sub3A_47, %jit3A : i32
      %sign3A = arith.constant 0 : i32
      %sign3A_48 = arith.cmpi sgt, %sub3A_47, %sign3A : i32
      %sign3A_49 = arith.extui %sign3A_48 : i1 to i32
      %sign3A_50 = arith.constant 0 : i32
      %sign3A_51 = arith.cmpi slt, %sub3A_47, %sign3A_50 : i32
      %sign3A_52 = arith.extui %sign3A_51 : i1 to i32
      %sign3A_53 = arith.subi %sign3A_49, %sign3A_52 : i32
      %sign3A_54 = arith.constant 0 : i32
      %sign3A_55 = arith.cmpi sgt, %jit3A, %sign3A_54 : i32
      %sign3A_56 = arith.extui %sign3A_55 : i1 to i32
      %sign3A_57 = arith.constant 0 : i32
      %sign3A_58 = arith.cmpi slt, %jit3A, %sign3A_57 : i32
      %sign3A_59 = arith.extui %sign3A_58 : i1 to i32
      %sign3A_60 = arith.subi %sign3A_56, %sign3A_59 : i32
      %ne3A = arith.cmpi ne, %sign3A_53, %sign3A_60 : i32
      %rem3A = arith.remsi %sub3A_47, %jit3A : i32
      %ne3A_61 = arith.constant 0 : i32
      %ne3A_62 = arith.cmpi ne, %rem3A, %ne3A_61 : i32
      %and3A = arith.andi %ne3A, %ne3A_62 : i1
      %sub3A_63 = arith.constant 1 : i32
      %sub3A_64 = arith.subi %div3A, %sub3A_63 : i32
      %select_n3A = arith.select %and3A, %sub3A_64, %div3A : i32
      %add3A_65 = arith.constant 4 : i32
      %add3A_66 = arith.addi %select_n3A, %add3A_65 : i32
      %sub3A_67 = arith.constant 1 : i32
      %sub3A_68 = arith.subi %add3A_66, %sub3A_67 : i32
      %jit3A_69 = arith.constant 4 : i32
      %div3A_70 = arith.divsi %sub3A_68, %jit3A_69 : i32
      %sign3A_71 = arith.constant 0 : i32
      %sign3A_72 = arith.cmpi sgt, %sub3A_68, %sign3A_71 : i32
      %sign3A_73 = arith.extui %sign3A_72 : i1 to i32
      %sign3A_74 = arith.constant 0 : i32
      %sign3A_75 = arith.cmpi slt, %sub3A_68, %sign3A_74 : i32
      %sign3A_76 = arith.extui %sign3A_75 : i1 to i32
      %sign3A_77 = arith.subi %sign3A_73, %sign3A_76 : i32
      %sign3A_78 = arith.constant 0 : i32
      %sign3A_79 = arith.cmpi sgt, %jit3A_69, %sign3A_78 : i32
      %sign3A_80 = arith.extui %sign3A_79 : i1 to i32
      %sign3A_81 = arith.constant 0 : i32
      %sign3A_82 = arith.cmpi slt, %jit3A_69, %sign3A_81 : i32
      %sign3A_83 = arith.extui %sign3A_82 : i1 to i32
      %sign3A_84 = arith.subi %sign3A_80, %sign3A_83 : i32
      %ne3A_85 = arith.cmpi ne, %sign3A_77, %sign3A_84 : i32
      %rem3A_86 = arith.remsi %sub3A_68, %jit3A_69 : i32
      %ne3A_87 = arith.constant 0 : i32
      %ne3A_88 = arith.cmpi ne, %rem3A_86, %ne3A_87 : i32
      %and3A_89 = arith.andi %ne3A_85, %ne3A_88 : i1
      %sub3A_90 = arith.constant 1 : i32
      %sub3A_91 = arith.subi %div3A_70, %sub3A_90 : i32
      %select_n3A_92 = arith.select %and3A_89, %sub3A_91, %div3A_70 : i32
      %while3A = arith.constant 0 : i32
      %while3A_93 = arith.constant 0 : i32
      %while3A_94 = arith.subi %select_n3A_92, %while3A : i32
      %while3A_95 = arith.addi %while3A, %while3A_94 : i32
      %while3A_96 = arith.constant 1 : i32
      %while3A_97 = arith.divsi %while3A_94, %while3A_96 : i32
      %while3A_98 = arith.muli %while3A_97, %while3A_96 : i32
      %while3A_99 = arith.addi %while3A, %while3A_98 : i32
      %while3A_100 = arith.constant 1 : i32
      %while3A_101 = scf.for %while3A_105 = %while3A to %while3A_99 step %while3A_100 iter_args(%while3A_106 = %while3A_93) -> (i32)  : i32 {
        %mul3A_107 = arith.constant 4 : i32
        %mul3A_108 = arith.muli %while3A_105, %mul3A_107 : i32
        %add3A_109 = arith.constant 0 : i32
        %add3A_110 = arith.addi %mul3A_108, %add3A_109 : i32
        %lt3A = arith.cmpi slt, %add3A_110, %select_n3A : i32
        %convert_element_type3A = arith.extui %lt3A : i1 to i32
        %cond3A = arith.constant 0 : i32
        %cond3A_111 = arith.cmpi ne, %convert_element_type3A, %cond3A : i32
        scf.if %cond3A_111 {
          %add3A_155 = arith.constant 0 : i32
          %add3A_156 = arith.addi %mul3A_108, %add3A_155 : i32
          %mul3A_157 = arith.constant 128 : i32
          %mul3A_158 = arith.muli %add3A_156, %mul3A_157 : i32
          %dma_start3A = arith.constant 0 : i32
          %dma_start3A_159 = arith.constant 0 : i32
          %dma_start3A_160 = tpu.memref_slice %arg8[%dma_start3A, %dma_start3A_159] : memref<512x128xf32, #tpu.memory_space<vmem>> -> memref<128x128xf32, #tpu.memory_space<vmem>>
          %dma_start3A_161 = tpu.memref_slice %arg6[%mul3A_158] : memref<8192xi32, #tpu.memory_space<vmem>> -> memref<128xi32, #tpu.memory_space<vmem>>
          %dma_start3A_162 = arith.constant 0 : i32
          %dma_start3A_163 = arith.constant 0 : i32
          %dma_start3A_164 = tpu.memref_slice %arg2[%dma_start3A_162, %dma_start3A_163] : memref<320000x128xf32, #tpu.memory_space<hbm>> -> memref<320000x128xf32, #tpu.memory_space<hbm>>
          tpu.enqueue_indirect_dma source(%dma_start3A_164 : memref<320000x128xf32, #tpu.memory_space<hbm>>) target(%dma_start3A_160 : memref<128x128xf32, #tpu.memory_space<vmem>>) offsets(%dma_start3A_161 : memref<128xi32, #tpu.memory_space<vmem>>) semaphore(%arg10 : memref<!tpu.dma_semaphore, #tpu.memory_space<semaphore_mem>>)
          %dma_start3A_165 = arith.constant 0 : i32
          %dma_start3A_166 = tpu.memref_slice %arg7[%dma_start3A_165] : memref<512xi32, #tpu.memory_space<vmem>> -> memref<128xi32, #tpu.memory_space<vmem>>
          %dma_start3A_167 = tpu.memref_slice %arg6[%mul3A_158] : memref<8192xi32, #tpu.memory_space<vmem>> -> memref<128xi32, #tpu.memory_space<vmem>>
          %dma_start3A_168 = arith.constant 0 : i32
          %dma_start3A_169 = tpu.memref_slice %arg3[%dma_start3A_168] : memref<320000xi32, #tpu.memory_space<hbm>> -> memref<320000xi32, #tpu.memory_space<hbm>>
          tpu.enqueue_indirect_dma source(%dma_start3A_169 : memref<320000xi32, #tpu.memory_space<hbm>>) target(%dma_start3A_166 : memref<128xi32, #tpu.memory_space<vmem>>) offsets(%dma_start3A_167 : memref<128xi32, #tpu.memory_space<vmem>>) semaphore(%arg10 : memref<!tpu.dma_semaphore, #tpu.memory_space<semaphore_mem>>)
        } else {
        }
        %add3A_112 = arith.constant 1 : i32
        %add3A_113 = arith.addi %mul3A_108, %add3A_112 : i32
        %lt3A_114 = arith.cmpi slt, %add3A_113, %select_n3A : i32
        %convert_element_type3A_115 = arith.extui %lt3A_114 : i1 to i32
        %cond3A_116 = arith.constant 0 : i32
        %cond3A_117 = arith.cmpi ne, %convert_element_type3A_115, %cond3A_116 : i32
        scf.if %cond3A_117 {
          %add3A_155 = arith.constant 1 : i32
          %add3A_156 = arith.addi %mul3A_108, %add3A_155 : i32
          %mul3A_157 = arith.constant 128 : i32
          %mul3A_158 = arith.muli %add3A_156, %mul3A_157 : i32
          %dma_start3A = arith.constant 128 : i32
          %dma_start3A_159 = arith.constant 0 : i32
          %dma_start3A_160 = tpu.memref_slice %arg8[%dma_start3A, %dma_start3A_159] : memref<512x128xf32, #tpu.memory_space<vmem>> -> memref<128x128xf32, #tpu.memory_space<vmem>>
          %dma_start3A_161 = tpu.memref_slice %arg6[%mul3A_158] : memref<8192xi32, #tpu.memory_space<vmem>> -> memref<128xi32, #tpu.memory_space<vmem>>
          %dma_start3A_162 = arith.constant 0 : i32
          %dma_start3A_163 = arith.constant 0 : i32
          %dma_start3A_164 = tpu.memref_slice %arg2[%dma_start3A_162, %dma_start3A_163] : memref<320000x128xf32, #tpu.memory_space<hbm>> -> memref<320000x128xf32, #tpu.memory_space<hbm>>
          tpu.enqueue_indirect_dma source(%dma_start3A_164 : memref<320000x128xf32, #tpu.memory_space<hbm>>) target(%dma_start3A_160 : memref<128x128xf32, #tpu.memory_space<vmem>>) offsets(%dma_start3A_161 : memref<128xi32, #tpu.memory_space<vmem>>) semaphore(%arg10 : memref<!tpu.dma_semaphore, #tpu.memory_space<semaphore_mem>>)
          %dma_start3A_165 = arith.constant 128 : i32
          %dma_start3A_166 = tpu.memref_slice %arg7[%dma_start3A_165] : memref<512xi32, #tpu.memory_space<vmem>> -> memref<128xi32, #tpu.memory_space<vmem>>
          %dma_start3A_167 = tpu.memref_slice %arg6[%mul3A_158] : memref<8192xi32, #tpu.memory_space<vmem>> -> memref<128xi32, #tpu.memory_space<vmem>>
          %dma_start3A_168 = arith.constant 0 : i32
          %dma_start3A_169 = tpu.memref_slice %arg3[%dma_start3A_168] : memref<320000xi32, #tpu.memory_space<hbm>> -> memref<320000xi32, #tpu.memory_space<hbm>>
          tpu.enqueue_indirect_dma source(%dma_start3A_169 : memref<320000xi32, #tpu.memory_space<hbm>>) target(%dma_start3A_166 : memref<128xi32, #tpu.memory_space<vmem>>) offsets(%dma_start3A_167 : memref<128xi32, #tpu.memory_space<vmem>>) semaphore(%arg10 : memref<!tpu.dma_semaphore, #tpu.memory_space<semaphore_mem>>)
        } else {
        }
        %add3A_118 = arith.constant 2 : i32
        %add3A_119 = arith.addi %mul3A_108, %add3A_118 : i32
        %lt3A_120 = arith.cmpi slt, %add3A_119, %select_n3A : i32
        %convert_element_type3A_121 = arith.extui %lt3A_120 : i1 to i32
        %cond3A_122 = arith.constant 0 : i32
        %cond3A_123 = arith.cmpi ne, %convert_element_type3A_121, %cond3A_122 : i32
        scf.if %cond3A_123 {
          %add3A_155 = arith.constant 2 : i32
          %add3A_156 = arith.addi %mul3A_108, %add3A_155 : i32
          %mul3A_157 = arith.constant 128 : i32
          %mul3A_158 = arith.muli %add3A_156, %mul3A_157 : i32
          %dma_start3A = arith.constant 256 : i32
          %dma_start3A_159 = arith.constant 0 : i32
          %dma_start3A_160 = tpu.memref_slice %arg8[%dma_start3A, %dma_start3A_159] : memref<512x128xf32, #tpu.memory_space<vmem>> -> memref<128x128xf32, #tpu.memory_space<vmem>>
          %dma_start3A_161 = tpu.memref_slice %arg6[%mul3A_158] : memref<8192xi32, #tpu.memory_space<vmem>> -> memref<128xi32, #tpu.memory_space<vmem>>
          %dma_start3A_162 = arith.constant 0 : i32
          %dma_start3A_163 = arith.constant 0 : i32
          %dma_start3A_164 = tpu.memref_slice %arg2[%dma_start3A_162, %dma_start3A_163] : memref<320000x128xf32, #tpu.memory_space<hbm>> -> memref<320000x128xf32, #tpu.memory_space<hbm>>
          tpu.enqueue_indirect_dma source(%dma_start3A_164 : memref<320000x128xf32, #tpu.memory_space<hbm>>) target(%dma_start3A_160 : memref<128x128xf32, #tpu.memory_space<vmem>>) offsets(%dma_start3A_161 : memref<128xi32, #tpu.memory_space<vmem>>) semaphore(%arg10 : memref<!tpu.dma_semaphore, #tpu.memory_space<semaphore_mem>>)
          %dma_start3A_165 = arith.constant 256 : i32
          %dma_start3A_166 = tpu.memref_slice %arg7[%dma_start3A_165] : memref<512xi32, #tpu.memory_space<vmem>> -> memref<128xi32, #tpu.memory_space<vmem>>
          %dma_start3A_167 = tpu.memref_slice %arg6[%mul3A_158] : memref<8192xi32, #tpu.memory_space<vmem>> -> memref<128xi32, #tpu.memory_space<vmem>>
          %dma_start3A_168 = arith.constant 0 : i32
          %dma_start3A_169 = tpu.memref_slice %arg3[%dma_start3A_168] : memref<320000xi32, #tpu.memory_space<hbm>> -> memref<320000xi32, #tpu.memory_space<hbm>>
          tpu.enqueue_indirect_dma source(%dma_start3A_169 : memref<320000xi32, #tpu.memory_space<hbm>>) target(%dma_start3A_166 : memref<128xi32, #tpu.memory_space<vmem>>) offsets(%dma_start3A_167 : memref<128xi32, #tpu.memory_space<vmem>>) semaphore(%arg10 : memref<!tpu.dma_semaphore, #tpu.memory_space<semaphore_mem>>)
        } else {
        }
        %add3A_124 = arith.constant 3 : i32
        %add3A_125 = arith.addi %mul3A_108, %add3A_124 : i32
        %lt3A_126 = arith.cmpi slt, %add3A_125, %select_n3A : i32
        %convert_element_type3A_127 = arith.extui %lt3A_126 : i1 to i32
        %cond3A_128 = arith.constant 0 : i32
        %cond3A_129 = arith.cmpi ne, %convert_element_type3A_127, %cond3A_128 : i32
        scf.if %cond3A_129 {
          %add3A_155 = arith.constant 3 : i32
          %add3A_156 = arith.addi %mul3A_108, %add3A_155 : i32
          %mul3A_157 = arith.constant 128 : i32
          %mul3A_158 = arith.muli %add3A_156, %mul3A_157 : i32
          %dma_start3A = arith.constant 384 : i32
          %dma_start3A_159 = arith.constant 0 : i32
          %dma_start3A_160 = tpu.memref_slice %arg8[%dma_start3A, %dma_start3A_159] : memref<512x128xf32, #tpu.memory_space<vmem>> -> memref<128x128xf32, #tpu.memory_space<vmem>>
          %dma_start3A_161 = tpu.memref_slice %arg6[%mul3A_158] : memref<8192xi32, #tpu.memory_space<vmem>> -> memref<128xi32, #tpu.memory_space<vmem>>
          %dma_start3A_162 = arith.constant 0 : i32
          %dma_start3A_163 = arith.constant 0 : i32
          %dma_start3A_164 = tpu.memref_slice %arg2[%dma_start3A_162, %dma_start3A_163] : memref<320000x128xf32, #tpu.memory_space<hbm>> -> memref<320000x128xf32, #tpu.memory_space<hbm>>
          tpu.enqueue_indirect_dma source(%dma_start3A_164 : memref<320000x128xf32, #tpu.memory_space<hbm>>) target(%dma_start3A_160 : memref<128x128xf32, #tpu.memory_space<vmem>>) offsets(%dma_start3A_161 : memref<128xi32, #tpu.memory_space<vmem>>) semaphore(%arg10 : memref<!tpu.dma_semaphore, #tpu.memory_space<semaphore_mem>>)
          %dma_start3A_165 = arith.constant 384 : i32
          %dma_start3A_166 = tpu.memref_slice %arg7[%dma_start3A_165] : memref<512xi32, #tpu.memory_space<vmem>> -> memref<128xi32, #tpu.memory_space<vmem>>
          %dma_start3A_167 = tpu.memref_slice %arg6[%mul3A_158] : memref<8192xi32, #tpu.memory_space<vmem>> -> memref<128xi32, #tpu.memory_space<vmem>>
          %dma_start3A_168 = arith.constant 0 : i32
          %dma_start3A_169 = tpu.memref_slice %arg3[%dma_start3A_168] : memref<320000xi32, #tpu.memory_space<hbm>> -> memref<320000xi32, #tpu.memory_space<hbm>>
          tpu.enqueue_indirect_dma source(%dma_start3A_169 : memref<320000xi32, #tpu.memory_space<hbm>>) target(%dma_start3A_166 : memref<128xi32, #tpu.memory_space<vmem>>) offsets(%dma_start3A_167 : memref<128xi32, #tpu.memory_space<vmem>>) semaphore(%arg10 : memref<!tpu.dma_semaphore, #tpu.memory_space<semaphore_mem>>)
        } else {
        }
        %add3A_130 = arith.constant 0 : i32
        %add3A_131 = arith.addi %mul3A_108, %add3A_130 : i32
        %lt3A_132 = arith.cmpi slt, %add3A_131, %select_n3A : i32
        %convert_element_type3A_133 = arith.extui %lt3A_132 : i1 to i32
        %cond3A_134 = arith.constant 0 : i32
        %cond3A_135 = arith.cmpi ne, %convert_element_type3A_133, %cond3A_134 : i32
        scf.if %cond3A_135 {
          %dma_wait3A = arith.constant 0 : i32
          %dma_wait3A_155 = arith.constant 0 : i32
          %dma_wait3A_156 = tpu.memref_slice %arg8[%dma_wait3A, %dma_wait3A_155] : memref<512x128xf32, #tpu.memory_space<vmem>> -> memref<128x128xf32, #tpu.memory_space<vmem>>
          %dma_wait3A_157 = arith.constant 0 : i32
          %dma_wait3A_158 = arith.constant 0 : i32
          %dma_wait3A_159 = tpu.memref_slice %arg2[%dma_wait3A_157, %dma_wait3A_158] : memref<320000x128xf32, #tpu.memory_space<hbm>> -> memref<128x128xf32, #tpu.memory_space<hbm>>
          %dma_wait3A_160 = arith.constant 0 : i32
          %dma_wait3A_161 = arith.constant 0 : i32
          %dma_wait3A_162 = tpu.memref_slice %arg8[%dma_wait3A_160, %dma_wait3A_161] : memref<512x128xf32, #tpu.memory_space<vmem>> -> memref<128x128xf32, #tpu.memory_space<vmem>>
          %dma_wait3A_163 = arith.constant 0 : i32
          %dma_wait3A_164 = arith.constant 0 : i32
          %dma_wait3A_165 = tpu.memref_slice %arg2[%dma_wait3A_163, %dma_wait3A_164] : memref<320000x128xf32, #tpu.memory_space<hbm>> -> memref<128x128xf32, #tpu.memory_space<hbm>>
          tpu.wait_dma2 semaphore(%arg10 : memref<!tpu.dma_semaphore, #tpu.memory_space<semaphore_mem>>) src(%dma_wait3A_165 : memref<128x128xf32, #tpu.memory_space<hbm>>) dst(%dma_wait3A_162 : memref<128x128xf32, #tpu.memory_space<vmem>>)
          %dma_wait3A_166 = arith.constant 0 : i32
          %dma_wait3A_167 = tpu.memref_slice %arg7[%dma_wait3A_166] : memref<512xi32, #tpu.memory_space<vmem>> -> memref<128xi32, #tpu.memory_space<vmem>>
          %dma_wait3A_168 = arith.constant 0 : i32
          %dma_wait3A_169 = tpu.memref_slice %arg3[%dma_wait3A_168] : memref<320000xi32, #tpu.memory_space<hbm>> -> memref<128xi32, #tpu.memory_space<hbm>>
          %dma_wait3A_170 = arith.constant 0 : i32
          %dma_wait3A_171 = tpu.memref_slice %arg7[%dma_wait3A_170] : memref<512xi32, #tpu.memory_space<vmem>> -> memref<128xi32, #tpu.memory_space<vmem>>
          %dma_wait3A_172 = arith.constant 0 : i32
          %dma_wait3A_173 = tpu.memref_slice %arg3[%dma_wait3A_172] : memref<320000xi32, #tpu.memory_space<hbm>> -> memref<128xi32, #tpu.memory_space<hbm>>
          tpu.wait_dma2 semaphore(%arg10 : memref<!tpu.dma_semaphore, #tpu.memory_space<semaphore_mem>>) src(%dma_wait3A_173 : memref<128xi32, #tpu.memory_space<hbm>>) dst(%dma_wait3A_171 : memref<128xi32, #tpu.memory_space<vmem>>)
          %add3A_174 = arith.constant 0 : i32
          %add3A_175 = arith.addi %mul3A_108, %add3A_174 : i32
          %mul3A_176 = arith.constant 128 : i32
          %mul3A_177 = arith.muli %add3A_175, %mul3A_176 : i32
          %sub3A_178 = arith.subi %reduce_max3A_44, %mul3A_177 : i32
          %min3A = arith.constant 128 : i32
          %min3A_179 = arith.minsi %min3A, %sub3A_178 : i32
          %while3A_180 = arith.constant 0 : i32
          %while3A_181 = arith.constant 0 : i32
          %while3A_182 = arith.subi %min3A_179, %while3A_180 : i32
          %while3A_183 = arith.addi %while3A_180, %while3A_182 : i32
          %while3A_184 = arith.constant 1 : i32
          %while3A_185 = arith.divsi %while3A_182, %while3A_184 : i32
          %while3A_186 = arith.muli %while3A_185, %while3A_184 : i32
          %while3A_187 = arith.addi %while3A_180, %while3A_186 : i32
          %while3A_188 = arith.constant 1 : i32
          %while3A_189 = scf.for %while3A_192 = %while3A_180 to %while3A_187 step %while3A_188 iter_args(%while3A_193 = %while3A_181) -> (i32)  : i32 {
            %broadcast_in_dim3A_194 = arith.constant 0 : i32
            %broadcast_in_dim3A_195 = vector.broadcast %broadcast_in_dim3A_194 : i32 to vector<16xi32>
            %add3A_196 = arith.constant 0 : i32
            %add3A_197 = arith.addi %add3A_196, %while3A_192 : i32
            %add3A_198 = vector.broadcast %add3A_197 : i32 to vector<16xi32>
            %add3A_199 = arith.addi %broadcast_in_dim3A_195, %add3A_198 : vector<16xi32>
            %gather3A = tpu.vector_load_idx %arg7[%add3A_199] : memref<512xi32, #tpu.memory_space<vmem>>[vector<16xi32>], vector<16xi32>,
            %sub3A_200 = vector.broadcast %mul3A_2 : i32 to vector<16xi32>
            %sub3A_201 = arith.subi %gather3A, %sub3A_200 : vector<16xi32>
            %ge3A = arith.constant 0 : i32
            %ge3A_202 = vector.broadcast %ge3A : i32 to vector<16xi32>
            %ge3A_203 = arith.cmpi sge, %sub3A_201, %ge3A_202 : vector<16xi32>
            %lt3A_204 = arith.constant 320 : i32
            %lt3A_205 = vector.broadcast %lt3A_204 : i32 to vector<16xi32>
            %lt3A_206 = arith.cmpi slt, %sub3A_201, %lt3A_205 : vector<16xi32>
            %and3A_207 = arith.andi %ge3A_203, %lt3A_206 : vector<16xi1>
            %jit3A_208 = arith.constant 320 : i32
            %broadcast_in_dim3A_209 = vector.broadcast %jit3A_208 : i32 to vector<16xi32>
            %select_n3A_210 = arith.select %and3A_207, %sub3A_201, %broadcast_in_dim3A_209 : vector<16xi1>, vector<16xi32>
            %mul3A_211 = arith.constant 128 : i32
            %mul3A_212 = vector.broadcast %mul3A_211 : i32 to vector<16xi32>
            %mul3A_213 = arith.muli %select_n3A_210, %mul3A_212 : vector<16xi32>
            %add3A_214 = arith.constant 0 : i32
            %add3A_215 = vector.broadcast %add3A_214 : i32 to vector<16xi32>
            %add3A_216 = arith.addi %iota3A, %add3A_215 : vector<16xi32>
            %add3A_217 = arith.addi %mul3A_213, %add3A_216 : vector<16xi32>
            %add3A_218 = arith.constant 16 : i32
            %add3A_219 = vector.broadcast %add3A_218 : i32 to vector<16xi32>
            %add3A_220 = arith.addi %iota3A, %add3A_219 : vector<16xi32>
            %add3A_221 = arith.addi %mul3A_213, %add3A_220 : vector<16xi32>
            %add3A_222 = arith.constant 32 : i32
            %add3A_223 = vector.broadcast %add3A_222 : i32 to vector<16xi32>
            %add3A_224 = arith.addi %iota3A, %add3A_223 : vector<16xi32>
            %add3A_225 = arith.addi %mul3A_213, %add3A_224 : vector<16xi32>
            %add3A_226 = arith.constant 48 : i32
            %add3A_227 = vector.broadcast %add3A_226 : i32 to vector<16xi32>
            %add3A_228 = arith.addi %iota3A, %add3A_227 : vector<16xi32>
            %add3A_229 = arith.addi %mul3A_213, %add3A_228 : vector<16xi32>
            %add3A_230 = arith.constant 64 : i32
            %add3A_231 = vector.broadcast %add3A_230 : i32 to vector<16xi32>
            %add3A_232 = arith.addi %iota3A, %add3A_231 : vector<16xi32>
            %add3A_233 = arith.addi %mul3A_213, %add3A_232 : vector<16xi32>
            %add3A_234 = arith.constant 80 : i32
            %add3A_235 = vector.broadcast %add3A_234 : i32 to vector<16xi32>
            %add3A_236 = arith.addi %iota3A, %add3A_235 : vector<16xi32>
            %add3A_237 = arith.addi %mul3A_213, %add3A_236 : vector<16xi32>
            %add3A_238 = arith.constant 96 : i32
            %add3A_239 = vector.broadcast %add3A_238 : i32 to vector<16xi32>
            %add3A_240 = arith.addi %iota3A, %add3A_239 : vector<16xi32>
            %add3A_241 = arith.addi %mul3A_213, %add3A_240 : vector<16xi32>
            %add3A_242 = arith.constant 112 : i32
            %add3A_243 = vector.broadcast %add3A_242 : i32 to vector<16xi32>
            %add3A_244 = arith.addi %iota3A, %add3A_243 : vector<16xi32>
            %add3A_245 = arith.addi %mul3A_213, %add3A_244 : vector<16xi32>
            %gather3A_246 = tpu.vector_load_idx %arg9[%add3A_217] : memref<41088xf32, #tpu.memory_space<vmem>>[vector<16xi32>], vector<16xf32>,
            %gather3A_247 = tpu.vector_load_idx %arg9[%add3A_221] : memref<41088xf32, #tpu.memory_space<vmem>>[vector<16xi32>], vector<16xf32>,
            %gather3A_248 = tpu.vector_load_idx %arg9[%add3A_225] : memref<41088xf32, #tpu.memory_space<vmem>>[vector<16xi32>], vector<16xf32>,
            %gather3A_249 = tpu.vector_load_idx %arg9[%add3A_229] : memref<41088xf32, #tpu.memory_space<vmem>>[vector<16xi32>], vector<16xf32>,
            %gather3A_250 = tpu.vector_load_idx %arg9[%add3A_233] : memref<41088xf32, #tpu.memory_space<vmem>>[vector<16xi32>], vector<16xf32>,
            %gather3A_251 = tpu.vector_load_idx %arg9[%add3A_237] : memref<41088xf32, #tpu.memory_space<vmem>>[vector<16xi32>], vector<16xf32>,
            %gather3A_252 = tpu.vector_load_idx %arg9[%add3A_241] : memref<41088xf32, #tpu.memory_space<vmem>>[vector<16xi32>], vector<16xf32>,
            %gather3A_253 = tpu.vector_load_idx %arg9[%add3A_245] : memref<41088xf32, #tpu.memory_space<vmem>>[vector<16xi32>], vector<16xf32>,
            %add3A_254 = arith.constant 0 : i32
            %add3A_255 = arith.addi %add3A_254, %while3A_192 : i32
            %get3A = arith.index_cast %add3A_255 : i32 to index
            %get3A_256 = arith.constant 0 : index
            %get3A_257 = tpu.vector_load %arg8[%get3A, %get3A_256] {strides = array<i32>} : memref<512x128xf32, #tpu.memory_space<vmem>>, vector<16xf32>,
            %add3A_258 = arith.constant 0 : i32
            %add3A_259 = arith.addi %add3A_258, %while3A_192 : i32
            %get3A_260 = arith.index_cast %add3A_259 : i32 to index
            %get3A_261 = arith.constant 16 : index
            %get3A_262 = tpu.vector_load %arg8[%get3A_260, %get3A_261] {strides = array<i32>} : memref<512x128xf32, #tpu.memory_space<vmem>>, vector<16xf32>,
            %add3A_263 = arith.constant 0 : i32
            %add3A_264 = arith.addi %add3A_263, %while3A_192 : i32
            %get3A_265 = arith.index_cast %add3A_264 : i32 to index
            %get3A_266 = arith.constant 32 : index
            %get3A_267 = tpu.vector_load %arg8[%get3A_265, %get3A_266] {strides = array<i32>} : memref<512x128xf32, #tpu.memory_space<vmem>>, vector<16xf32>,
            %add3A_268 = arith.constant 0 : i32
            %add3A_269 = arith.addi %add3A_268, %while3A_192 : i32
            %get3A_270 = arith.index_cast %add3A_269 : i32 to index
            %get3A_271 = arith.constant 48 : index
            %get3A_272 = tpu.vector_load %arg8[%get3A_270, %get3A_271] {strides = array<i32>} : memref<512x128xf32, #tpu.memory_space<vmem>>, vector<16xf32>,
            %add3A_273 = arith.constant 0 : i32
            %add3A_274 = arith.addi %add3A_273, %while3A_192 : i32
            %get3A_275 = arith.index_cast %add3A_274 : i32 to index
            %get3A_276 = arith.constant 64 : index
            %get3A_277 = tpu.vector_load %arg8[%get3A_275, %get3A_276] {strides = array<i32>} : memref<512x128xf32, #tpu.memory_space<vmem>>, vector<16xf32>,
            %add3A_278 = arith.constant 0 : i32
            %add3A_279 = arith.addi %add3A_278, %while3A_192 : i32
            %get3A_280 = arith.index_cast %add3A_279 : i32 to index
            %get3A_281 = arith.constant 80 : index
            %get3A_282 = tpu.vector_load %arg8[%get3A_280, %get3A_281] {strides = array<i32>} : memref<512x128xf32, #tpu.memory_space<vmem>>, vector<16xf32>,
            %add3A_283 = arith.constant 0 : i32
            %add3A_284 = arith.addi %add3A_283, %while3A_192 : i32
            %get3A_285 = arith.index_cast %add3A_284 : i32 to index
            %get3A_286 = arith.constant 96 : index
            %get3A_287 = tpu.vector_load %arg8[%get3A_285, %get3A_286] {strides = array<i32>} : memref<512x128xf32, #tpu.memory_space<vmem>>, vector<16xf32>,
            %add3A_288 = arith.constant 0 : i32
            %add3A_289 = arith.addi %add3A_288, %while3A_192 : i32
            %get3A_290 = arith.index_cast %add3A_289 : i32 to index
            %get3A_291 = arith.constant 112 : index
            %get3A_292 = tpu.vector_load %arg8[%get3A_290, %get3A_291] {strides = array<i32>} : memref<512x128xf32, #tpu.memory_space<vmem>>, vector<16xf32>,
            %max3A = arith.maximumf %gather3A_246, %get3A_257 : vector<16xf32>
            tpu.vector_store_idx %arg9[%add3A_217], %max3A : memref<41088xf32, #tpu.memory_space<vmem>>[vector<16xi32>], vector<16xf32>,
            %max3A_293 = arith.maximumf %gather3A_247, %get3A_262 : vector<16xf32>
            tpu.vector_store_idx %arg9[%add3A_221], %max3A_293 : memref<41088xf32, #tpu.memory_space<vmem>>[vector<16xi32>], vector<16xf32>,
            %max3A_294 = arith.maximumf %gather3A_248, %get3A_267 : vector<16xf32>
            tpu.vector_store_idx %arg9[%add3A_225], %max3A_294 : memref<41088xf32, #tpu.memory_space<vmem>>[vector<16xi32>], vector<16xf32>,
            %max3A_295 = arith.maximumf %gather3A_249, %get3A_272 : vector<16xf32>
            tpu.vector_store_idx %arg9[%add3A_229], %max3A_295 : memref<41088xf32, #tpu.memory_space<vmem>>[vector<16xi32>], vector<16xf32>,
            %max3A_296 = arith.maximumf %gather3A_250, %get3A_277 : vector<16xf32>
            tpu.vector_store_idx %arg9[%add3A_233], %max3A_296 : memref<41088xf32, #tpu.memory_space<vmem>>[vector<16xi32>], vector<16xf32>,
            %max3A_297 = arith.maximumf %gather3A_251, %get3A_282 : vector<16xf32>
            tpu.vector_store_idx %arg9[%add3A_237], %max3A_297 : memref<41088xf32, #tpu.memory_space<vmem>>[vector<16xi32>], vector<16xf32>,
            %max3A_298 = arith.maximumf %gather3A_252, %get3A_287 : vector<16xf32>
            tpu.vector_store_idx %arg9[%add3A_241], %max3A_298 : memref<41088xf32, #tpu.memory_space<vmem>>[vector<16xi32>], vector<16xf32>,
            %max3A_299 = arith.maximumf %gather3A_253, %get3A_292 : vector<16xf32>
            tpu.vector_store_idx %arg9[%add3A_245], %max3A_299 : memref<41088xf32, #tpu.memory_space<vmem>>[vector<16xi32>], vector<16xf32>,
            %while3A_300 = arith.constant 0 : i32
            scf.yield %while3A_300 : i32
          }
          %while3A_190 = arith.constant 1 : i32
          %while3A_191 = scf.for %while3A_192 = %while3A_187 to %while3A_183 step %while3A_190 iter_args(%while3A_193 = %while3A_189) -> (i32)  : i32 {
            %broadcast_in_dim3A_194 = arith.constant 0 : i32
            %broadcast_in_dim3A_195 = vector.broadcast %broadcast_in_dim3A_194 : i32 to vector<16xi32>
            %add3A_196 = arith.constant 0 : i32
            %add3A_197 = arith.addi %add3A_196, %while3A_192 : i32
            %add3A_198 = vector.broadcast %add3A_197 : i32 to vector<16xi32>
            %add3A_199 = arith.addi %broadcast_in_dim3A_195, %add3A_198 : vector<16xi32>
            %gather3A = tpu.vector_load_idx %arg7[%add3A_199] : memref<512xi32, #tpu.memory_space<vmem>>[vector<16xi32>], vector<16xi32>,
            %sub3A_200 = vector.broadcast %mul3A_2 : i32 to vector<16xi32>
            %sub3A_201 = arith.subi %gather3A, %sub3A_200 : vector<16xi32>
            %ge3A = arith.constant 0 : i32
            %ge3A_202 = vector.broadcast %ge3A : i32 to vector<16xi32>
            %ge3A_203 = arith.cmpi sge, %sub3A_201, %ge3A_202 : vector<16xi32>
            %lt3A_204 = arith.constant 320 : i32
            %lt3A_205 = vector.broadcast %lt3A_204 : i32 to vector<16xi32>
            %lt3A_206 = arith.cmpi slt, %sub3A_201, %lt3A_205 : vector<16xi32>
            %and3A_207 = arith.andi %ge3A_203, %lt3A_206 : vector<16xi1>
            %jit3A_208 = arith.constant 320 : i32
            %broadcast_in_dim3A_209 = vector.broadcast %jit3A_208 : i32 to vector<16xi32>
            %select_n3A_210 = arith.select %and3A_207, %sub3A_201, %broadcast_in_dim3A_209 : vector<16xi1>, vector<16xi32>
            %mul3A_211 = arith.constant 128 : i32
            %mul3A_212 = vector.broadcast %mul3A_211 : i32 to vector<16xi32>
            %mul3A_213 = arith.muli %select_n3A_210, %mul3A_212 : vector<16xi32>
            %add3A_214 = arith.constant 0 : i32
            %add3A_215 = vector.broadcast %add3A_214 : i32 to vector<16xi32>
            %add3A_216 = arith.addi %iota3A, %add3A_215 : vector<16xi32>
            %add3A_217 = arith.addi %mul3A_213, %add3A_216 : vector<16xi32>
            %add3A_218 = arith.constant 16 : i32
            %add3A_219 = vector.broadcast %add3A_218 : i32 to vector<16xi32>
            %add3A_220 = arith.addi %iota3A, %add3A_219 : vector<16xi32>
            %add3A_221 = arith.addi %mul3A_213, %add3A_220 : vector<16xi32>
            %add3A_222 = arith.constant 32 : i32
            %add3A_223 = vector.broadcast %add3A_222 : i32 to vector<16xi32>
            %add3A_224 = arith.addi %iota3A, %add3A_223 : vector<16xi32>
            %add3A_225 = arith.addi %mul3A_213, %add3A_224 : vector<16xi32>
            %add3A_226 = arith.constant 48 : i32
            %add3A_227 = vector.broadcast %add3A_226 : i32 to vector<16xi32>
            %add3A_228 = arith.addi %iota3A, %add3A_227 : vector<16xi32>
            %add3A_229 = arith.addi %mul3A_213, %add3A_228 : vector<16xi32>
            %add3A_230 = arith.constant 64 : i32
            %add3A_231 = vector.broadcast %add3A_230 : i32 to vector<16xi32>
            %add3A_232 = arith.addi %iota3A, %add3A_231 : vector<16xi32>
            %add3A_233 = arith.addi %mul3A_213, %add3A_232 : vector<16xi32>
            %add3A_234 = arith.constant 80 : i32
            %add3A_235 = vector.broadcast %add3A_234 : i32 to vector<16xi32>
            %add3A_236 = arith.addi %iota3A, %add3A_235 : vector<16xi32>
            %add3A_237 = arith.addi %mul3A_213, %add3A_236 : vector<16xi32>
            %add3A_238 = arith.constant 96 : i32
            %add3A_239 = vector.broadcast %add3A_238 : i32 to vector<16xi32>
            %add3A_240 = arith.addi %iota3A, %add3A_239 : vector<16xi32>
            %add3A_241 = arith.addi %mul3A_213, %add3A_240 : vector<16xi32>
            %add3A_242 = arith.constant 112 : i32
            %add3A_243 = vector.broadcast %add3A_242 : i32 to vector<16xi32>
            %add3A_244 = arith.addi %iota3A, %add3A_243 : vector<16xi32>
            %add3A_245 = arith.addi %mul3A_213, %add3A_244 : vector<16xi32>
            %gather3A_246 = tpu.vector_load_idx %arg9[%add3A_217] : memref<41088xf32, #tpu.memory_space<vmem>>[vector<16xi32>], vector<16xf32>,
            %gather3A_247 = tpu.vector_load_idx %arg9[%add3A_221] : memref<41088xf32, #tpu.memory_space<vmem>>[vector<16xi32>], vector<16xf32>,
            %gather3A_248 = tpu.vector_load_idx %arg9[%add3A_225] : memref<41088xf32, #tpu.memory_space<vmem>>[vector<16xi32>], vector<16xf32>,
            %gather3A_249 = tpu.vector_load_idx %arg9[%add3A_229] : memref<41088xf32, #tpu.memory_space<vmem>>[vector<16xi32>], vector<16xf32>,
            %gather3A_250 = tpu.vector_load_idx %arg9[%add3A_233] : memref<41088xf32, #tpu.memory_space<vmem>>[vector<16xi32>], vector<16xf32>,
            %gather3A_251 = tpu.vector_load_idx %arg9[%add3A_237] : memref<41088xf32, #tpu.memory_space<vmem>>[vector<16xi32>], vector<16xf32>,
            %gather3A_252 = tpu.vector_load_idx %arg9[%add3A_241] : memref<41088xf32, #tpu.memory_space<vmem>>[vector<16xi32>], vector<16xf32>,
            %gather3A_253 = tpu.vector_load_idx %arg9[%add3A_245] : memref<41088xf32, #tpu.memory_space<vmem>>[vector<16xi32>], vector<16xf32>,
            %add3A_254 = arith.constant 0 : i32
            %add3A_255 = arith.addi %add3A_254, %while3A_192 : i32
            %get3A = arith.index_cast %add3A_255 : i32 to index
            %get3A_256 = arith.constant 0 : index
            %get3A_257 = tpu.vector_load %arg8[%get3A, %get3A_256] {strides = array<i32>} : memref<512x128xf32, #tpu.memory_space<vmem>>, vector<16xf32>,
            %add3A_258 = arith.constant 0 : i32
            %add3A_259 = arith.addi %add3A_258, %while3A_192 : i32
            %get3A_260 = arith.index_cast %add3A_259 : i32 to index
            %get3A_261 = arith.constant 16 : index
            %get3A_262 = tpu.vector_load %arg8[%get3A_260, %get3A_261] {strides = array<i32>} : memref<512x128xf32, #tpu.memory_space<vmem>>, vector<16xf32>,
            %add3A_263 = arith.constant 0 : i32
            %add3A_264 = arith.addi %add3A_263, %while3A_192 : i32
            %get3A_265 = arith.index_cast %add3A_264 : i32 to index
            %get3A_266 = arith.constant 32 : index
            %get3A_267 = tpu.vector_load %arg8[%get3A_265, %get3A_266] {strides = array<i32>} : memref<512x128xf32, #tpu.memory_space<vmem>>, vector<16xf32>,
            %add3A_268 = arith.constant 0 : i32
            %add3A_269 = arith.addi %add3A_268, %while3A_192 : i32
            %get3A_270 = arith.index_cast %add3A_269 : i32 to index
            %get3A_271 = arith.constant 48 : index
            %get3A_272 = tpu.vector_load %arg8[%get3A_270, %get3A_271] {strides = array<i32>} : memref<512x128xf32, #tpu.memory_space<vmem>>, vector<16xf32>,
            %add3A_273 = arith.constant 0 : i32
            %add3A_274 = arith.addi %add3A_273, %while3A_192 : i32
            %get3A_275 = arith.index_cast %add3A_274 : i32 to index
            %get3A_276 = arith.constant 64 : index
            %get3A_277 = tpu.vector_load %arg8[%get3A_275, %get3A_276] {strides = array<i32>} : memref<512x128xf32, #tpu.memory_space<vmem>>, vector<16xf32>,
            %add3A_278 = arith.constant 0 : i32
            %add3A_279 = arith.addi %add3A_278, %while3A_192 : i32
            %get3A_280 = arith.index_cast %add3A_279 : i32 to index
            %get3A_281 = arith.constant 80 : index
            %get3A_282 = tpu.vector_load %arg8[%get3A_280, %get3A_281] {strides = array<i32>} : memref<512x128xf32, #tpu.memory_space<vmem>>, vector<16xf32>,
            %add3A_283 = arith.constant 0 : i32
            %add3A_284 = arith.addi %add3A_283, %while3A_192 : i32
            %get3A_285 = arith.index_cast %add3A_284 : i32 to index
            %get3A_286 = arith.constant 96 : index
            %get3A_287 = tpu.vector_load %arg8[%get3A_285, %get3A_286] {strides = array<i32>} : memref<512x128xf32, #tpu.memory_space<vmem>>, vector<16xf32>,
            %add3A_288 = arith.constant 0 : i32
            %add3A_289 = arith.addi %add3A_288, %while3A_192 : i32
            %get3A_290 = arith.index_cast %add3A_289 : i32 to index
            %get3A_291 = arith.constant 112 : index
            %get3A_292 = tpu.vector_load %arg8[%get3A_290, %get3A_291] {strides = array<i32>} : memref<512x128xf32, #tpu.memory_space<vmem>>, vector<16xf32>,
            %max3A = arith.maximumf %gather3A_246, %get3A_257 : vector<16xf32>
            tpu.vector_store_idx %arg9[%add3A_217], %max3A : memref<41088xf32, #tpu.memory_space<vmem>>[vector<16xi32>], vector<16xf32>,
            %max3A_293 = arith.maximumf %gather3A_247, %get3A_262 : vector<16xf32>
            tpu.vector_store_idx %arg9[%add3A_221], %max3A_293 : memref<41088xf32, #tpu.memory_space<vmem>>[vector<16xi32>], vector<16xf32>,
            %max3A_294 = arith.maximumf %gather3A_248, %get3A_267 : vector<16xf32>
            tpu.vector_store_idx %arg9[%add3A_225], %max3A_294 : memref<41088xf32, #tpu.memory_space<vmem>>[vector<16xi32>], vector<16xf32>,
            %max3A_295 = arith.maximumf %gather3A_249, %get3A_272 : vector<16xf32>
            tpu.vector_store_idx %arg9[%add3A_229], %max3A_295 : memref<41088xf32, #tpu.memory_space<vmem>>[vector<16xi32>], vector<16xf32>,
            %max3A_296 = arith.maximumf %gather3A_250, %get3A_277 : vector<16xf32>
            tpu.vector_store_idx %arg9[%add3A_233], %max3A_296 : memref<41088xf32, #tpu.memory_space<vmem>>[vector<16xi32>], vector<16xf32>,
            %max3A_297 = arith.maximumf %gather3A_251, %get3A_282 : vector<16xf32>
            tpu.vector_store_idx %arg9[%add3A_237], %max3A_297 : memref<41088xf32, #tpu.memory_space<vmem>>[vector<16xi32>], vector<16xf32>,
            %max3A_298 = arith.maximumf %gather3A_252, %get3A_287 : vector<16xf32>
            tpu.vector_store_idx %arg9[%add3A_241], %max3A_298 : memref<41088xf32, #tpu.memory_space<vmem>>[vector<16xi32>], vector<16xf32>,
            %max3A_299 = arith.maximumf %gather3A_253, %get3A_292 : vector<16xf32>
            tpu.vector_store_idx %arg9[%add3A_245], %max3A_299 : memref<41088xf32, #tpu.memory_space<vmem>>[vector<16xi32>], vector<16xf32>,
            %while3A_300 = arith.constant 0 : i32
            scf.yield %while3A_300 : i32
          }
        } else {
        }
        %add3A_136 = arith.constant 1 : i32
        %add3A_137 = arith.addi %mul3A_108, %add3A_136 : i32
        %lt3A_138 = arith.cmpi slt, %add3A_137, %select_n3A : i32
        %convert_element_type3A_139 = arith.extui %lt3A_138 : i1 to i32
        %cond3A_140 = arith.constant 0 : i32
        %cond3A_141 = arith.cmpi ne, %convert_element_type3A_139, %cond3A_140 : i32
        scf.if %cond3A_141 {
          %dma_wait3A = arith.constant 128 : i32
          %dma_wait3A_155 = arith.constant 0 : i32
          %dma_wait3A_156 = tpu.memref_slice %arg8[%dma_wait3A, %dma_wait3A_155] : memref<512x128xf32, #tpu.memory_space<vmem>> -> memref<128x128xf32, #tpu.memory_space<vmem>>
          %dma_wait3A_157 = arith.constant 0 : i32
          %dma_wait3A_158 = arith.constant 0 : i32
          %dma_wait3A_159 = tpu.memref_slice %arg2[%dma_wait3A_157, %dma_wait3A_158] : memref<320000x128xf32, #tpu.memory_space<hbm>> -> memref<128x128xf32, #tpu.memory_space<hbm>>
          %dma_wait3A_160 = arith.constant 128 : i32
          %dma_wait3A_161 = arith.constant 0 : i32
          %dma_wait3A_162 = tpu.memref_slice %arg8[%dma_wait3A_160, %dma_wait3A_161] : memref<512x128xf32, #tpu.memory_space<vmem>> -> memref<128x128xf32, #tpu.memory_space<vmem>>
          %dma_wait3A_163 = arith.constant 0 : i32
          %dma_wait3A_164 = arith.constant 0 : i32
          %dma_wait3A_165 = tpu.memref_slice %arg2[%dma_wait3A_163, %dma_wait3A_164] : memref<320000x128xf32, #tpu.memory_space<hbm>> -> memref<128x128xf32, #tpu.memory_space<hbm>>
          tpu.wait_dma2 semaphore(%arg10 : memref<!tpu.dma_semaphore, #tpu.memory_space<semaphore_mem>>) src(%dma_wait3A_165 : memref<128x128xf32, #tpu.memory_space<hbm>>) dst(%dma_wait3A_162 : memref<128x128xf32, #tpu.memory_space<vmem>>)
          %dma_wait3A_166 = arith.constant 128 : i32
          %dma_wait3A_167 = tpu.memref_slice %arg7[%dma_wait3A_166] : memref<512xi32, #tpu.memory_space<vmem>> -> memref<128xi32, #tpu.memory_space<vmem>>
          %dma_wait3A_168 = arith.constant 0 : i32
          %dma_wait3A_169 = tpu.memref_slice %arg3[%dma_wait3A_168] : memref<320000xi32, #tpu.memory_space<hbm>> -> memref<128xi32, #tpu.memory_space<hbm>>
          %dma_wait3A_170 = arith.constant 128 : i32
          %dma_wait3A_171 = tpu.memref_slice %arg7[%dma_wait3A_170] : memref<512xi32, #tpu.memory_space<vmem>> -> memref<128xi32, #tpu.memory_space<vmem>>
          %dma_wait3A_172 = arith.constant 0 : i32
          %dma_wait3A_173 = tpu.memref_slice %arg3[%dma_wait3A_172] : memref<320000xi32, #tpu.memory_space<hbm>> -> memref<128xi32, #tpu.memory_space<hbm>>
          tpu.wait_dma2 semaphore(%arg10 : memref<!tpu.dma_semaphore, #tpu.memory_space<semaphore_mem>>) src(%dma_wait3A_173 : memref<128xi32, #tpu.memory_space<hbm>>) dst(%dma_wait3A_171 : memref<128xi32, #tpu.memory_space<vmem>>)
          %add3A_174 = arith.constant 1 : i32
          %add3A_175 = arith.addi %mul3A_108, %add3A_174 : i32
          %mul3A_176 = arith.constant 128 : i32
          %mul3A_177 = arith.muli %add3A_175, %mul3A_176 : i32
          %sub3A_178 = arith.subi %reduce_max3A_44, %mul3A_177 : i32
          %min3A = arith.constant 128 : i32
          %min3A_179 = arith.minsi %min3A, %sub3A_178 : i32
          %while3A_180 = arith.constant 0 : i32
          %while3A_181 = arith.constant 0 : i32
          %while3A_182 = arith.subi %min3A_179, %while3A_180 : i32
          %while3A_183 = arith.addi %while3A_180, %while3A_182 : i32
          %while3A_184 = arith.constant 1 : i32
          %while3A_185 = arith.divsi %while3A_182, %while3A_184 : i32
          %while3A_186 = arith.muli %while3A_185, %while3A_184 : i32
          %while3A_187 = arith.addi %while3A_180, %while3A_186 : i32
          %while3A_188 = arith.constant 1 : i32
          %while3A_189 = scf.for %while3A_192 = %while3A_180 to %while3A_187 step %while3A_188 iter_args(%while3A_193 = %while3A_181) -> (i32)  : i32 {
            %broadcast_in_dim3A_194 = arith.constant 0 : i32
            %broadcast_in_dim3A_195 = vector.broadcast %broadcast_in_dim3A_194 : i32 to vector<16xi32>
            %add3A_196 = arith.constant 128 : i32
            %add3A_197 = arith.addi %add3A_196, %while3A_192 : i32
            %add3A_198 = vector.broadcast %add3A_197 : i32 to vector<16xi32>
            %add3A_199 = arith.addi %broadcast_in_dim3A_195, %add3A_198 : vector<16xi32>
            %gather3A = tpu.vector_load_idx %arg7[%add3A_199] : memref<512xi32, #tpu.memory_space<vmem>>[vector<16xi32>], vector<16xi32>,
            %sub3A_200 = vector.broadcast %mul3A_2 : i32 to vector<16xi32>
            %sub3A_201 = arith.subi %gather3A, %sub3A_200 : vector<16xi32>
            %ge3A = arith.constant 0 : i32
            %ge3A_202 = vector.broadcast %ge3A : i32 to vector<16xi32>
            %ge3A_203 = arith.cmpi sge, %sub3A_201, %ge3A_202 : vector<16xi32>
            %lt3A_204 = arith.constant 320 : i32
            %lt3A_205 = vector.broadcast %lt3A_204 : i32 to vector<16xi32>
            %lt3A_206 = arith.cmpi slt, %sub3A_201, %lt3A_205 : vector<16xi32>
            %and3A_207 = arith.andi %ge3A_203, %lt3A_206 : vector<16xi1>
            %jit3A_208 = arith.constant 320 : i32
            %broadcast_in_dim3A_209 = vector.broadcast %jit3A_208 : i32 to vector<16xi32>
            %select_n3A_210 = arith.select %and3A_207, %sub3A_201, %broadcast_in_dim3A_209 : vector<16xi1>, vector<16xi32>
            %mul3A_211 = arith.constant 128 : i32
            %mul3A_212 = vector.broadcast %mul3A_211 : i32 to vector<16xi32>
            %mul3A_213 = arith.muli %select_n3A_210, %mul3A_212 : vector<16xi32>
            %add3A_214 = arith.constant 0 : i32
            %add3A_215 = vector.broadcast %add3A_214 : i32 to vector<16xi32>
            %add3A_216 = arith.addi %iota3A, %add3A_215 : vector<16xi32>
            %add3A_217 = arith.addi %mul3A_213, %add3A_216 : vector<16xi32>
            %add3A_218 = arith.constant 16 : i32
            %add3A_219 = vector.broadcast %add3A_218 : i32 to vector<16xi32>
            %add3A_220 = arith.addi %iota3A, %add3A_219 : vector<16xi32>
            %add3A_221 = arith.addi %mul3A_213, %add3A_220 : vector<16xi32>
            %add3A_222 = arith.constant 32 : i32
            %add3A_223 = vector.broadcast %add3A_222 : i32 to vector<16xi32>
            %add3A_224 = arith.addi %iota3A, %add3A_223 : vector<16xi32>
            %add3A_225 = arith.addi %mul3A_213, %add3A_224 : vector<16xi32>
            %add3A_226 = arith.constant 48 : i32
            %add3A_227 = vector.broadcast %add3A_226 : i32 to vector<16xi32>
            %add3A_228 = arith.addi %iota3A, %add3A_227 : vector<16xi32>
            %add3A_229 = arith.addi %mul3A_213, %add3A_228 : vector<16xi32>
            %add3A_230 = arith.constant 64 : i32
            %add3A_231 = vector.broadcast %add3A_230 : i32 to vector<16xi32>
            %add3A_232 = arith.addi %iota3A, %add3A_231 : vector<16xi32>
            %add3A_233 = arith.addi %mul3A_213, %add3A_232 : vector<16xi32>
            %add3A_234 = arith.constant 80 : i32
            %add3A_235 = vector.broadcast %add3A_234 : i32 to vector<16xi32>
            %add3A_236 = arith.addi %iota3A, %add3A_235 : vector<16xi32>
            %add3A_237 = arith.addi %mul3A_213, %add3A_236 : vector<16xi32>
            %add3A_238 = arith.constant 96 : i32
            %add3A_239 = vector.broadcast %add3A_238 : i32 to vector<16xi32>
            %add3A_240 = arith.addi %iota3A, %add3A_239 : vector<16xi32>
            %add3A_241 = arith.addi %mul3A_213, %add3A_240 : vector<16xi32>
            %add3A_242 = arith.constant 112 : i32
            %add3A_243 = vector.broadcast %add3A_242 : i32 to vector<16xi32>
            %add3A_244 = arith.addi %iota3A, %add3A_243 : vector<16xi32>
            %add3A_245 = arith.addi %mul3A_213, %add3A_244 : vector<16xi32>
            %gather3A_246 = tpu.vector_load_idx %arg9[%add3A_217] : memref<41088xf32, #tpu.memory_space<vmem>>[vector<16xi32>], vector<16xf32>,
            %gather3A_247 = tpu.vector_load_idx %arg9[%add3A_221] : memref<41088xf32, #tpu.memory_space<vmem>>[vector<16xi32>], vector<16xf32>,
            %gather3A_248 = tpu.vector_load_idx %arg9[%add3A_225] : memref<41088xf32, #tpu.memory_space<vmem>>[vector<16xi32>], vector<16xf32>,
            %gather3A_249 = tpu.vector_load_idx %arg9[%add3A_229] : memref<41088xf32, #tpu.memory_space<vmem>>[vector<16xi32>], vector<16xf32>,
            %gather3A_250 = tpu.vector_load_idx %arg9[%add3A_233] : memref<41088xf32, #tpu.memory_space<vmem>>[vector<16xi32>], vector<16xf32>,
            %gather3A_251 = tpu.vector_load_idx %arg9[%add3A_237] : memref<41088xf32, #tpu.memory_space<vmem>>[vector<16xi32>], vector<16xf32>,
            %gather3A_252 = tpu.vector_load_idx %arg9[%add3A_241] : memref<41088xf32, #tpu.memory_space<vmem>>[vector<16xi32>], vector<16xf32>,
            %gather3A_253 = tpu.vector_load_idx %arg9[%add3A_245] : memref<41088xf32, #tpu.memory_space<vmem>>[vector<16xi32>], vector<16xf32>,
            %add3A_254 = arith.constant 128 : i32
            %add3A_255 = arith.addi %add3A_254, %while3A_192 : i32
            %get3A = arith.index_cast %add3A_255 : i32 to index
            %get3A_256 = arith.constant 0 : index
            %get3A_257 = tpu.vector_load %arg8[%get3A, %get3A_256] {strides = array<i32>} : memref<512x128xf32, #tpu.memory_space<vmem>>, vector<16xf32>,
            %add3A_258 = arith.constant 128 : i32
            %add3A_259 = arith.addi %add3A_258, %while3A_192 : i32
            %get3A_260 = arith.index_cast %add3A_259 : i32 to index
            %get3A_261 = arith.constant 16 : index
            %get3A_262 = tpu.vector_load %arg8[%get3A_260, %get3A_261] {strides = array<i32>} : memref<512x128xf32, #tpu.memory_space<vmem>>, vector<16xf32>,
            %add3A_263 = arith.constant 128 : i32
            %add3A_264 = arith.addi %add3A_263, %while3A_192 : i32
            %get3A_265 = arith.index_cast %add3A_264 : i32 to index
            %get3A_266 = arith.constant 32 : index
            %get3A_267 = tpu.vector_load %arg8[%get3A_265, %get3A_266] {strides = array<i32>} : memref<512x128xf32, #tpu.memory_space<vmem>>, vector<16xf32>,
            %add3A_268 = arith.constant 128 : i32
            %add3A_269 = arith.addi %add3A_268, %while3A_192 : i32
            %get3A_270 = arith.index_cast %add3A_269 : i32 to index
            %get3A_271 = arith.constant 48 : index
            %get3A_272 = tpu.vector_load %arg8[%get3A_270, %get3A_271] {strides = array<i32>} : memref<512x128xf32, #tpu.memory_space<vmem>>, vector<16xf32>,
            %add3A_273 = arith.constant 128 : i32
            %add3A_274 = arith.addi %add3A_273, %while3A_192 : i32
            %get3A_275 = arith.index_cast %add3A_274 : i32 to index
            %get3A_276 = arith.constant 64 : index
            %get3A_277 = tpu.vector_load %arg8[%get3A_275, %get3A_276] {strides = array<i32>} : memref<512x128xf32, #tpu.memory_space<vmem>>, vector<16xf32>,
            %add3A_278 = arith.constant 128 : i32
            %add3A_279 = arith.addi %add3A_278, %while3A_192 : i32
            %get3A_280 = arith.index_cast %add3A_279 : i32 to index
            %get3A_281 = arith.constant 80 : index
            %get3A_282 = tpu.vector_load %arg8[%get3A_280, %get3A_281] {strides = array<i32>} : memref<512x128xf32, #tpu.memory_space<vmem>>, vector<16xf32>,
            %add3A_283 = arith.constant 128 : i32
            %add3A_284 = arith.addi %add3A_283, %while3A_192 : i32
            %get3A_285 = arith.index_cast %add3A_284 : i32 to index
            %get3A_286 = arith.constant 96 : index
            %get3A_287 = tpu.vector_load %arg8[%get3A_285, %get3A_286] {strides = array<i32>} : memref<512x128xf32, #tpu.memory_space<vmem>>, vector<16xf32>,
            %add3A_288 = arith.constant 128 : i32
            %add3A_289 = arith.addi %add3A_288, %while3A_192 : i32
            %get3A_290 = arith.index_cast %add3A_289 : i32 to index
            %get3A_291 = arith.constant 112 : index
            %get3A_292 = tpu.vector_load %arg8[%get3A_290, %get3A_291] {strides = array<i32>} : memref<512x128xf32, #tpu.memory_space<vmem>>, vector<16xf32>,
            %max3A = arith.maximumf %gather3A_246, %get3A_257 : vector<16xf32>
            tpu.vector_store_idx %arg9[%add3A_217], %max3A : memref<41088xf32, #tpu.memory_space<vmem>>[vector<16xi32>], vector<16xf32>,
            %max3A_293 = arith.maximumf %gather3A_247, %get3A_262 : vector<16xf32>
            tpu.vector_store_idx %arg9[%add3A_221], %max3A_293 : memref<41088xf32, #tpu.memory_space<vmem>>[vector<16xi32>], vector<16xf32>,
            %max3A_294 = arith.maximumf %gather3A_248, %get3A_267 : vector<16xf32>
            tpu.vector_store_idx %arg9[%add3A_225], %max3A_294 : memref<41088xf32, #tpu.memory_space<vmem>>[vector<16xi32>], vector<16xf32>,
            %max3A_295 = arith.maximumf %gather3A_249, %get3A_272 : vector<16xf32>
            tpu.vector_store_idx %arg9[%add3A_229], %max3A_295 : memref<41088xf32, #tpu.memory_space<vmem>>[vector<16xi32>], vector<16xf32>,
            %max3A_296 = arith.maximumf %gather3A_250, %get3A_277 : vector<16xf32>
            tpu.vector_store_idx %arg9[%add3A_233], %max3A_296 : memref<41088xf32, #tpu.memory_space<vmem>>[vector<16xi32>], vector<16xf32>,
            %max3A_297 = arith.maximumf %gather3A_251, %get3A_282 : vector<16xf32>
            tpu.vector_store_idx %arg9[%add3A_237], %max3A_297 : memref<41088xf32, #tpu.memory_space<vmem>>[vector<16xi32>], vector<16xf32>,
            %max3A_298 = arith.maximumf %gather3A_252, %get3A_287 : vector<16xf32>
            tpu.vector_store_idx %arg9[%add3A_241], %max3A_298 : memref<41088xf32, #tpu.memory_space<vmem>>[vector<16xi32>], vector<16xf32>,
            %max3A_299 = arith.maximumf %gather3A_253, %get3A_292 : vector<16xf32>
            tpu.vector_store_idx %arg9[%add3A_245], %max3A_299 : memref<41088xf32, #tpu.memory_space<vmem>>[vector<16xi32>], vector<16xf32>,
            %while3A_300 = arith.constant 0 : i32
            scf.yield %while3A_300 : i32
          }
          %while3A_190 = arith.constant 1 : i32
          %while3A_191 = scf.for %while3A_192 = %while3A_187 to %while3A_183 step %while3A_190 iter_args(%while3A_193 = %while3A_189) -> (i32)  : i32 {
            %broadcast_in_dim3A_194 = arith.constant 0 : i32
            %broadcast_in_dim3A_195 = vector.broadcast %broadcast_in_dim3A_194 : i32 to vector<16xi32>
            %add3A_196 = arith.constant 128 : i32
            %add3A_197 = arith.addi %add3A_196, %while3A_192 : i32
            %add3A_198 = vector.broadcast %add3A_197 : i32 to vector<16xi32>
            %add3A_199 = arith.addi %broadcast_in_dim3A_195, %add3A_198 : vector<16xi32>
            %gather3A = tpu.vector_load_idx %arg7[%add3A_199] : memref<512xi32, #tpu.memory_space<vmem>>[vector<16xi32>], vector<16xi32>,
            %sub3A_200 = vector.broadcast %mul3A_2 : i32 to vector<16xi32>
            %sub3A_201 = arith.subi %gather3A, %sub3A_200 : vector<16xi32>
            %ge3A = arith.constant 0 : i32
            %ge3A_202 = vector.broadcast %ge3A : i32 to vector<16xi32>
            %ge3A_203 = arith.cmpi sge, %sub3A_201, %ge3A_202 : vector<16xi32>
            %lt3A_204 = arith.constant 320 : i32
            %lt3A_205 = vector.broadcast %lt3A_204 : i32 to vector<16xi32>
            %lt3A_206 = arith.cmpi slt, %sub3A_201, %lt3A_205 : vector<16xi32>
            %and3A_207 = arith.andi %ge3A_203, %lt3A_206 : vector<16xi1>
            %jit3A_208 = arith.constant 320 : i32
            %broadcast_in_dim3A_209 = vector.broadcast %jit3A_208 : i32 to vector<16xi32>
            %select_n3A_210 = arith.select %and3A_207, %sub3A_201, %broadcast_in_dim3A_209 : vector<16xi1>, vector<16xi32>
            %mul3A_211 = arith.constant 128 : i32
            %mul3A_212 = vector.broadcast %mul3A_211 : i32 to vector<16xi32>
            %mul3A_213 = arith.muli %select_n3A_210, %mul3A_212 : vector<16xi32>
            %add3A_214 = arith.constant 0 : i32
            %add3A_215 = vector.broadcast %add3A_214 : i32 to vector<16xi32>
            %add3A_216 = arith.addi %iota3A, %add3A_215 : vector<16xi32>
            %add3A_217 = arith.addi %mul3A_213, %add3A_216 : vector<16xi32>
            %add3A_218 = arith.constant 16 : i32
            %add3A_219 = vector.broadcast %add3A_218 : i32 to vector<16xi32>
            %add3A_220 = arith.addi %iota3A, %add3A_219 : vector<16xi32>
            %add3A_221 = arith.addi %mul3A_213, %add3A_220 : vector<16xi32>
            %add3A_222 = arith.constant 32 : i32
            %add3A_223 = vector.broadcast %add3A_222 : i32 to vector<16xi32>
            %add3A_224 = arith.addi %iota3A, %add3A_223 : vector<16xi32>
            %add3A_225 = arith.addi %mul3A_213, %add3A_224 : vector<16xi32>
            %add3A_226 = arith.constant 48 : i32
            %add3A_227 = vector.broadcast %add3A_226 : i32 to vector<16xi32>
            %add3A_228 = arith.addi %iota3A, %add3A_227 : vector<16xi32>
            %add3A_229 = arith.addi %mul3A_213, %add3A_228 : vector<16xi32>
            %add3A_230 = arith.constant 64 : i32
            %add3A_231 = vector.broadcast %add3A_230 : i32 to vector<16xi32>
            %add3A_232 = arith.addi %iota3A, %add3A_231 : vector<16xi32>
            %add3A_233 = arith.addi %mul3A_213, %add3A_232 : vector<16xi32>
            %add3A_234 = arith.constant 80 : i32
            %add3A_235 = vector.broadcast %add3A_234 : i32 to vector<16xi32>
            %add3A_236 = arith.addi %iota3A, %add3A_235 : vector<16xi32>
            %add3A_237 = arith.addi %mul3A_213, %add3A_236 : vector<16xi32>
            %add3A_238 = arith.constant 96 : i32
            %add3A_239 = vector.broadcast %add3A_238 : i32 to vector<16xi32>
            %add3A_240 = arith.addi %iota3A, %add3A_239 : vector<16xi32>
            %add3A_241 = arith.addi %mul3A_213, %add3A_240 : vector<16xi32>
            %add3A_242 = arith.constant 112 : i32
            %add3A_243 = vector.broadcast %add3A_242 : i32 to vector<16xi32>
            %add3A_244 = arith.addi %iota3A, %add3A_243 : vector<16xi32>
            %add3A_245 = arith.addi %mul3A_213, %add3A_244 : vector<16xi32>
            %gather3A_246 = tpu.vector_load_idx %arg9[%add3A_217] : memref<41088xf32, #tpu.memory_space<vmem>>[vector<16xi32>], vector<16xf32>,
            %gather3A_247 = tpu.vector_load_idx %arg9[%add3A_221] : memref<41088xf32, #tpu.memory_space<vmem>>[vector<16xi32>], vector<16xf32>,
            %gather3A_248 = tpu.vector_load_idx %arg9[%add3A_225] : memref<41088xf32, #tpu.memory_space<vmem>>[vector<16xi32>], vector<16xf32>,
            %gather3A_249 = tpu.vector_load_idx %arg9[%add3A_229] : memref<41088xf32, #tpu.memory_space<vmem>>[vector<16xi32>], vector<16xf32>,
            %gather3A_250 = tpu.vector_load_idx %arg9[%add3A_233] : memref<41088xf32, #tpu.memory_space<vmem>>[vector<16xi32>], vector<16xf32>,
            %gather3A_251 = tpu.vector_load_idx %arg9[%add3A_237] : memref<41088xf32, #tpu.memory_space<vmem>>[vector<16xi32>], vector<16xf32>,
            %gather3A_252 = tpu.vector_load_idx %arg9[%add3A_241] : memref<41088xf32, #tpu.memory_space<vmem>>[vector<16xi32>], vector<16xf32>,
            %gather3A_253 = tpu.vector_load_idx %arg9[%add3A_245] : memref<41088xf32, #tpu.memory_space<vmem>>[vector<16xi32>], vector<16xf32>,
            %add3A_254 = arith.constant 128 : i32
            %add3A_255 = arith.addi %add3A_254, %while3A_192 : i32
            %get3A = arith.index_cast %add3A_255 : i32 to index
            %get3A_256 = arith.constant 0 : index
            %get3A_257 = tpu.vector_load %arg8[%get3A, %get3A_256] {strides = array<i32>} : memref<512x128xf32, #tpu.memory_space<vmem>>, vector<16xf32>,
            %add3A_258 = arith.constant 128 : i32
            %add3A_259 = arith.addi %add3A_258, %while3A_192 : i32
            %get3A_260 = arith.index_cast %add3A_259 : i32 to index
            %get3A_261 = arith.constant 16 : index
            %get3A_262 = tpu.vector_load %arg8[%get3A_260, %get3A_261] {strides = array<i32>} : memref<512x128xf32, #tpu.memory_space<vmem>>, vector<16xf32>,
            %add3A_263 = arith.constant 128 : i32
            %add3A_264 = arith.addi %add3A_263, %while3A_192 : i32
            %get3A_265 = arith.index_cast %add3A_264 : i32 to index
            %get3A_266 = arith.constant 32 : index
            %get3A_267 = tpu.vector_load %arg8[%get3A_265, %get3A_266] {strides = array<i32>} : memref<512x128xf32, #tpu.memory_space<vmem>>, vector<16xf32>,
            %add3A_268 = arith.constant 128 : i32
            %add3A_269 = arith.addi %add3A_268, %while3A_192 : i32
            %get3A_270 = arith.index_cast %add3A_269 : i32 to index
            %get3A_271 = arith.constant 48 : index
            %get3A_272 = tpu.vector_load %arg8[%get3A_270, %get3A_271] {strides = array<i32>} : memref<512x128xf32, #tpu.memory_space<vmem>>, vector<16xf32>,
            %add3A_273 = arith.constant 128 : i32
            %add3A_274 = arith.addi %add3A_273, %while3A_192 : i32
            %get3A_275 = arith.index_cast %add3A_274 : i32 to index
            %get3A_276 = arith.constant 64 : index
            %get3A_277 = tpu.vector_load %arg8[%get3A_275, %get3A_276] {strides = array<i32>} : memref<512x128xf32, #tpu.memory_space<vmem>>, vector<16xf32>,
            %add3A_278 = arith.constant 128 : i32
            %add3A_279 = arith.addi %add3A_278, %while3A_192 : i32
            %get3A_280 = arith.index_cast %add3A_279 : i32 to index
            %get3A_281 = arith.constant 80 : index
            %get3A_282 = tpu.vector_load %arg8[%get3A_280, %get3A_281] {strides = array<i32>} : memref<512x128xf32, #tpu.memory_space<vmem>>, vector<16xf32>,
            %add3A_283 = arith.constant 128 : i32
            %add3A_284 = arith.addi %add3A_283, %while3A_192 : i32
            %get3A_285 = arith.index_cast %add3A_284 : i32 to index
            %get3A_286 = arith.constant 96 : index
            %get3A_287 = tpu.vector_load %arg8[%get3A_285, %get3A_286] {strides = array<i32>} : memref<512x128xf32, #tpu.memory_space<vmem>>, vector<16xf32>,
            %add3A_288 = arith.constant 128 : i32
            %add3A_289 = arith.addi %add3A_288, %while3A_192 : i32
            %get3A_290 = arith.index_cast %add3A_289 : i32 to index
            %get3A_291 = arith.constant 112 : index
            %get3A_292 = tpu.vector_load %arg8[%get3A_290, %get3A_291] {strides = array<i32>} : memref<512x128xf32, #tpu.memory_space<vmem>>, vector<16xf32>,
            %max3A = arith.maximumf %gather3A_246, %get3A_257 : vector<16xf32>
            tpu.vector_store_idx %arg9[%add3A_217], %max3A : memref<41088xf32, #tpu.memory_space<vmem>>[vector<16xi32>], vector<16xf32>,
            %max3A_293 = arith.maximumf %gather3A_247, %get3A_262 : vector<16xf32>
            tpu.vector_store_idx %arg9[%add3A_221], %max3A_293 : memref<41088xf32, #tpu.memory_space<vmem>>[vector<16xi32>], vector<16xf32>,
            %max3A_294 = arith.maximumf %gather3A_248, %get3A_267 : vector<16xf32>
            tpu.vector_store_idx %arg9[%add3A_225], %max3A_294 : memref<41088xf32, #tpu.memory_space<vmem>>[vector<16xi32>], vector<16xf32>,
            %max3A_295 = arith.maximumf %gather3A_249, %get3A_272 : vector<16xf32>
            tpu.vector_store_idx %arg9[%add3A_229], %max3A_295 : memref<41088xf32, #tpu.memory_space<vmem>>[vector<16xi32>], vector<16xf32>,
            %max3A_296 = arith.maximumf %gather3A_250, %get3A_277 : vector<16xf32>
            tpu.vector_store_idx %arg9[%add3A_233], %max3A_296 : memref<41088xf32, #tpu.memory_space<vmem>>[vector<16xi32>], vector<16xf32>,
            %max3A_297 = arith.maximumf %gather3A_251, %get3A_282 : vector<16xf32>
            tpu.vector_store_idx %arg9[%add3A_237], %max3A_297 : memref<41088xf32, #tpu.memory_space<vmem>>[vector<16xi32>], vector<16xf32>,
            %max3A_298 = arith.maximumf %gather3A_252, %get3A_287 : vector<16xf32>
            tpu.vector_store_idx %arg9[%add3A_241], %max3A_298 : memref<41088xf32, #tpu.memory_space<vmem>>[vector<16xi32>], vector<16xf32>,
            %max3A_299 = arith.maximumf %gather3A_253, %get3A_292 : vector<16xf32>
            tpu.vector_store_idx %arg9[%add3A_245], %max3A_299 : memref<41088xf32, #tpu.memory_space<vmem>>[vector<16xi32>], vector<16xf32>,
            %while3A_300 = arith.constant 0 : i32
            scf.yield %while3A_300 : i32
          }
        } else {
        }
        %add3A_142 = arith.constant 2 : i32
        %add3A_143 = arith.addi %mul3A_108, %add3A_142 : i32
        %lt3A_144 = arith.cmpi slt, %add3A_143, %select_n3A : i32
        %convert_element_type3A_145 = arith.extui %lt3A_144 : i1 to i32
        %cond3A_146 = arith.constant 0 : i32
        %cond3A_147 = arith.cmpi ne, %convert_element_type3A_145, %cond3A_146 : i32
        scf.if %cond3A_147 {
          %dma_wait3A = arith.constant 256 : i32
          %dma_wait3A_155 = arith.constant 0 : i32
          %dma_wait3A_156 = tpu.memref_slice %arg8[%dma_wait3A, %dma_wait3A_155] : memref<512x128xf32, #tpu.memory_space<vmem>> -> memref<128x128xf32, #tpu.memory_space<vmem>>
          %dma_wait3A_157 = arith.constant 0 : i32
          %dma_wait3A_158 = arith.constant 0 : i32
          %dma_wait3A_159 = tpu.memref_slice %arg2[%dma_wait3A_157, %dma_wait3A_158] : memref<320000x128xf32, #tpu.memory_space<hbm>> -> memref<128x128xf32, #tpu.memory_space<hbm>>
          %dma_wait3A_160 = arith.constant 256 : i32
          %dma_wait3A_161 = arith.constant 0 : i32
          %dma_wait3A_162 = tpu.memref_slice %arg8[%dma_wait3A_160, %dma_wait3A_161] : memref<512x128xf32, #tpu.memory_space<vmem>> -> memref<128x128xf32, #tpu.memory_space<vmem>>
          %dma_wait3A_163 = arith.constant 0 : i32
          %dma_wait3A_164 = arith.constant 0 : i32
          %dma_wait3A_165 = tpu.memref_slice %arg2[%dma_wait3A_163, %dma_wait3A_164] : memref<320000x128xf32, #tpu.memory_space<hbm>> -> memref<128x128xf32, #tpu.memory_space<hbm>>
          tpu.wait_dma2 semaphore(%arg10 : memref<!tpu.dma_semaphore, #tpu.memory_space<semaphore_mem>>) src(%dma_wait3A_165 : memref<128x128xf32, #tpu.memory_space<hbm>>) dst(%dma_wait3A_162 : memref<128x128xf32, #tpu.memory_space<vmem>>)
          %dma_wait3A_166 = arith.constant 256 : i32
          %dma_wait3A_167 = tpu.memref_slice %arg7[%dma_wait3A_166] : memref<512xi32, #tpu.memory_space<vmem>> -> memref<128xi32, #tpu.memory_space<vmem>>
          %dma_wait3A_168 = arith.constant 0 : i32
          %dma_wait3A_169 = tpu.memref_slice %arg3[%dma_wait3A_168] : memref<320000xi32, #tpu.memory_space<hbm>> -> memref<128xi32, #tpu.memory_space<hbm>>
          %dma_wait3A_170 = arith.constant 256 : i32
          %dma_wait3A_171 = tpu.memref_slice %arg7[%dma_wait3A_170] : memref<512xi32, #tpu.memory_space<vmem>> -> memref<128xi32, #tpu.memory_space<vmem>>
          %dma_wait3A_172 = arith.constant 0 : i32
          %dma_wait3A_173 = tpu.memref_slice %arg3[%dma_wait3A_172] : memref<320000xi32, #tpu.memory_space<hbm>> -> memref<128xi32, #tpu.memory_space<hbm>>
          tpu.wait_dma2 semaphore(%arg10 : memref<!tpu.dma_semaphore, #tpu.memory_space<semaphore_mem>>) src(%dma_wait3A_173 : memref<128xi32, #tpu.memory_space<hbm>>) dst(%dma_wait3A_171 : memref<128xi32, #tpu.memory_space<vmem>>)
          %add3A_174 = arith.constant 2 : i32
          %add3A_175 = arith.addi %mul3A_108, %add3A_174 : i32
          %mul3A_176 = arith.constant 128 : i32
          %mul3A_177 = arith.muli %add3A_175, %mul3A_176 : i32
          %sub3A_178 = arith.subi %reduce_max3A_44, %mul3A_177 : i32
          %min3A = arith.constant 128 : i32
          %min3A_179 = arith.minsi %min3A, %sub3A_178 : i32
          %while3A_180 = arith.constant 0 : i32
          %while3A_181 = arith.constant 0 : i32
          %while3A_182 = arith.subi %min3A_179, %while3A_180 : i32
          %while3A_183 = arith.addi %while3A_180, %while3A_182 : i32
          %while3A_184 = arith.constant 1 : i32
          %while3A_185 = arith.divsi %while3A_182, %while3A_184 : i32
          %while3A_186 = arith.muli %while3A_185, %while3A_184 : i32
          %while3A_187 = arith.addi %while3A_180, %while3A_186 : i32
          %while3A_188 = arith.constant 1 : i32
          %while3A_189 = scf.for %while3A_192 = %while3A_180 to %while3A_187 step %while3A_188 iter_args(%while3A_193 = %while3A_181) -> (i32)  : i32 {
            %broadcast_in_dim3A_194 = arith.constant 0 : i32
            %broadcast_in_dim3A_195 = vector.broadcast %broadcast_in_dim3A_194 : i32 to vector<16xi32>
            %add3A_196 = arith.constant 256 : i32
            %add3A_197 = arith.addi %add3A_196, %while3A_192 : i32
            %add3A_198 = vector.broadcast %add3A_197 : i32 to vector<16xi32>
            %add3A_199 = arith.addi %broadcast_in_dim3A_195, %add3A_198 : vector<16xi32>
            %gather3A = tpu.vector_load_idx %arg7[%add3A_199] : memref<512xi32, #tpu.memory_space<vmem>>[vector<16xi32>], vector<16xi32>,
            %sub3A_200 = vector.broadcast %mul3A_2 : i32 to vector<16xi32>
            %sub3A_201 = arith.subi %gather3A, %sub3A_200 : vector<16xi32>
            %ge3A = arith.constant 0 : i32
            %ge3A_202 = vector.broadcast %ge3A : i32 to vector<16xi32>
            %ge3A_203 = arith.cmpi sge, %sub3A_201, %ge3A_202 : vector<16xi32>
            %lt3A_204 = arith.constant 320 : i32
            %lt3A_205 = vector.broadcast %lt3A_204 : i32 to vector<16xi32>
            %lt3A_206 = arith.cmpi slt, %sub3A_201, %lt3A_205 : vector<16xi32>
            %and3A_207 = arith.andi %ge3A_203, %lt3A_206 : vector<16xi1>
            %jit3A_208 = arith.constant 320 : i32
            %broadcast_in_dim3A_209 = vector.broadcast %jit3A_208 : i32 to vector<16xi32>
            %select_n3A_210 = arith.select %and3A_207, %sub3A_201, %broadcast_in_dim3A_209 : vector<16xi1>, vector<16xi32>
            %mul3A_211 = arith.constant 128 : i32
            %mul3A_212 = vector.broadcast %mul3A_211 : i32 to vector<16xi32>
            %mul3A_213 = arith.muli %select_n3A_210, %mul3A_212 : vector<16xi32>
            %add3A_214 = arith.constant 0 : i32
            %add3A_215 = vector.broadcast %add3A_214 : i32 to vector<16xi32>
            %add3A_216 = arith.addi %iota3A, %add3A_215 : vector<16xi32>
            %add3A_217 = arith.addi %mul3A_213, %add3A_216 : vector<16xi32>
            %add3A_218 = arith.constant 16 : i32
            %add3A_219 = vector.broadcast %add3A_218 : i32 to vector<16xi32>
            %add3A_220 = arith.addi %iota3A, %add3A_219 : vector<16xi32>
            %add3A_221 = arith.addi %mul3A_213, %add3A_220 : vector<16xi32>
            %add3A_222 = arith.constant 32 : i32
            %add3A_223 = vector.broadcast %add3A_222 : i32 to vector<16xi32>
            %add3A_224 = arith.addi %iota3A, %add3A_223 : vector<16xi32>
            %add3A_225 = arith.addi %mul3A_213, %add3A_224 : vector<16xi32>
            %add3A_226 = arith.constant 48 : i32
            %add3A_227 = vector.broadcast %add3A_226 : i32 to vector<16xi32>
            %add3A_228 = arith.addi %iota3A, %add3A_227 : vector<16xi32>
            %add3A_229 = arith.addi %mul3A_213, %add3A_228 : vector<16xi32>
            %add3A_230 = arith.constant 64 : i32
            %add3A_231 = vector.broadcast %add3A_230 : i32 to vector<16xi32>
            %add3A_232 = arith.addi %iota3A, %add3A_231 : vector<16xi32>
            %add3A_233 = arith.addi %mul3A_213, %add3A_232 : vector<16xi32>
            %add3A_234 = arith.constant 80 : i32
            %add3A_235 = vector.broadcast %add3A_234 : i32 to vector<16xi32>
            %add3A_236 = arith.addi %iota3A, %add3A_235 : vector<16xi32>
            %add3A_237 = arith.addi %mul3A_213, %add3A_236 : vector<16xi32>
            %add3A_238 = arith.constant 96 : i32
            %add3A_239 = vector.broadcast %add3A_238 : i32 to vector<16xi32>
            %add3A_240 = arith.addi %iota3A, %add3A_239 : vector<16xi32>
            %add3A_241 = arith.addi %mul3A_213, %add3A_240 : vector<16xi32>
            %add3A_242 = arith.constant 112 : i32
            %add3A_243 = vector.broadcast %add3A_242 : i32 to vector<16xi32>
            %add3A_244 = arith.addi %iota3A, %add3A_243 : vector<16xi32>
            %add3A_245 = arith.addi %mul3A_213, %add3A_244 : vector<16xi32>
            %gather3A_246 = tpu.vector_load_idx %arg9[%add3A_217] : memref<41088xf32, #tpu.memory_space<vmem>>[vector<16xi32>], vector<16xf32>,
            %gather3A_247 = tpu.vector_load_idx %arg9[%add3A_221] : memref<41088xf32, #tpu.memory_space<vmem>>[vector<16xi32>], vector<16xf32>,
            %gather3A_248 = tpu.vector_load_idx %arg9[%add3A_225] : memref<41088xf32, #tpu.memory_space<vmem>>[vector<16xi32>], vector<16xf32>,
            %gather3A_249 = tpu.vector_load_idx %arg9[%add3A_229] : memref<41088xf32, #tpu.memory_space<vmem>>[vector<16xi32>], vector<16xf32>,
            %gather3A_250 = tpu.vector_load_idx %arg9[%add3A_233] : memref<41088xf32, #tpu.memory_space<vmem>>[vector<16xi32>], vector<16xf32>,
            %gather3A_251 = tpu.vector_load_idx %arg9[%add3A_237] : memref<41088xf32, #tpu.memory_space<vmem>>[vector<16xi32>], vector<16xf32>,
            %gather3A_252 = tpu.vector_load_idx %arg9[%add3A_241] : memref<41088xf32, #tpu.memory_space<vmem>>[vector<16xi32>], vector<16xf32>,
            %gather3A_253 = tpu.vector_load_idx %arg9[%add3A_245] : memref<41088xf32, #tpu.memory_space<vmem>>[vector<16xi32>], vector<16xf32>,
            %add3A_254 = arith.constant 256 : i32
            %add3A_255 = arith.addi %add3A_254, %while3A_192 : i32
            %get3A = arith.index_cast %add3A_255 : i32 to index
            %get3A_256 = arith.constant 0 : index
            %get3A_257 = tpu.vector_load %arg8[%get3A, %get3A_256] {strides = array<i32>} : memref<512x128xf32, #tpu.memory_space<vmem>>, vector<16xf32>,
            %add3A_258 = arith.constant 256 : i32
            %add3A_259 = arith.addi %add3A_258, %while3A_192 : i32
            %get3A_260 = arith.index_cast %add3A_259 : i32 to index
            %get3A_261 = arith.constant 16 : index
            %get3A_262 = tpu.vector_load %arg8[%get3A_260, %get3A_261] {strides = array<i32>} : memref<512x128xf32, #tpu.memory_space<vmem>>, vector<16xf32>,
            %add3A_263 = arith.constant 256 : i32
            %add3A_264 = arith.addi %add3A_263, %while3A_192 : i32
            %get3A_265 = arith.index_cast %add3A_264 : i32 to index
            %get3A_266 = arith.constant 32 : index
            %get3A_267 = tpu.vector_load %arg8[%get3A_265, %get3A_266] {strides = array<i32>} : memref<512x128xf32, #tpu.memory_space<vmem>>, vector<16xf32>,
            %add3A_268 = arith.constant 256 : i32
            %add3A_269 = arith.addi %add3A_268, %while3A_192 : i32
            %get3A_270 = arith.index_cast %add3A_269 : i32 to index
            %get3A_271 = arith.constant 48 : index
            %get3A_272 = tpu.vector_load %arg8[%get3A_270, %get3A_271] {strides = array<i32>} : memref<512x128xf32, #tpu.memory_space<vmem>>, vector<16xf32>,
            %add3A_273 = arith.constant 256 : i32
            %add3A_274 = arith.addi %add3A_273, %while3A_192 : i32
            %get3A_275 = arith.index_cast %add3A_274 : i32 to index
            %get3A_276 = arith.constant 64 : index
            %get3A_277 = tpu.vector_load %arg8[%get3A_275, %get3A_276] {strides = array<i32>} : memref<512x128xf32, #tpu.memory_space<vmem>>, vector<16xf32>,
            %add3A_278 = arith.constant 256 : i32
            %add3A_279 = arith.addi %add3A_278, %while3A_192 : i32
            %get3A_280 = arith.index_cast %add3A_279 : i32 to index
            %get3A_281 = arith.constant 80 : index
            %get3A_282 = tpu.vector_load %arg8[%get3A_280, %get3A_281] {strides = array<i32>} : memref<512x128xf32, #tpu.memory_space<vmem>>, vector<16xf32>,
            %add3A_283 = arith.constant 256 : i32
            %add3A_284 = arith.addi %add3A_283, %while3A_192 : i32
            %get3A_285 = arith.index_cast %add3A_284 : i32 to index
            %get3A_286 = arith.constant 96 : index
            %get3A_287 = tpu.vector_load %arg8[%get3A_285, %get3A_286] {strides = array<i32>} : memref<512x128xf32, #tpu.memory_space<vmem>>, vector<16xf32>,
            %add3A_288 = arith.constant 256 : i32
            %add3A_289 = arith.addi %add3A_288, %while3A_192 : i32
            %get3A_290 = arith.index_cast %add3A_289 : i32 to index
            %get3A_291 = arith.constant 112 : index
            %get3A_292 = tpu.vector_load %arg8[%get3A_290, %get3A_291] {strides = array<i32>} : memref<512x128xf32, #tpu.memory_space<vmem>>, vector<16xf32>,
            %max3A = arith.maximumf %gather3A_246, %get3A_257 : vector<16xf32>
            tpu.vector_store_idx %arg9[%add3A_217], %max3A : memref<41088xf32, #tpu.memory_space<vmem>>[vector<16xi32>], vector<16xf32>,
            %max3A_293 = arith.maximumf %gather3A_247, %get3A_262 : vector<16xf32>
            tpu.vector_store_idx %arg9[%add3A_221], %max3A_293 : memref<41088xf32, #tpu.memory_space<vmem>>[vector<16xi32>], vector<16xf32>,
            %max3A_294 = arith.maximumf %gather3A_248, %get3A_267 : vector<16xf32>
            tpu.vector_store_idx %arg9[%add3A_225], %max3A_294 : memref<41088xf32, #tpu.memory_space<vmem>>[vector<16xi32>], vector<16xf32>,
            %max3A_295 = arith.maximumf %gather3A_249, %get3A_272 : vector<16xf32>
            tpu.vector_store_idx %arg9[%add3A_229], %max3A_295 : memref<41088xf32, #tpu.memory_space<vmem>>[vector<16xi32>], vector<16xf32>,
            %max3A_296 = arith.maximumf %gather3A_250, %get3A_277 : vector<16xf32>
            tpu.vector_store_idx %arg9[%add3A_233], %max3A_296 : memref<41088xf32, #tpu.memory_space<vmem>>[vector<16xi32>], vector<16xf32>,
            %max3A_297 = arith.maximumf %gather3A_251, %get3A_282 : vector<16xf32>
            tpu.vector_store_idx %arg9[%add3A_237], %max3A_297 : memref<41088xf32, #tpu.memory_space<vmem>>[vector<16xi32>], vector<16xf32>,
            %max3A_298 = arith.maximumf %gather3A_252, %get3A_287 : vector<16xf32>
            tpu.vector_store_idx %arg9[%add3A_241], %max3A_298 : memref<41088xf32, #tpu.memory_space<vmem>>[vector<16xi32>], vector<16xf32>,
            %max3A_299 = arith.maximumf %gather3A_253, %get3A_292 : vector<16xf32>
            tpu.vector_store_idx %arg9[%add3A_245], %max3A_299 : memref<41088xf32, #tpu.memory_space<vmem>>[vector<16xi32>], vector<16xf32>,
            %while3A_300 = arith.constant 0 : i32
            scf.yield %while3A_300 : i32
          }
          %while3A_190 = arith.constant 1 : i32
          %while3A_191 = scf.for %while3A_192 = %while3A_187 to %while3A_183 step %while3A_190 iter_args(%while3A_193 = %while3A_189) -> (i32)  : i32 {
            %broadcast_in_dim3A_194 = arith.constant 0 : i32
            %broadcast_in_dim3A_195 = vector.broadcast %broadcast_in_dim3A_194 : i32 to vector<16xi32>
            %add3A_196 = arith.constant 256 : i32
            %add3A_197 = arith.addi %add3A_196, %while3A_192 : i32
            %add3A_198 = vector.broadcast %add3A_197 : i32 to vector<16xi32>
            %add3A_199 = arith.addi %broadcast_in_dim3A_195, %add3A_198 : vector<16xi32>
            %gather3A = tpu.vector_load_idx %arg7[%add3A_199] : memref<512xi32, #tpu.memory_space<vmem>>[vector<16xi32>], vector<16xi32>,
            %sub3A_200 = vector.broadcast %mul3A_2 : i32 to vector<16xi32>
            %sub3A_201 = arith.subi %gather3A, %sub3A_200 : vector<16xi32>
            %ge3A = arith.constant 0 : i32
            %ge3A_202 = vector.broadcast %ge3A : i32 to vector<16xi32>
            %ge3A_203 = arith.cmpi sge, %sub3A_201, %ge3A_202 : vector<16xi32>
            %lt3A_204 = arith.constant 320 : i32
            %lt3A_205 = vector.broadcast %lt3A_204 : i32 to vector<16xi32>
            %lt3A_206 = arith.cmpi slt, %sub3A_201, %lt3A_205 : vector<16xi32>
            %and3A_207 = arith.andi %ge3A_203, %lt3A_206 : vector<16xi1>
            %jit3A_208 = arith.constant 320 : i32
            %broadcast_in_dim3A_209 = vector.broadcast %jit3A_208 : i32 to vector<16xi32>
            %select_n3A_210 = arith.select %and3A_207, %sub3A_201, %broadcast_in_dim3A_209 : vector<16xi1>, vector<16xi32>
            %mul3A_211 = arith.constant 128 : i32
            %mul3A_212 = vector.broadcast %mul3A_211 : i32 to vector<16xi32>
            %mul3A_213 = arith.muli %select_n3A_210, %mul3A_212 : vector<16xi32>
            %add3A_214 = arith.constant 0 : i32
            %add3A_215 = vector.broadcast %add3A_214 : i32 to vector<16xi32>
            %add3A_216 = arith.addi %iota3A, %add3A_215 : vector<16xi32>
            %add3A_217 = arith.addi %mul3A_213, %add3A_216 : vector<16xi32>
            %add3A_218 = arith.constant 16 : i32
            %add3A_219 = vector.broadcast %add3A_218 : i32 to vector<16xi32>
            %add3A_220 = arith.addi %iota3A, %add3A_219 : vector<16xi32>
            %add3A_221 = arith.addi %mul3A_213, %add3A_220 : vector<16xi32>
            %add3A_222 = arith.constant 32 : i32
            %add3A_223 = vector.broadcast %add3A_222 : i32 to vector<16xi32>
            %add3A_224 = arith.addi %iota3A, %add3A_223 : vector<16xi32>
            %add3A_225 = arith.addi %mul3A_213, %add3A_224 : vector<16xi32>
            %add3A_226 = arith.constant 48 : i32
            %add3A_227 = vector.broadcast %add3A_226 : i32 to vector<16xi32>
            %add3A_228 = arith.addi %iota3A, %add3A_227 : vector<16xi32>
            %add3A_229 = arith.addi %mul3A_213, %add3A_228 : vector<16xi32>
            %add3A_230 = arith.constant 64 : i32
            %add3A_231 = vector.broadcast %add3A_230 : i32 to vector<16xi32>
            %add3A_232 = arith.addi %iota3A, %add3A_231 : vector<16xi32>
            %add3A_233 = arith.addi %mul3A_213, %add3A_232 : vector<16xi32>
            %add3A_234 = arith.constant 80 : i32
            %add3A_235 = vector.broadcast %add3A_234 : i32 to vector<16xi32>
            %add3A_236 = arith.addi %iota3A, %add3A_235 : vector<16xi32>
            %add3A_237 = arith.addi %mul3A_213, %add3A_236 : vector<16xi32>
            %add3A_238 = arith.constant 96 : i32
            %add3A_239 = vector.broadcast %add3A_238 : i32 to vector<16xi32>
            %add3A_240 = arith.addi %iota3A, %add3A_239 : vector<16xi32>
            %add3A_241 = arith.addi %mul3A_213, %add3A_240 : vector<16xi32>
            %add3A_242 = arith.constant 112 : i32
            %add3A_243 = vector.broadcast %add3A_242 : i32 to vector<16xi32>
            %add3A_244 = arith.addi %iota3A, %add3A_243 : vector<16xi32>
            %add3A_245 = arith.addi %mul3A_213, %add3A_244 : vector<16xi32>
            %gather3A_246 = tpu.vector_load_idx %arg9[%add3A_217] : memref<41088xf32, #tpu.memory_space<vmem>>[vector<16xi32>], vector<16xf32>,
            %gather3A_247 = tpu.vector_load_idx %arg9[%add3A_221] : memref<41088xf32, #tpu.memory_space<vmem>>[vector<16xi32>], vector<16xf32>,
            %gather3A_248 = tpu.vector_load_idx %arg9[%add3A_225] : memref<41088xf32, #tpu.memory_space<vmem>>[vector<16xi32>], vector<16xf32>,
            %gather3A_249 = tpu.vector_load_idx %arg9[%add3A_229] : memref<41088xf32, #tpu.memory_space<vmem>>[vector<16xi32>], vector<16xf32>,
            %gather3A_250 = tpu.vector_load_idx %arg9[%add3A_233] : memref<41088xf32, #tpu.memory_space<vmem>>[vector<16xi32>], vector<16xf32>,
            %gather3A_251 = tpu.vector_load_idx %arg9[%add3A_237] : memref<41088xf32, #tpu.memory_space<vmem>>[vector<16xi32>], vector<16xf32>,
            %gather3A_252 = tpu.vector_load_idx %arg9[%add3A_241] : memref<41088xf32, #tpu.memory_space<vmem>>[vector<16xi32>], vector<16xf32>,
            %gather3A_253 = tpu.vector_load_idx %arg9[%add3A_245] : memref<41088xf32, #tpu.memory_space<vmem>>[vector<16xi32>], vector<16xf32>,
            %add3A_254 = arith.constant 256 : i32
            %add3A_255 = arith.addi %add3A_254, %while3A_192 : i32
            %get3A = arith.index_cast %add3A_255 : i32 to index
            %get3A_256 = arith.constant 0 : index
            %get3A_257 = tpu.vector_load %arg8[%get3A, %get3A_256] {strides = array<i32>} : memref<512x128xf32, #tpu.memory_space<vmem>>, vector<16xf32>,
            %add3A_258 = arith.constant 256 : i32
            %add3A_259 = arith.addi %add3A_258, %while3A_192 : i32
            %get3A_260 = arith.index_cast %add3A_259 : i32 to index
            %get3A_261 = arith.constant 16 : index
            %get3A_262 = tpu.vector_load %arg8[%get3A_260, %get3A_261] {strides = array<i32>} : memref<512x128xf32, #tpu.memory_space<vmem>>, vector<16xf32>,
            %add3A_263 = arith.constant 256 : i32
            %add3A_264 = arith.addi %add3A_263, %while3A_192 : i32
            %get3A_265 = arith.index_cast %add3A_264 : i32 to index
            %get3A_266 = arith.constant 32 : index
            %get3A_267 = tpu.vector_load %arg8[%get3A_265, %get3A_266] {strides = array<i32>} : memref<512x128xf32, #tpu.memory_space<vmem>>, vector<16xf32>,
            %add3A_268 = arith.constant 256 : i32
            %add3A_269 = arith.addi %add3A_268, %while3A_192 : i32
            %get3A_270 = arith.index_cast %add3A_269 : i32 to index
            %get3A_271 = arith.constant 48 : index
            %get3A_272 = tpu.vector_load %arg8[%get3A_270, %get3A_271] {strides = array<i32>} : memref<512x128xf32, #tpu.memory_space<vmem>>, vector<16xf32>,
            %add3A_273 = arith.constant 256 : i32
            %add3A_274 = arith.addi %add3A_273, %while3A_192 : i32
            %get3A_275 = arith.index_cast %add3A_274 : i32 to index
            %get3A_276 = arith.constant 64 : index
            %get3A_277 = tpu.vector_load %arg8[%get3A_275, %get3A_276] {strides = array<i32>} : memref<512x128xf32, #tpu.memory_space<vmem>>, vector<16xf32>,
            %add3A_278 = arith.constant 256 : i32
            %add3A_279 = arith.addi %add3A_278, %while3A_192 : i32
            %get3A_280 = arith.index_cast %add3A_279 : i32 to index
            %get3A_281 = arith.constant 80 : index
            %get3A_282 = tpu.vector_load %arg8[%get3A_280, %get3A_281] {strides = array<i32>} : memref<512x128xf32, #tpu.memory_space<vmem>>, vector<16xf32>,
            %add3A_283 = arith.constant 256 : i32
            %add3A_284 = arith.addi %add3A_283, %while3A_192 : i32
            %get3A_285 = arith.index_cast %add3A_284 : i32 to index
            %get3A_286 = arith.constant 96 : index
            %get3A_287 = tpu.vector_load %arg8[%get3A_285, %get3A_286] {strides = array<i32>} : memref<512x128xf32, #tpu.memory_space<vmem>>, vector<16xf32>,
            %add3A_288 = arith.constant 256 : i32
            %add3A_289 = arith.addi %add3A_288, %while3A_192 : i32
            %get3A_290 = arith.index_cast %add3A_289 : i32 to index
            %get3A_291 = arith.constant 112 : index
            %get3A_292 = tpu.vector_load %arg8[%get3A_290, %get3A_291] {strides = array<i32>} : memref<512x128xf32, #tpu.memory_space<vmem>>, vector<16xf32>,
            %max3A = arith.maximumf %gather3A_246, %get3A_257 : vector<16xf32>
            tpu.vector_store_idx %arg9[%add3A_217], %max3A : memref<41088xf32, #tpu.memory_space<vmem>>[vector<16xi32>], vector<16xf32>,
            %max3A_293 = arith.maximumf %gather3A_247, %get3A_262 : vector<16xf32>
            tpu.vector_store_idx %arg9[%add3A_221], %max3A_293 : memref<41088xf32, #tpu.memory_space<vmem>>[vector<16xi32>], vector<16xf32>,
            %max3A_294 = arith.maximumf %gather3A_248, %get3A_267 : vector<16xf32>
            tpu.vector_store_idx %arg9[%add3A_225], %max3A_294 : memref<41088xf32, #tpu.memory_space<vmem>>[vector<16xi32>], vector<16xf32>,
            %max3A_295 = arith.maximumf %gather3A_249, %get3A_272 : vector<16xf32>
            tpu.vector_store_idx %arg9[%add3A_229], %max3A_295 : memref<41088xf32, #tpu.memory_space<vmem>>[vector<16xi32>], vector<16xf32>,
            %max3A_296 = arith.maximumf %gather3A_250, %get3A_277 : vector<16xf32>
            tpu.vector_store_idx %arg9[%add3A_233], %max3A_296 : memref<41088xf32, #tpu.memory_space<vmem>>[vector<16xi32>], vector<16xf32>,
            %max3A_297 = arith.maximumf %gather3A_251, %get3A_282 : vector<16xf32>
            tpu.vector_store_idx %arg9[%add3A_237], %max3A_297 : memref<41088xf32, #tpu.memory_space<vmem>>[vector<16xi32>], vector<16xf32>,
            %max3A_298 = arith.maximumf %gather3A_252, %get3A_287 : vector<16xf32>
            tpu.vector_store_idx %arg9[%add3A_241], %max3A_298 : memref<41088xf32, #tpu.memory_space<vmem>>[vector<16xi32>], vector<16xf32>,
            %max3A_299 = arith.maximumf %gather3A_253, %get3A_292 : vector<16xf32>
            tpu.vector_store_idx %arg9[%add3A_245], %max3A_299 : memref<41088xf32, #tpu.memory_space<vmem>>[vector<16xi32>], vector<16xf32>,
            %while3A_300 = arith.constant 0 : i32
            scf.yield %while3A_300 : i32
          }
        } else {
        }
        %add3A_148 = arith.constant 3 : i32
        %add3A_149 = arith.addi %mul3A_108, %add3A_148 : i32
        %lt3A_150 = arith.cmpi slt, %add3A_149, %select_n3A : i32
        %convert_element_type3A_151 = arith.extui %lt3A_150 : i1 to i32
        %cond3A_152 = arith.constant 0 : i32
        %cond3A_153 = arith.cmpi ne, %convert_element_type3A_151, %cond3A_152 : i32
        scf.if %cond3A_153 {
          %dma_wait3A = arith.constant 384 : i32
          %dma_wait3A_155 = arith.constant 0 : i32
          %dma_wait3A_156 = tpu.memref_slice %arg8[%dma_wait3A, %dma_wait3A_155] : memref<512x128xf32, #tpu.memory_space<vmem>> -> memref<128x128xf32, #tpu.memory_space<vmem>>
          %dma_wait3A_157 = arith.constant 0 : i32
          %dma_wait3A_158 = arith.constant 0 : i32
          %dma_wait3A_159 = tpu.memref_slice %arg2[%dma_wait3A_157, %dma_wait3A_158] : memref<320000x128xf32, #tpu.memory_space<hbm>> -> memref<128x128xf32, #tpu.memory_space<hbm>>
          %dma_wait3A_160 = arith.constant 384 : i32
          %dma_wait3A_161 = arith.constant 0 : i32
          %dma_wait3A_162 = tpu.memref_slice %arg8[%dma_wait3A_160, %dma_wait3A_161] : memref<512x128xf32, #tpu.memory_space<vmem>> -> memref<128x128xf32, #tpu.memory_space<vmem>>
          %dma_wait3A_163 = arith.constant 0 : i32
          %dma_wait3A_164 = arith.constant 0 : i32
          %dma_wait3A_165 = tpu.memref_slice %arg2[%dma_wait3A_163, %dma_wait3A_164] : memref<320000x128xf32, #tpu.memory_space<hbm>> -> memref<128x128xf32, #tpu.memory_space<hbm>>
          tpu.wait_dma2 semaphore(%arg10 : memref<!tpu.dma_semaphore, #tpu.memory_space<semaphore_mem>>) src(%dma_wait3A_165 : memref<128x128xf32, #tpu.memory_space<hbm>>) dst(%dma_wait3A_162 : memref<128x128xf32, #tpu.memory_space<vmem>>)
          %dma_wait3A_166 = arith.constant 384 : i32
          %dma_wait3A_167 = tpu.memref_slice %arg7[%dma_wait3A_166] : memref<512xi32, #tpu.memory_space<vmem>> -> memref<128xi32, #tpu.memory_space<vmem>>
          %dma_wait3A_168 = arith.constant 0 : i32
          %dma_wait3A_169 = tpu.memref_slice %arg3[%dma_wait3A_168] : memref<320000xi32, #tpu.memory_space<hbm>> -> memref<128xi32, #tpu.memory_space<hbm>>
          %dma_wait3A_170 = arith.constant 384 : i32
          %dma_wait3A_171 = tpu.memref_slice %arg7[%dma_wait3A_170] : memref<512xi32, #tpu.memory_space<vmem>> -> memref<128xi32, #tpu.memory_space<vmem>>
          %dma_wait3A_172 = arith.constant 0 : i32
          %dma_wait3A_173 = tpu.memref_slice %arg3[%dma_wait3A_172] : memref<320000xi32, #tpu.memory_space<hbm>> -> memref<128xi32, #tpu.memory_space<hbm>>
          tpu.wait_dma2 semaphore(%arg10 : memref<!tpu.dma_semaphore, #tpu.memory_space<semaphore_mem>>) src(%dma_wait3A_173 : memref<128xi32, #tpu.memory_space<hbm>>) dst(%dma_wait3A_171 : memref<128xi32, #tpu.memory_space<vmem>>)
          %add3A_174 = arith.constant 3 : i32
          %add3A_175 = arith.addi %mul3A_108, %add3A_174 : i32
          %mul3A_176 = arith.constant 128 : i32
          %mul3A_177 = arith.muli %add3A_175, %mul3A_176 : i32
          %sub3A_178 = arith.subi %reduce_max3A_44, %mul3A_177 : i32
          %min3A = arith.constant 128 : i32
          %min3A_179 = arith.minsi %min3A, %sub3A_178 : i32
          %while3A_180 = arith.constant 0 : i32
          %while3A_181 = arith.constant 0 : i32
          %while3A_182 = arith.subi %min3A_179, %while3A_180 : i32
          %while3A_183 = arith.addi %while3A_180, %while3A_182 : i32
          %while3A_184 = arith.constant 1 : i32
          %while3A_185 = arith.divsi %while3A_182, %while3A_184 : i32
          %while3A_186 = arith.muli %while3A_185, %while3A_184 : i32
          %while3A_187 = arith.addi %while3A_180, %while3A_186 : i32
          %while3A_188 = arith.constant 1 : i32
          %while3A_189 = scf.for %while3A_192 = %while3A_180 to %while3A_187 step %while3A_188 iter_args(%while3A_193 = %while3A_181) -> (i32)  : i32 {
            %broadcast_in_dim3A_194 = arith.constant 0 : i32
            %broadcast_in_dim3A_195 = vector.broadcast %broadcast_in_dim3A_194 : i32 to vector<16xi32>
            %add3A_196 = arith.constant 384 : i32
            %add3A_197 = arith.addi %add3A_196, %while3A_192 : i32
            %add3A_198 = vector.broadcast %add3A_197 : i32 to vector<16xi32>
            %add3A_199 = arith.addi %broadcast_in_dim3A_195, %add3A_198 : vector<16xi32>
            %gather3A = tpu.vector_load_idx %arg7[%add3A_199] : memref<512xi32, #tpu.memory_space<vmem>>[vector<16xi32>], vector<16xi32>,
            %sub3A_200 = vector.broadcast %mul3A_2 : i32 to vector<16xi32>
            %sub3A_201 = arith.subi %gather3A, %sub3A_200 : vector<16xi32>
            %ge3A = arith.constant 0 : i32
            %ge3A_202 = vector.broadcast %ge3A : i32 to vector<16xi32>
            %ge3A_203 = arith.cmpi sge, %sub3A_201, %ge3A_202 : vector<16xi32>
            %lt3A_204 = arith.constant 320 : i32
            %lt3A_205 = vector.broadcast %lt3A_204 : i32 to vector<16xi32>
            %lt3A_206 = arith.cmpi slt, %sub3A_201, %lt3A_205 : vector<16xi32>
            %and3A_207 = arith.andi %ge3A_203, %lt3A_206 : vector<16xi1>
            %jit3A_208 = arith.constant 320 : i32
            %broadcast_in_dim3A_209 = vector.broadcast %jit3A_208 : i32 to vector<16xi32>
            %select_n3A_210 = arith.select %and3A_207, %sub3A_201, %broadcast_in_dim3A_209 : vector<16xi1>, vector<16xi32>
            %mul3A_211 = arith.constant 128 : i32
            %mul3A_212 = vector.broadcast %mul3A_211 : i32 to vector<16xi32>
            %mul3A_213 = arith.muli %select_n3A_210, %mul3A_212 : vector<16xi32>
            %add3A_214 = arith.constant 0 : i32
            %add3A_215 = vector.broadcast %add3A_214 : i32 to vector<16xi32>
            %add3A_216 = arith.addi %iota3A, %add3A_215 : vector<16xi32>
            %add3A_217 = arith.addi %mul3A_213, %add3A_216 : vector<16xi32>
            %add3A_218 = arith.constant 16 : i32
            %add3A_219 = vector.broadcast %add3A_218 : i32 to vector<16xi32>
            %add3A_220 = arith.addi %iota3A, %add3A_219 : vector<16xi32>
            %add3A_221 = arith.addi %mul3A_213, %add3A_220 : vector<16xi32>
            %add3A_222 = arith.constant 32 : i32
            %add3A_223 = vector.broadcast %add3A_222 : i32 to vector<16xi32>
            %add3A_224 = arith.addi %iota3A, %add3A_223 : vector<16xi32>
            %add3A_225 = arith.addi %mul3A_213, %add3A_224 : vector<16xi32>
            %add3A_226 = arith.constant 48 : i32
            %add3A_227 = vector.broadcast %add3A_226 : i32 to vector<16xi32>
            %add3A_228 = arith.addi %iota3A, %add3A_227 : vector<16xi32>
            %add3A_229 = arith.addi %mul3A_213, %add3A_228 : vector<16xi32>
            %add3A_230 = arith.constant 64 : i32
            %add3A_231 = vector.broadcast %add3A_230 : i32 to vector<16xi32>
            %add3A_232 = arith.addi %iota3A, %add3A_231 : vector<16xi32>
            %add3A_233 = arith.addi %mul3A_213, %add3A_232 : vector<16xi32>
            %add3A_234 = arith.constant 80 : i32
            %add3A_235 = vector.broadcast %add3A_234 : i32 to vector<16xi32>
            %add3A_236 = arith.addi %iota3A, %add3A_235 : vector<16xi32>
            %add3A_237 = arith.addi %mul3A_213, %add3A_236 : vector<16xi32>
            %add3A_238 = arith.constant 96 : i32
            %add3A_239 = vector.broadcast %add3A_238 : i32 to vector<16xi32>
            %add3A_240 = arith.addi %iota3A, %add3A_239 : vector<16xi32>
            %add3A_241 = arith.addi %mul3A_213, %add3A_240 : vector<16xi32>
            %add3A_242 = arith.constant 112 : i32
            %add3A_243 = vector.broadcast %add3A_242 : i32 to vector<16xi32>
            %add3A_244 = arith.addi %iota3A, %add3A_243 : vector<16xi32>
            %add3A_245 = arith.addi %mul3A_213, %add3A_244 : vector<16xi32>
            %gather3A_246 = tpu.vector_load_idx %arg9[%add3A_217] : memref<41088xf32, #tpu.memory_space<vmem>>[vector<16xi32>], vector<16xf32>,
            %gather3A_247 = tpu.vector_load_idx %arg9[%add3A_221] : memref<41088xf32, #tpu.memory_space<vmem>>[vector<16xi32>], vector<16xf32>,
            %gather3A_248 = tpu.vector_load_idx %arg9[%add3A_225] : memref<41088xf32, #tpu.memory_space<vmem>>[vector<16xi32>], vector<16xf32>,
            %gather3A_249 = tpu.vector_load_idx %arg9[%add3A_229] : memref<41088xf32, #tpu.memory_space<vmem>>[vector<16xi32>], vector<16xf32>,
            %gather3A_250 = tpu.vector_load_idx %arg9[%add3A_233] : memref<41088xf32, #tpu.memory_space<vmem>>[vector<16xi32>], vector<16xf32>,
            %gather3A_251 = tpu.vector_load_idx %arg9[%add3A_237] : memref<41088xf32, #tpu.memory_space<vmem>>[vector<16xi32>], vector<16xf32>,
            %gather3A_252 = tpu.vector_load_idx %arg9[%add3A_241] : memref<41088xf32, #tpu.memory_space<vmem>>[vector<16xi32>], vector<16xf32>,
            %gather3A_253 = tpu.vector_load_idx %arg9[%add3A_245] : memref<41088xf32, #tpu.memory_space<vmem>>[vector<16xi32>], vector<16xf32>,
            %add3A_254 = arith.constant 384 : i32
            %add3A_255 = arith.addi %add3A_254, %while3A_192 : i32
            %get3A = arith.index_cast %add3A_255 : i32 to index
            %get3A_256 = arith.constant 0 : index
            %get3A_257 = tpu.vector_load %arg8[%get3A, %get3A_256] {strides = array<i32>} : memref<512x128xf32, #tpu.memory_space<vmem>>, vector<16xf32>,
            %add3A_258 = arith.constant 384 : i32
            %add3A_259 = arith.addi %add3A_258, %while3A_192 : i32
            %get3A_260 = arith.index_cast %add3A_259 : i32 to index
            %get3A_261 = arith.constant 16 : index
            %get3A_262 = tpu.vector_load %arg8[%get3A_260, %get3A_261] {strides = array<i32>} : memref<512x128xf32, #tpu.memory_space<vmem>>, vector<16xf32>,
            %add3A_263 = arith.constant 384 : i32
            %add3A_264 = arith.addi %add3A_263, %while3A_192 : i32
            %get3A_265 = arith.index_cast %add3A_264 : i32 to index
            %get3A_266 = arith.constant 32 : index
            %get3A_267 = tpu.vector_load %arg8[%get3A_265, %get3A_266] {strides = array<i32>} : memref<512x128xf32, #tpu.memory_space<vmem>>, vector<16xf32>,
            %add3A_268 = arith.constant 384 : i32
            %add3A_269 = arith.addi %add3A_268, %while3A_192 : i32
            %get3A_270 = arith.index_cast %add3A_269 : i32 to index
            %get3A_271 = arith.constant 48 : index
            %get3A_272 = tpu.vector_load %arg8[%get3A_270, %get3A_271] {strides = array<i32>} : memref<512x128xf32, #tpu.memory_space<vmem>>, vector<16xf32>,
            %add3A_273 = arith.constant 384 : i32
            %add3A_274 = arith.addi %add3A_273, %while3A_192 : i32
            %get3A_275 = arith.index_cast %add3A_274 : i32 to index
            %get3A_276 = arith.constant 64 : index
            %get3A_277 = tpu.vector_load %arg8[%get3A_275, %get3A_276] {strides = array<i32>} : memref<512x128xf32, #tpu.memory_space<vmem>>, vector<16xf32>,
            %add3A_278 = arith.constant 384 : i32
            %add3A_279 = arith.addi %add3A_278, %while3A_192 : i32
            %get3A_280 = arith.index_cast %add3A_279 : i32 to index
            %get3A_281 = arith.constant 80 : index
            %get3A_282 = tpu.vector_load %arg8[%get3A_280, %get3A_281] {strides = array<i32>} : memref<512x128xf32, #tpu.memory_space<vmem>>, vector<16xf32>,
            %add3A_283 = arith.constant 384 : i32
            %add3A_284 = arith.addi %add3A_283, %while3A_192 : i32
            %get3A_285 = arith.index_cast %add3A_284 : i32 to index
            %get3A_286 = arith.constant 96 : index
            %get3A_287 = tpu.vector_load %arg8[%get3A_285, %get3A_286] {strides = array<i32>} : memref<512x128xf32, #tpu.memory_space<vmem>>, vector<16xf32>,
            %add3A_288 = arith.constant 384 : i32
            %add3A_289 = arith.addi %add3A_288, %while3A_192 : i32
            %get3A_290 = arith.index_cast %add3A_289 : i32 to index
            %get3A_291 = arith.constant 112 : index
            %get3A_292 = tpu.vector_load %arg8[%get3A_290, %get3A_291] {strides = array<i32>} : memref<512x128xf32, #tpu.memory_space<vmem>>, vector<16xf32>,
            %max3A = arith.maximumf %gather3A_246, %get3A_257 : vector<16xf32>
            tpu.vector_store_idx %arg9[%add3A_217], %max3A : memref<41088xf32, #tpu.memory_space<vmem>>[vector<16xi32>], vector<16xf32>,
            %max3A_293 = arith.maximumf %gather3A_247, %get3A_262 : vector<16xf32>
            tpu.vector_store_idx %arg9[%add3A_221], %max3A_293 : memref<41088xf32, #tpu.memory_space<vmem>>[vector<16xi32>], vector<16xf32>,
            %max3A_294 = arith.maximumf %gather3A_248, %get3A_267 : vector<16xf32>
            tpu.vector_store_idx %arg9[%add3A_225], %max3A_294 : memref<41088xf32, #tpu.memory_space<vmem>>[vector<16xi32>], vector<16xf32>,
            %max3A_295 = arith.maximumf %gather3A_249, %get3A_272 : vector<16xf32>
            tpu.vector_store_idx %arg9[%add3A_229], %max3A_295 : memref<41088xf32, #tpu.memory_space<vmem>>[vector<16xi32>], vector<16xf32>,
            %max3A_296 = arith.maximumf %gather3A_250, %get3A_277 : vector<16xf32>
            tpu.vector_store_idx %arg9[%add3A_233], %max3A_296 : memref<41088xf32, #tpu.memory_space<vmem>>[vector<16xi32>], vector<16xf32>,
            %max3A_297 = arith.maximumf %gather3A_251, %get3A_282 : vector<16xf32>
            tpu.vector_store_idx %arg9[%add3A_237], %max3A_297 : memref<41088xf32, #tpu.memory_space<vmem>>[vector<16xi32>], vector<16xf32>,
            %max3A_298 = arith.maximumf %gather3A_252, %get3A_287 : vector<16xf32>
            tpu.vector_store_idx %arg9[%add3A_241], %max3A_298 : memref<41088xf32, #tpu.memory_space<vmem>>[vector<16xi32>], vector<16xf32>,
            %max3A_299 = arith.maximumf %gather3A_253, %get3A_292 : vector<16xf32>
            tpu.vector_store_idx %arg9[%add3A_245], %max3A_299 : memref<41088xf32, #tpu.memory_space<vmem>>[vector<16xi32>], vector<16xf32>,
            %while3A_300 = arith.constant 0 : i32
            scf.yield %while3A_300 : i32
          }
          %while3A_190 = arith.constant 1 : i32
          %while3A_191 = scf.for %while3A_192 = %while3A_187 to %while3A_183 step %while3A_190 iter_args(%while3A_193 = %while3A_189) -> (i32)  : i32 {
            %broadcast_in_dim3A_194 = arith.constant 0 : i32
            %broadcast_in_dim3A_195 = vector.broadcast %broadcast_in_dim3A_194 : i32 to vector<16xi32>
            %add3A_196 = arith.constant 384 : i32
            %add3A_197 = arith.addi %add3A_196, %while3A_192 : i32
            %add3A_198 = vector.broadcast %add3A_197 : i32 to vector<16xi32>
            %add3A_199 = arith.addi %broadcast_in_dim3A_195, %add3A_198 : vector<16xi32>
            %gather3A = tpu.vector_load_idx %arg7[%add3A_199] : memref<512xi32, #tpu.memory_space<vmem>>[vector<16xi32>], vector<16xi32>,
            %sub3A_200 = vector.broadcast %mul3A_2 : i32 to vector<16xi32>
            %sub3A_201 = arith.subi %gather3A, %sub3A_200 : vector<16xi32>
            %ge3A = arith.constant 0 : i32
            %ge3A_202 = vector.broadcast %ge3A : i32 to vector<16xi32>
            %ge3A_203 = arith.cmpi sge, %sub3A_201, %ge3A_202 : vector<16xi32>
            %lt3A_204 = arith.constant 320 : i32
            %lt3A_205 = vector.broadcast %lt3A_204 : i32 to vector<16xi32>
            %lt3A_206 = arith.cmpi slt, %sub3A_201, %lt3A_205 : vector<16xi32>
            %and3A_207 = arith.andi %ge3A_203, %lt3A_206 : vector<16xi1>
            %jit3A_208 = arith.constant 320 : i32
            %broadcast_in_dim3A_209 = vector.broadcast %jit3A_208 : i32 to vector<16xi32>
            %select_n3A_210 = arith.select %and3A_207, %sub3A_201, %broadcast_in_dim3A_209 : vector<16xi1>, vector<16xi32>
            %mul3A_211 = arith.constant 128 : i32
            %mul3A_212 = vector.broadcast %mul3A_211 : i32 to vector<16xi32>
            %mul3A_213 = arith.muli %select_n3A_210, %mul3A_212 : vector<16xi32>
            %add3A_214 = arith.constant 0 : i32
            %add3A_215 = vector.broadcast %add3A_214 : i32 to vector<16xi32>
            %add3A_216 = arith.addi %iota3A, %add3A_215 : vector<16xi32>
            %add3A_217 = arith.addi %mul3A_213, %add3A_216 : vector<16xi32>
            %add3A_218 = arith.constant 16 : i32
            %add3A_219 = vector.broadcast %add3A_218 : i32 to vector<16xi32>
            %add3A_220 = arith.addi %iota3A, %add3A_219 : vector<16xi32>
            %add3A_221 = arith.addi %mul3A_213, %add3A_220 : vector<16xi32>
            %add3A_222 = arith.constant 32 : i32
            %add3A_223 = vector.broadcast %add3A_222 : i32 to vector<16xi32>
            %add3A_224 = arith.addi %iota3A, %add3A_223 : vector<16xi32>
            %add3A_225 = arith.addi %mul3A_213, %add3A_224 : vector<16xi32>
            %add3A_226 = arith.constant 48 : i32
            %add3A_227 = vector.broadcast %add3A_226 : i32 to vector<16xi32>
            %add3A_228 = arith.addi %iota3A, %add3A_227 : vector<16xi32>
            %add3A_229 = arith.addi %mul3A_213, %add3A_228 : vector<16xi32>
            %add3A_230 = arith.constant 64 : i32
            %add3A_231 = vector.broadcast %add3A_230 : i32 to vector<16xi32>
            %add3A_232 = arith.addi %iota3A, %add3A_231 : vector<16xi32>
            %add3A_233 = arith.addi %mul3A_213, %add3A_232 : vector<16xi32>
            %add3A_234 = arith.constant 80 : i32
            %add3A_235 = vector.broadcast %add3A_234 : i32 to vector<16xi32>
            %add3A_236 = arith.addi %iota3A, %add3A_235 : vector<16xi32>
            %add3A_237 = arith.addi %mul3A_213, %add3A_236 : vector<16xi32>
            %add3A_238 = arith.constant 96 : i32
            %add3A_239 = vector.broadcast %add3A_238 : i32 to vector<16xi32>
            %add3A_240 = arith.addi %iota3A, %add3A_239 : vector<16xi32>
            %add3A_241 = arith.addi %mul3A_213, %add3A_240 : vector<16xi32>
            %add3A_242 = arith.constant 112 : i32
            %add3A_243 = vector.broadcast %add3A_242 : i32 to vector<16xi32>
            %add3A_244 = arith.addi %iota3A, %add3A_243 : vector<16xi32>
            %add3A_245 = arith.addi %mul3A_213, %add3A_244 : vector<16xi32>
            %gather3A_246 = tpu.vector_load_idx %arg9[%add3A_217] : memref<41088xf32, #tpu.memory_space<vmem>>[vector<16xi32>], vector<16xf32>,
            %gather3A_247 = tpu.vector_load_idx %arg9[%add3A_221] : memref<41088xf32, #tpu.memory_space<vmem>>[vector<16xi32>], vector<16xf32>,
            %gather3A_248 = tpu.vector_load_idx %arg9[%add3A_225] : memref<41088xf32, #tpu.memory_space<vmem>>[vector<16xi32>], vector<16xf32>,
            %gather3A_249 = tpu.vector_load_idx %arg9[%add3A_229] : memref<41088xf32, #tpu.memory_space<vmem>>[vector<16xi32>], vector<16xf32>,
            %gather3A_250 = tpu.vector_load_idx %arg9[%add3A_233] : memref<41088xf32, #tpu.memory_space<vmem>>[vector<16xi32>], vector<16xf32>,
            %gather3A_251 = tpu.vector_load_idx %arg9[%add3A_237] : memref<41088xf32, #tpu.memory_space<vmem>>[vector<16xi32>], vector<16xf32>,
            %gather3A_252 = tpu.vector_load_idx %arg9[%add3A_241] : memref<41088xf32, #tpu.memory_space<vmem>>[vector<16xi32>], vector<16xf32>,
            %gather3A_253 = tpu.vector_load_idx %arg9[%add3A_245] : memref<41088xf32, #tpu.memory_space<vmem>>[vector<16xi32>], vector<16xf32>,
            %add3A_254 = arith.constant 384 : i32
            %add3A_255 = arith.addi %add3A_254, %while3A_192 : i32
            %get3A = arith.index_cast %add3A_255 : i32 to index
            %get3A_256 = arith.constant 0 : index
            %get3A_257 = tpu.vector_load %arg8[%get3A, %get3A_256] {strides = array<i32>} : memref<512x128xf32, #tpu.memory_space<vmem>>, vector<16xf32>,
            %add3A_258 = arith.constant 384 : i32
            %add3A_259 = arith.addi %add3A_258, %while3A_192 : i32
            %get3A_260 = arith.index_cast %add3A_259 : i32 to index
            %get3A_261 = arith.constant 16 : index
            %get3A_262 = tpu.vector_load %arg8[%get3A_260, %get3A_261] {strides = array<i32>} : memref<512x128xf32, #tpu.memory_space<vmem>>, vector<16xf32>,
            %add3A_263 = arith.constant 384 : i32
            %add3A_264 = arith.addi %add3A_263, %while3A_192 : i32
            %get3A_265 = arith.index_cast %add3A_264 : i32 to index
            %get3A_266 = arith.constant 32 : index
            %get3A_267 = tpu.vector_load %arg8[%get3A_265, %get3A_266] {strides = array<i32>} : memref<512x128xf32, #tpu.memory_space<vmem>>, vector<16xf32>,
            %add3A_268 = arith.constant 384 : i32
            %add3A_269 = arith.addi %add3A_268, %while3A_192 : i32
            %get3A_270 = arith.index_cast %add3A_269 : i32 to index
            %get3A_271 = arith.constant 48 : index
            %get3A_272 = tpu.vector_load %arg8[%get3A_270, %get3A_271] {strides = array<i32>} : memref<512x128xf32, #tpu.memory_space<vmem>>, vector<16xf32>,
            %add3A_273 = arith.constant 384 : i32
            %add3A_274 = arith.addi %add3A_273, %while3A_192 : i32
            %get3A_275 = arith.index_cast %add3A_274 : i32 to index
            %get3A_276 = arith.constant 64 : index
            %get3A_277 = tpu.vector_load %arg8[%get3A_275, %get3A_276] {strides = array<i32>} : memref<512x128xf32, #tpu.memory_space<vmem>>, vector<16xf32>,
            %add3A_278 = arith.constant 384 : i32
            %add3A_279 = arith.addi %add3A_278, %while3A_192 : i32
            %get3A_280 = arith.index_cast %add3A_279 : i32 to index
            %get3A_281 = arith.constant 80 : index
            %get3A_282 = tpu.vector_load %arg8[%get3A_280, %get3A_281] {strides = array<i32>} : memref<512x128xf32, #tpu.memory_space<vmem>>, vector<16xf32>,
            %add3A_283 = arith.constant 384 : i32
            %add3A_284 = arith.addi %add3A_283, %while3A_192 : i32
            %get3A_285 = arith.index_cast %add3A_284 : i32 to index
            %get3A_286 = arith.constant 96 : index
            %get3A_287 = tpu.vector_load %arg8[%get3A_285, %get3A_286] {strides = array<i32>} : memref<512x128xf32, #tpu.memory_space<vmem>>, vector<16xf32>,
            %add3A_288 = arith.constant 384 : i32
            %add3A_289 = arith.addi %add3A_288, %while3A_192 : i32
            %get3A_290 = arith.index_cast %add3A_289 : i32 to index
            %get3A_291 = arith.constant 112 : index
            %get3A_292 = tpu.vector_load %arg8[%get3A_290, %get3A_291] {strides = array<i32>} : memref<512x128xf32, #tpu.memory_space<vmem>>, vector<16xf32>,
            %max3A = arith.maximumf %gather3A_246, %get3A_257 : vector<16xf32>
            tpu.vector_store_idx %arg9[%add3A_217], %max3A : memref<41088xf32, #tpu.memory_space<vmem>>[vector<16xi32>], vector<16xf32>,
            %max3A_293 = arith.maximumf %gather3A_247, %get3A_262 : vector<16xf32>
            tpu.vector_store_idx %arg9[%add3A_221], %max3A_293 : memref<41088xf32, #tpu.memory_space<vmem>>[vector<16xi32>], vector<16xf32>,
            %max3A_294 = arith.maximumf %gather3A_248, %get3A_267 : vector<16xf32>
            tpu.vector_store_idx %arg9[%add3A_225], %max3A_294 : memref<41088xf32, #tpu.memory_space<vmem>>[vector<16xi32>], vector<16xf32>,
            %max3A_295 = arith.maximumf %gather3A_249, %get3A_272 : vector<16xf32>
            tpu.vector_store_idx %arg9[%add3A_229], %max3A_295 : memref<41088xf32, #tpu.memory_space<vmem>>[vector<16xi32>], vector<16xf32>,
            %max3A_296 = arith.maximumf %gather3A_250, %get3A_277 : vector<16xf32>
            tpu.vector_store_idx %arg9[%add3A_233], %max3A_296 : memref<41088xf32, #tpu.memory_space<vmem>>[vector<16xi32>], vector<16xf32>,
            %max3A_297 = arith.maximumf %gather3A_251, %get3A_282 : vector<16xf32>
            tpu.vector_store_idx %arg9[%add3A_237], %max3A_297 : memref<41088xf32, #tpu.memory_space<vmem>>[vector<16xi32>], vector<16xf32>,
            %max3A_298 = arith.maximumf %gather3A_252, %get3A_287 : vector<16xf32>
            tpu.vector_store_idx %arg9[%add3A_241], %max3A_298 : memref<41088xf32, #tpu.memory_space<vmem>>[vector<16xi32>], vector<16xf32>,
            %max3A_299 = arith.maximumf %gather3A_253, %get3A_292 : vector<16xf32>
            tpu.vector_store_idx %arg9[%add3A_245], %max3A_299 : memref<41088xf32, #tpu.memory_space<vmem>>[vector<16xi32>], vector<16xf32>,
            %while3A_300 = arith.constant 0 : i32
            scf.yield %while3A_300 : i32
          }
        } else {
        }
        %while3A_154 = arith.constant 0 : i32
        scf.yield %while3A_154 : i32
      }
      %while3A_102 = arith.constant 1 : i32
      %while3A_103 = scf.for %while3A_105 = %while3A_99 to %while3A_95 step %while3A_102 iter_args(%while3A_106 = %while3A_101) -> (i32)  : i32 {
        %mul3A_107 = arith.constant 4 : i32
        %mul3A_108 = arith.muli %while3A_105, %mul3A_107 : i32
        %add3A_109 = arith.constant 0 : i32
        %add3A_110 = arith.addi %mul3A_108, %add3A_109 : i32
        %lt3A = arith.cmpi slt, %add3A_110, %select_n3A : i32
        %convert_element_type3A = arith.extui %lt3A : i1 to i32
        %cond3A = arith.constant 0 : i32
        %cond3A_111 = arith.cmpi ne, %convert_element_type3A, %cond3A : i32
        scf.if %cond3A_111 {
          %add3A_155 = arith.constant 0 : i32
          %add3A_156 = arith.addi %mul3A_108, %add3A_155 : i32
          %mul3A_157 = arith.constant 128 : i32
          %mul3A_158 = arith.muli %add3A_156, %mul3A_157 : i32
          %dma_start3A = arith.constant 0 : i32
          %dma_start3A_159 = arith.constant 0 : i32
          %dma_start3A_160 = tpu.memref_slice %arg8[%dma_start3A, %dma_start3A_159] : memref<512x128xf32, #tpu.memory_space<vmem>> -> memref<128x128xf32, #tpu.memory_space<vmem>>
          %dma_start3A_161 = tpu.memref_slice %arg6[%mul3A_158] : memref<8192xi32, #tpu.memory_space<vmem>> -> memref<128xi32, #tpu.memory_space<vmem>>
          %dma_start3A_162 = arith.constant 0 : i32
          %dma_start3A_163 = arith.constant 0 : i32
          %dma_start3A_164 = tpu.memref_slice %arg2[%dma_start3A_162, %dma_start3A_163] : memref<320000x128xf32, #tpu.memory_space<hbm>> -> memref<320000x128xf32, #tpu.memory_space<hbm>>
          tpu.enqueue_indirect_dma source(%dma_start3A_164 : memref<320000x128xf32, #tpu.memory_space<hbm>>) target(%dma_start3A_160 : memref<128x128xf32, #tpu.memory_space<vmem>>) offsets(%dma_start3A_161 : memref<128xi32, #tpu.memory_space<vmem>>) semaphore(%arg10 : memref<!tpu.dma_semaphore, #tpu.memory_space<semaphore_mem>>)
          %dma_start3A_165 = arith.constant 0 : i32
          %dma_start3A_166 = tpu.memref_slice %arg7[%dma_start3A_165] : memref<512xi32, #tpu.memory_space<vmem>> -> memref<128xi32, #tpu.memory_space<vmem>>
          %dma_start3A_167 = tpu.memref_slice %arg6[%mul3A_158] : memref<8192xi32, #tpu.memory_space<vmem>> -> memref<128xi32, #tpu.memory_space<vmem>>
          %dma_start3A_168 = arith.constant 0 : i32
          %dma_start3A_169 = tpu.memref_slice %arg3[%dma_start3A_168] : memref<320000xi32, #tpu.memory_space<hbm>> -> memref<320000xi32, #tpu.memory_space<hbm>>
          tpu.enqueue_indirect_dma source(%dma_start3A_169 : memref<320000xi32, #tpu.memory_space<hbm>>) target(%dma_start3A_166 : memref<128xi32, #tpu.memory_space<vmem>>) offsets(%dma_start3A_167 : memref<128xi32, #tpu.memory_space<vmem>>) semaphore(%arg10 : memref<!tpu.dma_semaphore, #tpu.memory_space<semaphore_mem>>)
        } else {
        }
        %add3A_112 = arith.constant 1 : i32
        %add3A_113 = arith.addi %mul3A_108, %add3A_112 : i32
        %lt3A_114 = arith.cmpi slt, %add3A_113, %select_n3A : i32
        %convert_element_type3A_115 = arith.extui %lt3A_114 : i1 to i32
        %cond3A_116 = arith.constant 0 : i32
        %cond3A_117 = arith.cmpi ne, %convert_element_type3A_115, %cond3A_116 : i32
        scf.if %cond3A_117 {
          %add3A_155 = arith.constant 1 : i32
          %add3A_156 = arith.addi %mul3A_108, %add3A_155 : i32
          %mul3A_157 = arith.constant 128 : i32
          %mul3A_158 = arith.muli %add3A_156, %mul3A_157 : i32
          %dma_start3A = arith.constant 128 : i32
          %dma_start3A_159 = arith.constant 0 : i32
          %dma_start3A_160 = tpu.memref_slice %arg8[%dma_start3A, %dma_start3A_159] : memref<512x128xf32, #tpu.memory_space<vmem>> -> memref<128x128xf32, #tpu.memory_space<vmem>>
          %dma_start3A_161 = tpu.memref_slice %arg6[%mul3A_158] : memref<8192xi32, #tpu.memory_space<vmem>> -> memref<128xi32, #tpu.memory_space<vmem>>
          %dma_start3A_162 = arith.constant 0 : i32
          %dma_start3A_163 = arith.constant 0 : i32
          %dma_start3A_164 = tpu.memref_slice %arg2[%dma_start3A_162, %dma_start3A_163] : memref<320000x128xf32, #tpu.memory_space<hbm>> -> memref<320000x128xf32, #tpu.memory_space<hbm>>
          tpu.enqueue_indirect_dma source(%dma_start3A_164 : memref<320000x128xf32, #tpu.memory_space<hbm>>) target(%dma_start3A_160 : memref<128x128xf32, #tpu.memory_space<vmem>>) offsets(%dma_start3A_161 : memref<128xi32, #tpu.memory_space<vmem>>) semaphore(%arg10 : memref<!tpu.dma_semaphore, #tpu.memory_space<semaphore_mem>>)
          %dma_start3A_165 = arith.constant 128 : i32
          %dma_start3A_166 = tpu.memref_slice %arg7[%dma_start3A_165] : memref<512xi32, #tpu.memory_space<vmem>> -> memref<128xi32, #tpu.memory_space<vmem>>
          %dma_start3A_167 = tpu.memref_slice %arg6[%mul3A_158] : memref<8192xi32, #tpu.memory_space<vmem>> -> memref<128xi32, #tpu.memory_space<vmem>>
          %dma_start3A_168 = arith.constant 0 : i32
          %dma_start3A_169 = tpu.memref_slice %arg3[%dma_start3A_168] : memref<320000xi32, #tpu.memory_space<hbm>> -> memref<320000xi32, #tpu.memory_space<hbm>>
          tpu.enqueue_indirect_dma source(%dma_start3A_169 : memref<320000xi32, #tpu.memory_space<hbm>>) target(%dma_start3A_166 : memref<128xi32, #tpu.memory_space<vmem>>) offsets(%dma_start3A_167 : memref<128xi32, #tpu.memory_space<vmem>>) semaphore(%arg10 : memref<!tpu.dma_semaphore, #tpu.memory_space<semaphore_mem>>)
        } else {
        }
        %add3A_118 = arith.constant 2 : i32
        %add3A_119 = arith.addi %mul3A_108, %add3A_118 : i32
        %lt3A_120 = arith.cmpi slt, %add3A_119, %select_n3A : i32
        %convert_element_type3A_121 = arith.extui %lt3A_120 : i1 to i32
        %cond3A_122 = arith.constant 0 : i32
        %cond3A_123 = arith.cmpi ne, %convert_element_type3A_121, %cond3A_122 : i32
        scf.if %cond3A_123 {
          %add3A_155 = arith.constant 2 : i32
          %add3A_156 = arith.addi %mul3A_108, %add3A_155 : i32
          %mul3A_157 = arith.constant 128 : i32
          %mul3A_158 = arith.muli %add3A_156, %mul3A_157 : i32
          %dma_start3A = arith.constant 256 : i32
          %dma_start3A_159 = arith.constant 0 : i32
          %dma_start3A_160 = tpu.memref_slice %arg8[%dma_start3A, %dma_start3A_159] : memref<512x128xf32, #tpu.memory_space<vmem>> -> memref<128x128xf32, #tpu.memory_space<vmem>>
          %dma_start3A_161 = tpu.memref_slice %arg6[%mul3A_158] : memref<8192xi32, #tpu.memory_space<vmem>> -> memref<128xi32, #tpu.memory_space<vmem>>
          %dma_start3A_162 = arith.constant 0 : i32
          %dma_start3A_163 = arith.constant 0 : i32
          %dma_start3A_164 = tpu.memref_slice %arg2[%dma_start3A_162, %dma_start3A_163] : memref<320000x128xf32, #tpu.memory_space<hbm>> -> memref<320000x128xf32, #tpu.memory_space<hbm>>
          tpu.enqueue_indirect_dma source(%dma_start3A_164 : memref<320000x128xf32, #tpu.memory_space<hbm>>) target(%dma_start3A_160 : memref<128x128xf32, #tpu.memory_space<vmem>>) offsets(%dma_start3A_161 : memref<128xi32, #tpu.memory_space<vmem>>) semaphore(%arg10 : memref<!tpu.dma_semaphore, #tpu.memory_space<semaphore_mem>>)
          %dma_start3A_165 = arith.constant 256 : i32
          %dma_start3A_166 = tpu.memref_slice %arg7[%dma_start3A_165] : memref<512xi32, #tpu.memory_space<vmem>> -> memref<128xi32, #tpu.memory_space<vmem>>
          %dma_start3A_167 = tpu.memref_slice %arg6[%mul3A_158] : memref<8192xi32, #tpu.memory_space<vmem>> -> memref<128xi32, #tpu.memory_space<vmem>>
          %dma_start3A_168 = arith.constant 0 : i32
          %dma_start3A_169 = tpu.memref_slice %arg3[%dma_start3A_168] : memref<320000xi32, #tpu.memory_space<hbm>> -> memref<320000xi32, #tpu.memory_space<hbm>>
          tpu.enqueue_indirect_dma source(%dma_start3A_169 : memref<320000xi32, #tpu.memory_space<hbm>>) target(%dma_start3A_166 : memref<128xi32, #tpu.memory_space<vmem>>) offsets(%dma_start3A_167 : memref<128xi32, #tpu.memory_space<vmem>>) semaphore(%arg10 : memref<!tpu.dma_semaphore, #tpu.memory_space<semaphore_mem>>)
        } else {
        }
        %add3A_124 = arith.constant 3 : i32
        %add3A_125 = arith.addi %mul3A_108, %add3A_124 : i32
        %lt3A_126 = arith.cmpi slt, %add3A_125, %select_n3A : i32
        %convert_element_type3A_127 = arith.extui %lt3A_126 : i1 to i32
        %cond3A_128 = arith.constant 0 : i32
        %cond3A_129 = arith.cmpi ne, %convert_element_type3A_127, %cond3A_128 : i32
        scf.if %cond3A_129 {
          %add3A_155 = arith.constant 3 : i32
          %add3A_156 = arith.addi %mul3A_108, %add3A_155 : i32
          %mul3A_157 = arith.constant 128 : i32
          %mul3A_158 = arith.muli %add3A_156, %mul3A_157 : i32
          %dma_start3A = arith.constant 384 : i32
          %dma_start3A_159 = arith.constant 0 : i32
          %dma_start3A_160 = tpu.memref_slice %arg8[%dma_start3A, %dma_start3A_159] : memref<512x128xf32, #tpu.memory_space<vmem>> -> memref<128x128xf32, #tpu.memory_space<vmem>>
          %dma_start3A_161 = tpu.memref_slice %arg6[%mul3A_158] : memref<8192xi32, #tpu.memory_space<vmem>> -> memref<128xi32, #tpu.memory_space<vmem>>
          %dma_start3A_162 = arith.constant 0 : i32
          %dma_start3A_163 = arith.constant 0 : i32
          %dma_start3A_164 = tpu.memref_slice %arg2[%dma_start3A_162, %dma_start3A_163] : memref<320000x128xf32, #tpu.memory_space<hbm>> -> memref<320000x128xf32, #tpu.memory_space<hbm>>
          tpu.enqueue_indirect_dma source(%dma_start3A_164 : memref<320000x128xf32, #tpu.memory_space<hbm>>) target(%dma_start3A_160 : memref<128x128xf32, #tpu.memory_space<vmem>>) offsets(%dma_start3A_161 : memref<128xi32, #tpu.memory_space<vmem>>) semaphore(%arg10 : memref<!tpu.dma_semaphore, #tpu.memory_space<semaphore_mem>>)
          %dma_start3A_165 = arith.constant 384 : i32
          %dma_start3A_166 = tpu.memref_slice %arg7[%dma_start3A_165] : memref<512xi32, #tpu.memory_space<vmem>> -> memref<128xi32, #tpu.memory_space<vmem>>
          %dma_start3A_167 = tpu.memref_slice %arg6[%mul3A_158] : memref<8192xi32, #tpu.memory_space<vmem>> -> memref<128xi32, #tpu.memory_space<vmem>>
          %dma_start3A_168 = arith.constant 0 : i32
          %dma_start3A_169 = tpu.memref_slice %arg3[%dma_start3A_168] : memref<320000xi32, #tpu.memory_space<hbm>> -> memref<320000xi32, #tpu.memory_space<hbm>>
          tpu.enqueue_indirect_dma source(%dma_start3A_169 : memref<320000xi32, #tpu.memory_space<hbm>>) target(%dma_start3A_166 : memref<128xi32, #tpu.memory_space<vmem>>) offsets(%dma_start3A_167 : memref<128xi32, #tpu.memory_space<vmem>>) semaphore(%arg10 : memref<!tpu.dma_semaphore, #tpu.memory_space<semaphore_mem>>)
        } else {
        }
        %add3A_130 = arith.constant 0 : i32
        %add3A_131 = arith.addi %mul3A_108, %add3A_130 : i32
        %lt3A_132 = arith.cmpi slt, %add3A_131, %select_n3A : i32
        %convert_element_type3A_133 = arith.extui %lt3A_132 : i1 to i32
        %cond3A_134 = arith.constant 0 : i32
        %cond3A_135 = arith.cmpi ne, %convert_element_type3A_133, %cond3A_134 : i32
        scf.if %cond3A_135 {
          %dma_wait3A = arith.constant 0 : i32
          %dma_wait3A_155 = arith.constant 0 : i32
          %dma_wait3A_156 = tpu.memref_slice %arg8[%dma_wait3A, %dma_wait3A_155] : memref<512x128xf32, #tpu.memory_space<vmem>> -> memref<128x128xf32, #tpu.memory_space<vmem>>
          %dma_wait3A_157 = arith.constant 0 : i32
          %dma_wait3A_158 = arith.constant 0 : i32
          %dma_wait3A_159 = tpu.memref_slice %arg2[%dma_wait3A_157, %dma_wait3A_158] : memref<320000x128xf32, #tpu.memory_space<hbm>> -> memref<128x128xf32, #tpu.memory_space<hbm>>
          %dma_wait3A_160 = arith.constant 0 : i32
          %dma_wait3A_161 = arith.constant 0 : i32
          %dma_wait3A_162 = tpu.memref_slice %arg8[%dma_wait3A_160, %dma_wait3A_161] : memref<512x128xf32, #tpu.memory_space<vmem>> -> memref<128x128xf32, #tpu.memory_space<vmem>>
          %dma_wait3A_163 = arith.constant 0 : i32
          %dma_wait3A_164 = arith.constant 0 : i32
          %dma_wait3A_165 = tpu.memref_slice %arg2[%dma_wait3A_163, %dma_wait3A_164] : memref<320000x128xf32, #tpu.memory_space<hbm>> -> memref<128x128xf32, #tpu.memory_space<hbm>>
          tpu.wait_dma2 semaphore(%arg10 : memref<!tpu.dma_semaphore, #tpu.memory_space<semaphore_mem>>) src(%dma_wait3A_165 : memref<128x128xf32, #tpu.memory_space<hbm>>) dst(%dma_wait3A_162 : memref<128x128xf32, #tpu.memory_space<vmem>>)
          %dma_wait3A_166 = arith.constant 0 : i32
          %dma_wait3A_167 = tpu.memref_slice %arg7[%dma_wait3A_166] : memref<512xi32, #tpu.memory_space<vmem>> -> memref<128xi32, #tpu.memory_space<vmem>>
          %dma_wait3A_168 = arith.constant 0 : i32
          %dma_wait3A_169 = tpu.memref_slice %arg3[%dma_wait3A_168] : memref<320000xi32, #tpu.memory_space<hbm>> -> memref<128xi32, #tpu.memory_space<hbm>>
          %dma_wait3A_170 = arith.constant 0 : i32
          %dma_wait3A_171 = tpu.memref_slice %arg7[%dma_wait3A_170] : memref<512xi32, #tpu.memory_space<vmem>> -> memref<128xi32, #tpu.memory_space<vmem>>
          %dma_wait3A_172 = arith.constant 0 : i32
          %dma_wait3A_173 = tpu.memref_slice %arg3[%dma_wait3A_172] : memref<320000xi32, #tpu.memory_space<hbm>> -> memref<128xi32, #tpu.memory_space<hbm>>
          tpu.wait_dma2 semaphore(%arg10 : memref<!tpu.dma_semaphore, #tpu.memory_space<semaphore_mem>>) src(%dma_wait3A_173 : memref<128xi32, #tpu.memory_space<hbm>>) dst(%dma_wait3A_171 : memref<128xi32, #tpu.memory_space<vmem>>)
          %add3A_174 = arith.constant 0 : i32
          %add3A_175 = arith.addi %mul3A_108, %add3A_174 : i32
          %mul3A_176 = arith.constant 128 : i32
          %mul3A_177 = arith.muli %add3A_175, %mul3A_176 : i32
          %sub3A_178 = arith.subi %reduce_max3A_44, %mul3A_177 : i32
          %min3A = arith.constant 128 : i32
          %min3A_179 = arith.minsi %min3A, %sub3A_178 : i32
          %while3A_180 = arith.constant 0 : i32
          %while3A_181 = arith.constant 0 : i32
          %while3A_182 = arith.subi %min3A_179, %while3A_180 : i32
          %while3A_183 = arith.addi %while3A_180, %while3A_182 : i32
          %while3A_184 = arith.constant 1 : i32
          %while3A_185 = arith.divsi %while3A_182, %while3A_184 : i32
          %while3A_186 = arith.muli %while3A_185, %while3A_184 : i32
          %while3A_187 = arith.addi %while3A_180, %while3A_186 : i32
          %while3A_188 = arith.constant 1 : i32
          %while3A_189 = scf.for %while3A_192 = %while3A_180 to %while3A_187 step %while3A_188 iter_args(%while3A_193 = %while3A_181) -> (i32)  : i32 {
            %broadcast_in_dim3A_194 = arith.constant 0 : i32
            %broadcast_in_dim3A_195 = vector.broadcast %broadcast_in_dim3A_194 : i32 to vector<16xi32>
            %add3A_196 = arith.constant 0 : i32
            %add3A_197 = arith.addi %add3A_196, %while3A_192 : i32
            %add3A_198 = vector.broadcast %add3A_197 : i32 to vector<16xi32>
            %add3A_199 = arith.addi %broadcast_in_dim3A_195, %add3A_198 : vector<16xi32>
            %gather3A = tpu.vector_load_idx %arg7[%add3A_199] : memref<512xi32, #tpu.memory_space<vmem>>[vector<16xi32>], vector<16xi32>,
            %sub3A_200 = vector.broadcast %mul3A_2 : i32 to vector<16xi32>
            %sub3A_201 = arith.subi %gather3A, %sub3A_200 : vector<16xi32>
            %ge3A = arith.constant 0 : i32
            %ge3A_202 = vector.broadcast %ge3A : i32 to vector<16xi32>
            %ge3A_203 = arith.cmpi sge, %sub3A_201, %ge3A_202 : vector<16xi32>
            %lt3A_204 = arith.constant 320 : i32
            %lt3A_205 = vector.broadcast %lt3A_204 : i32 to vector<16xi32>
            %lt3A_206 = arith.cmpi slt, %sub3A_201, %lt3A_205 : vector<16xi32>
            %and3A_207 = arith.andi %ge3A_203, %lt3A_206 : vector<16xi1>
            %jit3A_208 = arith.constant 320 : i32
            %broadcast_in_dim3A_209 = vector.broadcast %jit3A_208 : i32 to vector<16xi32>
            %select_n3A_210 = arith.select %and3A_207, %sub3A_201, %broadcast_in_dim3A_209 : vector<16xi1>, vector<16xi32>
            %mul3A_211 = arith.constant 128 : i32
            %mul3A_212 = vector.broadcast %mul3A_211 : i32 to vector<16xi32>
            %mul3A_213 = arith.muli %select_n3A_210, %mul3A_212 : vector<16xi32>
            %add3A_214 = arith.constant 0 : i32
            %add3A_215 = vector.broadcast %add3A_214 : i32 to vector<16xi32>
            %add3A_216 = arith.addi %iota3A, %add3A_215 : vector<16xi32>
            %add3A_217 = arith.addi %mul3A_213, %add3A_216 : vector<16xi32>
            %add3A_218 = arith.constant 16 : i32
            %add3A_219 = vector.broadcast %add3A_218 : i32 to vector<16xi32>
            %add3A_220 = arith.addi %iota3A, %add3A_219 : vector<16xi32>
            %add3A_221 = arith.addi %mul3A_213, %add3A_220 : vector<16xi32>
            %add3A_222 = arith.constant 32 : i32
            %add3A_223 = vector.broadcast %add3A_222 : i32 to vector<16xi32>
            %add3A_224 = arith.addi %iota3A, %add3A_223 : vector<16xi32>
            %add3A_225 = arith.addi %mul3A_213, %add3A_224 : vector<16xi32>
            %add3A_226 = arith.constant 48 : i32
            %add3A_227 = vector.broadcast %add3A_226 : i32 to vector<16xi32>
            %add3A_228 = arith.addi %iota3A, %add3A_227 : vector<16xi32>
            %add3A_229 = arith.addi %mul3A_213, %add3A_228 : vector<16xi32>
            %add3A_230 = arith.constant 64 : i32
            %add3A_231 = vector.broadcast %add3A_230 : i32 to vector<16xi32>
            %add3A_232 = arith.addi %iota3A, %add3A_231 : vector<16xi32>
            %add3A_233 = arith.addi %mul3A_213, %add3A_232 : vector<16xi32>
            %add3A_234 = arith.constant 80 : i32
            %add3A_235 = vector.broadcast %add3A_234 : i32 to vector<16xi32>
            %add3A_236 = arith.addi %iota3A, %add3A_235 : vector<16xi32>
            %add3A_237 = arith.addi %mul3A_213, %add3A_236 : vector<16xi32>
            %add3A_238 = arith.constant 96 : i32
            %add3A_239 = vector.broadcast %add3A_238 : i32 to vector<16xi32>
            %add3A_240 = arith.addi %iota3A, %add3A_239 : vector<16xi32>
            %add3A_241 = arith.addi %mul3A_213, %add3A_240 : vector<16xi32>
            %add3A_242 = arith.constant 112 : i32
            %add3A_243 = vector.broadcast %add3A_242 : i32 to vector<16xi32>
            %add3A_244 = arith.addi %iota3A, %add3A_243 : vector<16xi32>
            %add3A_245 = arith.addi %mul3A_213, %add3A_244 : vector<16xi32>
            %gather3A_246 = tpu.vector_load_idx %arg9[%add3A_217] : memref<41088xf32, #tpu.memory_space<vmem>>[vector<16xi32>], vector<16xf32>,
            %gather3A_247 = tpu.vector_load_idx %arg9[%add3A_221] : memref<41088xf32, #tpu.memory_space<vmem>>[vector<16xi32>], vector<16xf32>,
            %gather3A_248 = tpu.vector_load_idx %arg9[%add3A_225] : memref<41088xf32, #tpu.memory_space<vmem>>[vector<16xi32>], vector<16xf32>,
            %gather3A_249 = tpu.vector_load_idx %arg9[%add3A_229] : memref<41088xf32, #tpu.memory_space<vmem>>[vector<16xi32>], vector<16xf32>,
            %gather3A_250 = tpu.vector_load_idx %arg9[%add3A_233] : memref<41088xf32, #tpu.memory_space<vmem>>[vector<16xi32>], vector<16xf32>,
            %gather3A_251 = tpu.vector_load_idx %arg9[%add3A_237] : memref<41088xf32, #tpu.memory_space<vmem>>[vector<16xi32>], vector<16xf32>,
            %gather3A_252 = tpu.vector_load_idx %arg9[%add3A_241] : memref<41088xf32, #tpu.memory_space<vmem>>[vector<16xi32>], vector<16xf32>,
            %gather3A_253 = tpu.vector_load_idx %arg9[%add3A_245] : memref<41088xf32, #tpu.memory_space<vmem>>[vector<16xi32>], vector<16xf32>,
            %add3A_254 = arith.constant 0 : i32
            %add3A_255 = arith.addi %add3A_254, %while3A_192 : i32
            %get3A = arith.index_cast %add3A_255 : i32 to index
            %get3A_256 = arith.constant 0 : index
            %get3A_257 = tpu.vector_load %arg8[%get3A, %get3A_256] {strides = array<i32>} : memref<512x128xf32, #tpu.memory_space<vmem>>, vector<16xf32>,
            %add3A_258 = arith.constant 0 : i32
            %add3A_259 = arith.addi %add3A_258, %while3A_192 : i32
            %get3A_260 = arith.index_cast %add3A_259 : i32 to index
            %get3A_261 = arith.constant 16 : index
            %get3A_262 = tpu.vector_load %arg8[%get3A_260, %get3A_261] {strides = array<i32>} : memref<512x128xf32, #tpu.memory_space<vmem>>, vector<16xf32>,
            %add3A_263 = arith.constant 0 : i32
            %add3A_264 = arith.addi %add3A_263, %while3A_192 : i32
            %get3A_265 = arith.index_cast %add3A_264 : i32 to index
            %get3A_266 = arith.constant 32 : index
            %get3A_267 = tpu.vector_load %arg8[%get3A_265, %get3A_266] {strides = array<i32>} : memref<512x128xf32, #tpu.memory_space<vmem>>, vector<16xf32>,
            %add3A_268 = arith.constant 0 : i32
            %add3A_269 = arith.addi %add3A_268, %while3A_192 : i32
            %get3A_270 = arith.index_cast %add3A_269 : i32 to index
            %get3A_271 = arith.constant 48 : index
            %get3A_272 = tpu.vector_load %arg8[%get3A_270, %get3A_271] {strides = array<i32>} : memref<512x128xf32, #tpu.memory_space<vmem>>, vector<16xf32>,
            %add3A_273 = arith.constant 0 : i32
            %add3A_274 = arith.addi %add3A_273, %while3A_192 : i32
            %get3A_275 = arith.index_cast %add3A_274 : i32 to index
            %get3A_276 = arith.constant 64 : index
            %get3A_277 = tpu.vector_load %arg8[%get3A_275, %get3A_276] {strides = array<i32>} : memref<512x128xf32, #tpu.memory_space<vmem>>, vector<16xf32>,
            %add3A_278 = arith.constant 0 : i32
            %add3A_279 = arith.addi %add3A_278, %while3A_192 : i32
            %get3A_280 = arith.index_cast %add3A_279 : i32 to index
            %get3A_281 = arith.constant 80 : index
            %get3A_282 = tpu.vector_load %arg8[%get3A_280, %get3A_281] {strides = array<i32>} : memref<512x128xf32, #tpu.memory_space<vmem>>, vector<16xf32>,
            %add3A_283 = arith.constant 0 : i32
            %add3A_284 = arith.addi %add3A_283, %while3A_192 : i32
            %get3A_285 = arith.index_cast %add3A_284 : i32 to index
            %get3A_286 = arith.constant 96 : index
            %get3A_287 = tpu.vector_load %arg8[%get3A_285, %get3A_286] {strides = array<i32>} : memref<512x128xf32, #tpu.memory_space<vmem>>, vector<16xf32>,
            %add3A_288 = arith.constant 0 : i32
            %add3A_289 = arith.addi %add3A_288, %while3A_192 : i32
            %get3A_290 = arith.index_cast %add3A_289 : i32 to index
            %get3A_291 = arith.constant 112 : index
            %get3A_292 = tpu.vector_load %arg8[%get3A_290, %get3A_291] {strides = array<i32>} : memref<512x128xf32, #tpu.memory_space<vmem>>, vector<16xf32>,
            %max3A = arith.maximumf %gather3A_246, %get3A_257 : vector<16xf32>
            tpu.vector_store_idx %arg9[%add3A_217], %max3A : memref<41088xf32, #tpu.memory_space<vmem>>[vector<16xi32>], vector<16xf32>,
            %max3A_293 = arith.maximumf %gather3A_247, %get3A_262 : vector<16xf32>
            tpu.vector_store_idx %arg9[%add3A_221], %max3A_293 : memref<41088xf32, #tpu.memory_space<vmem>>[vector<16xi32>], vector<16xf32>,
            %max3A_294 = arith.maximumf %gather3A_248, %get3A_267 : vector<16xf32>
            tpu.vector_store_idx %arg9[%add3A_225], %max3A_294 : memref<41088xf32, #tpu.memory_space<vmem>>[vector<16xi32>], vector<16xf32>,
            %max3A_295 = arith.maximumf %gather3A_249, %get3A_272 : vector<16xf32>
            tpu.vector_store_idx %arg9[%add3A_229], %max3A_295 : memref<41088xf32, #tpu.memory_space<vmem>>[vector<16xi32>], vector<16xf32>,
            %max3A_296 = arith.maximumf %gather3A_250, %get3A_277 : vector<16xf32>
            tpu.vector_store_idx %arg9[%add3A_233], %max3A_296 : memref<41088xf32, #tpu.memory_space<vmem>>[vector<16xi32>], vector<16xf32>,
            %max3A_297 = arith.maximumf %gather3A_251, %get3A_282 : vector<16xf32>
            tpu.vector_store_idx %arg9[%add3A_237], %max3A_297 : memref<41088xf32, #tpu.memory_space<vmem>>[vector<16xi32>], vector<16xf32>,
            %max3A_298 = arith.maximumf %gather3A_252, %get3A_287 : vector<16xf32>
            tpu.vector_store_idx %arg9[%add3A_241], %max3A_298 : memref<41088xf32, #tpu.memory_space<vmem>>[vector<16xi32>], vector<16xf32>,
            %max3A_299 = arith.maximumf %gather3A_253, %get3A_292 : vector<16xf32>
            tpu.vector_store_idx %arg9[%add3A_245], %max3A_299 : memref<41088xf32, #tpu.memory_space<vmem>>[vector<16xi32>], vector<16xf32>,
            %while3A_300 = arith.constant 0 : i32
            scf.yield %while3A_300 : i32
          }
          %while3A_190 = arith.constant 1 : i32
          %while3A_191 = scf.for %while3A_192 = %while3A_187 to %while3A_183 step %while3A_190 iter_args(%while3A_193 = %while3A_189) -> (i32)  : i32 {
            %broadcast_in_dim3A_194 = arith.constant 0 : i32
            %broadcast_in_dim3A_195 = vector.broadcast %broadcast_in_dim3A_194 : i32 to vector<16xi32>
            %add3A_196 = arith.constant 0 : i32
            %add3A_197 = arith.addi %add3A_196, %while3A_192 : i32
            %add3A_198 = vector.broadcast %add3A_197 : i32 to vector<16xi32>
            %add3A_199 = arith.addi %broadcast_in_dim3A_195, %add3A_198 : vector<16xi32>
            %gather3A = tpu.vector_load_idx %arg7[%add3A_199] : memref<512xi32, #tpu.memory_space<vmem>>[vector<16xi32>], vector<16xi32>,
            %sub3A_200 = vector.broadcast %mul3A_2 : i32 to vector<16xi32>
            %sub3A_201 = arith.subi %gather3A, %sub3A_200 : vector<16xi32>
            %ge3A = arith.constant 0 : i32
            %ge3A_202 = vector.broadcast %ge3A : i32 to vector<16xi32>
            %ge3A_203 = arith.cmpi sge, %sub3A_201, %ge3A_202 : vector<16xi32>
            %lt3A_204 = arith.constant 320 : i32
            %lt3A_205 = vector.broadcast %lt3A_204 : i32 to vector<16xi32>
            %lt3A_206 = arith.cmpi slt, %sub3A_201, %lt3A_205 : vector<16xi32>
            %and3A_207 = arith.andi %ge3A_203, %lt3A_206 : vector<16xi1>
            %jit3A_208 = arith.constant 320 : i32
            %broadcast_in_dim3A_209 = vector.broadcast %jit3A_208 : i32 to vector<16xi32>
            %select_n3A_210 = arith.select %and3A_207, %sub3A_201, %broadcast_in_dim3A_209 : vector<16xi1>, vector<16xi32>
            %mul3A_211 = arith.constant 128 : i32
            %mul3A_212 = vector.broadcast %mul3A_211 : i32 to vector<16xi32>
            %mul3A_213 = arith.muli %select_n3A_210, %mul3A_212 : vector<16xi32>
            %add3A_214 = arith.constant 0 : i32
            %add3A_215 = vector.broadcast %add3A_214 : i32 to vector<16xi32>
            %add3A_216 = arith.addi %iota3A, %add3A_215 : vector<16xi32>
            %add3A_217 = arith.addi %mul3A_213, %add3A_216 : vector<16xi32>
            %add3A_218 = arith.constant 16 : i32
            %add3A_219 = vector.broadcast %add3A_218 : i32 to vector<16xi32>
            %add3A_220 = arith.addi %iota3A, %add3A_219 : vector<16xi32>
            %add3A_221 = arith.addi %mul3A_213, %add3A_220 : vector<16xi32>
            %add3A_222 = arith.constant 32 : i32
            %add3A_223 = vector.broadcast %add3A_222 : i32 to vector<16xi32>
            %add3A_224 = arith.addi %iota3A, %add3A_223 : vector<16xi32>
            %add3A_225 = arith.addi %mul3A_213, %add3A_224 : vector<16xi32>
            %add3A_226 = arith.constant 48 : i32
            %add3A_227 = vector.broadcast %add3A_226 : i32 to vector<16xi32>
            %add3A_228 = arith.addi %iota3A, %add3A_227 : vector<16xi32>
            %add3A_229 = arith.addi %mul3A_213, %add3A_228 : vector<16xi32>
            %add3A_230 = arith.constant 64 : i32
            %add3A_231 = vector.broadcast %add3A_230 : i32 to vector<16xi32>
            %add3A_232 = arith.addi %iota3A, %add3A_231 : vector<16xi32>
            %add3A_233 = arith.addi %mul3A_213, %add3A_232 : vector<16xi32>
            %add3A_234 = arith.constant 80 : i32
            %add3A_235 = vector.broadcast %add3A_234 : i32 to vector<16xi32>
            %add3A_236 = arith.addi %iota3A, %add3A_235 : vector<16xi32>
            %add3A_237 = arith.addi %mul3A_213, %add3A_236 : vector<16xi32>
            %add3A_238 = arith.constant 96 : i32
            %add3A_239 = vector.broadcast %add3A_238 : i32 to vector<16xi32>
            %add3A_240 = arith.addi %iota3A, %add3A_239 : vector<16xi32>
            %add3A_241 = arith.addi %mul3A_213, %add3A_240 : vector<16xi32>
            %add3A_242 = arith.constant 112 : i32
            %add3A_243 = vector.broadcast %add3A_242 : i32 to vector<16xi32>
            %add3A_244 = arith.addi %iota3A, %add3A_243 : vector<16xi32>
            %add3A_245 = arith.addi %mul3A_213, %add3A_244 : vector<16xi32>
            %gather3A_246 = tpu.vector_load_idx %arg9[%add3A_217] : memref<41088xf32, #tpu.memory_space<vmem>>[vector<16xi32>], vector<16xf32>,
            %gather3A_247 = tpu.vector_load_idx %arg9[%add3A_221] : memref<41088xf32, #tpu.memory_space<vmem>>[vector<16xi32>], vector<16xf32>,
            %gather3A_248 = tpu.vector_load_idx %arg9[%add3A_225] : memref<41088xf32, #tpu.memory_space<vmem>>[vector<16xi32>], vector<16xf32>,
            %gather3A_249 = tpu.vector_load_idx %arg9[%add3A_229] : memref<41088xf32, #tpu.memory_space<vmem>>[vector<16xi32>], vector<16xf32>,
            %gather3A_250 = tpu.vector_load_idx %arg9[%add3A_233] : memref<41088xf32, #tpu.memory_space<vmem>>[vector<16xi32>], vector<16xf32>,
            %gather3A_251 = tpu.vector_load_idx %arg9[%add3A_237] : memref<41088xf32, #tpu.memory_space<vmem>>[vector<16xi32>], vector<16xf32>,
            %gather3A_252 = tpu.vector_load_idx %arg9[%add3A_241] : memref<41088xf32, #tpu.memory_space<vmem>>[vector<16xi32>], vector<16xf32>,
            %gather3A_253 = tpu.vector_load_idx %arg9[%add3A_245] : memref<41088xf32, #tpu.memory_space<vmem>>[vector<16xi32>], vector<16xf32>,
            %add3A_254 = arith.constant 0 : i32
            %add3A_255 = arith.addi %add3A_254, %while3A_192 : i32
            %get3A = arith.index_cast %add3A_255 : i32 to index
            %get3A_256 = arith.constant 0 : index
            %get3A_257 = tpu.vector_load %arg8[%get3A, %get3A_256] {strides = array<i32>} : memref<512x128xf32, #tpu.memory_space<vmem>>, vector<16xf32>,
            %add3A_258 = arith.constant 0 : i32
            %add3A_259 = arith.addi %add3A_258, %while3A_192 : i32
            %get3A_260 = arith.index_cast %add3A_259 : i32 to index
            %get3A_261 = arith.constant 16 : index
            %get3A_262 = tpu.vector_load %arg8[%get3A_260, %get3A_261] {strides = array<i32>} : memref<512x128xf32, #tpu.memory_space<vmem>>, vector<16xf32>,
            %add3A_263 = arith.constant 0 : i32
            %add3A_264 = arith.addi %add3A_263, %while3A_192 : i32
            %get3A_265 = arith.index_cast %add3A_264 : i32 to index
            %get3A_266 = arith.constant 32 : index
            %get3A_267 = tpu.vector_load %arg8[%get3A_265, %get3A_266] {strides = array<i32>} : memref<512x128xf32, #tpu.memory_space<vmem>>, vector<16xf32>,
            %add3A_268 = arith.constant 0 : i32
            %add3A_269 = arith.addi %add3A_268, %while3A_192 : i32
            %get3A_270 = arith.index_cast %add3A_269 : i32 to index
            %get3A_271 = arith.constant 48 : index
            %get3A_272 = tpu.vector_load %arg8[%get3A_270, %get3A_271] {strides = array<i32>} : memref<512x128xf32, #tpu.memory_space<vmem>>, vector<16xf32>,
            %add3A_273 = arith.constant 0 : i32
            %add3A_274 = arith.addi %add3A_273, %while3A_192 : i32
            %get3A_275 = arith.index_cast %add3A_274 : i32 to index
            %get3A_276 = arith.constant 64 : index
            %get3A_277 = tpu.vector_load %arg8[%get3A_275, %get3A_276] {strides = array<i32>} : memref<512x128xf32, #tpu.memory_space<vmem>>, vector<16xf32>,
            %add3A_278 = arith.constant 0 : i32
            %add3A_279 = arith.addi %add3A_278, %while3A_192 : i32
            %get3A_280 = arith.index_cast %add3A_279 : i32 to index
            %get3A_281 = arith.constant 80 : index
            %get3A_282 = tpu.vector_load %arg8[%get3A_280, %get3A_281] {strides = array<i32>} : memref<512x128xf32, #tpu.memory_space<vmem>>, vector<16xf32>,
            %add3A_283 = arith.constant 0 : i32
            %add3A_284 = arith.addi %add3A_283, %while3A_192 : i32
            %get3A_285 = arith.index_cast %add3A_284 : i32 to index
            %get3A_286 = arith.constant 96 : index
            %get3A_287 = tpu.vector_load %arg8[%get3A_285, %get3A_286] {strides = array<i32>} : memref<512x128xf32, #tpu.memory_space<vmem>>, vector<16xf32>,
            %add3A_288 = arith.constant 0 : i32
            %add3A_289 = arith.addi %add3A_288, %while3A_192 : i32
            %get3A_290 = arith.index_cast %add3A_289 : i32 to index
            %get3A_291 = arith.constant 112 : index
            %get3A_292 = tpu.vector_load %arg8[%get3A_290, %get3A_291] {strides = array<i32>} : memref<512x128xf32, #tpu.memory_space<vmem>>, vector<16xf32>,
            %max3A = arith.maximumf %gather3A_246, %get3A_257 : vector<16xf32>
            tpu.vector_store_idx %arg9[%add3A_217], %max3A : memref<41088xf32, #tpu.memory_space<vmem>>[vector<16xi32>], vector<16xf32>,
            %max3A_293 = arith.maximumf %gather3A_247, %get3A_262 : vector<16xf32>
            tpu.vector_store_idx %arg9[%add3A_221], %max3A_293 : memref<41088xf32, #tpu.memory_space<vmem>>[vector<16xi32>], vector<16xf32>,
            %max3A_294 = arith.maximumf %gather3A_248, %get3A_267 : vector<16xf32>
            tpu.vector_store_idx %arg9[%add3A_225], %max3A_294 : memref<41088xf32, #tpu.memory_space<vmem>>[vector<16xi32>], vector<16xf32>,
            %max3A_295 = arith.maximumf %gather3A_249, %get3A_272 : vector<16xf32>
            tpu.vector_store_idx %arg9[%add3A_229], %max3A_295 : memref<41088xf32, #tpu.memory_space<vmem>>[vector<16xi32>], vector<16xf32>,
            %max3A_296 = arith.maximumf %gather3A_250, %get3A_277 : vector<16xf32>
            tpu.vector_store_idx %arg9[%add3A_233], %max3A_296 : memref<41088xf32, #tpu.memory_space<vmem>>[vector<16xi32>], vector<16xf32>,
            %max3A_297 = arith.maximumf %gather3A_251, %get3A_282 : vector<16xf32>
            tpu.vector_store_idx %arg9[%add3A_237], %max3A_297 : memref<41088xf32, #tpu.memory_space<vmem>>[vector<16xi32>], vector<16xf32>,
            %max3A_298 = arith.maximumf %gather3A_252, %get3A_287 : vector<16xf32>
            tpu.vector_store_idx %arg9[%add3A_241], %max3A_298 : memref<41088xf32, #tpu.memory_space<vmem>>[vector<16xi32>], vector<16xf32>,
            %max3A_299 = arith.maximumf %gather3A_253, %get3A_292 : vector<16xf32>
            tpu.vector_store_idx %arg9[%add3A_245], %max3A_299 : memref<41088xf32, #tpu.memory_space<vmem>>[vector<16xi32>], vector<16xf32>,
            %while3A_300 = arith.constant 0 : i32
            scf.yield %while3A_300 : i32
          }
        } else {
        }
        %add3A_136 = arith.constant 1 : i32
        %add3A_137 = arith.addi %mul3A_108, %add3A_136 : i32
        %lt3A_138 = arith.cmpi slt, %add3A_137, %select_n3A : i32
        %convert_element_type3A_139 = arith.extui %lt3A_138 : i1 to i32
        %cond3A_140 = arith.constant 0 : i32
        %cond3A_141 = arith.cmpi ne, %convert_element_type3A_139, %cond3A_140 : i32
        scf.if %cond3A_141 {
          %dma_wait3A = arith.constant 128 : i32
          %dma_wait3A_155 = arith.constant 0 : i32
          %dma_wait3A_156 = tpu.memref_slice %arg8[%dma_wait3A, %dma_wait3A_155] : memref<512x128xf32, #tpu.memory_space<vmem>> -> memref<128x128xf32, #tpu.memory_space<vmem>>
          %dma_wait3A_157 = arith.constant 0 : i32
          %dma_wait3A_158 = arith.constant 0 : i32
          %dma_wait3A_159 = tpu.memref_slice %arg2[%dma_wait3A_157, %dma_wait3A_158] : memref<320000x128xf32, #tpu.memory_space<hbm>> -> memref<128x128xf32, #tpu.memory_space<hbm>>
          %dma_wait3A_160 = arith.constant 128 : i32
          %dma_wait3A_161 = arith.constant 0 : i32
          %dma_wait3A_162 = tpu.memref_slice %arg8[%dma_wait3A_160, %dma_wait3A_161] : memref<512x128xf32, #tpu.memory_space<vmem>> -> memref<128x128xf32, #tpu.memory_space<vmem>>
          %dma_wait3A_163 = arith.constant 0 : i32
          %dma_wait3A_164 = arith.constant 0 : i32
          %dma_wait3A_165 = tpu.memref_slice %arg2[%dma_wait3A_163, %dma_wait3A_164] : memref<320000x128xf32, #tpu.memory_space<hbm>> -> memref<128x128xf32, #tpu.memory_space<hbm>>
          tpu.wait_dma2 semaphore(%arg10 : memref<!tpu.dma_semaphore, #tpu.memory_space<semaphore_mem>>) src(%dma_wait3A_165 : memref<128x128xf32, #tpu.memory_space<hbm>>) dst(%dma_wait3A_162 : memref<128x128xf32, #tpu.memory_space<vmem>>)
          %dma_wait3A_166 = arith.constant 128 : i32
          %dma_wait3A_167 = tpu.memref_slice %arg7[%dma_wait3A_166] : memref<512xi32, #tpu.memory_space<vmem>> -> memref<128xi32, #tpu.memory_space<vmem>>
          %dma_wait3A_168 = arith.constant 0 : i32
          %dma_wait3A_169 = tpu.memref_slice %arg3[%dma_wait3A_168] : memref<320000xi32, #tpu.memory_space<hbm>> -> memref<128xi32, #tpu.memory_space<hbm>>
          %dma_wait3A_170 = arith.constant 128 : i32
          %dma_wait3A_171 = tpu.memref_slice %arg7[%dma_wait3A_170] : memref<512xi32, #tpu.memory_space<vmem>> -> memref<128xi32, #tpu.memory_space<vmem>>
          %dma_wait3A_172 = arith.constant 0 : i32
          %dma_wait3A_173 = tpu.memref_slice %arg3[%dma_wait3A_172] : memref<320000xi32, #tpu.memory_space<hbm>> -> memref<128xi32, #tpu.memory_space<hbm>>
          tpu.wait_dma2 semaphore(%arg10 : memref<!tpu.dma_semaphore, #tpu.memory_space<semaphore_mem>>) src(%dma_wait3A_173 : memref<128xi32, #tpu.memory_space<hbm>>) dst(%dma_wait3A_171 : memref<128xi32, #tpu.memory_space<vmem>>)
          %add3A_174 = arith.constant 1 : i32
          %add3A_175 = arith.addi %mul3A_108, %add3A_174 : i32
          %mul3A_176 = arith.constant 128 : i32
          %mul3A_177 = arith.muli %add3A_175, %mul3A_176 : i32
          %sub3A_178 = arith.subi %reduce_max3A_44, %mul3A_177 : i32
          %min3A = arith.constant 128 : i32
          %min3A_179 = arith.minsi %min3A, %sub3A_178 : i32
          %while3A_180 = arith.constant 0 : i32
          %while3A_181 = arith.constant 0 : i32
          %while3A_182 = arith.subi %min3A_179, %while3A_180 : i32
          %while3A_183 = arith.addi %while3A_180, %while3A_182 : i32
          %while3A_184 = arith.constant 1 : i32
          %while3A_185 = arith.divsi %while3A_182, %while3A_184 : i32
          %while3A_186 = arith.muli %while3A_185, %while3A_184 : i32
          %while3A_187 = arith.addi %while3A_180, %while3A_186 : i32
          %while3A_188 = arith.constant 1 : i32
          %while3A_189 = scf.for %while3A_192 = %while3A_180 to %while3A_187 step %while3A_188 iter_args(%while3A_193 = %while3A_181) -> (i32)  : i32 {
            %broadcast_in_dim3A_194 = arith.constant 0 : i32
            %broadcast_in_dim3A_195 = vector.broadcast %broadcast_in_dim3A_194 : i32 to vector<16xi32>
            %add3A_196 = arith.constant 128 : i32
            %add3A_197 = arith.addi %add3A_196, %while3A_192 : i32
            %add3A_198 = vector.broadcast %add3A_197 : i32 to vector<16xi32>
            %add3A_199 = arith.addi %broadcast_in_dim3A_195, %add3A_198 : vector<16xi32>
            %gather3A = tpu.vector_load_idx %arg7[%add3A_199] : memref<512xi32, #tpu.memory_space<vmem>>[vector<16xi32>], vector<16xi32>,
            %sub3A_200 = vector.broadcast %mul3A_2 : i32 to vector<16xi32>
            %sub3A_201 = arith.subi %gather3A, %sub3A_200 : vector<16xi32>
            %ge3A = arith.constant 0 : i32
            %ge3A_202 = vector.broadcast %ge3A : i32 to vector<16xi32>
            %ge3A_203 = arith.cmpi sge, %sub3A_201, %ge3A_202 : vector<16xi32>
            %lt3A_204 = arith.constant 320 : i32
            %lt3A_205 = vector.broadcast %lt3A_204 : i32 to vector<16xi32>
            %lt3A_206 = arith.cmpi slt, %sub3A_201, %lt3A_205 : vector<16xi32>
            %and3A_207 = arith.andi %ge3A_203, %lt3A_206 : vector<16xi1>
            %jit3A_208 = arith.constant 320 : i32
            %broadcast_in_dim3A_209 = vector.broadcast %jit3A_208 : i32 to vector<16xi32>
            %select_n3A_210 = arith.select %and3A_207, %sub3A_201, %broadcast_in_dim3A_209 : vector<16xi1>, vector<16xi32>
            %mul3A_211 = arith.constant 128 : i32
            %mul3A_212 = vector.broadcast %mul3A_211 : i32 to vector<16xi32>
            %mul3A_213 = arith.muli %select_n3A_210, %mul3A_212 : vector<16xi32>
            %add3A_214 = arith.constant 0 : i32
            %add3A_215 = vector.broadcast %add3A_214 : i32 to vector<16xi32>
            %add3A_216 = arith.addi %iota3A, %add3A_215 : vector<16xi32>
            %add3A_217 = arith.addi %mul3A_213, %add3A_216 : vector<16xi32>
            %add3A_218 = arith.constant 16 : i32
            %add3A_219 = vector.broadcast %add3A_218 : i32 to vector<16xi32>
            %add3A_220 = arith.addi %iota3A, %add3A_219 : vector<16xi32>
            %add3A_221 = arith.addi %mul3A_213, %add3A_220 : vector<16xi32>
            %add3A_222 = arith.constant 32 : i32
            %add3A_223 = vector.broadcast %add3A_222 : i32 to vector<16xi32>
            %add3A_224 = arith.addi %iota3A, %add3A_223 : vector<16xi32>
            %add3A_225 = arith.addi %mul3A_213, %add3A_224 : vector<16xi32>
            %add3A_226 = arith.constant 48 : i32
            %add3A_227 = vector.broadcast %add3A_226 : i32 to vector<16xi32>
            %add3A_228 = arith.addi %iota3A, %add3A_227 : vector<16xi32>
            %add3A_229 = arith.addi %mul3A_213, %add3A_228 : vector<16xi32>
            %add3A_230 = arith.constant 64 : i32
            %add3A_231 = vector.broadcast %add3A_230 : i32 to vector<16xi32>
            %add3A_232 = arith.addi %iota3A, %add3A_231 : vector<16xi32>
            %add3A_233 = arith.addi %mul3A_213, %add3A_232 : vector<16xi32>
            %add3A_234 = arith.constant 80 : i32
            %add3A_235 = vector.broadcast %add3A_234 : i32 to vector<16xi32>
            %add3A_236 = arith.addi %iota3A, %add3A_235 : vector<16xi32>
            %add3A_237 = arith.addi %mul3A_213, %add3A_236 : vector<16xi32>
            %add3A_238 = arith.constant 96 : i32
            %add3A_239 = vector.broadcast %add3A_238 : i32 to vector<16xi32>
            %add3A_240 = arith.addi %iota3A, %add3A_239 : vector<16xi32>
            %add3A_241 = arith.addi %mul3A_213, %add3A_240 : vector<16xi32>
            %add3A_242 = arith.constant 112 : i32
            %add3A_243 = vector.broadcast %add3A_242 : i32 to vector<16xi32>
            %add3A_244 = arith.addi %iota3A, %add3A_243 : vector<16xi32>
            %add3A_245 = arith.addi %mul3A_213, %add3A_244 : vector<16xi32>
            %gather3A_246 = tpu.vector_load_idx %arg9[%add3A_217] : memref<41088xf32, #tpu.memory_space<vmem>>[vector<16xi32>], vector<16xf32>,
            %gather3A_247 = tpu.vector_load_idx %arg9[%add3A_221] : memref<41088xf32, #tpu.memory_space<vmem>>[vector<16xi32>], vector<16xf32>,
            %gather3A_248 = tpu.vector_load_idx %arg9[%add3A_225] : memref<41088xf32, #tpu.memory_space<vmem>>[vector<16xi32>], vector<16xf32>,
            %gather3A_249 = tpu.vector_load_idx %arg9[%add3A_229] : memref<41088xf32, #tpu.memory_space<vmem>>[vector<16xi32>], vector<16xf32>,
            %gather3A_250 = tpu.vector_load_idx %arg9[%add3A_233] : memref<41088xf32, #tpu.memory_space<vmem>>[vector<16xi32>], vector<16xf32>,
            %gather3A_251 = tpu.vector_load_idx %arg9[%add3A_237] : memref<41088xf32, #tpu.memory_space<vmem>>[vector<16xi32>], vector<16xf32>,
            %gather3A_252 = tpu.vector_load_idx %arg9[%add3A_241] : memref<41088xf32, #tpu.memory_space<vmem>>[vector<16xi32>], vector<16xf32>,
            %gather3A_253 = tpu.vector_load_idx %arg9[%add3A_245] : memref<41088xf32, #tpu.memory_space<vmem>>[vector<16xi32>], vector<16xf32>,
            %add3A_254 = arith.constant 128 : i32
            %add3A_255 = arith.addi %add3A_254, %while3A_192 : i32
            %get3A = arith.index_cast %add3A_255 : i32 to index
            %get3A_256 = arith.constant 0 : index
            %get3A_257 = tpu.vector_load %arg8[%get3A, %get3A_256] {strides = array<i32>} : memref<512x128xf32, #tpu.memory_space<vmem>>, vector<16xf32>,
            %add3A_258 = arith.constant 128 : i32
            %add3A_259 = arith.addi %add3A_258, %while3A_192 : i32
            %get3A_260 = arith.index_cast %add3A_259 : i32 to index
            %get3A_261 = arith.constant 16 : index
            %get3A_262 = tpu.vector_load %arg8[%get3A_260, %get3A_261] {strides = array<i32>} : memref<512x128xf32, #tpu.memory_space<vmem>>, vector<16xf32>,
            %add3A_263 = arith.constant 128 : i32
            %add3A_264 = arith.addi %add3A_263, %while3A_192 : i32
            %get3A_265 = arith.index_cast %add3A_264 : i32 to index
            %get3A_266 = arith.constant 32 : index
            %get3A_267 = tpu.vector_load %arg8[%get3A_265, %get3A_266] {strides = array<i32>} : memref<512x128xf32, #tpu.memory_space<vmem>>, vector<16xf32>,
            %add3A_268 = arith.constant 128 : i32
            %add3A_269 = arith.addi %add3A_268, %while3A_192 : i32
            %get3A_270 = arith.index_cast %add3A_269 : i32 to index
            %get3A_271 = arith.constant 48 : index
            %get3A_272 = tpu.vector_load %arg8[%get3A_270, %get3A_271] {strides = array<i32>} : memref<512x128xf32, #tpu.memory_space<vmem>>, vector<16xf32>,
            %add3A_273 = arith.constant 128 : i32
            %add3A_274 = arith.addi %add3A_273, %while3A_192 : i32
            %get3A_275 = arith.index_cast %add3A_274 : i32 to index
            %get3A_276 = arith.constant 64 : index
            %get3A_277 = tpu.vector_load %arg8[%get3A_275, %get3A_276] {strides = array<i32>} : memref<512x128xf32, #tpu.memory_space<vmem>>, vector<16xf32>,
            %add3A_278 = arith.constant 128 : i32
            %add3A_279 = arith.addi %add3A_278, %while3A_192 : i32
            %get3A_280 = arith.index_cast %add3A_279 : i32 to index
            %get3A_281 = arith.constant 80 : index
            %get3A_282 = tpu.vector_load %arg8[%get3A_280, %get3A_281] {strides = array<i32>} : memref<512x128xf32, #tpu.memory_space<vmem>>, vector<16xf32>,
            %add3A_283 = arith.constant 128 : i32
            %add3A_284 = arith.addi %add3A_283, %while3A_192 : i32
            %get3A_285 = arith.index_cast %add3A_284 : i32 to index
            %get3A_286 = arith.constant 96 : index
            %get3A_287 = tpu.vector_load %arg8[%get3A_285, %get3A_286] {strides = array<i32>} : memref<512x128xf32, #tpu.memory_space<vmem>>, vector<16xf32>,
            %add3A_288 = arith.constant 128 : i32
            %add3A_289 = arith.addi %add3A_288, %while3A_192 : i32
            %get3A_290 = arith.index_cast %add3A_289 : i32 to index
            %get3A_291 = arith.constant 112 : index
            %get3A_292 = tpu.vector_load %arg8[%get3A_290, %get3A_291] {strides = array<i32>} : memref<512x128xf32, #tpu.memory_space<vmem>>, vector<16xf32>,
            %max3A = arith.maximumf %gather3A_246, %get3A_257 : vector<16xf32>
            tpu.vector_store_idx %arg9[%add3A_217], %max3A : memref<41088xf32, #tpu.memory_space<vmem>>[vector<16xi32>], vector<16xf32>,
            %max3A_293 = arith.maximumf %gather3A_247, %get3A_262 : vector<16xf32>
            tpu.vector_store_idx %arg9[%add3A_221], %max3A_293 : memref<41088xf32, #tpu.memory_space<vmem>>[vector<16xi32>], vector<16xf32>,
            %max3A_294 = arith.maximumf %gather3A_248, %get3A_267 : vector<16xf32>
            tpu.vector_store_idx %arg9[%add3A_225], %max3A_294 : memref<41088xf32, #tpu.memory_space<vmem>>[vector<16xi32>], vector<16xf32>,
            %max3A_295 = arith.maximumf %gather3A_249, %get3A_272 : vector<16xf32>
            tpu.vector_store_idx %arg9[%add3A_229], %max3A_295 : memref<41088xf32, #tpu.memory_space<vmem>>[vector<16xi32>], vector<16xf32>,
            %max3A_296 = arith.maximumf %gather3A_250, %get3A_277 : vector<16xf32>
            tpu.vector_store_idx %arg9[%add3A_233], %max3A_296 : memref<41088xf32, #tpu.memory_space<vmem>>[vector<16xi32>], vector<16xf32>,
            %max3A_297 = arith.maximumf %gather3A_251, %get3A_282 : vector<16xf32>
            tpu.vector_store_idx %arg9[%add3A_237], %max3A_297 : memref<41088xf32, #tpu.memory_space<vmem>>[vector<16xi32>], vector<16xf32>,
            %max3A_298 = arith.maximumf %gather3A_252, %get3A_287 : vector<16xf32>
            tpu.vector_store_idx %arg9[%add3A_241], %max3A_298 : memref<41088xf32, #tpu.memory_space<vmem>>[vector<16xi32>], vector<16xf32>,
            %max3A_299 = arith.maximumf %gather3A_253, %get3A_292 : vector<16xf32>
            tpu.vector_store_idx %arg9[%add3A_245], %max3A_299 : memref<41088xf32, #tpu.memory_space<vmem>>[vector<16xi32>], vector<16xf32>,
            %while3A_300 = arith.constant 0 : i32
            scf.yield %while3A_300 : i32
          }
          %while3A_190 = arith.constant 1 : i32
          %while3A_191 = scf.for %while3A_192 = %while3A_187 to %while3A_183 step %while3A_190 iter_args(%while3A_193 = %while3A_189) -> (i32)  : i32 {
            %broadcast_in_dim3A_194 = arith.constant 0 : i32
            %broadcast_in_dim3A_195 = vector.broadcast %broadcast_in_dim3A_194 : i32 to vector<16xi32>
            %add3A_196 = arith.constant 128 : i32
            %add3A_197 = arith.addi %add3A_196, %while3A_192 : i32
            %add3A_198 = vector.broadcast %add3A_197 : i32 to vector<16xi32>
            %add3A_199 = arith.addi %broadcast_in_dim3A_195, %add3A_198 : vector<16xi32>
            %gather3A = tpu.vector_load_idx %arg7[%add3A_199] : memref<512xi32, #tpu.memory_space<vmem>>[vector<16xi32>], vector<16xi32>,
            %sub3A_200 = vector.broadcast %mul3A_2 : i32 to vector<16xi32>
            %sub3A_201 = arith.subi %gather3A, %sub3A_200 : vector<16xi32>
            %ge3A = arith.constant 0 : i32
            %ge3A_202 = vector.broadcast %ge3A : i32 to vector<16xi32>
            %ge3A_203 = arith.cmpi sge, %sub3A_201, %ge3A_202 : vector<16xi32>
            %lt3A_204 = arith.constant 320 : i32
            %lt3A_205 = vector.broadcast %lt3A_204 : i32 to vector<16xi32>
            %lt3A_206 = arith.cmpi slt, %sub3A_201, %lt3A_205 : vector<16xi32>
            %and3A_207 = arith.andi %ge3A_203, %lt3A_206 : vector<16xi1>
            %jit3A_208 = arith.constant 320 : i32
            %broadcast_in_dim3A_209 = vector.broadcast %jit3A_208 : i32 to vector<16xi32>
            %select_n3A_210 = arith.select %and3A_207, %sub3A_201, %broadcast_in_dim3A_209 : vector<16xi1>, vector<16xi32>
            %mul3A_211 = arith.constant 128 : i32
            %mul3A_212 = vector.broadcast %mul3A_211 : i32 to vector<16xi32>
            %mul3A_213 = arith.muli %select_n3A_210, %mul3A_212 : vector<16xi32>
            %add3A_214 = arith.constant 0 : i32
            %add3A_215 = vector.broadcast %add3A_214 : i32 to vector<16xi32>
            %add3A_216 = arith.addi %iota3A, %add3A_215 : vector<16xi32>
            %add3A_217 = arith.addi %mul3A_213, %add3A_216 : vector<16xi32>
            %add3A_218 = arith.constant 16 : i32
            %add3A_219 = vector.broadcast %add3A_218 : i32 to vector<16xi32>
            %add3A_220 = arith.addi %iota3A, %add3A_219 : vector<16xi32>
            %add3A_221 = arith.addi %mul3A_213, %add3A_220 : vector<16xi32>
            %add3A_222 = arith.constant 32 : i32
            %add3A_223 = vector.broadcast %add3A_222 : i32 to vector<16xi32>
            %add3A_224 = arith.addi %iota3A, %add3A_223 : vector<16xi32>
            %add3A_225 = arith.addi %mul3A_213, %add3A_224 : vector<16xi32>
            %add3A_226 = arith.constant 48 : i32
            %add3A_227 = vector.broadcast %add3A_226 : i32 to vector<16xi32>
            %add3A_228 = arith.addi %iota3A, %add3A_227 : vector<16xi32>
            %add3A_229 = arith.addi %mul3A_213, %add3A_228 : vector<16xi32>
            %add3A_230 = arith.constant 64 : i32
            %add3A_231 = vector.broadcast %add3A_230 : i32 to vector<16xi32>
            %add3A_232 = arith.addi %iota3A, %add3A_231 : vector<16xi32>
            %add3A_233 = arith.addi %mul3A_213, %add3A_232 : vector<16xi32>
            %add3A_234 = arith.constant 80 : i32
            %add3A_235 = vector.broadcast %add3A_234 : i32 to vector<16xi32>
            %add3A_236 = arith.addi %iota3A, %add3A_235 : vector<16xi32>
            %add3A_237 = arith.addi %mul3A_213, %add3A_236 : vector<16xi32>
            %add3A_238 = arith.constant 96 : i32
            %add3A_239 = vector.broadcast %add3A_238 : i32 to vector<16xi32>
            %add3A_240 = arith.addi %iota3A, %add3A_239 : vector<16xi32>
            %add3A_241 = arith.addi %mul3A_213, %add3A_240 : vector<16xi32>
            %add3A_242 = arith.constant 112 : i32
            %add3A_243 = vector.broadcast %add3A_242 : i32 to vector<16xi32>
            %add3A_244 = arith.addi %iota3A, %add3A_243 : vector<16xi32>
            %add3A_245 = arith.addi %mul3A_213, %add3A_244 : vector<16xi32>
            %gather3A_246 = tpu.vector_load_idx %arg9[%add3A_217] : memref<41088xf32, #tpu.memory_space<vmem>>[vector<16xi32>], vector<16xf32>,
            %gather3A_247 = tpu.vector_load_idx %arg9[%add3A_221] : memref<41088xf32, #tpu.memory_space<vmem>>[vector<16xi32>], vector<16xf32>,
            %gather3A_248 = tpu.vector_load_idx %arg9[%add3A_225] : memref<41088xf32, #tpu.memory_space<vmem>>[vector<16xi32>], vector<16xf32>,
            %gather3A_249 = tpu.vector_load_idx %arg9[%add3A_229] : memref<41088xf32, #tpu.memory_space<vmem>>[vector<16xi32>], vector<16xf32>,
            %gather3A_250 = tpu.vector_load_idx %arg9[%add3A_233] : memref<41088xf32, #tpu.memory_space<vmem>>[vector<16xi32>], vector<16xf32>,
            %gather3A_251 = tpu.vector_load_idx %arg9[%add3A_237] : memref<41088xf32, #tpu.memory_space<vmem>>[vector<16xi32>], vector<16xf32>,
            %gather3A_252 = tpu.vector_load_idx %arg9[%add3A_241] : memref<41088xf32, #tpu.memory_space<vmem>>[vector<16xi32>], vector<16xf32>,
            %gather3A_253 = tpu.vector_load_idx %arg9[%add3A_245] : memref<41088xf32, #tpu.memory_space<vmem>>[vector<16xi32>], vector<16xf32>,
            %add3A_254 = arith.constant 128 : i32
            %add3A_255 = arith.addi %add3A_254, %while3A_192 : i32
            %get3A = arith.index_cast %add3A_255 : i32 to index
            %get3A_256 = arith.constant 0 : index
            %get3A_257 = tpu.vector_load %arg8[%get3A, %get3A_256] {strides = array<i32>} : memref<512x128xf32, #tpu.memory_space<vmem>>, vector<16xf32>,
            %add3A_258 = arith.constant 128 : i32
            %add3A_259 = arith.addi %add3A_258, %while3A_192 : i32
            %get3A_260 = arith.index_cast %add3A_259 : i32 to index
            %get3A_261 = arith.constant 16 : index
            %get3A_262 = tpu.vector_load %arg8[%get3A_260, %get3A_261] {strides = array<i32>} : memref<512x128xf32, #tpu.memory_space<vmem>>, vector<16xf32>,
            %add3A_263 = arith.constant 128 : i32
            %add3A_264 = arith.addi %add3A_263, %while3A_192 : i32
            %get3A_265 = arith.index_cast %add3A_264 : i32 to index
            %get3A_266 = arith.constant 32 : index
            %get3A_267 = tpu.vector_load %arg8[%get3A_265, %get3A_266] {strides = array<i32>} : memref<512x128xf32, #tpu.memory_space<vmem>>, vector<16xf32>,
            %add3A_268 = arith.constant 128 : i32
            %add3A_269 = arith.addi %add3A_268, %while3A_192 : i32
            %get3A_270 = arith.index_cast %add3A_269 : i32 to index
            %get3A_271 = arith.constant 48 : index
            %get3A_272 = tpu.vector_load %arg8[%get3A_270, %get3A_271] {strides = array<i32>} : memref<512x128xf32, #tpu.memory_space<vmem>>, vector<16xf32>,
            %add3A_273 = arith.constant 128 : i32
            %add3A_274 = arith.addi %add3A_273, %while3A_192 : i32
            %get3A_275 = arith.index_cast %add3A_274 : i32 to index
            %get3A_276 = arith.constant 64 : index
            %get3A_277 = tpu.vector_load %arg8[%get3A_275, %get3A_276] {strides = array<i32>} : memref<512x128xf32, #tpu.memory_space<vmem>>, vector<16xf32>,
            %add3A_278 = arith.constant 128 : i32
            %add3A_279 = arith.addi %add3A_278, %while3A_192 : i32
            %get3A_280 = arith.index_cast %add3A_279 : i32 to index
            %get3A_281 = arith.constant 80 : index
            %get3A_282 = tpu.vector_load %arg8[%get3A_280, %get3A_281] {strides = array<i32>} : memref<512x128xf32, #tpu.memory_space<vmem>>, vector<16xf32>,
            %add3A_283 = arith.constant 128 : i32
            %add3A_284 = arith.addi %add3A_283, %while3A_192 : i32
            %get3A_285 = arith.index_cast %add3A_284 : i32 to index
            %get3A_286 = arith.constant 96 : index
            %get3A_287 = tpu.vector_load %arg8[%get3A_285, %get3A_286] {strides = array<i32>} : memref<512x128xf32, #tpu.memory_space<vmem>>, vector<16xf32>,
            %add3A_288 = arith.constant 128 : i32
            %add3A_289 = arith.addi %add3A_288, %while3A_192 : i32
            %get3A_290 = arith.index_cast %add3A_289 : i32 to index
            %get3A_291 = arith.constant 112 : index
            %get3A_292 = tpu.vector_load %arg8[%get3A_290, %get3A_291] {strides = array<i32>} : memref<512x128xf32, #tpu.memory_space<vmem>>, vector<16xf32>,
            %max3A = arith.maximumf %gather3A_246, %get3A_257 : vector<16xf32>
            tpu.vector_store_idx %arg9[%add3A_217], %max3A : memref<41088xf32, #tpu.memory_space<vmem>>[vector<16xi32>], vector<16xf32>,
            %max3A_293 = arith.maximumf %gather3A_247, %get3A_262 : vector<16xf32>
            tpu.vector_store_idx %arg9[%add3A_221], %max3A_293 : memref<41088xf32, #tpu.memory_space<vmem>>[vector<16xi32>], vector<16xf32>,
            %max3A_294 = arith.maximumf %gather3A_248, %get3A_267 : vector<16xf32>
            tpu.vector_store_idx %arg9[%add3A_225], %max3A_294 : memref<41088xf32, #tpu.memory_space<vmem>>[vector<16xi32>], vector<16xf32>,
            %max3A_295 = arith.maximumf %gather3A_249, %get3A_272 : vector<16xf32>
            tpu.vector_store_idx %arg9[%add3A_229], %max3A_295 : memref<41088xf32, #tpu.memory_space<vmem>>[vector<16xi32>], vector<16xf32>,
            %max3A_296 = arith.maximumf %gather3A_250, %get3A_277 : vector<16xf32>
            tpu.vector_store_idx %arg9[%add3A_233], %max3A_296 : memref<41088xf32, #tpu.memory_space<vmem>>[vector<16xi32>], vector<16xf32>,
            %max3A_297 = arith.maximumf %gather3A_251, %get3A_282 : vector<16xf32>
            tpu.vector_store_idx %arg9[%add3A_237], %max3A_297 : memref<41088xf32, #tpu.memory_space<vmem>>[vector<16xi32>], vector<16xf32>,
            %max3A_298 = arith.maximumf %gather3A_252, %get3A_287 : vector<16xf32>
            tpu.vector_store_idx %arg9[%add3A_241], %max3A_298 : memref<41088xf32, #tpu.memory_space<vmem>>[vector<16xi32>], vector<16xf32>,
            %max3A_299 = arith.maximumf %gather3A_253, %get3A_292 : vector<16xf32>
            tpu.vector_store_idx %arg9[%add3A_245], %max3A_299 : memref<41088xf32, #tpu.memory_space<vmem>>[vector<16xi32>], vector<16xf32>,
            %while3A_300 = arith.constant 0 : i32
            scf.yield %while3A_300 : i32
          }
        } else {
        }
        %add3A_142 = arith.constant 2 : i32
        %add3A_143 = arith.addi %mul3A_108, %add3A_142 : i32
        %lt3A_144 = arith.cmpi slt, %add3A_143, %select_n3A : i32
        %convert_element_type3A_145 = arith.extui %lt3A_144 : i1 to i32
        %cond3A_146 = arith.constant 0 : i32
        %cond3A_147 = arith.cmpi ne, %convert_element_type3A_145, %cond3A_146 : i32
        scf.if %cond3A_147 {
          %dma_wait3A = arith.constant 256 : i32
          %dma_wait3A_155 = arith.constant 0 : i32
          %dma_wait3A_156 = tpu.memref_slice %arg8[%dma_wait3A, %dma_wait3A_155] : memref<512x128xf32, #tpu.memory_space<vmem>> -> memref<128x128xf32, #tpu.memory_space<vmem>>
          %dma_wait3A_157 = arith.constant 0 : i32
          %dma_wait3A_158 = arith.constant 0 : i32
          %dma_wait3A_159 = tpu.memref_slice %arg2[%dma_wait3A_157, %dma_wait3A_158] : memref<320000x128xf32, #tpu.memory_space<hbm>> -> memref<128x128xf32, #tpu.memory_space<hbm>>
          %dma_wait3A_160 = arith.constant 256 : i32
          %dma_wait3A_161 = arith.constant 0 : i32
          %dma_wait3A_162 = tpu.memref_slice %arg8[%dma_wait3A_160, %dma_wait3A_161] : memref<512x128xf32, #tpu.memory_space<vmem>> -> memref<128x128xf32, #tpu.memory_space<vmem>>
          %dma_wait3A_163 = arith.constant 0 : i32
          %dma_wait3A_164 = arith.constant 0 : i32
          %dma_wait3A_165 = tpu.memref_slice %arg2[%dma_wait3A_163, %dma_wait3A_164] : memref<320000x128xf32, #tpu.memory_space<hbm>> -> memref<128x128xf32, #tpu.memory_space<hbm>>
          tpu.wait_dma2 semaphore(%arg10 : memref<!tpu.dma_semaphore, #tpu.memory_space<semaphore_mem>>) src(%dma_wait3A_165 : memref<128x128xf32, #tpu.memory_space<hbm>>) dst(%dma_wait3A_162 : memref<128x128xf32, #tpu.memory_space<vmem>>)
          %dma_wait3A_166 = arith.constant 256 : i32
          %dma_wait3A_167 = tpu.memref_slice %arg7[%dma_wait3A_166] : memref<512xi32, #tpu.memory_space<vmem>> -> memref<128xi32, #tpu.memory_space<vmem>>
          %dma_wait3A_168 = arith.constant 0 : i32
          %dma_wait3A_169 = tpu.memref_slice %arg3[%dma_wait3A_168] : memref<320000xi32, #tpu.memory_space<hbm>> -> memref<128xi32, #tpu.memory_space<hbm>>
          %dma_wait3A_170 = arith.constant 256 : i32
          %dma_wait3A_171 = tpu.memref_slice %arg7[%dma_wait3A_170] : memref<512xi32, #tpu.memory_space<vmem>> -> memref<128xi32, #tpu.memory_space<vmem>>
          %dma_wait3A_172 = arith.constant 0 : i32
          %dma_wait3A_173 = tpu.memref_slice %arg3[%dma_wait3A_172] : memref<320000xi32, #tpu.memory_space<hbm>> -> memref<128xi32, #tpu.memory_space<hbm>>
          tpu.wait_dma2 semaphore(%arg10 : memref<!tpu.dma_semaphore, #tpu.memory_space<semaphore_mem>>) src(%dma_wait3A_173 : memref<128xi32, #tpu.memory_space<hbm>>) dst(%dma_wait3A_171 : memref<128xi32, #tpu.memory_space<vmem>>)
          %add3A_174 = arith.constant 2 : i32
          %add3A_175 = arith.addi %mul3A_108, %add3A_174 : i32
          %mul3A_176 = arith.constant 128 : i32
          %mul3A_177 = arith.muli %add3A_175, %mul3A_176 : i32
          %sub3A_178 = arith.subi %reduce_max3A_44, %mul3A_177 : i32
          %min3A = arith.constant 128 : i32
          %min3A_179 = arith.minsi %min3A, %sub3A_178 : i32
          %while3A_180 = arith.constant 0 : i32
          %while3A_181 = arith.constant 0 : i32
          %while3A_182 = arith.subi %min3A_179, %while3A_180 : i32
          %while3A_183 = arith.addi %while3A_180, %while3A_182 : i32
          %while3A_184 = arith.constant 1 : i32
          %while3A_185 = arith.divsi %while3A_182, %while3A_184 : i32
          %while3A_186 = arith.muli %while3A_185, %while3A_184 : i32
          %while3A_187 = arith.addi %while3A_180, %while3A_186 : i32
          %while3A_188 = arith.constant 1 : i32
          %while3A_189 = scf.for %while3A_192 = %while3A_180 to %while3A_187 step %while3A_188 iter_args(%while3A_193 = %while3A_181) -> (i32)  : i32 {
            %broadcast_in_dim3A_194 = arith.constant 0 : i32
            %broadcast_in_dim3A_195 = vector.broadcast %broadcast_in_dim3A_194 : i32 to vector<16xi32>
            %add3A_196 = arith.constant 256 : i32
            %add3A_197 = arith.addi %add3A_196, %while3A_192 : i32
            %add3A_198 = vector.broadcast %add3A_197 : i32 to vector<16xi32>
            %add3A_199 = arith.addi %broadcast_in_dim3A_195, %add3A_198 : vector<16xi32>
            %gather3A = tpu.vector_load_idx %arg7[%add3A_199] : memref<512xi32, #tpu.memory_space<vmem>>[vector<16xi32>], vector<16xi32>,
            %sub3A_200 = vector.broadcast %mul3A_2 : i32 to vector<16xi32>
            %sub3A_201 = arith.subi %gather3A, %sub3A_200 : vector<16xi32>
            %ge3A = arith.constant 0 : i32
            %ge3A_202 = vector.broadcast %ge3A : i32 to vector<16xi32>
            %ge3A_203 = arith.cmpi sge, %sub3A_201, %ge3A_202 : vector<16xi32>
            %lt3A_204 = arith.constant 320 : i32
            %lt3A_205 = vector.broadcast %lt3A_204 : i32 to vector<16xi32>
            %lt3A_206 = arith.cmpi slt, %sub3A_201, %lt3A_205 : vector<16xi32>
            %and3A_207 = arith.andi %ge3A_203, %lt3A_206 : vector<16xi1>
            %jit3A_208 = arith.constant 320 : i32
            %broadcast_in_dim3A_209 = vector.broadcast %jit3A_208 : i32 to vector<16xi32>
            %select_n3A_210 = arith.select %and3A_207, %sub3A_201, %broadcast_in_dim3A_209 : vector<16xi1>, vector<16xi32>
            %mul3A_211 = arith.constant 128 : i32
            %mul3A_212 = vector.broadcast %mul3A_211 : i32 to vector<16xi32>
            %mul3A_213 = arith.muli %select_n3A_210, %mul3A_212 : vector<16xi32>
            %add3A_214 = arith.constant 0 : i32
            %add3A_215 = vector.broadcast %add3A_214 : i32 to vector<16xi32>
            %add3A_216 = arith.addi %iota3A, %add3A_215 : vector<16xi32>
            %add3A_217 = arith.addi %mul3A_213, %add3A_216 : vector<16xi32>
            %add3A_218 = arith.constant 16 : i32
            %add3A_219 = vector.broadcast %add3A_218 : i32 to vector<16xi32>
            %add3A_220 = arith.addi %iota3A, %add3A_219 : vector<16xi32>
            %add3A_221 = arith.addi %mul3A_213, %add3A_220 : vector<16xi32>
            %add3A_222 = arith.constant 32 : i32
            %add3A_223 = vector.broadcast %add3A_222 : i32 to vector<16xi32>
            %add3A_224 = arith.addi %iota3A, %add3A_223 : vector<16xi32>
            %add3A_225 = arith.addi %mul3A_213, %add3A_224 : vector<16xi32>
            %add3A_226 = arith.constant 48 : i32
            %add3A_227 = vector.broadcast %add3A_226 : i32 to vector<16xi32>
            %add3A_228 = arith.addi %iota3A, %add3A_227 : vector<16xi32>
            %add3A_229 = arith.addi %mul3A_213, %add3A_228 : vector<16xi32>
            %add3A_230 = arith.constant 64 : i32
            %add3A_231 = vector.broadcast %add3A_230 : i32 to vector<16xi32>
            %add3A_232 = arith.addi %iota3A, %add3A_231 : vector<16xi32>
            %add3A_233 = arith.addi %mul3A_213, %add3A_232 : vector<16xi32>
            %add3A_234 = arith.constant 80 : i32
            %add3A_235 = vector.broadcast %add3A_234 : i32 to vector<16xi32>
            %add3A_236 = arith.addi %iota3A, %add3A_235 : vector<16xi32>
            %add3A_237 = arith.addi %mul3A_213, %add3A_236 : vector<16xi32>
            %add3A_238 = arith.constant 96 : i32
            %add3A_239 = vector.broadcast %add3A_238 : i32 to vector<16xi32>
            %add3A_240 = arith.addi %iota3A, %add3A_239 : vector<16xi32>
            %add3A_241 = arith.addi %mul3A_213, %add3A_240 : vector<16xi32>
            %add3A_242 = arith.constant 112 : i32
            %add3A_243 = vector.broadcast %add3A_242 : i32 to vector<16xi32>
            %add3A_244 = arith.addi %iota3A, %add3A_243 : vector<16xi32>
            %add3A_245 = arith.addi %mul3A_213, %add3A_244 : vector<16xi32>
            %gather3A_246 = tpu.vector_load_idx %arg9[%add3A_217] : memref<41088xf32, #tpu.memory_space<vmem>>[vector<16xi32>], vector<16xf32>,
            %gather3A_247 = tpu.vector_load_idx %arg9[%add3A_221] : memref<41088xf32, #tpu.memory_space<vmem>>[vector<16xi32>], vector<16xf32>,
            %gather3A_248 = tpu.vector_load_idx %arg9[%add3A_225] : memref<41088xf32, #tpu.memory_space<vmem>>[vector<16xi32>], vector<16xf32>,
            %gather3A_249 = tpu.vector_load_idx %arg9[%add3A_229] : memref<41088xf32, #tpu.memory_space<vmem>>[vector<16xi32>], vector<16xf32>,
            %gather3A_250 = tpu.vector_load_idx %arg9[%add3A_233] : memref<41088xf32, #tpu.memory_space<vmem>>[vector<16xi32>], vector<16xf32>,
            %gather3A_251 = tpu.vector_load_idx %arg9[%add3A_237] : memref<41088xf32, #tpu.memory_space<vmem>>[vector<16xi32>], vector<16xf32>,
            %gather3A_252 = tpu.vector_load_idx %arg9[%add3A_241] : memref<41088xf32, #tpu.memory_space<vmem>>[vector<16xi32>], vector<16xf32>,
            %gather3A_253 = tpu.vector_load_idx %arg9[%add3A_245] : memref<41088xf32, #tpu.memory_space<vmem>>[vector<16xi32>], vector<16xf32>,
            %add3A_254 = arith.constant 256 : i32
            %add3A_255 = arith.addi %add3A_254, %while3A_192 : i32
            %get3A = arith.index_cast %add3A_255 : i32 to index
            %get3A_256 = arith.constant 0 : index
            %get3A_257 = tpu.vector_load %arg8[%get3A, %get3A_256] {strides = array<i32>} : memref<512x128xf32, #tpu.memory_space<vmem>>, vector<16xf32>,
            %add3A_258 = arith.constant 256 : i32
            %add3A_259 = arith.addi %add3A_258, %while3A_192 : i32
            %get3A_260 = arith.index_cast %add3A_259 : i32 to index
            %get3A_261 = arith.constant 16 : index
            %get3A_262 = tpu.vector_load %arg8[%get3A_260, %get3A_261] {strides = array<i32>} : memref<512x128xf32, #tpu.memory_space<vmem>>, vector<16xf32>,
            %add3A_263 = arith.constant 256 : i32
            %add3A_264 = arith.addi %add3A_263, %while3A_192 : i32
            %get3A_265 = arith.index_cast %add3A_264 : i32 to index
            %get3A_266 = arith.constant 32 : index
            %get3A_267 = tpu.vector_load %arg8[%get3A_265, %get3A_266] {strides = array<i32>} : memref<512x128xf32, #tpu.memory_space<vmem>>, vector<16xf32>,
            %add3A_268 = arith.constant 256 : i32
            %add3A_269 = arith.addi %add3A_268, %while3A_192 : i32
            %get3A_270 = arith.index_cast %add3A_269 : i32 to index
            %get3A_271 = arith.constant 48 : index
            %get3A_272 = tpu.vector_load %arg8[%get3A_270, %get3A_271] {strides = array<i32>} : memref<512x128xf32, #tpu.memory_space<vmem>>, vector<16xf32>,
            %add3A_273 = arith.constant 256 : i32
            %add3A_274 = arith.addi %add3A_273, %while3A_192 : i32
            %get3A_275 = arith.index_cast %add3A_274 : i32 to index
            %get3A_276 = arith.constant 64 : index
            %get3A_277 = tpu.vector_load %arg8[%get3A_275, %get3A_276] {strides = array<i32>} : memref<512x128xf32, #tpu.memory_space<vmem>>, vector<16xf32>,
            %add3A_278 = arith.constant 256 : i32
            %add3A_279 = arith.addi %add3A_278, %while3A_192 : i32
            %get3A_280 = arith.index_cast %add3A_279 : i32 to index
            %get3A_281 = arith.constant 80 : index
            %get3A_282 = tpu.vector_load %arg8[%get3A_280, %get3A_281] {strides = array<i32>} : memref<512x128xf32, #tpu.memory_space<vmem>>, vector<16xf32>,
            %add3A_283 = arith.constant 256 : i32
            %add3A_284 = arith.addi %add3A_283, %while3A_192 : i32
            %get3A_285 = arith.index_cast %add3A_284 : i32 to index
            %get3A_286 = arith.constant 96 : index
            %get3A_287 = tpu.vector_load %arg8[%get3A_285, %get3A_286] {strides = array<i32>} : memref<512x128xf32, #tpu.memory_space<vmem>>, vector<16xf32>,
            %add3A_288 = arith.constant 256 : i32
            %add3A_289 = arith.addi %add3A_288, %while3A_192 : i32
            %get3A_290 = arith.index_cast %add3A_289 : i32 to index
            %get3A_291 = arith.constant 112 : index
            %get3A_292 = tpu.vector_load %arg8[%get3A_290, %get3A_291] {strides = array<i32>} : memref<512x128xf32, #tpu.memory_space<vmem>>, vector<16xf32>,
            %max3A = arith.maximumf %gather3A_246, %get3A_257 : vector<16xf32>
            tpu.vector_store_idx %arg9[%add3A_217], %max3A : memref<41088xf32, #tpu.memory_space<vmem>>[vector<16xi32>], vector<16xf32>,
            %max3A_293 = arith.maximumf %gather3A_247, %get3A_262 : vector<16xf32>
            tpu.vector_store_idx %arg9[%add3A_221], %max3A_293 : memref<41088xf32, #tpu.memory_space<vmem>>[vector<16xi32>], vector<16xf32>,
            %max3A_294 = arith.maximumf %gather3A_248, %get3A_267 : vector<16xf32>
            tpu.vector_store_idx %arg9[%add3A_225], %max3A_294 : memref<41088xf32, #tpu.memory_space<vmem>>[vector<16xi32>], vector<16xf32>,
            %max3A_295 = arith.maximumf %gather3A_249, %get3A_272 : vector<16xf32>
            tpu.vector_store_idx %arg9[%add3A_229], %max3A_295 : memref<41088xf32, #tpu.memory_space<vmem>>[vector<16xi32>], vector<16xf32>,
            %max3A_296 = arith.maximumf %gather3A_250, %get3A_277 : vector<16xf32>
            tpu.vector_store_idx %arg9[%add3A_233], %max3A_296 : memref<41088xf32, #tpu.memory_space<vmem>>[vector<16xi32>], vector<16xf32>,
            %max3A_297 = arith.maximumf %gather3A_251, %get3A_282 : vector<16xf32>
            tpu.vector_store_idx %arg9[%add3A_237], %max3A_297 : memref<41088xf32, #tpu.memory_space<vmem>>[vector<16xi32>], vector<16xf32>,
            %max3A_298 = arith.maximumf %gather3A_252, %get3A_287 : vector<16xf32>
            tpu.vector_store_idx %arg9[%add3A_241], %max3A_298 : memref<41088xf32, #tpu.memory_space<vmem>>[vector<16xi32>], vector<16xf32>,
            %max3A_299 = arith.maximumf %gather3A_253, %get3A_292 : vector<16xf32>
            tpu.vector_store_idx %arg9[%add3A_245], %max3A_299 : memref<41088xf32, #tpu.memory_space<vmem>>[vector<16xi32>], vector<16xf32>,
            %while3A_300 = arith.constant 0 : i32
            scf.yield %while3A_300 : i32
          }
          %while3A_190 = arith.constant 1 : i32
          %while3A_191 = scf.for %while3A_192 = %while3A_187 to %while3A_183 step %while3A_190 iter_args(%while3A_193 = %while3A_189) -> (i32)  : i32 {
            %broadcast_in_dim3A_194 = arith.constant 0 : i32
            %broadcast_in_dim3A_195 = vector.broadcast %broadcast_in_dim3A_194 : i32 to vector<16xi32>
            %add3A_196 = arith.constant 256 : i32
            %add3A_197 = arith.addi %add3A_196, %while3A_192 : i32
            %add3A_198 = vector.broadcast %add3A_197 : i32 to vector<16xi32>
            %add3A_199 = arith.addi %broadcast_in_dim3A_195, %add3A_198 : vector<16xi32>
            %gather3A = tpu.vector_load_idx %arg7[%add3A_199] : memref<512xi32, #tpu.memory_space<vmem>>[vector<16xi32>], vector<16xi32>,
            %sub3A_200 = vector.broadcast %mul3A_2 : i32 to vector<16xi32>
            %sub3A_201 = arith.subi %gather3A, %sub3A_200 : vector<16xi32>
            %ge3A = arith.constant 0 : i32
            %ge3A_202 = vector.broadcast %ge3A : i32 to vector<16xi32>
            %ge3A_203 = arith.cmpi sge, %sub3A_201, %ge3A_202 : vector<16xi32>
            %lt3A_204 = arith.constant 320 : i32
            %lt3A_205 = vector.broadcast %lt3A_204 : i32 to vector<16xi32>
            %lt3A_206 = arith.cmpi slt, %sub3A_201, %lt3A_205 : vector<16xi32>
            %and3A_207 = arith.andi %ge3A_203, %lt3A_206 : vector<16xi1>
            %jit3A_208 = arith.constant 320 : i32
            %broadcast_in_dim3A_209 = vector.broadcast %jit3A_208 : i32 to vector<16xi32>
            %select_n3A_210 = arith.select %and3A_207, %sub3A_201, %broadcast_in_dim3A_209 : vector<16xi1>, vector<16xi32>
            %mul3A_211 = arith.constant 128 : i32
            %mul3A_212 = vector.broadcast %mul3A_211 : i32 to vector<16xi32>
            %mul3A_213 = arith.muli %select_n3A_210, %mul3A_212 : vector<16xi32>
            %add3A_214 = arith.constant 0 : i32
            %add3A_215 = vector.broadcast %add3A_214 : i32 to vector<16xi32>
            %add3A_216 = arith.addi %iota3A, %add3A_215 : vector<16xi32>
            %add3A_217 = arith.addi %mul3A_213, %add3A_216 : vector<16xi32>
            %add3A_218 = arith.constant 16 : i32
            %add3A_219 = vector.broadcast %add3A_218 : i32 to vector<16xi32>
            %add3A_220 = arith.addi %iota3A, %add3A_219 : vector<16xi32>
            %add3A_221 = arith.addi %mul3A_213, %add3A_220 : vector<16xi32>
            %add3A_222 = arith.constant 32 : i32
            %add3A_223 = vector.broadcast %add3A_222 : i32 to vector<16xi32>
            %add3A_224 = arith.addi %iota3A, %add3A_223 : vector<16xi32>
            %add3A_225 = arith.addi %mul3A_213, %add3A_224 : vector<16xi32>
            %add3A_226 = arith.constant 48 : i32
            %add3A_227 = vector.broadcast %add3A_226 : i32 to vector<16xi32>
            %add3A_228 = arith.addi %iota3A, %add3A_227 : vector<16xi32>
            %add3A_229 = arith.addi %mul3A_213, %add3A_228 : vector<16xi32>
            %add3A_230 = arith.constant 64 : i32
            %add3A_231 = vector.broadcast %add3A_230 : i32 to vector<16xi32>
            %add3A_232 = arith.addi %iota3A, %add3A_231 : vector<16xi32>
            %add3A_233 = arith.addi %mul3A_213, %add3A_232 : vector<16xi32>
            %add3A_234 = arith.constant 80 : i32
            %add3A_235 = vector.broadcast %add3A_234 : i32 to vector<16xi32>
            %add3A_236 = arith.addi %iota3A, %add3A_235 : vector<16xi32>
            %add3A_237 = arith.addi %mul3A_213, %add3A_236 : vector<16xi32>
            %add3A_238 = arith.constant 96 : i32
            %add3A_239 = vector.broadcast %add3A_238 : i32 to vector<16xi32>
            %add3A_240 = arith.addi %iota3A, %add3A_239 : vector<16xi32>
            %add3A_241 = arith.addi %mul3A_213, %add3A_240 : vector<16xi32>
            %add3A_242 = arith.constant 112 : i32
            %add3A_243 = vector.broadcast %add3A_242 : i32 to vector<16xi32>
            %add3A_244 = arith.addi %iota3A, %add3A_243 : vector<16xi32>
            %add3A_245 = arith.addi %mul3A_213, %add3A_244 : vector<16xi32>
            %gather3A_246 = tpu.vector_load_idx %arg9[%add3A_217] : memref<41088xf32, #tpu.memory_space<vmem>>[vector<16xi32>], vector<16xf32>,
            %gather3A_247 = tpu.vector_load_idx %arg9[%add3A_221] : memref<41088xf32, #tpu.memory_space<vmem>>[vector<16xi32>], vector<16xf32>,
            %gather3A_248 = tpu.vector_load_idx %arg9[%add3A_225] : memref<41088xf32, #tpu.memory_space<vmem>>[vector<16xi32>], vector<16xf32>,
            %gather3A_249 = tpu.vector_load_idx %arg9[%add3A_229] : memref<41088xf32, #tpu.memory_space<vmem>>[vector<16xi32>], vector<16xf32>,
            %gather3A_250 = tpu.vector_load_idx %arg9[%add3A_233] : memref<41088xf32, #tpu.memory_space<vmem>>[vector<16xi32>], vector<16xf32>,
            %gather3A_251 = tpu.vector_load_idx %arg9[%add3A_237] : memref<41088xf32, #tpu.memory_space<vmem>>[vector<16xi32>], vector<16xf32>,
            %gather3A_252 = tpu.vector_load_idx %arg9[%add3A_241] : memref<41088xf32, #tpu.memory_space<vmem>>[vector<16xi32>], vector<16xf32>,
            %gather3A_253 = tpu.vector_load_idx %arg9[%add3A_245] : memref<41088xf32, #tpu.memory_space<vmem>>[vector<16xi32>], vector<16xf32>,
            %add3A_254 = arith.constant 256 : i32
            %add3A_255 = arith.addi %add3A_254, %while3A_192 : i32
            %get3A = arith.index_cast %add3A_255 : i32 to index
            %get3A_256 = arith.constant 0 : index
            %get3A_257 = tpu.vector_load %arg8[%get3A, %get3A_256] {strides = array<i32>} : memref<512x128xf32, #tpu.memory_space<vmem>>, vector<16xf32>,
            %add3A_258 = arith.constant 256 : i32
            %add3A_259 = arith.addi %add3A_258, %while3A_192 : i32
            %get3A_260 = arith.index_cast %add3A_259 : i32 to index
            %get3A_261 = arith.constant 16 : index
            %get3A_262 = tpu.vector_load %arg8[%get3A_260, %get3A_261] {strides = array<i32>} : memref<512x128xf32, #tpu.memory_space<vmem>>, vector<16xf32>,
            %add3A_263 = arith.constant 256 : i32
            %add3A_264 = arith.addi %add3A_263, %while3A_192 : i32
            %get3A_265 = arith.index_cast %add3A_264 : i32 to index
            %get3A_266 = arith.constant 32 : index
            %get3A_267 = tpu.vector_load %arg8[%get3A_265, %get3A_266] {strides = array<i32>} : memref<512x128xf32, #tpu.memory_space<vmem>>, vector<16xf32>,
            %add3A_268 = arith.constant 256 : i32
            %add3A_269 = arith.addi %add3A_268, %while3A_192 : i32
            %get3A_270 = arith.index_cast %add3A_269 : i32 to index
            %get3A_271 = arith.constant 48 : index
            %get3A_272 = tpu.vector_load %arg8[%get3A_270, %get3A_271] {strides = array<i32>} : memref<512x128xf32, #tpu.memory_space<vmem>>, vector<16xf32>,
            %add3A_273 = arith.constant 256 : i32
            %add3A_274 = arith.addi %add3A_273, %while3A_192 : i32
            %get3A_275 = arith.index_cast %add3A_274 : i32 to index
            %get3A_276 = arith.constant 64 : index
            %get3A_277 = tpu.vector_load %arg8[%get3A_275, %get3A_276] {strides = array<i32>} : memref<512x128xf32, #tpu.memory_space<vmem>>, vector<16xf32>,
            %add3A_278 = arith.constant 256 : i32
            %add3A_279 = arith.addi %add3A_278, %while3A_192 : i32
            %get3A_280 = arith.index_cast %add3A_279 : i32 to index
            %get3A_281 = arith.constant 80 : index
            %get3A_282 = tpu.vector_load %arg8[%get3A_280, %get3A_281] {strides = array<i32>} : memref<512x128xf32, #tpu.memory_space<vmem>>, vector<16xf32>,
            %add3A_283 = arith.constant 256 : i32
            %add3A_284 = arith.addi %add3A_283, %while3A_192 : i32
            %get3A_285 = arith.index_cast %add3A_284 : i32 to index
            %get3A_286 = arith.constant 96 : index
            %get3A_287 = tpu.vector_load %arg8[%get3A_285, %get3A_286] {strides = array<i32>} : memref<512x128xf32, #tpu.memory_space<vmem>>, vector<16xf32>,
            %add3A_288 = arith.constant 256 : i32
            %add3A_289 = arith.addi %add3A_288, %while3A_192 : i32
            %get3A_290 = arith.index_cast %add3A_289 : i32 to index
            %get3A_291 = arith.constant 112 : index
            %get3A_292 = tpu.vector_load %arg8[%get3A_290, %get3A_291] {strides = array<i32>} : memref<512x128xf32, #tpu.memory_space<vmem>>, vector<16xf32>,
            %max3A = arith.maximumf %gather3A_246, %get3A_257 : vector<16xf32>
            tpu.vector_store_idx %arg9[%add3A_217], %max3A : memref<41088xf32, #tpu.memory_space<vmem>>[vector<16xi32>], vector<16xf32>,
            %max3A_293 = arith.maximumf %gather3A_247, %get3A_262 : vector<16xf32>
            tpu.vector_store_idx %arg9[%add3A_221], %max3A_293 : memref<41088xf32, #tpu.memory_space<vmem>>[vector<16xi32>], vector<16xf32>,
            %max3A_294 = arith.maximumf %gather3A_248, %get3A_267 : vector<16xf32>
            tpu.vector_store_idx %arg9[%add3A_225], %max3A_294 : memref<41088xf32, #tpu.memory_space<vmem>>[vector<16xi32>], vector<16xf32>,
            %max3A_295 = arith.maximumf %gather3A_249, %get3A_272 : vector<16xf32>
            tpu.vector_store_idx %arg9[%add3A_229], %max3A_295 : memref<41088xf32, #tpu.memory_space<vmem>>[vector<16xi32>], vector<16xf32>,
            %max3A_296 = arith.maximumf %gather3A_250, %get3A_277 : vector<16xf32>
            tpu.vector_store_idx %arg9[%add3A_233], %max3A_296 : memref<41088xf32, #tpu.memory_space<vmem>>[vector<16xi32>], vector<16xf32>,
            %max3A_297 = arith.maximumf %gather3A_251, %get3A_282 : vector<16xf32>
            tpu.vector_store_idx %arg9[%add3A_237], %max3A_297 : memref<41088xf32, #tpu.memory_space<vmem>>[vector<16xi32>], vector<16xf32>,
            %max3A_298 = arith.maximumf %gather3A_252, %get3A_287 : vector<16xf32>
            tpu.vector_store_idx %arg9[%add3A_241], %max3A_298 : memref<41088xf32, #tpu.memory_space<vmem>>[vector<16xi32>], vector<16xf32>,
            %max3A_299 = arith.maximumf %gather3A_253, %get3A_292 : vector<16xf32>
            tpu.vector_store_idx %arg9[%add3A_245], %max3A_299 : memref<41088xf32, #tpu.memory_space<vmem>>[vector<16xi32>], vector<16xf32>,
            %while3A_300 = arith.constant 0 : i32
            scf.yield %while3A_300 : i32
          }
        } else {
        }
        %add3A_148 = arith.constant 3 : i32
        %add3A_149 = arith.addi %mul3A_108, %add3A_148 : i32
        %lt3A_150 = arith.cmpi slt, %add3A_149, %select_n3A : i32
        %convert_element_type3A_151 = arith.extui %lt3A_150 : i1 to i32
        %cond3A_152 = arith.constant 0 : i32
        %cond3A_153 = arith.cmpi ne, %convert_element_type3A_151, %cond3A_152 : i32
        scf.if %cond3A_153 {
          %dma_wait3A = arith.constant 384 : i32
          %dma_wait3A_155 = arith.constant 0 : i32
          %dma_wait3A_156 = tpu.memref_slice %arg8[%dma_wait3A, %dma_wait3A_155] : memref<512x128xf32, #tpu.memory_space<vmem>> -> memref<128x128xf32, #tpu.memory_space<vmem>>
          %dma_wait3A_157 = arith.constant 0 : i32
          %dma_wait3A_158 = arith.constant 0 : i32
          %dma_wait3A_159 = tpu.memref_slice %arg2[%dma_wait3A_157, %dma_wait3A_158] : memref<320000x128xf32, #tpu.memory_space<hbm>> -> memref<128x128xf32, #tpu.memory_space<hbm>>
          %dma_wait3A_160 = arith.constant 384 : i32
          %dma_wait3A_161 = arith.constant 0 : i32
          %dma_wait3A_162 = tpu.memref_slice %arg8[%dma_wait3A_160, %dma_wait3A_161] : memref<512x128xf32, #tpu.memory_space<vmem>> -> memref<128x128xf32, #tpu.memory_space<vmem>>
          %dma_wait3A_163 = arith.constant 0 : i32
          %dma_wait3A_164 = arith.constant 0 : i32
          %dma_wait3A_165 = tpu.memref_slice %arg2[%dma_wait3A_163, %dma_wait3A_164] : memref<320000x128xf32, #tpu.memory_space<hbm>> -> memref<128x128xf32, #tpu.memory_space<hbm>>
          tpu.wait_dma2 semaphore(%arg10 : memref<!tpu.dma_semaphore, #tpu.memory_space<semaphore_mem>>) src(%dma_wait3A_165 : memref<128x128xf32, #tpu.memory_space<hbm>>) dst(%dma_wait3A_162 : memref<128x128xf32, #tpu.memory_space<vmem>>)
          %dma_wait3A_166 = arith.constant 384 : i32
          %dma_wait3A_167 = tpu.memref_slice %arg7[%dma_wait3A_166] : memref<512xi32, #tpu.memory_space<vmem>> -> memref<128xi32, #tpu.memory_space<vmem>>
          %dma_wait3A_168 = arith.constant 0 : i32
          %dma_wait3A_169 = tpu.memref_slice %arg3[%dma_wait3A_168] : memref<320000xi32, #tpu.memory_space<hbm>> -> memref<128xi32, #tpu.memory_space<hbm>>
          %dma_wait3A_170 = arith.constant 384 : i32
          %dma_wait3A_171 = tpu.memref_slice %arg7[%dma_wait3A_170] : memref<512xi32, #tpu.memory_space<vmem>> -> memref<128xi32, #tpu.memory_space<vmem>>
          %dma_wait3A_172 = arith.constant 0 : i32
          %dma_wait3A_173 = tpu.memref_slice %arg3[%dma_wait3A_172] : memref<320000xi32, #tpu.memory_space<hbm>> -> memref<128xi32, #tpu.memory_space<hbm>>
          tpu.wait_dma2 semaphore(%arg10 : memref<!tpu.dma_semaphore, #tpu.memory_space<semaphore_mem>>) src(%dma_wait3A_173 : memref<128xi32, #tpu.memory_space<hbm>>) dst(%dma_wait3A_171 : memref<128xi32, #tpu.memory_space<vmem>>)
          %add3A_174 = arith.constant 3 : i32
          %add3A_175 = arith.addi %mul3A_108, %add3A_174 : i32
          %mul3A_176 = arith.constant 128 : i32
          %mul3A_177 = arith.muli %add3A_175, %mul3A_176 : i32
          %sub3A_178 = arith.subi %reduce_max3A_44, %mul3A_177 : i32
          %min3A = arith.constant 128 : i32
          %min3A_179 = arith.minsi %min3A, %sub3A_178 : i32
          %while3A_180 = arith.constant 0 : i32
          %while3A_181 = arith.constant 0 : i32
          %while3A_182 = arith.subi %min3A_179, %while3A_180 : i32
          %while3A_183 = arith.addi %while3A_180, %while3A_182 : i32
          %while3A_184 = arith.constant 1 : i32
          %while3A_185 = arith.divsi %while3A_182, %while3A_184 : i32
          %while3A_186 = arith.muli %while3A_185, %while3A_184 : i32
          %while3A_187 = arith.addi %while3A_180, %while3A_186 : i32
          %while3A_188 = arith.constant 1 : i32
          %while3A_189 = scf.for %while3A_192 = %while3A_180 to %while3A_187 step %while3A_188 iter_args(%while3A_193 = %while3A_181) -> (i32)  : i32 {
            %broadcast_in_dim3A_194 = arith.constant 0 : i32
            %broadcast_in_dim3A_195 = vector.broadcast %broadcast_in_dim3A_194 : i32 to vector<16xi32>
            %add3A_196 = arith.constant 384 : i32
            %add3A_197 = arith.addi %add3A_196, %while3A_192 : i32
            %add3A_198 = vector.broadcast %add3A_197 : i32 to vector<16xi32>
            %add3A_199 = arith.addi %broadcast_in_dim3A_195, %add3A_198 : vector<16xi32>
            %gather3A = tpu.vector_load_idx %arg7[%add3A_199] : memref<512xi32, #tpu.memory_space<vmem>>[vector<16xi32>], vector<16xi32>,
            %sub3A_200 = vector.broadcast %mul3A_2 : i32 to vector<16xi32>
            %sub3A_201 = arith.subi %gather3A, %sub3A_200 : vector<16xi32>
            %ge3A = arith.constant 0 : i32
            %ge3A_202 = vector.broadcast %ge3A : i32 to vector<16xi32>
            %ge3A_203 = arith.cmpi sge, %sub3A_201, %ge3A_202 : vector<16xi32>
            %lt3A_204 = arith.constant 320 : i32
            %lt3A_205 = vector.broadcast %lt3A_204 : i32 to vector<16xi32>
            %lt3A_206 = arith.cmpi slt, %sub3A_201, %lt3A_205 : vector<16xi32>
            %and3A_207 = arith.andi %ge3A_203, %lt3A_206 : vector<16xi1>
            %jit3A_208 = arith.constant 320 : i32
            %broadcast_in_dim3A_209 = vector.broadcast %jit3A_208 : i32 to vector<16xi32>
            %select_n3A_210 = arith.select %and3A_207, %sub3A_201, %broadcast_in_dim3A_209 : vector<16xi1>, vector<16xi32>
            %mul3A_211 = arith.constant 128 : i32
            %mul3A_212 = vector.broadcast %mul3A_211 : i32 to vector<16xi32>
            %mul3A_213 = arith.muli %select_n3A_210, %mul3A_212 : vector<16xi32>
            %add3A_214 = arith.constant 0 : i32
            %add3A_215 = vector.broadcast %add3A_214 : i32 to vector<16xi32>
            %add3A_216 = arith.addi %iota3A, %add3A_215 : vector<16xi32>
            %add3A_217 = arith.addi %mul3A_213, %add3A_216 : vector<16xi32>
            %add3A_218 = arith.constant 16 : i32
            %add3A_219 = vector.broadcast %add3A_218 : i32 to vector<16xi32>
            %add3A_220 = arith.addi %iota3A, %add3A_219 : vector<16xi32>
            %add3A_221 = arith.addi %mul3A_213, %add3A_220 : vector<16xi32>
            %add3A_222 = arith.constant 32 : i32
            %add3A_223 = vector.broadcast %add3A_222 : i32 to vector<16xi32>
            %add3A_224 = arith.addi %iota3A, %add3A_223 : vector<16xi32>
            %add3A_225 = arith.addi %mul3A_213, %add3A_224 : vector<16xi32>
            %add3A_226 = arith.constant 48 : i32
            %add3A_227 = vector.broadcast %add3A_226 : i32 to vector<16xi32>
            %add3A_228 = arith.addi %iota3A, %add3A_227 : vector<16xi32>
            %add3A_229 = arith.addi %mul3A_213, %add3A_228 : vector<16xi32>
            %add3A_230 = arith.constant 64 : i32
            %add3A_231 = vector.broadcast %add3A_230 : i32 to vector<16xi32>
            %add3A_232 = arith.addi %iota3A, %add3A_231 : vector<16xi32>
            %add3A_233 = arith.addi %mul3A_213, %add3A_232 : vector<16xi32>
            %add3A_234 = arith.constant 80 : i32
            %add3A_235 = vector.broadcast %add3A_234 : i32 to vector<16xi32>
            %add3A_236 = arith.addi %iota3A, %add3A_235 : vector<16xi32>
            %add3A_237 = arith.addi %mul3A_213, %add3A_236 : vector<16xi32>
            %add3A_238 = arith.constant 96 : i32
            %add3A_239 = vector.broadcast %add3A_238 : i32 to vector<16xi32>
            %add3A_240 = arith.addi %iota3A, %add3A_239 : vector<16xi32>
            %add3A_241 = arith.addi %mul3A_213, %add3A_240 : vector<16xi32>
            %add3A_242 = arith.constant 112 : i32
            %add3A_243 = vector.broadcast %add3A_242 : i32 to vector<16xi32>
            %add3A_244 = arith.addi %iota3A, %add3A_243 : vector<16xi32>
            %add3A_245 = arith.addi %mul3A_213, %add3A_244 : vector<16xi32>
            %gather3A_246 = tpu.vector_load_idx %arg9[%add3A_217] : memref<41088xf32, #tpu.memory_space<vmem>>[vector<16xi32>], vector<16xf32>,
            %gather3A_247 = tpu.vector_load_idx %arg9[%add3A_221] : memref<41088xf32, #tpu.memory_space<vmem>>[vector<16xi32>], vector<16xf32>,
            %gather3A_248 = tpu.vector_load_idx %arg9[%add3A_225] : memref<41088xf32, #tpu.memory_space<vmem>>[vector<16xi32>], vector<16xf32>,
            %gather3A_249 = tpu.vector_load_idx %arg9[%add3A_229] : memref<41088xf32, #tpu.memory_space<vmem>>[vector<16xi32>], vector<16xf32>,
            %gather3A_250 = tpu.vector_load_idx %arg9[%add3A_233] : memref<41088xf32, #tpu.memory_space<vmem>>[vector<16xi32>], vector<16xf32>,
            %gather3A_251 = tpu.vector_load_idx %arg9[%add3A_237] : memref<41088xf32, #tpu.memory_space<vmem>>[vector<16xi32>], vector<16xf32>,
            %gather3A_252 = tpu.vector_load_idx %arg9[%add3A_241] : memref<41088xf32, #tpu.memory_space<vmem>>[vector<16xi32>], vector<16xf32>,
            %gather3A_253 = tpu.vector_load_idx %arg9[%add3A_245] : memref<41088xf32, #tpu.memory_space<vmem>>[vector<16xi32>], vector<16xf32>,
            %add3A_254 = arith.constant 384 : i32
            %add3A_255 = arith.addi %add3A_254, %while3A_192 : i32
            %get3A = arith.index_cast %add3A_255 : i32 to index
            %get3A_256 = arith.constant 0 : index
            %get3A_257 = tpu.vector_load %arg8[%get3A, %get3A_256] {strides = array<i32>} : memref<512x128xf32, #tpu.memory_space<vmem>>, vector<16xf32>,
            %add3A_258 = arith.constant 384 : i32
            %add3A_259 = arith.addi %add3A_258, %while3A_192 : i32
            %get3A_260 = arith.index_cast %add3A_259 : i32 to index
            %get3A_261 = arith.constant 16 : index
            %get3A_262 = tpu.vector_load %arg8[%get3A_260, %get3A_261] {strides = array<i32>} : memref<512x128xf32, #tpu.memory_space<vmem>>, vector<16xf32>,
            %add3A_263 = arith.constant 384 : i32
            %add3A_264 = arith.addi %add3A_263, %while3A_192 : i32
            %get3A_265 = arith.index_cast %add3A_264 : i32 to index
            %get3A_266 = arith.constant 32 : index
            %get3A_267 = tpu.vector_load %arg8[%get3A_265, %get3A_266] {strides = array<i32>} : memref<512x128xf32, #tpu.memory_space<vmem>>, vector<16xf32>,
            %add3A_268 = arith.constant 384 : i32
            %add3A_269 = arith.addi %add3A_268, %while3A_192 : i32
            %get3A_270 = arith.index_cast %add3A_269 : i32 to index
            %get3A_271 = arith.constant 48 : index
            %get3A_272 = tpu.vector_load %arg8[%get3A_270, %get3A_271] {strides = array<i32>} : memref<512x128xf32, #tpu.memory_space<vmem>>, vector<16xf32>,
            %add3A_273 = arith.constant 384 : i32
            %add3A_274 = arith.addi %add3A_273, %while3A_192 : i32
            %get3A_275 = arith.index_cast %add3A_274 : i32 to index
            %get3A_276 = arith.constant 64 : index
            %get3A_277 = tpu.vector_load %arg8[%get3A_275, %get3A_276] {strides = array<i32>} : memref<512x128xf32, #tpu.memory_space<vmem>>, vector<16xf32>,
            %add3A_278 = arith.constant 384 : i32
            %add3A_279 = arith.addi %add3A_278, %while3A_192 : i32
            %get3A_280 = arith.index_cast %add3A_279 : i32 to index
            %get3A_281 = arith.constant 80 : index
            %get3A_282 = tpu.vector_load %arg8[%get3A_280, %get3A_281] {strides = array<i32>} : memref<512x128xf32, #tpu.memory_space<vmem>>, vector<16xf32>,
            %add3A_283 = arith.constant 384 : i32
            %add3A_284 = arith.addi %add3A_283, %while3A_192 : i32
            %get3A_285 = arith.index_cast %add3A_284 : i32 to index
            %get3A_286 = arith.constant 96 : index
            %get3A_287 = tpu.vector_load %arg8[%get3A_285, %get3A_286] {strides = array<i32>} : memref<512x128xf32, #tpu.memory_space<vmem>>, vector<16xf32>,
            %add3A_288 = arith.constant 384 : i32
            %add3A_289 = arith.addi %add3A_288, %while3A_192 : i32
            %get3A_290 = arith.index_cast %add3A_289 : i32 to index
            %get3A_291 = arith.constant 112 : index
            %get3A_292 = tpu.vector_load %arg8[%get3A_290, %get3A_291] {strides = array<i32>} : memref<512x128xf32, #tpu.memory_space<vmem>>, vector<16xf32>,
            %max3A = arith.maximumf %gather3A_246, %get3A_257 : vector<16xf32>
            tpu.vector_store_idx %arg9[%add3A_217], %max3A : memref<41088xf32, #tpu.memory_space<vmem>>[vector<16xi32>], vector<16xf32>,
            %max3A_293 = arith.maximumf %gather3A_247, %get3A_262 : vector<16xf32>
            tpu.vector_store_idx %arg9[%add3A_221], %max3A_293 : memref<41088xf32, #tpu.memory_space<vmem>>[vector<16xi32>], vector<16xf32>,
            %max3A_294 = arith.maximumf %gather3A_248, %get3A_267 : vector<16xf32>
            tpu.vector_store_idx %arg9[%add3A_225], %max3A_294 : memref<41088xf32, #tpu.memory_space<vmem>>[vector<16xi32>], vector<16xf32>,
            %max3A_295 = arith.maximumf %gather3A_249, %get3A_272 : vector<16xf32>
            tpu.vector_store_idx %arg9[%add3A_229], %max3A_295 : memref<41088xf32, #tpu.memory_space<vmem>>[vector<16xi32>], vector<16xf32>,
            %max3A_296 = arith.maximumf %gather3A_250, %get3A_277 : vector<16xf32>
            tpu.vector_store_idx %arg9[%add3A_233], %max3A_296 : memref<41088xf32, #tpu.memory_space<vmem>>[vector<16xi32>], vector<16xf32>,
            %max3A_297 = arith.maximumf %gather3A_251, %get3A_282 : vector<16xf32>
            tpu.vector_store_idx %arg9[%add3A_237], %max3A_297 : memref<41088xf32, #tpu.memory_space<vmem>>[vector<16xi32>], vector<16xf32>,
            %max3A_298 = arith.maximumf %gather3A_252, %get3A_287 : vector<16xf32>
            tpu.vector_store_idx %arg9[%add3A_241], %max3A_298 : memref<41088xf32, #tpu.memory_space<vmem>>[vector<16xi32>], vector<16xf32>,
            %max3A_299 = arith.maximumf %gather3A_253, %get3A_292 : vector<16xf32>
            tpu.vector_store_idx %arg9[%add3A_245], %max3A_299 : memref<41088xf32, #tpu.memory_space<vmem>>[vector<16xi32>], vector<16xf32>,
            %while3A_300 = arith.constant 0 : i32
            scf.yield %while3A_300 : i32
          }
          %while3A_190 = arith.constant 1 : i32
          %while3A_191 = scf.for %while3A_192 = %while3A_187 to %while3A_183 step %while3A_190 iter_args(%while3A_193 = %while3A_189) -> (i32)  : i32 {
            %broadcast_in_dim3A_194 = arith.constant 0 : i32
            %broadcast_in_dim3A_195 = vector.broadcast %broadcast_in_dim3A_194 : i32 to vector<16xi32>
            %add3A_196 = arith.constant 384 : i32
            %add3A_197 = arith.addi %add3A_196, %while3A_192 : i32
            %add3A_198 = vector.broadcast %add3A_197 : i32 to vector<16xi32>
            %add3A_199 = arith.addi %broadcast_in_dim3A_195, %add3A_198 : vector<16xi32>
            %gather3A = tpu.vector_load_idx %arg7[%add3A_199] : memref<512xi32, #tpu.memory_space<vmem>>[vector<16xi32>], vector<16xi32>,
            %sub3A_200 = vector.broadcast %mul3A_2 : i32 to vector<16xi32>
            %sub3A_201 = arith.subi %gather3A, %sub3A_200 : vector<16xi32>
            %ge3A = arith.constant 0 : i32
            %ge3A_202 = vector.broadcast %ge3A : i32 to vector<16xi32>
            %ge3A_203 = arith.cmpi sge, %sub3A_201, %ge3A_202 : vector<16xi32>
            %lt3A_204 = arith.constant 320 : i32
            %lt3A_205 = vector.broadcast %lt3A_204 : i32 to vector<16xi32>
            %lt3A_206 = arith.cmpi slt, %sub3A_201, %lt3A_205 : vector<16xi32>
            %and3A_207 = arith.andi %ge3A_203, %lt3A_206 : vector<16xi1>
            %jit3A_208 = arith.constant 320 : i32
            %broadcast_in_dim3A_209 = vector.broadcast %jit3A_208 : i32 to vector<16xi32>
            %select_n3A_210 = arith.select %and3A_207, %sub3A_201, %broadcast_in_dim3A_209 : vector<16xi1>, vector<16xi32>
            %mul3A_211 = arith.constant 128 : i32
            %mul3A_212 = vector.broadcast %mul3A_211 : i32 to vector<16xi32>
            %mul3A_213 = arith.muli %select_n3A_210, %mul3A_212 : vector<16xi32>
            %add3A_214 = arith.constant 0 : i32
            %add3A_215 = vector.broadcast %add3A_214 : i32 to vector<16xi32>
            %add3A_216 = arith.addi %iota3A, %add3A_215 : vector<16xi32>
            %add3A_217 = arith.addi %mul3A_213, %add3A_216 : vector<16xi32>
            %add3A_218 = arith.constant 16 : i32
            %add3A_219 = vector.broadcast %add3A_218 : i32 to vector<16xi32>
            %add3A_220 = arith.addi %iota3A, %add3A_219 : vector<16xi32>
            %add3A_221 = arith.addi %mul3A_213, %add3A_220 : vector<16xi32>
            %add3A_222 = arith.constant 32 : i32
            %add3A_223 = vector.broadcast %add3A_222 : i32 to vector<16xi32>
            %add3A_224 = arith.addi %iota3A, %add3A_223 : vector<16xi32>
            %add3A_225 = arith.addi %mul3A_213, %add3A_224 : vector<16xi32>
            %add3A_226 = arith.constant 48 : i32
            %add3A_227 = vector.broadcast %add3A_226 : i32 to vector<16xi32>
            %add3A_228 = arith.addi %iota3A, %add3A_227 : vector<16xi32>
            %add3A_229 = arith.addi %mul3A_213, %add3A_228 : vector<16xi32>
            %add3A_230 = arith.constant 64 : i32
            %add3A_231 = vector.broadcast %add3A_230 : i32 to vector<16xi32>
            %add3A_232 = arith.addi %iota3A, %add3A_231 : vector<16xi32>
            %add3A_233 = arith.addi %mul3A_213, %add3A_232 : vector<16xi32>
            %add3A_234 = arith.constant 80 : i32
            %add3A_235 = vector.broadcast %add3A_234 : i32 to vector<16xi32>
            %add3A_236 = arith.addi %iota3A, %add3A_235 : vector<16xi32>
            %add3A_237 = arith.addi %mul3A_213, %add3A_236 : vector<16xi32>
            %add3A_238 = arith.constant 96 : i32
            %add3A_239 = vector.broadcast %add3A_238 : i32 to vector<16xi32>
            %add3A_240 = arith.addi %iota3A, %add3A_239 : vector<16xi32>
            %add3A_241 = arith.addi %mul3A_213, %add3A_240 : vector<16xi32>
            %add3A_242 = arith.constant 112 : i32
            %add3A_243 = vector.broadcast %add3A_242 : i32 to vector<16xi32>
            %add3A_244 = arith.addi %iota3A, %add3A_243 : vector<16xi32>
            %add3A_245 = arith.addi %mul3A_213, %add3A_244 : vector<16xi32>
            %gather3A_246 = tpu.vector_load_idx %arg9[%add3A_217] : memref<41088xf32, #tpu.memory_space<vmem>>[vector<16xi32>], vector<16xf32>,
            %gather3A_247 = tpu.vector_load_idx %arg9[%add3A_221] : memref<41088xf32, #tpu.memory_space<vmem>>[vector<16xi32>], vector<16xf32>,
            %gather3A_248 = tpu.vector_load_idx %arg9[%add3A_225] : memref<41088xf32, #tpu.memory_space<vmem>>[vector<16xi32>], vector<16xf32>,
            %gather3A_249 = tpu.vector_load_idx %arg9[%add3A_229] : memref<41088xf32, #tpu.memory_space<vmem>>[vector<16xi32>], vector<16xf32>,
            %gather3A_250 = tpu.vector_load_idx %arg9[%add3A_233] : memref<41088xf32, #tpu.memory_space<vmem>>[vector<16xi32>], vector<16xf32>,
            %gather3A_251 = tpu.vector_load_idx %arg9[%add3A_237] : memref<41088xf32, #tpu.memory_space<vmem>>[vector<16xi32>], vector<16xf32>,
            %gather3A_252 = tpu.vector_load_idx %arg9[%add3A_241] : memref<41088xf32, #tpu.memory_space<vmem>>[vector<16xi32>], vector<16xf32>,
            %gather3A_253 = tpu.vector_load_idx %arg9[%add3A_245] : memref<41088xf32, #tpu.memory_space<vmem>>[vector<16xi32>], vector<16xf32>,
            %add3A_254 = arith.constant 384 : i32
            %add3A_255 = arith.addi %add3A_254, %while3A_192 : i32
            %get3A = arith.index_cast %add3A_255 : i32 to index
            %get3A_256 = arith.constant 0 : index
            %get3A_257 = tpu.vector_load %arg8[%get3A, %get3A_256] {strides = array<i32>} : memref<512x128xf32, #tpu.memory_space<vmem>>, vector<16xf32>,
            %add3A_258 = arith.constant 384 : i32
            %add3A_259 = arith.addi %add3A_258, %while3A_192 : i32
            %get3A_260 = arith.index_cast %add3A_259 : i32 to index
            %get3A_261 = arith.constant 16 : index
            %get3A_262 = tpu.vector_load %arg8[%get3A_260, %get3A_261] {strides = array<i32>} : memref<512x128xf32, #tpu.memory_space<vmem>>, vector<16xf32>,
            %add3A_263 = arith.constant 384 : i32
            %add3A_264 = arith.addi %add3A_263, %while3A_192 : i32
            %get3A_265 = arith.index_cast %add3A_264 : i32 to index
            %get3A_266 = arith.constant 32 : index
            %get3A_267 = tpu.vector_load %arg8[%get3A_265, %get3A_266] {strides = array<i32>} : memref<512x128xf32, #tpu.memory_space<vmem>>, vector<16xf32>,
            %add3A_268 = arith.constant 384 : i32
            %add3A_269 = arith.addi %add3A_268, %while3A_192 : i32
            %get3A_270 = arith.index_cast %add3A_269 : i32 to index
            %get3A_271 = arith.constant 48 : index
            %get3A_272 = tpu.vector_load %arg8[%get3A_270, %get3A_271] {strides = array<i32>} : memref<512x128xf32, #tpu.memory_space<vmem>>, vector<16xf32>,
            %add3A_273 = arith.constant 384 : i32
            %add3A_274 = arith.addi %add3A_273, %while3A_192 : i32
            %get3A_275 = arith.index_cast %add3A_274 : i32 to index
            %get3A_276 = arith.constant 64 : index
            %get3A_277 = tpu.vector_load %arg8[%get3A_275, %get3A_276] {strides = array<i32>} : memref<512x128xf32, #tpu.memory_space<vmem>>, vector<16xf32>,
            %add3A_278 = arith.constant 384 : i32
            %add3A_279 = arith.addi %add3A_278, %while3A_192 : i32
            %get3A_280 = arith.index_cast %add3A_279 : i32 to index
            %get3A_281 = arith.constant 80 : index
            %get3A_282 = tpu.vector_load %arg8[%get3A_280, %get3A_281] {strides = array<i32>} : memref<512x128xf32, #tpu.memory_space<vmem>>, vector<16xf32>,
            %add3A_283 = arith.constant 384 : i32
            %add3A_284 = arith.addi %add3A_283, %while3A_192 : i32
            %get3A_285 = arith.index_cast %add3A_284 : i32 to index
            %get3A_286 = arith.constant 96 : index
            %get3A_287 = tpu.vector_load %arg8[%get3A_285, %get3A_286] {strides = array<i32>} : memref<512x128xf32, #tpu.memory_space<vmem>>, vector<16xf32>,
            %add3A_288 = arith.constant 384 : i32
            %add3A_289 = arith.addi %add3A_288, %while3A_192 : i32
            %get3A_290 = arith.index_cast %add3A_289 : i32 to index
            %get3A_291 = arith.constant 112 : index
            %get3A_292 = tpu.vector_load %arg8[%get3A_290, %get3A_291] {strides = array<i32>} : memref<512x128xf32, #tpu.memory_space<vmem>>, vector<16xf32>,
            %max3A = arith.maximumf %gather3A_246, %get3A_257 : vector<16xf32>
            tpu.vector_store_idx %arg9[%add3A_217], %max3A : memref<41088xf32, #tpu.memory_space<vmem>>[vector<16xi32>], vector<16xf32>,
            %max3A_293 = arith.maximumf %gather3A_247, %get3A_262 : vector<16xf32>
            tpu.vector_store_idx %arg9[%add3A_221], %max3A_293 : memref<41088xf32, #tpu.memory_space<vmem>>[vector<16xi32>], vector<16xf32>,
            %max3A_294 = arith.maximumf %gather3A_248, %get3A_267 : vector<16xf32>
            tpu.vector_store_idx %arg9[%add3A_225], %max3A_294 : memref<41088xf32, #tpu.memory_space<vmem>>[vector<16xi32>], vector<16xf32>,
            %max3A_295 = arith.maximumf %gather3A_249, %get3A_272 : vector<16xf32>
            tpu.vector_store_idx %arg9[%add3A_229], %max3A_295 : memref<41088xf32, #tpu.memory_space<vmem>>[vector<16xi32>], vector<16xf32>,
            %max3A_296 = arith.maximumf %gather3A_250, %get3A_277 : vector<16xf32>
            tpu.vector_store_idx %arg9[%add3A_233], %max3A_296 : memref<41088xf32, #tpu.memory_space<vmem>>[vector<16xi32>], vector<16xf32>,
            %max3A_297 = arith.maximumf %gather3A_251, %get3A_282 : vector<16xf32>
            tpu.vector_store_idx %arg9[%add3A_237], %max3A_297 : memref<41088xf32, #tpu.memory_space<vmem>>[vector<16xi32>], vector<16xf32>,
            %max3A_298 = arith.maximumf %gather3A_252, %get3A_287 : vector<16xf32>
            tpu.vector_store_idx %arg9[%add3A_241], %max3A_298 : memref<41088xf32, #tpu.memory_space<vmem>>[vector<16xi32>], vector<16xf32>,
            %max3A_299 = arith.maximumf %gather3A_253, %get3A_292 : vector<16xf32>
            tpu.vector_store_idx %arg9[%add3A_245], %max3A_299 : memref<41088xf32, #tpu.memory_space<vmem>>[vector<16xi32>], vector<16xf32>,
            %while3A_300 = arith.constant 0 : i32
            scf.yield %while3A_300 : i32
          }
        } else {
        }
        %while3A_154 = arith.constant 0 : i32
        scf.yield %while3A_154 : i32
      }
      %scan3A_104 = arith.constant 0 : i32
      scf.yield %scan3A_104 : i32
    }
    %scan3A_22 = arith.constant 40 : i32
    %mul3A_23 = arith.constant 320 : i32
    %mul3A_24 = arith.muli %add3A, %mul3A_23 : i32
    %mul3A_25 = arith.constant 128 : i32
    %mul3A_26 = arith.muli %mul3A_24, %mul3A_25 : i32
    "tpu.region"() ({
      %run_scoped3A = tpu.sem_alloc : memref<!tpu.dma_semaphore, #tpu.memory_space<semaphore_mem>>
      %dma_start3A = arith.constant 0 : i32
      %dma_start3A_27 = tpu.memref_slice %arg9[%dma_start3A] : memref<41088xf32, #tpu.memory_space<vmem>> -> memref<40960xf32, #tpu.memory_space<vmem>>
      %dma_start3A_28 = tpu.memref_slice %arg4[%mul3A_26] : memref<1310720xf32, #tpu.memory_space<hbm>> -> memref<40960xf32, #tpu.memory_space<hbm>>
      %dma_start3A_29 = tpu.memref_slice %arg4[%mul3A_26] : memref<1310720xf32, #tpu.memory_space<hbm>> -> memref<40960xf32, #tpu.memory_space<hbm>>
      %dma_start3A_30 = arith.constant 0 : i32
      %dma_start3A_31 = tpu.memref_slice %arg9[%dma_start3A_30] : memref<41088xf32, #tpu.memory_space<vmem>> -> memref<40960xf32, #tpu.memory_space<vmem>>
      tpu.enqueue_dma source(%dma_start3A_31 : memref<40960xf32, #tpu.memory_space<vmem>>) target(%dma_start3A_29 : memref<40960xf32, #tpu.memory_space<hbm>>) target_semaphore(%run_scoped3A : memref<!tpu.dma_semaphore, #tpu.memory_space<semaphore_mem>>)
      %dma_wait3A = arith.constant 0 : i32
      %dma_wait3A_32 = tpu.memref_slice %arg9[%dma_wait3A] : memref<41088xf32, #tpu.memory_space<vmem>> -> memref<40960xf32, #tpu.memory_space<vmem>>
      %dma_wait3A_33 = tpu.memref_slice %arg4[%mul3A_26] : memref<1310720xf32, #tpu.memory_space<hbm>> -> memref<40960xf32, #tpu.memory_space<hbm>>
      %dma_wait3A_34 = tpu.memref_slice %arg4[%mul3A_26] : memref<1310720xf32, #tpu.memory_space<hbm>> -> memref<40960xf32, #tpu.memory_space<hbm>>
      %dma_wait3A_35 = arith.constant 0 : i32
      %dma_wait3A_36 = tpu.memref_slice %arg9[%dma_wait3A_35] : memref<41088xf32, #tpu.memory_space<vmem>> -> memref<40960xf32, #tpu.memory_space<vmem>>
      tpu.wait_dma2 semaphore(%run_scoped3A : memref<!tpu.dma_semaphore, #tpu.memory_space<semaphore_mem>>) src(%dma_wait3A_36 : memref<40960xf32, #tpu.memory_space<vmem>>) dst(%dma_wait3A_34 : memref<40960xf32, #tpu.memory_space<hbm>>)
      tpu.yield
    }) : () -> ()
    return
  }
}

#map = affine_map<(d0, d1) -> (0, 0)>
#map1 = affine_map<(d0, d1) -> (0)>
module attributes {stable_mosaic.version = 14 : i64} {
  func.func @_k2_body(%arg0: i32, %arg1: i32, %arg2: memref<10000x128xf32, #tpu.memory_space<hbm>>, %arg3: memref<10000x128xf32, #tpu.memory_space<hbm>>, %arg4: memref<320000xi32, #tpu.memory_space<hbm>>, %arg5: memref<320000xi32, #tpu.memory_space<hbm>>, %arg6: memref<320000x128xf32, #tpu.memory_space<hbm>>, %arg7: memref<128xi32, #tpu.memory_space<vmem>>, %arg8: memref<128xi32, #tpu.memory_space<vmem>>, %arg9: memref<128xi32, #tpu.memory_space<vmem>>, %arg10: memref<128xi32, #tpu.memory_space<vmem>>, %arg11: memref<128x128xf32, #tpu.memory_space<vmem>>, %arg12: memref<128x128xf32, #tpu.memory_space<vmem>>, %arg13: memref<128x128xf32, #tpu.memory_space<vmem>>, %arg14: memref<128x128xf32, #tpu.memory_space<vmem>>, %arg15: memref<128x128xf32, #tpu.memory_space<vmem>>, %arg16: memref<128x128xf32, #tpu.memory_space<vmem>>, %arg17: memref<!tpu.dma_semaphore, #tpu.memory_space<semaphore_mem>>, %arg18: memref<!tpu.dma_semaphore, #tpu.memory_space<semaphore_mem>>, %arg19: memref<!tpu.dma_semaphore, #tpu.memory_space<semaphore_mem>>, %arg20: memref<!tpu.dma_semaphore, #tpu.memory_space<semaphore_mem>>) attributes {dimension_semantics = [#tpu.dimension_semantics<core_parallel>, #tpu.dimension_semantics<subcore_parallel>], iteration_bounds = array<i64: 2, 16>, scalar_prefetch = 0 : i64, scratch_operands = 14 : i64, tpu.core_type = #tpu.core_type<sc_vector_subcore>, window_params = [{transform_indices = #map}, {transform_indices = #map}, {transform_indices = #map1}, {transform_indices = #map1}, {transform_indices = #map}]} {
    %mul3A = arith.constant 2 : i32
    %mul3A_0 = arith.muli %arg1, %mul3A : i32
    %add3A = arith.addi %mul3A_0, %arg0 : i32
    %mul3A_1 = arith.constant 10000 : i32
    %mul3A_2 = arith.muli %add3A, %mul3A_1 : i32
    %min3A = arith.constant 0 : i32
    %min3A_3 = arith.constant 9872 : i32
    %min3A_4 = arith.minsi %min3A, %min3A_3 : i32
    %add3A_5 = arith.addi %mul3A_2, %min3A_4 : i32
    "tpu.region"() ({
      %run_scoped3A = tpu.sem_alloc : memref<!tpu.dma_semaphore, #tpu.memory_space<semaphore_mem>>
      %dma_start3A_61 = tpu.memref_slice %arg4[%add3A_5] : memref<320000xi32, #tpu.memory_space<hbm>> -> memref<128xi32, #tpu.memory_space<hbm>>
      %dma_start3A_62 = tpu.memref_slice %arg4[%add3A_5] : memref<320000xi32, #tpu.memory_space<hbm>> -> memref<128xi32, #tpu.memory_space<hbm>>
      tpu.enqueue_dma source(%dma_start3A_62 : memref<128xi32, #tpu.memory_space<hbm>>) target(%arg7 : memref<128xi32, #tpu.memory_space<vmem>>) target_semaphore(%run_scoped3A : memref<!tpu.dma_semaphore, #tpu.memory_space<semaphore_mem>>)
      %dma_wait3A_63 = tpu.memref_slice %arg4[%add3A_5] : memref<320000xi32, #tpu.memory_space<hbm>> -> memref<128xi32, #tpu.memory_space<hbm>>
      %dma_wait3A_64 = tpu.memref_slice %arg4[%add3A_5] : memref<320000xi32, #tpu.memory_space<hbm>> -> memref<128xi32, #tpu.memory_space<hbm>>
      tpu.wait_dma2 semaphore(%run_scoped3A : memref<!tpu.dma_semaphore, #tpu.memory_space<semaphore_mem>>) src(%dma_wait3A_64 : memref<128xi32, #tpu.memory_space<hbm>>) dst(%arg7 : memref<128xi32, #tpu.memory_space<vmem>>)
      tpu.yield
    }) : () -> ()
    "tpu.region"() ({
      %run_scoped3A = tpu.sem_alloc : memref<!tpu.dma_semaphore, #tpu.memory_space<semaphore_mem>>
      %dma_start3A_61 = tpu.memref_slice %arg5[%add3A_5] : memref<320000xi32, #tpu.memory_space<hbm>> -> memref<128xi32, #tpu.memory_space<hbm>>
      %dma_start3A_62 = tpu.memref_slice %arg5[%add3A_5] : memref<320000xi32, #tpu.memory_space<hbm>> -> memref<128xi32, #tpu.memory_space<hbm>>
      tpu.enqueue_dma source(%dma_start3A_62 : memref<128xi32, #tpu.memory_space<hbm>>) target(%arg9 : memref<128xi32, #tpu.memory_space<vmem>>) target_semaphore(%run_scoped3A : memref<!tpu.dma_semaphore, #tpu.memory_space<semaphore_mem>>)
      %dma_wait3A_63 = tpu.memref_slice %arg5[%add3A_5] : memref<320000xi32, #tpu.memory_space<hbm>> -> memref<128xi32, #tpu.memory_space<hbm>>
      %dma_wait3A_64 = tpu.memref_slice %arg5[%add3A_5] : memref<320000xi32, #tpu.memory_space<hbm>> -> memref<128xi32, #tpu.memory_space<hbm>>
      tpu.wait_dma2 semaphore(%run_scoped3A : memref<!tpu.dma_semaphore, #tpu.memory_space<semaphore_mem>>) src(%dma_wait3A_64 : memref<128xi32, #tpu.memory_space<hbm>>) dst(%arg9 : memref<128xi32, #tpu.memory_space<vmem>>)
      tpu.yield
    }) : () -> ()
    %dma_start3A = arith.constant 0 : i32
    %dma_start3A_6 = arith.constant 0 : i32
    %dma_start3A_7 = tpu.memref_slice %arg2[%dma_start3A, %dma_start3A_6] : memref<10000x128xf32, #tpu.memory_space<hbm>> -> memref<10000x128xf32, #tpu.memory_space<hbm>>
    tpu.enqueue_indirect_dma source(%dma_start3A_7 : memref<10000x128xf32, #tpu.memory_space<hbm>>) target(%arg11 : memref<128x128xf32, #tpu.memory_space<vmem>>) offsets(%arg7 : memref<128xi32, #tpu.memory_space<vmem>>) semaphore(%arg17 : memref<!tpu.dma_semaphore, #tpu.memory_space<semaphore_mem>>)
    %dma_start3A_8 = arith.constant 0 : i32
    %dma_start3A_9 = arith.constant 0 : i32
    %dma_start3A_10 = tpu.memref_slice %arg3[%dma_start3A_8, %dma_start3A_9] : memref<10000x128xf32, #tpu.memory_space<hbm>> -> memref<10000x128xf32, #tpu.memory_space<hbm>>
    tpu.enqueue_indirect_dma source(%dma_start3A_10 : memref<10000x128xf32, #tpu.memory_space<hbm>>) target(%arg13 : memref<128x128xf32, #tpu.memory_space<vmem>>) offsets(%arg9 : memref<128xi32, #tpu.memory_space<vmem>>) semaphore(%arg17 : memref<!tpu.dma_semaphore, #tpu.memory_space<semaphore_mem>>)
    %scan3A = arith.constant 0 : i32
    %scan3A_11 = arith.constant 0 : i32
    %scan3A_12 = arith.constant 39 : i32
    %scan3A_13 = arith.addi %scan3A_11, %scan3A_12 : i32
    %scan3A_14 = arith.constant 1 : i32
    %scan3A_15 = scf.for %scan3A_61 = %scan3A_11 to %scan3A_13 step %scan3A_14 iter_args(%scan3A_62 = %scan3A) -> (i32)  : i32 {
      %mul3A_63 = arith.constant 2 : i32
      %mul3A_64 = arith.muli %scan3A_61, %mul3A_63 : i32
      %add3A_65 = arith.constant 0 : i32
      %add3A_66 = arith.addi %mul3A_64, %add3A_65 : i32
      %add3A_67 = arith.constant 2 : i32
      %add3A_68 = arith.addi %add3A_66, %add3A_67 : i32
      %sub3A = arith.constant 1 : i32
      %sub3A_69 = arith.subi %add3A_68, %sub3A : i32
      %lt3A = arith.constant 79 : i32
      %lt3A_70 = arith.cmpi slt, %sub3A_69, %lt3A : i32
      %convert_element_type3A = arith.extui %lt3A_70 : i1 to i32
      %cond3A = arith.constant 0 : i32
      %cond3A_71 = arith.cmpi ne, %convert_element_type3A, %cond3A : i32
      scf.if %cond3A_71 {
        %add3A_149 = arith.constant 2 : i32
        %add3A_150 = arith.addi %add3A_66, %add3A_149 : i32
        %sub3A_151 = arith.constant 1 : i32
        %sub3A_152 = arith.subi %add3A_150, %sub3A_151 : i32
        %mul3A_153 = arith.constant 128 : i32
        %mul3A_154 = arith.muli %sub3A_152, %mul3A_153 : i32
        %min3A_155 = arith.constant 9872 : i32
        %min3A_156 = arith.minsi %mul3A_154, %min3A_155 : i32
        %add3A_157 = arith.addi %mul3A_2, %min3A_156 : i32
        "tpu.region"() ({
          %run_scoped3A = tpu.sem_alloc : memref<!tpu.dma_semaphore, #tpu.memory_space<semaphore_mem>>
          %dma_start3A_164 = tpu.memref_slice %arg4[%add3A_157] : memref<320000xi32, #tpu.memory_space<hbm>> -> memref<128xi32, #tpu.memory_space<hbm>>
          %dma_start3A_165 = tpu.memref_slice %arg4[%add3A_157] : memref<320000xi32, #tpu.memory_space<hbm>> -> memref<128xi32, #tpu.memory_space<hbm>>
          tpu.enqueue_dma source(%dma_start3A_165 : memref<128xi32, #tpu.memory_space<hbm>>) target(%arg8 : memref<128xi32, #tpu.memory_space<vmem>>) target_semaphore(%run_scoped3A : memref<!tpu.dma_semaphore, #tpu.memory_space<semaphore_mem>>)
          %dma_wait3A_166 = tpu.memref_slice %arg4[%add3A_157] : memref<320000xi32, #tpu.memory_space<hbm>> -> memref<128xi32, #tpu.memory_space<hbm>>
          %dma_wait3A_167 = tpu.memref_slice %arg4[%add3A_157] : memref<320000xi32, #tpu.memory_space<hbm>> -> memref<128xi32, #tpu.memory_space<hbm>>
          tpu.wait_dma2 semaphore(%run_scoped3A : memref<!tpu.dma_semaphore, #tpu.memory_space<semaphore_mem>>) src(%dma_wait3A_167 : memref<128xi32, #tpu.memory_space<hbm>>) dst(%arg8 : memref<128xi32, #tpu.memory_space<vmem>>)
          tpu.yield
        }) : () -> ()
        "tpu.region"() ({
          %run_scoped3A = tpu.sem_alloc : memref<!tpu.dma_semaphore, #tpu.memory_space<semaphore_mem>>
          %dma_start3A_164 = tpu.memref_slice %arg5[%add3A_157] : memref<320000xi32, #tpu.memory_space<hbm>> -> memref<128xi32, #tpu.memory_space<hbm>>
          %dma_start3A_165 = tpu.memref_slice %arg5[%add3A_157] : memref<320000xi32, #tpu.memory_space<hbm>> -> memref<128xi32, #tpu.memory_space<hbm>>
          tpu.enqueue_dma source(%dma_start3A_165 : memref<128xi32, #tpu.memory_space<hbm>>) target(%arg10 : memref<128xi32, #tpu.memory_space<vmem>>) target_semaphore(%run_scoped3A : memref<!tpu.dma_semaphore, #tpu.memory_space<semaphore_mem>>)
          %dma_wait3A_166 = tpu.memref_slice %arg5[%add3A_157] : memref<320000xi32, #tpu.memory_space<hbm>> -> memref<128xi32, #tpu.memory_space<hbm>>
          %dma_wait3A_167 = tpu.memref_slice %arg5[%add3A_157] : memref<320000xi32, #tpu.memory_space<hbm>> -> memref<128xi32, #tpu.memory_space<hbm>>
          tpu.wait_dma2 semaphore(%run_scoped3A : memref<!tpu.dma_semaphore, #tpu.memory_space<semaphore_mem>>) src(%dma_wait3A_167 : memref<128xi32, #tpu.memory_space<hbm>>) dst(%arg10 : memref<128xi32, #tpu.memory_space<vmem>>)
          tpu.yield
        }) : () -> ()
        %dma_start3A_158 = arith.constant 0 : i32
        %dma_start3A_159 = arith.constant 0 : i32
        %dma_start3A_160 = tpu.memref_slice %arg2[%dma_start3A_158, %dma_start3A_159] : memref<10000x128xf32, #tpu.memory_space<hbm>> -> memref<10000x128xf32, #tpu.memory_space<hbm>>
        tpu.enqueue_indirect_dma source(%dma_start3A_160 : memref<10000x128xf32, #tpu.memory_space<hbm>>) target(%arg12 : memref<128x128xf32, #tpu.memory_space<vmem>>) offsets(%arg8 : memref<128xi32, #tpu.memory_space<vmem>>) semaphore(%arg18 : memref<!tpu.dma_semaphore, #tpu.memory_space<semaphore_mem>>)
        %dma_start3A_161 = arith.constant 0 : i32
        %dma_start3A_162 = arith.constant 0 : i32
        %dma_start3A_163 = tpu.memref_slice %arg3[%dma_start3A_161, %dma_start3A_162] : memref<10000x128xf32, #tpu.memory_space<hbm>> -> memref<10000x128xf32, #tpu.memory_space<hbm>>
        tpu.enqueue_indirect_dma source(%dma_start3A_163 : memref<10000x128xf32, #tpu.memory_space<hbm>>) target(%arg14 : memref<128x128xf32, #tpu.memory_space<vmem>>) offsets(%arg10 : memref<128xi32, #tpu.memory_space<vmem>>) semaphore(%arg18 : memref<!tpu.dma_semaphore, #tpu.memory_space<semaphore_mem>>)
      } else {
      }
      %dma_wait3A_72 = arith.constant 0 : i32
      %dma_wait3A_73 = arith.constant 0 : i32
      %dma_wait3A_74 = tpu.memref_slice %arg2[%dma_wait3A_72, %dma_wait3A_73] : memref<10000x128xf32, #tpu.memory_space<hbm>> -> memref<128x128xf32, #tpu.memory_space<hbm>>
      %dma_wait3A_75 = arith.constant 0 : i32
      %dma_wait3A_76 = arith.constant 0 : i32
      %dma_wait3A_77 = tpu.memref_slice %arg2[%dma_wait3A_75, %dma_wait3A_76] : memref<10000x128xf32, #tpu.memory_space<hbm>> -> memref<128x128xf32, #tpu.memory_space<hbm>>
      tpu.wait_dma2 semaphore(%arg17 : memref<!tpu.dma_semaphore, #tpu.memory_space<semaphore_mem>>) src(%dma_wait3A_77 : memref<128x128xf32, #tpu.memory_space<hbm>>) dst(%arg11 : memref<128x128xf32, #tpu.memory_space<vmem>>)
      %dma_wait3A_78 = arith.constant 0 : i32
      %dma_wait3A_79 = arith.constant 0 : i32
      %dma_wait3A_80 = tpu.memref_slice %arg3[%dma_wait3A_78, %dma_wait3A_79] : memref<10000x128xf32, #tpu.memory_space<hbm>> -> memref<128x128xf32, #tpu.memory_space<hbm>>
      %dma_wait3A_81 = arith.constant 0 : i32
      %dma_wait3A_82 = arith.constant 0 : i32
      %dma_wait3A_83 = tpu.memref_slice %arg3[%dma_wait3A_81, %dma_wait3A_82] : memref<10000x128xf32, #tpu.memory_space<hbm>> -> memref<128x128xf32, #tpu.memory_space<hbm>>
      tpu.wait_dma2 semaphore(%arg17 : memref<!tpu.dma_semaphore, #tpu.memory_space<semaphore_mem>>) src(%dma_wait3A_83 : memref<128x128xf32, #tpu.memory_space<hbm>>) dst(%arg13 : memref<128x128xf32, #tpu.memory_space<vmem>>)
      %ge3A = arith.constant 2 : i32
      %ge3A_84 = arith.cmpi sge, %add3A_66, %ge3A : i32
      %convert_element_type3A_85 = arith.extui %ge3A_84 : i1 to i32
      %cond3A_86 = arith.constant 0 : i32
      %cond3A_87 = arith.cmpi ne, %convert_element_type3A_85, %cond3A_86 : i32
      scf.if %cond3A_87 {
        %dma_wait3A_149 = arith.constant 0 : i32
        %dma_wait3A_150 = arith.constant 0 : i32
        %dma_wait3A_151 = tpu.memref_slice %arg6[%dma_wait3A_149, %dma_wait3A_150] : memref<320000x128xf32, #tpu.memory_space<hbm>> -> memref<128x128xf32, #tpu.memory_space<hbm>>
        %dma_wait3A_152 = arith.constant 0 : i32
        %dma_wait3A_153 = arith.constant 0 : i32
        %dma_wait3A_154 = tpu.memref_slice %arg6[%dma_wait3A_152, %dma_wait3A_153] : memref<320000x128xf32, #tpu.memory_space<hbm>> -> memref<128x128xf32, #tpu.memory_space<hbm>>
        tpu.wait_dma2 semaphore(%arg19 : memref<!tpu.dma_semaphore, #tpu.memory_space<semaphore_mem>>) src(%arg15 : memref<128x128xf32, #tpu.memory_space<vmem>>) dst(%dma_wait3A_154 : memref<128x128xf32, #tpu.memory_space<hbm>>)
      } else {
      }
      %scan3A_88 = arith.constant 0 : i32
      %scan3A_89 = arith.constant 0 : i32
      %scan3A_90 = arith.constant 128 : i32
      %scan3A_91 = arith.addi %scan3A_89, %scan3A_90 : i32
      %scan3A_92 = arith.constant 2 : i32
      %scan3A_93 = scf.for %scan3A_149 = %scan3A_89 to %scan3A_91 step %scan3A_92 iter_args(%scan3A_150 = %scan3A_88) -> (i32)  : i32 {
        %get3A = arith.index_cast %scan3A_149 : i32 to index
        %get3A_151 = arith.constant 0 : index
        %get3A_152 = tpu.vector_load %arg11[%get3A, %get3A_151] {strides = array<i32>} : memref<128x128xf32, #tpu.memory_space<vmem>>, vector<16xf32>,
        %get3A_153 = arith.index_cast %scan3A_149 : i32 to index
        %get3A_154 = arith.constant 0 : index
        %get3A_155 = tpu.vector_load %arg13[%get3A_153, %get3A_154] {strides = array<i32>} : memref<128x128xf32, #tpu.memory_space<vmem>>, vector<16xf32>,
        %add3A_156 = arith.addf %get3A_152, %get3A_155 : vector<16xf32>
        %max3A = arith.constant 0.000000e+00 : f32
        %max3A_157 = vector.broadcast %max3A : f32 to vector<16xf32>
        %max3A_158 = arith.maximumf %add3A_156, %max3A_157 : vector<16xf32>
        %swap3A = arith.index_cast %scan3A_149 : i32 to index
        %swap3A_159 = arith.constant 0 : index
        %swap3A_160 = tpu.vector_load %arg15[%swap3A, %swap3A_159] {strides = array<i32>} : memref<128x128xf32, #tpu.memory_space<vmem>>, vector<16xf32>,
        tpu.vector_store %arg15[%swap3A, %swap3A_159], %max3A_158 {strides = array<i32>} : memref<128x128xf32, #tpu.memory_space<vmem>>, vector<16xf32>,
        %get3A_161 = arith.index_cast %scan3A_149 : i32 to index
        %get3A_162 = arith.constant 16 : index
        %get3A_163 = tpu.vector_load %arg11[%get3A_161, %get3A_162] {strides = array<i32>} : memref<128x128xf32, #tpu.memory_space<vmem>>, vector<16xf32>,
        %get3A_164 = arith.index_cast %scan3A_149 : i32 to index
        %get3A_165 = arith.constant 16 : index
        %get3A_166 = tpu.vector_load %arg13[%get3A_164, %get3A_165] {strides = array<i32>} : memref<128x128xf32, #tpu.memory_space<vmem>>, vector<16xf32>,
        %add3A_167 = arith.addf %get3A_163, %get3A_166 : vector<16xf32>
        %max3A_168 = arith.constant 0.000000e+00 : f32
        %max3A_169 = vector.broadcast %max3A_168 : f32 to vector<16xf32>
        %max3A_170 = arith.maximumf %add3A_167, %max3A_169 : vector<16xf32>
        %swap3A_171 = arith.index_cast %scan3A_149 : i32 to index
        %swap3A_172 = arith.constant 16 : index
        %swap3A_173 = tpu.vector_load %arg15[%swap3A_171, %swap3A_172] {strides = array<i32>} : memref<128x128xf32, #tpu.memory_space<vmem>>, vector<16xf32>,
        tpu.vector_store %arg15[%swap3A_171, %swap3A_172], %max3A_170 {strides = array<i32>} : memref<128x128xf32, #tpu.memory_space<vmem>>, vector<16xf32>,
        %get3A_174 = arith.index_cast %scan3A_149 : i32 to index
        %get3A_175 = arith.constant 32 : index
        %get3A_176 = tpu.vector_load %arg11[%get3A_174, %get3A_175] {strides = array<i32>} : memref<128x128xf32, #tpu.memory_space<vmem>>, vector<16xf32>,
        %get3A_177 = arith.index_cast %scan3A_149 : i32 to index
        %get3A_178 = arith.constant 32 : index
        %get3A_179 = tpu.vector_load %arg13[%get3A_177, %get3A_178] {strides = array<i32>} : memref<128x128xf32, #tpu.memory_space<vmem>>, vector<16xf32>,
        %add3A_180 = arith.addf %get3A_176, %get3A_179 : vector<16xf32>
        %max3A_181 = arith.constant 0.000000e+00 : f32
        %max3A_182 = vector.broadcast %max3A_181 : f32 to vector<16xf32>
        %max3A_183 = arith.maximumf %add3A_180, %max3A_182 : vector<16xf32>
        %swap3A_184 = arith.index_cast %scan3A_149 : i32 to index
        %swap3A_185 = arith.constant 32 : index
        %swap3A_186 = tpu.vector_load %arg15[%swap3A_184, %swap3A_185] {strides = array<i32>} : memref<128x128xf32, #tpu.memory_space<vmem>>, vector<16xf32>,
        tpu.vector_store %arg15[%swap3A_184, %swap3A_185], %max3A_183 {strides = array<i32>} : memref<128x128xf32, #tpu.memory_space<vmem>>, vector<16xf32>,
        %get3A_187 = arith.index_cast %scan3A_149 : i32 to index
        %get3A_188 = arith.constant 48 : index
        %get3A_189 = tpu.vector_load %arg11[%get3A_187, %get3A_188] {strides = array<i32>} : memref<128x128xf32, #tpu.memory_space<vmem>>, vector<16xf32>,
        %get3A_190 = arith.index_cast %scan3A_149 : i32 to index
        %get3A_191 = arith.constant 48 : index
        %get3A_192 = tpu.vector_load %arg13[%get3A_190, %get3A_191] {strides = array<i32>} : memref<128x128xf32, #tpu.memory_space<vmem>>, vector<16xf32>,
        %add3A_193 = arith.addf %get3A_189, %get3A_192 : vector<16xf32>
        %max3A_194 = arith.constant 0.000000e+00 : f32
        %max3A_195 = vector.broadcast %max3A_194 : f32 to vector<16xf32>
        %max3A_196 = arith.maximumf %add3A_193, %max3A_195 : vector<16xf32>
        %swap3A_197 = arith.index_cast %scan3A_149 : i32 to index
        %swap3A_198 = arith.constant 48 : index
        %swap3A_199 = tpu.vector_load %arg15[%swap3A_197, %swap3A_198] {strides = array<i32>} : memref<128x128xf32, #tpu.memory_space<vmem>>, vector<16xf32>,
        tpu.vector_store %arg15[%swap3A_197, %swap3A_198], %max3A_196 {strides = array<i32>} : memref<128x128xf32, #tpu.memory_space<vmem>>, vector<16xf32>,
        %get3A_200 = arith.index_cast %scan3A_149 : i32 to index
        %get3A_201 = arith.constant 64 : index
        %get3A_202 = tpu.vector_load %arg11[%get3A_200, %get3A_201] {strides = array<i32>} : memref<128x128xf32, #tpu.memory_space<vmem>>, vector<16xf32>,
        %get3A_203 = arith.index_cast %scan3A_149 : i32 to index
        %get3A_204 = arith.constant 64 : index
        %get3A_205 = tpu.vector_load %arg13[%get3A_203, %get3A_204] {strides = array<i32>} : memref<128x128xf32, #tpu.memory_space<vmem>>, vector<16xf32>,
        %add3A_206 = arith.addf %get3A_202, %get3A_205 : vector<16xf32>
        %max3A_207 = arith.constant 0.000000e+00 : f32
        %max3A_208 = vector.broadcast %max3A_207 : f32 to vector<16xf32>
        %max3A_209 = arith.maximumf %add3A_206, %max3A_208 : vector<16xf32>
        %swap3A_210 = arith.index_cast %scan3A_149 : i32 to index
        %swap3A_211 = arith.constant 64 : index
        %swap3A_212 = tpu.vector_load %arg15[%swap3A_210, %swap3A_211] {strides = array<i32>} : memref<128x128xf32, #tpu.memory_space<vmem>>, vector<16xf32>,
        tpu.vector_store %arg15[%swap3A_210, %swap3A_211], %max3A_209 {strides = array<i32>} : memref<128x128xf32, #tpu.memory_space<vmem>>, vector<16xf32>,
        %get3A_213 = arith.index_cast %scan3A_149 : i32 to index
        %get3A_214 = arith.constant 80 : index
        %get3A_215 = tpu.vector_load %arg11[%get3A_213, %get3A_214] {strides = array<i32>} : memref<128x128xf32, #tpu.memory_space<vmem>>, vector<16xf32>,
        %get3A_216 = arith.index_cast %scan3A_149 : i32 to index
        %get3A_217 = arith.constant 80 : index
        %get3A_218 = tpu.vector_load %arg13[%get3A_216, %get3A_217] {strides = array<i32>} : memref<128x128xf32, #tpu.memory_space<vmem>>, vector<16xf32>,
        %add3A_219 = arith.addf %get3A_215, %get3A_218 : vector<16xf32>
        %max3A_220 = arith.constant 0.000000e+00 : f32
        %max3A_221 = vector.broadcast %max3A_220 : f32 to vector<16xf32>
        %max3A_222 = arith.maximumf %add3A_219, %max3A_221 : vector<16xf32>
        %swap3A_223 = arith.index_cast %scan3A_149 : i32 to index
        %swap3A_224 = arith.constant 80 : index
        %swap3A_225 = tpu.vector_load %arg15[%swap3A_223, %swap3A_224] {strides = array<i32>} : memref<128x128xf32, #tpu.memory_space<vmem>>, vector<16xf32>,
        tpu.vector_store %arg15[%swap3A_223, %swap3A_224], %max3A_222 {strides = array<i32>} : memref<128x128xf32, #tpu.memory_space<vmem>>, vector<16xf32>,
        %get3A_226 = arith.index_cast %scan3A_149 : i32 to index
        %get3A_227 = arith.constant 96 : index
        %get3A_228 = tpu.vector_load %arg11[%get3A_226, %get3A_227] {strides = array<i32>} : memref<128x128xf32, #tpu.memory_space<vmem>>, vector<16xf32>,
        %get3A_229 = arith.index_cast %scan3A_149 : i32 to index
        %get3A_230 = arith.constant 96 : index
        %get3A_231 = tpu.vector_load %arg13[%get3A_229, %get3A_230] {strides = array<i32>} : memref<128x128xf32, #tpu.memory_space<vmem>>, vector<16xf32>,
        %add3A_232 = arith.addf %get3A_228, %get3A_231 : vector<16xf32>
        %max3A_233 = arith.constant 0.000000e+00 : f32
        %max3A_234 = vector.broadcast %max3A_233 : f32 to vector<16xf32>
        %max3A_235 = arith.maximumf %add3A_232, %max3A_234 : vector<16xf32>
        %swap3A_236 = arith.index_cast %scan3A_149 : i32 to index
        %swap3A_237 = arith.constant 96 : index
        %swap3A_238 = tpu.vector_load %arg15[%swap3A_236, %swap3A_237] {strides = array<i32>} : memref<128x128xf32, #tpu.memory_space<vmem>>, vector<16xf32>,
        tpu.vector_store %arg15[%swap3A_236, %swap3A_237], %max3A_235 {strides = array<i32>} : memref<128x128xf32, #tpu.memory_space<vmem>>, vector<16xf32>,
        %get3A_239 = arith.index_cast %scan3A_149 : i32 to index
        %get3A_240 = arith.constant 112 : index
        %get3A_241 = tpu.vector_load %arg11[%get3A_239, %get3A_240] {strides = array<i32>} : memref<128x128xf32, #tpu.memory_space<vmem>>, vector<16xf32>,
        %get3A_242 = arith.index_cast %scan3A_149 : i32 to index
        %get3A_243 = arith.constant 112 : index
        %get3A_244 = tpu.vector_load %arg13[%get3A_242, %get3A_243] {strides = array<i32>} : memref<128x128xf32, #tpu.memory_space<vmem>>, vector<16xf32>,
        %add3A_245 = arith.addf %get3A_241, %get3A_244 : vector<16xf32>
        %max3A_246 = arith.constant 0.000000e+00 : f32
        %max3A_247 = vector.broadcast %max3A_246 : f32 to vector<16xf32>
        %max3A_248 = arith.maximumf %add3A_245, %max3A_247 : vector<16xf32>
        %swap3A_249 = arith.index_cast %scan3A_149 : i32 to index
        %swap3A_250 = arith.constant 112 : index
        %swap3A_251 = tpu.vector_load %arg15[%swap3A_249, %swap3A_250] {strides = array<i32>} : memref<128x128xf32, #tpu.memory_space<vmem>>, vector<16xf32>,
        tpu.vector_store %arg15[%swap3A_249, %swap3A_250], %max3A_248 {strides = array<i32>} : memref<128x128xf32, #tpu.memory_space<vmem>>, vector<16xf32>,
        %scan3A_252 = arith.constant 0 : i32
        %scan3A_253 = arith.constant 1 : i32
        %scan3A_254 = arith.addi %scan3A_149, %scan3A_253 : i32
        %get3A_255 = arith.index_cast %scan3A_254 : i32 to index
        %get3A_256 = arith.constant 0 : index
        %get3A_257 = tpu.vector_load %arg11[%get3A_255, %get3A_256] {strides = array<i32>} : memref<128x128xf32, #tpu.memory_space<vmem>>, vector<16xf32>,
        %get3A_258 = arith.index_cast %scan3A_254 : i32 to index
        %get3A_259 = arith.constant 0 : index
        %get3A_260 = tpu.vector_load %arg13[%get3A_258, %get3A_259] {strides = array<i32>} : memref<128x128xf32, #tpu.memory_space<vmem>>, vector<16xf32>,
        %add3A_261 = arith.addf %get3A_257, %get3A_260 : vector<16xf32>
        %max3A_262 = arith.constant 0.000000e+00 : f32
        %max3A_263 = vector.broadcast %max3A_262 : f32 to vector<16xf32>
        %max3A_264 = arith.maximumf %add3A_261, %max3A_263 : vector<16xf32>
        %swap3A_265 = arith.index_cast %scan3A_254 : i32 to index
        %swap3A_266 = arith.constant 0 : index
        %swap3A_267 = tpu.vector_load %arg15[%swap3A_265, %swap3A_266] {strides = array<i32>} : memref<128x128xf32, #tpu.memory_space<vmem>>, vector<16xf32>,
        tpu.vector_store %arg15[%swap3A_265, %swap3A_266], %max3A_264 {strides = array<i32>} : memref<128x128xf32, #tpu.memory_space<vmem>>, vector<16xf32>,
        %get3A_268 = arith.index_cast %scan3A_254 : i32 to index
        %get3A_269 = arith.constant 16 : index
        %get3A_270 = tpu.vector_load %arg11[%get3A_268, %get3A_269] {strides = array<i32>} : memref<128x128xf32, #tpu.memory_space<vmem>>, vector<16xf32>,
        %get3A_271 = arith.index_cast %scan3A_254 : i32 to index
        %get3A_272 = arith.constant 16 : index
        %get3A_273 = tpu.vector_load %arg13[%get3A_271, %get3A_272] {strides = array<i32>} : memref<128x128xf32, #tpu.memory_space<vmem>>, vector<16xf32>,
        %add3A_274 = arith.addf %get3A_270, %get3A_273 : vector<16xf32>
        %max3A_275 = arith.constant 0.000000e+00 : f32
        %max3A_276 = vector.broadcast %max3A_275 : f32 to vector<16xf32>
        %max3A_277 = arith.maximumf %add3A_274, %max3A_276 : vector<16xf32>
        %swap3A_278 = arith.index_cast %scan3A_254 : i32 to index
        %swap3A_279 = arith.constant 16 : index
        %swap3A_280 = tpu.vector_load %arg15[%swap3A_278, %swap3A_279] {strides = array<i32>} : memref<128x128xf32, #tpu.memory_space<vmem>>, vector<16xf32>,
        tpu.vector_store %arg15[%swap3A_278, %swap3A_279], %max3A_277 {strides = array<i32>} : memref<128x128xf32, #tpu.memory_space<vmem>>, vector<16xf32>,
        %get3A_281 = arith.index_cast %scan3A_254 : i32 to index
        %get3A_282 = arith.constant 32 : index
        %get3A_283 = tpu.vector_load %arg11[%get3A_281, %get3A_282] {strides = array<i32>} : memref<128x128xf32, #tpu.memory_space<vmem>>, vector<16xf32>,
        %get3A_284 = arith.index_cast %scan3A_254 : i32 to index
        %get3A_285 = arith.constant 32 : index
        %get3A_286 = tpu.vector_load %arg13[%get3A_284, %get3A_285] {strides = array<i32>} : memref<128x128xf32, #tpu.memory_space<vmem>>, vector<16xf32>,
        %add3A_287 = arith.addf %get3A_283, %get3A_286 : vector<16xf32>
        %max3A_288 = arith.constant 0.000000e+00 : f32
        %max3A_289 = vector.broadcast %max3A_288 : f32 to vector<16xf32>
        %max3A_290 = arith.maximumf %add3A_287, %max3A_289 : vector<16xf32>
        %swap3A_291 = arith.index_cast %scan3A_254 : i32 to index
        %swap3A_292 = arith.constant 32 : index
        %swap3A_293 = tpu.vector_load %arg15[%swap3A_291, %swap3A_292] {strides = array<i32>} : memref<128x128xf32, #tpu.memory_space<vmem>>, vector<16xf32>,
        tpu.vector_store %arg15[%swap3A_291, %swap3A_292], %max3A_290 {strides = array<i32>} : memref<128x128xf32, #tpu.memory_space<vmem>>, vector<16xf32>,
        %get3A_294 = arith.index_cast %scan3A_254 : i32 to index
        %get3A_295 = arith.constant 48 : index
        %get3A_296 = tpu.vector_load %arg11[%get3A_294, %get3A_295] {strides = array<i32>} : memref<128x128xf32, #tpu.memory_space<vmem>>, vector<16xf32>,
        %get3A_297 = arith.index_cast %scan3A_254 : i32 to index
        %get3A_298 = arith.constant 48 : index
        %get3A_299 = tpu.vector_load %arg13[%get3A_297, %get3A_298] {strides = array<i32>} : memref<128x128xf32, #tpu.memory_space<vmem>>, vector<16xf32>,
        %add3A_300 = arith.addf %get3A_296, %get3A_299 : vector<16xf32>
        %max3A_301 = arith.constant 0.000000e+00 : f32
        %max3A_302 = vector.broadcast %max3A_301 : f32 to vector<16xf32>
        %max3A_303 = arith.maximumf %add3A_300, %max3A_302 : vector<16xf32>
        %swap3A_304 = arith.index_cast %scan3A_254 : i32 to index
        %swap3A_305 = arith.constant 48 : index
        %swap3A_306 = tpu.vector_load %arg15[%swap3A_304, %swap3A_305] {strides = array<i32>} : memref<128x128xf32, #tpu.memory_space<vmem>>, vector<16xf32>,
        tpu.vector_store %arg15[%swap3A_304, %swap3A_305], %max3A_303 {strides = array<i32>} : memref<128x128xf32, #tpu.memory_space<vmem>>, vector<16xf32>,
        %get3A_307 = arith.index_cast %scan3A_254 : i32 to index
        %get3A_308 = arith.constant 64 : index
        %get3A_309 = tpu.vector_load %arg11[%get3A_307, %get3A_308] {strides = array<i32>} : memref<128x128xf32, #tpu.memory_space<vmem>>, vector<16xf32>,
        %get3A_310 = arith.index_cast %scan3A_254 : i32 to index
        %get3A_311 = arith.constant 64 : index
        %get3A_312 = tpu.vector_load %arg13[%get3A_310, %get3A_311] {strides = array<i32>} : memref<128x128xf32, #tpu.memory_space<vmem>>, vector<16xf32>,
        %add3A_313 = arith.addf %get3A_309, %get3A_312 : vector<16xf32>
        %max3A_314 = arith.constant 0.000000e+00 : f32
        %max3A_315 = vector.broadcast %max3A_314 : f32 to vector<16xf32>
        %max3A_316 = arith.maximumf %add3A_313, %max3A_315 : vector<16xf32>
        %swap3A_317 = arith.index_cast %scan3A_254 : i32 to index
        %swap3A_318 = arith.constant 64 : index
        %swap3A_319 = tpu.vector_load %arg15[%swap3A_317, %swap3A_318] {strides = array<i32>} : memref<128x128xf32, #tpu.memory_space<vmem>>, vector<16xf32>,
        tpu.vector_store %arg15[%swap3A_317, %swap3A_318], %max3A_316 {strides = array<i32>} : memref<128x128xf32, #tpu.memory_space<vmem>>, vector<16xf32>,
        %get3A_320 = arith.index_cast %scan3A_254 : i32 to index
        %get3A_321 = arith.constant 80 : index
        %get3A_322 = tpu.vector_load %arg11[%get3A_320, %get3A_321] {strides = array<i32>} : memref<128x128xf32, #tpu.memory_space<vmem>>, vector<16xf32>,
        %get3A_323 = arith.index_cast %scan3A_254 : i32 to index
        %get3A_324 = arith.constant 80 : index
        %get3A_325 = tpu.vector_load %arg13[%get3A_323, %get3A_324] {strides = array<i32>} : memref<128x128xf32, #tpu.memory_space<vmem>>, vector<16xf32>,
        %add3A_326 = arith.addf %get3A_322, %get3A_325 : vector<16xf32>
        %max3A_327 = arith.constant 0.000000e+00 : f32
        %max3A_328 = vector.broadcast %max3A_327 : f32 to vector<16xf32>
        %max3A_329 = arith.maximumf %add3A_326, %max3A_328 : vector<16xf32>
        %swap3A_330 = arith.index_cast %scan3A_254 : i32 to index
        %swap3A_331 = arith.constant 80 : index
        %swap3A_332 = tpu.vector_load %arg15[%swap3A_330, %swap3A_331] {strides = array<i32>} : memref<128x128xf32, #tpu.memory_space<vmem>>, vector<16xf32>,
        tpu.vector_store %arg15[%swap3A_330, %swap3A_331], %max3A_329 {strides = array<i32>} : memref<128x128xf32, #tpu.memory_space<vmem>>, vector<16xf32>,
        %get3A_333 = arith.index_cast %scan3A_254 : i32 to index
        %get3A_334 = arith.constant 96 : index
        %get3A_335 = tpu.vector_load %arg11[%get3A_333, %get3A_334] {strides = array<i32>} : memref<128x128xf32, #tpu.memory_space<vmem>>, vector<16xf32>,
        %get3A_336 = arith.index_cast %scan3A_254 : i32 to index
        %get3A_337 = arith.constant 96 : index
        %get3A_338 = tpu.vector_load %arg13[%get3A_336, %get3A_337] {strides = array<i32>} : memref<128x128xf32, #tpu.memory_space<vmem>>, vector<16xf32>,
        %add3A_339 = arith.addf %get3A_335, %get3A_338 : vector<16xf32>
        %max3A_340 = arith.constant 0.000000e+00 : f32
        %max3A_341 = vector.broadcast %max3A_340 : f32 to vector<16xf32>
        %max3A_342 = arith.maximumf %add3A_339, %max3A_341 : vector<16xf32>
        %swap3A_343 = arith.index_cast %scan3A_254 : i32 to index
        %swap3A_344 = arith.constant 96 : index
        %swap3A_345 = tpu.vector_load %arg15[%swap3A_343, %swap3A_344] {strides = array<i32>} : memref<128x128xf32, #tpu.memory_space<vmem>>, vector<16xf32>,
        tpu.vector_store %arg15[%swap3A_343, %swap3A_344], %max3A_342 {strides = array<i32>} : memref<128x128xf32, #tpu.memory_space<vmem>>, vector<16xf32>,
        %get3A_346 = arith.index_cast %scan3A_254 : i32 to index
        %get3A_347 = arith.constant 112 : index
        %get3A_348 = tpu.vector_load %arg11[%get3A_346, %get3A_347] {strides = array<i32>} : memref<128x128xf32, #tpu.memory_space<vmem>>, vector<16xf32>,
        %get3A_349 = arith.index_cast %scan3A_254 : i32 to index
        %get3A_350 = arith.constant 112 : index
        %get3A_351 = tpu.vector_load %arg13[%get3A_349, %get3A_350] {strides = array<i32>} : memref<128x128xf32, #tpu.memory_space<vmem>>, vector<16xf32>,
        %add3A_352 = arith.addf %get3A_348, %get3A_351 : vector<16xf32>
        %max3A_353 = arith.constant 0.000000e+00 : f32
        %max3A_354 = vector.broadcast %max3A_353 : f32 to vector<16xf32>
        %max3A_355 = arith.maximumf %add3A_352, %max3A_354 : vector<16xf32>
        %swap3A_356 = arith.index_cast %scan3A_254 : i32 to index
        %swap3A_357 = arith.constant 112 : index
        %swap3A_358 = tpu.vector_load %arg15[%swap3A_356, %swap3A_357] {strides = array<i32>} : memref<128x128xf32, #tpu.memory_space<vmem>>, vector<16xf32>,
        tpu.vector_store %arg15[%swap3A_356, %swap3A_357], %max3A_355 {strides = array<i32>} : memref<128x128xf32, #tpu.memory_space<vmem>>, vector<16xf32>,
        %scan3A_359 = arith.constant 0 : i32
        scf.yield %scan3A_359 : i32
      }
      %scan3A_94 = arith.constant 128 : i32
      %mul3A_95 = arith.constant 128 : i32
      %mul3A_96 = arith.muli %add3A_66, %mul3A_95 : i32
      %min3A_97 = arith.constant 9872 : i32
      %min3A_98 = arith.minsi %mul3A_96, %min3A_97 : i32
      %add3A_99 = arith.addi %mul3A_2, %min3A_98 : i32
      %dma_start3A_100 = arith.constant 0 : i32
      %dma_start3A_101 = tpu.memref_slice %arg6[%add3A_99, %dma_start3A_100] : memref<320000x128xf32, #tpu.memory_space<hbm>> -> memref<128x128xf32, #tpu.memory_space<hbm>>
      %dma_start3A_102 = arith.constant 0 : i32
      %dma_start3A_103 = tpu.memref_slice %arg6[%add3A_99, %dma_start3A_102] : memref<320000x128xf32, #tpu.memory_space<hbm>> -> memref<128x128xf32, #tpu.memory_space<hbm>>
      tpu.enqueue_dma source(%arg15 : memref<128x128xf32, #tpu.memory_space<vmem>>) target(%dma_start3A_103 : memref<128x128xf32, #tpu.memory_space<hbm>>) target_semaphore(%arg19 : memref<!tpu.dma_semaphore, #tpu.memory_space<semaphore_mem>>)
      %add3A_104 = arith.constant 1 : i32
      %add3A_105 = arith.addi %mul3A_64, %add3A_104 : i32
      %add3A_106 = arith.constant 2 : i32
      %add3A_107 = arith.addi %add3A_105, %add3A_106 : i32
      %sub3A_108 = arith.constant 1 : i32
      %sub3A_109 = arith.subi %add3A_107, %sub3A_108 : i32
      %lt3A_110 = arith.constant 79 : i32
      %lt3A_111 = arith.cmpi slt, %sub3A_109, %lt3A_110 : i32
      %convert_element_type3A_112 = arith.extui %lt3A_111 : i1 to i32
      %cond3A_113 = arith.constant 0 : i32
      %cond3A_114 = arith.cmpi ne, %convert_element_type3A_112, %cond3A_113 : i32
      scf.if %cond3A_114 {
        %add3A_149 = arith.constant 2 : i32
        %add3A_150 = arith.addi %add3A_105, %add3A_149 : i32
        %sub3A_151 = arith.constant 1 : i32
        %sub3A_152 = arith.subi %add3A_150, %sub3A_151 : i32
        %mul3A_153 = arith.constant 128 : i32
        %mul3A_154 = arith.muli %sub3A_152, %mul3A_153 : i32
        %min3A_155 = arith.constant 9872 : i32
        %min3A_156 = arith.minsi %mul3A_154, %min3A_155 : i32
        %add3A_157 = arith.addi %mul3A_2, %min3A_156 : i32
        "tpu.region"() ({
          %run_scoped3A = tpu.sem_alloc : memref<!tpu.dma_semaphore, #tpu.memory_space<semaphore_mem>>
          %dma_start3A_164 = tpu.memref_slice %arg4[%add3A_157] : memref<320000xi32, #tpu.memory_space<hbm>> -> memref<128xi32, #tpu.memory_space<hbm>>
          %dma_start3A_165 = tpu.memref_slice %arg4[%add3A_157] : memref<320000xi32, #tpu.memory_space<hbm>> -> memref<128xi32, #tpu.memory_space<hbm>>
          tpu.enqueue_dma source(%dma_start3A_165 : memref<128xi32, #tpu.memory_space<hbm>>) target(%arg7 : memref<128xi32, #tpu.memory_space<vmem>>) target_semaphore(%run_scoped3A : memref<!tpu.dma_semaphore, #tpu.memory_space<semaphore_mem>>)
          %dma_wait3A_166 = tpu.memref_slice %arg4[%add3A_157] : memref<320000xi32, #tpu.memory_space<hbm>> -> memref<128xi32, #tpu.memory_space<hbm>>
          %dma_wait3A_167 = tpu.memref_slice %arg4[%add3A_157] : memref<320000xi32, #tpu.memory_space<hbm>> -> memref<128xi32, #tpu.memory_space<hbm>>
          tpu.wait_dma2 semaphore(%run_scoped3A : memref<!tpu.dma_semaphore, #tpu.memory_space<semaphore_mem>>) src(%dma_wait3A_167 : memref<128xi32, #tpu.memory_space<hbm>>) dst(%arg7 : memref<128xi32, #tpu.memory_space<vmem>>)
          tpu.yield
        }) : () -> ()
        "tpu.region"() ({
          %run_scoped3A = tpu.sem_alloc : memref<!tpu.dma_semaphore, #tpu.memory_space<semaphore_mem>>
          %dma_start3A_164 = tpu.memref_slice %arg5[%add3A_157] : memref<320000xi32, #tpu.memory_space<hbm>> -> memref<128xi32, #tpu.memory_space<hbm>>
          %dma_start3A_165 = tpu.memref_slice %arg5[%add3A_157] : memref<320000xi32, #tpu.memory_space<hbm>> -> memref<128xi32, #tpu.memory_space<hbm>>
          tpu.enqueue_dma source(%dma_start3A_165 : memref<128xi32, #tpu.memory_space<hbm>>) target(%arg9 : memref<128xi32, #tpu.memory_space<vmem>>) target_semaphore(%run_scoped3A : memref<!tpu.dma_semaphore, #tpu.memory_space<semaphore_mem>>)
          %dma_wait3A_166 = tpu.memref_slice %arg5[%add3A_157] : memref<320000xi32, #tpu.memory_space<hbm>> -> memref<128xi32, #tpu.memory_space<hbm>>
          %dma_wait3A_167 = tpu.memref_slice %arg5[%add3A_157] : memref<320000xi32, #tpu.memory_space<hbm>> -> memref<128xi32, #tpu.memory_space<hbm>>
          tpu.wait_dma2 semaphore(%run_scoped3A : memref<!tpu.dma_semaphore, #tpu.memory_space<semaphore_mem>>) src(%dma_wait3A_167 : memref<128xi32, #tpu.memory_space<hbm>>) dst(%arg9 : memref<128xi32, #tpu.memory_space<vmem>>)
          tpu.yield
        }) : () -> ()
        %dma_start3A_158 = arith.constant 0 : i32
        %dma_start3A_159 = arith.constant 0 : i32
        %dma_start3A_160 = tpu.memref_slice %arg2[%dma_start3A_158, %dma_start3A_159] : memref<10000x128xf32, #tpu.memory_space<hbm>> -> memref<10000x128xf32, #tpu.memory_space<hbm>>
        tpu.enqueue_indirect_dma source(%dma_start3A_160 : memref<10000x128xf32, #tpu.memory_space<hbm>>) target(%arg11 : memref<128x128xf32, #tpu.memory_space<vmem>>) offsets(%arg7 : memref<128xi32, #tpu.memory_space<vmem>>) semaphore(%arg17 : memref<!tpu.dma_semaphore, #tpu.memory_space<semaphore_mem>>)
        %dma_start3A_161 = arith.constant 0 : i32
        %dma_start3A_162 = arith.constant 0 : i32
        %dma_start3A_163 = tpu.memref_slice %arg3[%dma_start3A_161, %dma_start3A_162] : memref<10000x128xf32, #tpu.memory_space<hbm>> -> memref<10000x128xf32, #tpu.memory_space<hbm>>
        tpu.enqueue_indirect_dma source(%dma_start3A_163 : memref<10000x128xf32, #tpu.memory_space<hbm>>) target(%arg13 : memref<128x128xf32, #tpu.memory_space<vmem>>) offsets(%arg9 : memref<128xi32, #tpu.memory_space<vmem>>) semaphore(%arg17 : memref<!tpu.dma_semaphore, #tpu.memory_space<semaphore_mem>>)
      } else {
      }
      %dma_wait3A_115 = arith.constant 0 : i32
      %dma_wait3A_116 = arith.constant 0 : i32
      %dma_wait3A_117 = tpu.memref_slice %arg2[%dma_wait3A_115, %dma_wait3A_116] : memref<10000x128xf32, #tpu.memory_space<hbm>> -> memref<128x128xf32, #tpu.memory_space<hbm>>
      %dma_wait3A_118 = arith.constant 0 : i32
      %dma_wait3A_119 = arith.constant 0 : i32
      %dma_wait3A_120 = tpu.memref_slice %arg2[%dma_wait3A_118, %dma_wait3A_119] : memref<10000x128xf32, #tpu.memory_space<hbm>> -> memref<128x128xf32, #tpu.memory_space<hbm>>
      tpu.wait_dma2 semaphore(%arg18 : memref<!tpu.dma_semaphore, #tpu.memory_space<semaphore_mem>>) src(%dma_wait3A_120 : memref<128x128xf32, #tpu.memory_space<hbm>>) dst(%arg12 : memref<128x128xf32, #tpu.memory_space<vmem>>)
      %dma_wait3A_121 = arith.constant 0 : i32
      %dma_wait3A_122 = arith.constant 0 : i32
      %dma_wait3A_123 = tpu.memref_slice %arg3[%dma_wait3A_121, %dma_wait3A_122] : memref<10000x128xf32, #tpu.memory_space<hbm>> -> memref<128x128xf32, #tpu.memory_space<hbm>>
      %dma_wait3A_124 = arith.constant 0 : i32
      %dma_wait3A_125 = arith.constant 0 : i32
      %dma_wait3A_126 = tpu.memref_slice %arg3[%dma_wait3A_124, %dma_wait3A_125] : memref<10000x128xf32, #tpu.memory_space<hbm>> -> memref<128x128xf32, #tpu.memory_space<hbm>>
      tpu.wait_dma2 semaphore(%arg18 : memref<!tpu.dma_semaphore, #tpu.memory_space<semaphore_mem>>) src(%dma_wait3A_126 : memref<128x128xf32, #tpu.memory_space<hbm>>) dst(%arg14 : memref<128x128xf32, #tpu.memory_space<vmem>>)
      %ge3A_127 = arith.constant 2 : i32
      %ge3A_128 = arith.cmpi sge, %add3A_105, %ge3A_127 : i32
      %convert_element_type3A_129 = arith.extui %ge3A_128 : i1 to i32
      %cond3A_130 = arith.constant 0 : i32
      %cond3A_131 = arith.cmpi ne, %convert_element_type3A_129, %cond3A_130 : i32
      scf.if %cond3A_131 {
        %dma_wait3A_149 = arith.constant 0 : i32
        %dma_wait3A_150 = arith.constant 0 : i32
        %dma_wait3A_151 = tpu.memref_slice %arg6[%dma_wait3A_149, %dma_wait3A_150] : memref<320000x128xf32, #tpu.memory_space<hbm>> -> memref<128x128xf32, #tpu.memory_space<hbm>>
        %dma_wait3A_152 = arith.constant 0 : i32
        %dma_wait3A_153 = arith.constant 0 : i32
        %dma_wait3A_154 = tpu.memref_slice %arg6[%dma_wait3A_152, %dma_wait3A_153] : memref<320000x128xf32, #tpu.memory_space<hbm>> -> memref<128x128xf32, #tpu.memory_space<hbm>>
        tpu.wait_dma2 semaphore(%arg20 : memref<!tpu.dma_semaphore, #tpu.memory_space<semaphore_mem>>) src(%arg16 : memref<128x128xf32, #tpu.memory_space<vmem>>) dst(%dma_wait3A_154 : memref<128x128xf32, #tpu.memory_space<hbm>>)
      } else {
      }
      %scan3A_132 = arith.constant 0 : i32
      %scan3A_133 = arith.constant 0 : i32
      %scan3A_134 = arith.constant 128 : i32
      %scan3A_135 = arith.addi %scan3A_133, %scan3A_134 : i32
      %scan3A_136 = arith.constant 2 : i32
      %scan3A_137 = scf.for %scan3A_149 = %scan3A_133 to %scan3A_135 step %scan3A_136 iter_args(%scan3A_150 = %scan3A_132) -> (i32)  : i32 {
        %get3A = arith.index_cast %scan3A_149 : i32 to index
        %get3A_151 = arith.constant 0 : index
        %get3A_152 = tpu.vector_load %arg12[%get3A, %get3A_151] {strides = array<i32>} : memref<128x128xf32, #tpu.memory_space<vmem>>, vector<16xf32>,
        %get3A_153 = arith.index_cast %scan3A_149 : i32 to index
        %get3A_154 = arith.constant 0 : index
        %get3A_155 = tpu.vector_load %arg14[%get3A_153, %get3A_154] {strides = array<i32>} : memref<128x128xf32, #tpu.memory_space<vmem>>, vector<16xf32>,
        %add3A_156 = arith.addf %get3A_152, %get3A_155 : vector<16xf32>
        %max3A = arith.constant 0.000000e+00 : f32
        %max3A_157 = vector.broadcast %max3A : f32 to vector<16xf32>
        %max3A_158 = arith.maximumf %add3A_156, %max3A_157 : vector<16xf32>
        %swap3A = arith.index_cast %scan3A_149 : i32 to index
        %swap3A_159 = arith.constant 0 : index
        %swap3A_160 = tpu.vector_load %arg16[%swap3A, %swap3A_159] {strides = array<i32>} : memref<128x128xf32, #tpu.memory_space<vmem>>, vector<16xf32>,
        tpu.vector_store %arg16[%swap3A, %swap3A_159], %max3A_158 {strides = array<i32>} : memref<128x128xf32, #tpu.memory_space<vmem>>, vector<16xf32>,
        %get3A_161 = arith.index_cast %scan3A_149 : i32 to index
        %get3A_162 = arith.constant 16 : index
        %get3A_163 = tpu.vector_load %arg12[%get3A_161, %get3A_162] {strides = array<i32>} : memref<128x128xf32, #tpu.memory_space<vmem>>, vector<16xf32>,
        %get3A_164 = arith.index_cast %scan3A_149 : i32 to index
        %get3A_165 = arith.constant 16 : index
        %get3A_166 = tpu.vector_load %arg14[%get3A_164, %get3A_165] {strides = array<i32>} : memref<128x128xf32, #tpu.memory_space<vmem>>, vector<16xf32>,
        %add3A_167 = arith.addf %get3A_163, %get3A_166 : vector<16xf32>
        %max3A_168 = arith.constant 0.000000e+00 : f32
        %max3A_169 = vector.broadcast %max3A_168 : f32 to vector<16xf32>
        %max3A_170 = arith.maximumf %add3A_167, %max3A_169 : vector<16xf32>
        %swap3A_171 = arith.index_cast %scan3A_149 : i32 to index
        %swap3A_172 = arith.constant 16 : index
        %swap3A_173 = tpu.vector_load %arg16[%swap3A_171, %swap3A_172] {strides = array<i32>} : memref<128x128xf32, #tpu.memory_space<vmem>>, vector<16xf32>,
        tpu.vector_store %arg16[%swap3A_171, %swap3A_172], %max3A_170 {strides = array<i32>} : memref<128x128xf32, #tpu.memory_space<vmem>>, vector<16xf32>,
        %get3A_174 = arith.index_cast %scan3A_149 : i32 to index
        %get3A_175 = arith.constant 32 : index
        %get3A_176 = tpu.vector_load %arg12[%get3A_174, %get3A_175] {strides = array<i32>} : memref<128x128xf32, #tpu.memory_space<vmem>>, vector<16xf32>,
        %get3A_177 = arith.index_cast %scan3A_149 : i32 to index
        %get3A_178 = arith.constant 32 : index
        %get3A_179 = tpu.vector_load %arg14[%get3A_177, %get3A_178] {strides = array<i32>} : memref<128x128xf32, #tpu.memory_space<vmem>>, vector<16xf32>,
        %add3A_180 = arith.addf %get3A_176, %get3A_179 : vector<16xf32>
        %max3A_181 = arith.constant 0.000000e+00 : f32
        %max3A_182 = vector.broadcast %max3A_181 : f32 to vector<16xf32>
        %max3A_183 = arith.maximumf %add3A_180, %max3A_182 : vector<16xf32>
        %swap3A_184 = arith.index_cast %scan3A_149 : i32 to index
        %swap3A_185 = arith.constant 32 : index
        %swap3A_186 = tpu.vector_load %arg16[%swap3A_184, %swap3A_185] {strides = array<i32>} : memref<128x128xf32, #tpu.memory_space<vmem>>, vector<16xf32>,
        tpu.vector_store %arg16[%swap3A_184, %swap3A_185], %max3A_183 {strides = array<i32>} : memref<128x128xf32, #tpu.memory_space<vmem>>, vector<16xf32>,
        %get3A_187 = arith.index_cast %scan3A_149 : i32 to index
        %get3A_188 = arith.constant 48 : index
        %get3A_189 = tpu.vector_load %arg12[%get3A_187, %get3A_188] {strides = array<i32>} : memref<128x128xf32, #tpu.memory_space<vmem>>, vector<16xf32>,
        %get3A_190 = arith.index_cast %scan3A_149 : i32 to index
        %get3A_191 = arith.constant 48 : index
        %get3A_192 = tpu.vector_load %arg14[%get3A_190, %get3A_191] {strides = array<i32>} : memref<128x128xf32, #tpu.memory_space<vmem>>, vector<16xf32>,
        %add3A_193 = arith.addf %get3A_189, %get3A_192 : vector<16xf32>
        %max3A_194 = arith.constant 0.000000e+00 : f32
        %max3A_195 = vector.broadcast %max3A_194 : f32 to vector<16xf32>
        %max3A_196 = arith.maximumf %add3A_193, %max3A_195 : vector<16xf32>
        %swap3A_197 = arith.index_cast %scan3A_149 : i32 to index
        %swap3A_198 = arith.constant 48 : index
        %swap3A_199 = tpu.vector_load %arg16[%swap3A_197, %swap3A_198] {strides = array<i32>} : memref<128x128xf32, #tpu.memory_space<vmem>>, vector<16xf32>,
        tpu.vector_store %arg16[%swap3A_197, %swap3A_198], %max3A_196 {strides = array<i32>} : memref<128x128xf32, #tpu.memory_space<vmem>>, vector<16xf32>,
        %get3A_200 = arith.index_cast %scan3A_149 : i32 to index
        %get3A_201 = arith.constant 64 : index
        %get3A_202 = tpu.vector_load %arg12[%get3A_200, %get3A_201] {strides = array<i32>} : memref<128x128xf32, #tpu.memory_space<vmem>>, vector<16xf32>,
        %get3A_203 = arith.index_cast %scan3A_149 : i32 to index
        %get3A_204 = arith.constant 64 : index
        %get3A_205 = tpu.vector_load %arg14[%get3A_203, %get3A_204] {strides = array<i32>} : memref<128x128xf32, #tpu.memory_space<vmem>>, vector<16xf32>,
        %add3A_206 = arith.addf %get3A_202, %get3A_205 : vector<16xf32>
        %max3A_207 = arith.constant 0.000000e+00 : f32
        %max3A_208 = vector.broadcast %max3A_207 : f32 to vector<16xf32>
        %max3A_209 = arith.maximumf %add3A_206, %max3A_208 : vector<16xf32>
        %swap3A_210 = arith.index_cast %scan3A_149 : i32 to index
        %swap3A_211 = arith.constant 64 : index
        %swap3A_212 = tpu.vector_load %arg16[%swap3A_210, %swap3A_211] {strides = array<i32>} : memref<128x128xf32, #tpu.memory_space<vmem>>, vector<16xf32>,
        tpu.vector_store %arg16[%swap3A_210, %swap3A_211], %max3A_209 {strides = array<i32>} : memref<128x128xf32, #tpu.memory_space<vmem>>, vector<16xf32>,
        %get3A_213 = arith.index_cast %scan3A_149 : i32 to index
        %get3A_214 = arith.constant 80 : index
        %get3A_215 = tpu.vector_load %arg12[%get3A_213, %get3A_214] {strides = array<i32>} : memref<128x128xf32, #tpu.memory_space<vmem>>, vector<16xf32>,
        %get3A_216 = arith.index_cast %scan3A_149 : i32 to index
        %get3A_217 = arith.constant 80 : index
        %get3A_218 = tpu.vector_load %arg14[%get3A_216, %get3A_217] {strides = array<i32>} : memref<128x128xf32, #tpu.memory_space<vmem>>, vector<16xf32>,
        %add3A_219 = arith.addf %get3A_215, %get3A_218 : vector<16xf32>
        %max3A_220 = arith.constant 0.000000e+00 : f32
        %max3A_221 = vector.broadcast %max3A_220 : f32 to vector<16xf32>
        %max3A_222 = arith.maximumf %add3A_219, %max3A_221 : vector<16xf32>
        %swap3A_223 = arith.index_cast %scan3A_149 : i32 to index
        %swap3A_224 = arith.constant 80 : index
        %swap3A_225 = tpu.vector_load %arg16[%swap3A_223, %swap3A_224] {strides = array<i32>} : memref<128x128xf32, #tpu.memory_space<vmem>>, vector<16xf32>,
        tpu.vector_store %arg16[%swap3A_223, %swap3A_224], %max3A_222 {strides = array<i32>} : memref<128x128xf32, #tpu.memory_space<vmem>>, vector<16xf32>,
        %get3A_226 = arith.index_cast %scan3A_149 : i32 to index
        %get3A_227 = arith.constant 96 : index
        %get3A_228 = tpu.vector_load %arg12[%get3A_226, %get3A_227] {strides = array<i32>} : memref<128x128xf32, #tpu.memory_space<vmem>>, vector<16xf32>,
        %get3A_229 = arith.index_cast %scan3A_149 : i32 to index
        %get3A_230 = arith.constant 96 : index
        %get3A_231 = tpu.vector_load %arg14[%get3A_229, %get3A_230] {strides = array<i32>} : memref<128x128xf32, #tpu.memory_space<vmem>>, vector<16xf32>,
        %add3A_232 = arith.addf %get3A_228, %get3A_231 : vector<16xf32>
        %max3A_233 = arith.constant 0.000000e+00 : f32
        %max3A_234 = vector.broadcast %max3A_233 : f32 to vector<16xf32>
        %max3A_235 = arith.maximumf %add3A_232, %max3A_234 : vector<16xf32>
        %swap3A_236 = arith.index_cast %scan3A_149 : i32 to index
        %swap3A_237 = arith.constant 96 : index
        %swap3A_238 = tpu.vector_load %arg16[%swap3A_236, %swap3A_237] {strides = array<i32>} : memref<128x128xf32, #tpu.memory_space<vmem>>, vector<16xf32>,
        tpu.vector_store %arg16[%swap3A_236, %swap3A_237], %max3A_235 {strides = array<i32>} : memref<128x128xf32, #tpu.memory_space<vmem>>, vector<16xf32>,
        %get3A_239 = arith.index_cast %scan3A_149 : i32 to index
        %get3A_240 = arith.constant 112 : index
        %get3A_241 = tpu.vector_load %arg12[%get3A_239, %get3A_240] {strides = array<i32>} : memref<128x128xf32, #tpu.memory_space<vmem>>, vector<16xf32>,
        %get3A_242 = arith.index_cast %scan3A_149 : i32 to index
        %get3A_243 = arith.constant 112 : index
        %get3A_244 = tpu.vector_load %arg14[%get3A_242, %get3A_243] {strides = array<i32>} : memref<128x128xf32, #tpu.memory_space<vmem>>, vector<16xf32>,
        %add3A_245 = arith.addf %get3A_241, %get3A_244 : vector<16xf32>
        %max3A_246 = arith.constant 0.000000e+00 : f32
        %max3A_247 = vector.broadcast %max3A_246 : f32 to vector<16xf32>
        %max3A_248 = arith.maximumf %add3A_245, %max3A_247 : vector<16xf32>
        %swap3A_249 = arith.index_cast %scan3A_149 : i32 to index
        %swap3A_250 = arith.constant 112 : index
        %swap3A_251 = tpu.vector_load %arg16[%swap3A_249, %swap3A_250] {strides = array<i32>} : memref<128x128xf32, #tpu.memory_space<vmem>>, vector<16xf32>,
        tpu.vector_store %arg16[%swap3A_249, %swap3A_250], %max3A_248 {strides = array<i32>} : memref<128x128xf32, #tpu.memory_space<vmem>>, vector<16xf32>,
        %scan3A_252 = arith.constant 0 : i32
        %scan3A_253 = arith.constant 1 : i32
        %scan3A_254 = arith.addi %scan3A_149, %scan3A_253 : i32
        %get3A_255 = arith.index_cast %scan3A_254 : i32 to index
        %get3A_256 = arith.constant 0 : index
        %get3A_257 = tpu.vector_load %arg12[%get3A_255, %get3A_256] {strides = array<i32>} : memref<128x128xf32, #tpu.memory_space<vmem>>, vector<16xf32>,
        %get3A_258 = arith.index_cast %scan3A_254 : i32 to index
        %get3A_259 = arith.constant 0 : index
        %get3A_260 = tpu.vector_load %arg14[%get3A_258, %get3A_259] {strides = array<i32>} : memref<128x128xf32, #tpu.memory_space<vmem>>, vector<16xf32>,
        %add3A_261 = arith.addf %get3A_257, %get3A_260 : vector<16xf32>
        %max3A_262 = arith.constant 0.000000e+00 : f32
        %max3A_263 = vector.broadcast %max3A_262 : f32 to vector<16xf32>
        %max3A_264 = arith.maximumf %add3A_261, %max3A_263 : vector<16xf32>
        %swap3A_265 = arith.index_cast %scan3A_254 : i32 to index
        %swap3A_266 = arith.constant 0 : index
        %swap3A_267 = tpu.vector_load %arg16[%swap3A_265, %swap3A_266] {strides = array<i32>} : memref<128x128xf32, #tpu.memory_space<vmem>>, vector<16xf32>,
        tpu.vector_store %arg16[%swap3A_265, %swap3A_266], %max3A_264 {strides = array<i32>} : memref<128x128xf32, #tpu.memory_space<vmem>>, vector<16xf32>,
        %get3A_268 = arith.index_cast %scan3A_254 : i32 to index
        %get3A_269 = arith.constant 16 : index
        %get3A_270 = tpu.vector_load %arg12[%get3A_268, %get3A_269] {strides = array<i32>} : memref<128x128xf32, #tpu.memory_space<vmem>>, vector<16xf32>,
        %get3A_271 = arith.index_cast %scan3A_254 : i32 to index
        %get3A_272 = arith.constant 16 : index
        %get3A_273 = tpu.vector_load %arg14[%get3A_271, %get3A_272] {strides = array<i32>} : memref<128x128xf32, #tpu.memory_space<vmem>>, vector<16xf32>,
        %add3A_274 = arith.addf %get3A_270, %get3A_273 : vector<16xf32>
        %max3A_275 = arith.constant 0.000000e+00 : f32
        %max3A_276 = vector.broadcast %max3A_275 : f32 to vector<16xf32>
        %max3A_277 = arith.maximumf %add3A_274, %max3A_276 : vector<16xf32>
        %swap3A_278 = arith.index_cast %scan3A_254 : i32 to index
        %swap3A_279 = arith.constant 16 : index
        %swap3A_280 = tpu.vector_load %arg16[%swap3A_278, %swap3A_279] {strides = array<i32>} : memref<128x128xf32, #tpu.memory_space<vmem>>, vector<16xf32>,
        tpu.vector_store %arg16[%swap3A_278, %swap3A_279], %max3A_277 {strides = array<i32>} : memref<128x128xf32, #tpu.memory_space<vmem>>, vector<16xf32>,
        %get3A_281 = arith.index_cast %scan3A_254 : i32 to index
        %get3A_282 = arith.constant 32 : index
        %get3A_283 = tpu.vector_load %arg12[%get3A_281, %get3A_282] {strides = array<i32>} : memref<128x128xf32, #tpu.memory_space<vmem>>, vector<16xf32>,
        %get3A_284 = arith.index_cast %scan3A_254 : i32 to index
        %get3A_285 = arith.constant 32 : index
        %get3A_286 = tpu.vector_load %arg14[%get3A_284, %get3A_285] {strides = array<i32>} : memref<128x128xf32, #tpu.memory_space<vmem>>, vector<16xf32>,
        %add3A_287 = arith.addf %get3A_283, %get3A_286 : vector<16xf32>
        %max3A_288 = arith.constant 0.000000e+00 : f32
        %max3A_289 = vector.broadcast %max3A_288 : f32 to vector<16xf32>
        %max3A_290 = arith.maximumf %add3A_287, %max3A_289 : vector<16xf32>
        %swap3A_291 = arith.index_cast %scan3A_254 : i32 to index
        %swap3A_292 = arith.constant 32 : index
        %swap3A_293 = tpu.vector_load %arg16[%swap3A_291, %swap3A_292] {strides = array<i32>} : memref<128x128xf32, #tpu.memory_space<vmem>>, vector<16xf32>,
        tpu.vector_store %arg16[%swap3A_291, %swap3A_292], %max3A_290 {strides = array<i32>} : memref<128x128xf32, #tpu.memory_space<vmem>>, vector<16xf32>,
        %get3A_294 = arith.index_cast %scan3A_254 : i32 to index
        %get3A_295 = arith.constant 48 : index
        %get3A_296 = tpu.vector_load %arg12[%get3A_294, %get3A_295] {strides = array<i32>} : memref<128x128xf32, #tpu.memory_space<vmem>>, vector<16xf32>,
        %get3A_297 = arith.index_cast %scan3A_254 : i32 to index
        %get3A_298 = arith.constant 48 : index
        %get3A_299 = tpu.vector_load %arg14[%get3A_297, %get3A_298] {strides = array<i32>} : memref<128x128xf32, #tpu.memory_space<vmem>>, vector<16xf32>,
        %add3A_300 = arith.addf %get3A_296, %get3A_299 : vector<16xf32>
        %max3A_301 = arith.constant 0.000000e+00 : f32
        %max3A_302 = vector.broadcast %max3A_301 : f32 to vector<16xf32>
        %max3A_303 = arith.maximumf %add3A_300, %max3A_302 : vector<16xf32>
        %swap3A_304 = arith.index_cast %scan3A_254 : i32 to index
        %swap3A_305 = arith.constant 48 : index
        %swap3A_306 = tpu.vector_load %arg16[%swap3A_304, %swap3A_305] {strides = array<i32>} : memref<128x128xf32, #tpu.memory_space<vmem>>, vector<16xf32>,
        tpu.vector_store %arg16[%swap3A_304, %swap3A_305], %max3A_303 {strides = array<i32>} : memref<128x128xf32, #tpu.memory_space<vmem>>, vector<16xf32>,
        %get3A_307 = arith.index_cast %scan3A_254 : i32 to index
        %get3A_308 = arith.constant 64 : index
        %get3A_309 = tpu.vector_load %arg12[%get3A_307, %get3A_308] {strides = array<i32>} : memref<128x128xf32, #tpu.memory_space<vmem>>, vector<16xf32>,
        %get3A_310 = arith.index_cast %scan3A_254 : i32 to index
        %get3A_311 = arith.constant 64 : index
        %get3A_312 = tpu.vector_load %arg14[%get3A_310, %get3A_311] {strides = array<i32>} : memref<128x128xf32, #tpu.memory_space<vmem>>, vector<16xf32>,
        %add3A_313 = arith.addf %get3A_309, %get3A_312 : vector<16xf32>
        %max3A_314 = arith.constant 0.000000e+00 : f32
        %max3A_315 = vector.broadcast %max3A_314 : f32 to vector<16xf32>
        %max3A_316 = arith.maximumf %add3A_313, %max3A_315 : vector<16xf32>
        %swap3A_317 = arith.index_cast %scan3A_254 : i32 to index
        %swap3A_318 = arith.constant 64 : index
        %swap3A_319 = tpu.vector_load %arg16[%swap3A_317, %swap3A_318] {strides = array<i32>} : memref<128x128xf32, #tpu.memory_space<vmem>>, vector<16xf32>,
        tpu.vector_store %arg16[%swap3A_317, %swap3A_318], %max3A_316 {strides = array<i32>} : memref<128x128xf32, #tpu.memory_space<vmem>>, vector<16xf32>,
        %get3A_320 = arith.index_cast %scan3A_254 : i32 to index
        %get3A_321 = arith.constant 80 : index
        %get3A_322 = tpu.vector_load %arg12[%get3A_320, %get3A_321] {strides = array<i32>} : memref<128x128xf32, #tpu.memory_space<vmem>>, vector<16xf32>,
        %get3A_323 = arith.index_cast %scan3A_254 : i32 to index
        %get3A_324 = arith.constant 80 : index
        %get3A_325 = tpu.vector_load %arg14[%get3A_323, %get3A_324] {strides = array<i32>} : memref<128x128xf32, #tpu.memory_space<vmem>>, vector<16xf32>,
        %add3A_326 = arith.addf %get3A_322, %get3A_325 : vector<16xf32>
        %max3A_327 = arith.constant 0.000000e+00 : f32
        %max3A_328 = vector.broadcast %max3A_327 : f32 to vector<16xf32>
        %max3A_329 = arith.maximumf %add3A_326, %max3A_328 : vector<16xf32>
        %swap3A_330 = arith.index_cast %scan3A_254 : i32 to index
        %swap3A_331 = arith.constant 80 : index
        %swap3A_332 = tpu.vector_load %arg16[%swap3A_330, %swap3A_331] {strides = array<i32>} : memref<128x128xf32, #tpu.memory_space<vmem>>, vector<16xf32>,
        tpu.vector_store %arg16[%swap3A_330, %swap3A_331], %max3A_329 {strides = array<i32>} : memref<128x128xf32, #tpu.memory_space<vmem>>, vector<16xf32>,
        %get3A_333 = arith.index_cast %scan3A_254 : i32 to index
        %get3A_334 = arith.constant 96 : index
        %get3A_335 = tpu.vector_load %arg12[%get3A_333, %get3A_334] {strides = array<i32>} : memref<128x128xf32, #tpu.memory_space<vmem>>, vector<16xf32>,
        %get3A_336 = arith.index_cast %scan3A_254 : i32 to index
        %get3A_337 = arith.constant 96 : index
        %get3A_338 = tpu.vector_load %arg14[%get3A_336, %get3A_337] {strides = array<i32>} : memref<128x128xf32, #tpu.memory_space<vmem>>, vector<16xf32>,
        %add3A_339 = arith.addf %get3A_335, %get3A_338 : vector<16xf32>
        %max3A_340 = arith.constant 0.000000e+00 : f32
        %max3A_341 = vector.broadcast %max3A_340 : f32 to vector<16xf32>
        %max3A_342 = arith.maximumf %add3A_339, %max3A_341 : vector<16xf32>
        %swap3A_343 = arith.index_cast %scan3A_254 : i32 to index
        %swap3A_344 = arith.constant 96 : index
        %swap3A_345 = tpu.vector_load %arg16[%swap3A_343, %swap3A_344] {strides = array<i32>} : memref<128x128xf32, #tpu.memory_space<vmem>>, vector<16xf32>,
        tpu.vector_store %arg16[%swap3A_343, %swap3A_344], %max3A_342 {strides = array<i32>} : memref<128x128xf32, #tpu.memory_space<vmem>>, vector<16xf32>,
        %get3A_346 = arith.index_cast %scan3A_254 : i32 to index
        %get3A_347 = arith.constant 112 : index
        %get3A_348 = tpu.vector_load %arg12[%get3A_346, %get3A_347] {strides = array<i32>} : memref<128x128xf32, #tpu.memory_space<vmem>>, vector<16xf32>,
        %get3A_349 = arith.index_cast %scan3A_254 : i32 to index
        %get3A_350 = arith.constant 112 : index
        %get3A_351 = tpu.vector_load %arg14[%get3A_349, %get3A_350] {strides = array<i32>} : memref<128x128xf32, #tpu.memory_space<vmem>>, vector<16xf32>,
        %add3A_352 = arith.addf %get3A_348, %get3A_351 : vector<16xf32>
        %max3A_353 = arith.constant 0.000000e+00 : f32
        %max3A_354 = vector.broadcast %max3A_353 : f32 to vector<16xf32>
        %max3A_355 = arith.maximumf %add3A_352, %max3A_354 : vector<16xf32>
        %swap3A_356 = arith.index_cast %scan3A_254 : i32 to index
        %swap3A_357 = arith.constant 112 : index
        %swap3A_358 = tpu.vector_load %arg16[%swap3A_356, %swap3A_357] {strides = array<i32>} : memref<128x128xf32, #tpu.memory_space<vmem>>, vector<16xf32>,
        tpu.vector_store %arg16[%swap3A_356, %swap3A_357], %max3A_355 {strides = array<i32>} : memref<128x128xf32, #tpu.memory_space<vmem>>, vector<16xf32>,
        %scan3A_359 = arith.constant 0 : i32
        scf.yield %scan3A_359 : i32
      }
      %scan3A_138 = arith.constant 128 : i32
      %mul3A_139 = arith.constant 128 : i32
      %mul3A_140 = arith.muli %add3A_105, %mul3A_139 : i32
      %min3A_141 = arith.constant 9872 : i32
      %min3A_142 = arith.minsi %mul3A_140, %min3A_141 : i32
      %add3A_143 = arith.addi %mul3A_2, %min3A_142 : i32
      %dma_start3A_144 = arith.constant 0 : i32
      %dma_start3A_145 = tpu.memref_slice %arg6[%add3A_143, %dma_start3A_144] : memref<320000x128xf32, #tpu.memory_space<hbm>> -> memref<128x128xf32, #tpu.memory_space<hbm>>
      %dma_start3A_146 = arith.constant 0 : i32
      %dma_start3A_147 = tpu.memref_slice %arg6[%add3A_143, %dma_start3A_146] : memref<320000x128xf32, #tpu.memory_space<hbm>> -> memref<128x128xf32, #tpu.memory_space<hbm>>
      tpu.enqueue_dma source(%arg16 : memref<128x128xf32, #tpu.memory_space<vmem>>) target(%dma_start3A_147 : memref<128x128xf32, #tpu.memory_space<hbm>>) target_semaphore(%arg20 : memref<!tpu.dma_semaphore, #tpu.memory_space<semaphore_mem>>)
      %scan3A_148 = arith.constant 0 : i32
      scf.yield %scan3A_148 : i32
    }
    %scan3A_16 = arith.constant 39 : i32
    %dma_wait3A = arith.constant 0 : i32
    %dma_wait3A_17 = arith.constant 0 : i32
    %dma_wait3A_18 = tpu.memref_slice %arg2[%dma_wait3A, %dma_wait3A_17] : memref<10000x128xf32, #tpu.memory_space<hbm>> -> memref<128x128xf32, #tpu.memory_space<hbm>>
    %dma_wait3A_19 = arith.constant 0 : i32
    %dma_wait3A_20 = arith.constant 0 : i32
    %dma_wait3A_21 = tpu.memref_slice %arg2[%dma_wait3A_19, %dma_wait3A_20] : memref<10000x128xf32, #tpu.memory_space<hbm>> -> memref<128x128xf32, #tpu.memory_space<hbm>>
    tpu.wait_dma2 semaphore(%arg17 : memref<!tpu.dma_semaphore, #tpu.memory_space<semaphore_mem>>) src(%dma_wait3A_21 : memref<128x128xf32, #tpu.memory_space<hbm>>) dst(%arg11 : memref<128x128xf32, #tpu.memory_space<vmem>>)
    %dma_wait3A_22 = arith.constant 0 : i32
    %dma_wait3A_23 = arith.constant 0 : i32
    %dma_wait3A_24 = tpu.memref_slice %arg3[%dma_wait3A_22, %dma_wait3A_23] : memref<10000x128xf32, #tpu.memory_space<hbm>> -> memref<128x128xf32, #tpu.memory_space<hbm>>
    %dma_wait3A_25 = arith.constant 0 : i32
    %dma_wait3A_26 = arith.constant 0 : i32
    %dma_wait3A_27 = tpu.memref_slice %arg3[%dma_wait3A_25, %dma_wait3A_26] : memref<10000x128xf32, #tpu.memory_space<hbm>> -> memref<128x128xf32, #tpu.memory_space<hbm>>
    tpu.wait_dma2 semaphore(%arg17 : memref<!tpu.dma_semaphore, #tpu.memory_space<semaphore_mem>>) src(%dma_wait3A_27 : memref<128x128xf32, #tpu.memory_space<hbm>>) dst(%arg13 : memref<128x128xf32, #tpu.memory_space<vmem>>)
    %dma_wait3A_28 = arith.constant 0 : i32
    %dma_wait3A_29 = arith.constant 0 : i32
    %dma_wait3A_30 = tpu.memref_slice %arg6[%dma_wait3A_28, %dma_wait3A_29] : memref<320000x128xf32, #tpu.memory_space<hbm>> -> memref<128x128xf32, #tpu.memory_space<hbm>>
    %dma_wait3A_31 = arith.constant 0 : i32
    %dma_wait3A_32 = arith.constant 0 : i32
    %dma_wait3A_33 = tpu.memref_slice %arg6[%dma_wait3A_31, %dma_wait3A_32] : memref<320000x128xf32, #tpu.memory_space<hbm>> -> memref<128x128xf32, #tpu.memory_space<hbm>>
    tpu.wait_dma2 semaphore(%arg19 : memref<!tpu.dma_semaphore, #tpu.memory_space<semaphore_mem>>) src(%arg15 : memref<128x128xf32, #tpu.memory_space<vmem>>) dst(%dma_wait3A_33 : memref<128x128xf32, #tpu.memory_space<hbm>>)
    %scan3A_34 = arith.constant 0 : i32
    %scan3A_35 = arith.constant 0 : i32
    %scan3A_36 = arith.constant 128 : i32
    %scan3A_37 = arith.addi %scan3A_35, %scan3A_36 : i32
    %scan3A_38 = arith.constant 2 : i32
    %scan3A_39 = scf.for %scan3A_61 = %scan3A_35 to %scan3A_37 step %scan3A_38 iter_args(%scan3A_62 = %scan3A_34) -> (i32)  : i32 {
      %get3A = arith.index_cast %scan3A_61 : i32 to index
      %get3A_63 = arith.constant 0 : index
      %get3A_64 = tpu.vector_load %arg11[%get3A, %get3A_63] {strides = array<i32>} : memref<128x128xf32, #tpu.memory_space<vmem>>, vector<16xf32>,
      %get3A_65 = arith.index_cast %scan3A_61 : i32 to index
      %get3A_66 = arith.constant 0 : index
      %get3A_67 = tpu.vector_load %arg13[%get3A_65, %get3A_66] {strides = array<i32>} : memref<128x128xf32, #tpu.memory_space<vmem>>, vector<16xf32>,
      %add3A_68 = arith.addf %get3A_64, %get3A_67 : vector<16xf32>
      %max3A = arith.constant 0.000000e+00 : f32
      %max3A_69 = vector.broadcast %max3A : f32 to vector<16xf32>
      %max3A_70 = arith.maximumf %add3A_68, %max3A_69 : vector<16xf32>
      %swap3A = arith.index_cast %scan3A_61 : i32 to index
      %swap3A_71 = arith.constant 0 : index
      %swap3A_72 = tpu.vector_load %arg15[%swap3A, %swap3A_71] {strides = array<i32>} : memref<128x128xf32, #tpu.memory_space<vmem>>, vector<16xf32>,
      tpu.vector_store %arg15[%swap3A, %swap3A_71], %max3A_70 {strides = array<i32>} : memref<128x128xf32, #tpu.memory_space<vmem>>, vector<16xf32>,
      %get3A_73 = arith.index_cast %scan3A_61 : i32 to index
      %get3A_74 = arith.constant 16 : index
      %get3A_75 = tpu.vector_load %arg11[%get3A_73, %get3A_74] {strides = array<i32>} : memref<128x128xf32, #tpu.memory_space<vmem>>, vector<16xf32>,
      %get3A_76 = arith.index_cast %scan3A_61 : i32 to index
      %get3A_77 = arith.constant 16 : index
      %get3A_78 = tpu.vector_load %arg13[%get3A_76, %get3A_77] {strides = array<i32>} : memref<128x128xf32, #tpu.memory_space<vmem>>, vector<16xf32>,
      %add3A_79 = arith.addf %get3A_75, %get3A_78 : vector<16xf32>
      %max3A_80 = arith.constant 0.000000e+00 : f32
      %max3A_81 = vector.broadcast %max3A_80 : f32 to vector<16xf32>
      %max3A_82 = arith.maximumf %add3A_79, %max3A_81 : vector<16xf32>
      %swap3A_83 = arith.index_cast %scan3A_61 : i32 to index
      %swap3A_84 = arith.constant 16 : index
      %swap3A_85 = tpu.vector_load %arg15[%swap3A_83, %swap3A_84] {strides = array<i32>} : memref<128x128xf32, #tpu.memory_space<vmem>>, vector<16xf32>,
      tpu.vector_store %arg15[%swap3A_83, %swap3A_84], %max3A_82 {strides = array<i32>} : memref<128x128xf32, #tpu.memory_space<vmem>>, vector<16xf32>,
      %get3A_86 = arith.index_cast %scan3A_61 : i32 to index
      %get3A_87 = arith.constant 32 : index
      %get3A_88 = tpu.vector_load %arg11[%get3A_86, %get3A_87] {strides = array<i32>} : memref<128x128xf32, #tpu.memory_space<vmem>>, vector<16xf32>,
      %get3A_89 = arith.index_cast %scan3A_61 : i32 to index
      %get3A_90 = arith.constant 32 : index
      %get3A_91 = tpu.vector_load %arg13[%get3A_89, %get3A_90] {strides = array<i32>} : memref<128x128xf32, #tpu.memory_space<vmem>>, vector<16xf32>,
      %add3A_92 = arith.addf %get3A_88, %get3A_91 : vector<16xf32>
      %max3A_93 = arith.constant 0.000000e+00 : f32
      %max3A_94 = vector.broadcast %max3A_93 : f32 to vector<16xf32>
      %max3A_95 = arith.maximumf %add3A_92, %max3A_94 : vector<16xf32>
      %swap3A_96 = arith.index_cast %scan3A_61 : i32 to index
      %swap3A_97 = arith.constant 32 : index
      %swap3A_98 = tpu.vector_load %arg15[%swap3A_96, %swap3A_97] {strides = array<i32>} : memref<128x128xf32, #tpu.memory_space<vmem>>, vector<16xf32>,
      tpu.vector_store %arg15[%swap3A_96, %swap3A_97], %max3A_95 {strides = array<i32>} : memref<128x128xf32, #tpu.memory_space<vmem>>, vector<16xf32>,
      %get3A_99 = arith.index_cast %scan3A_61 : i32 to index
      %get3A_100 = arith.constant 48 : index
      %get3A_101 = tpu.vector_load %arg11[%get3A_99, %get3A_100] {strides = array<i32>} : memref<128x128xf32, #tpu.memory_space<vmem>>, vector<16xf32>,
      %get3A_102 = arith.index_cast %scan3A_61 : i32 to index
      %get3A_103 = arith.constant 48 : index
      %get3A_104 = tpu.vector_load %arg13[%get3A_102, %get3A_103] {strides = array<i32>} : memref<128x128xf32, #tpu.memory_space<vmem>>, vector<16xf32>,
      %add3A_105 = arith.addf %get3A_101, %get3A_104 : vector<16xf32>
      %max3A_106 = arith.constant 0.000000e+00 : f32
      %max3A_107 = vector.broadcast %max3A_106 : f32 to vector<16xf32>
      %max3A_108 = arith.maximumf %add3A_105, %max3A_107 : vector<16xf32>
      %swap3A_109 = arith.index_cast %scan3A_61 : i32 to index
      %swap3A_110 = arith.constant 48 : index
      %swap3A_111 = tpu.vector_load %arg15[%swap3A_109, %swap3A_110] {strides = array<i32>} : memref<128x128xf32, #tpu.memory_space<vmem>>, vector<16xf32>,
      tpu.vector_store %arg15[%swap3A_109, %swap3A_110], %max3A_108 {strides = array<i32>} : memref<128x128xf32, #tpu.memory_space<vmem>>, vector<16xf32>,
      %get3A_112 = arith.index_cast %scan3A_61 : i32 to index
      %get3A_113 = arith.constant 64 : index
      %get3A_114 = tpu.vector_load %arg11[%get3A_112, %get3A_113] {strides = array<i32>} : memref<128x128xf32, #tpu.memory_space<vmem>>, vector<16xf32>,
      %get3A_115 = arith.index_cast %scan3A_61 : i32 to index
      %get3A_116 = arith.constant 64 : index
      %get3A_117 = tpu.vector_load %arg13[%get3A_115, %get3A_116] {strides = array<i32>} : memref<128x128xf32, #tpu.memory_space<vmem>>, vector<16xf32>,
      %add3A_118 = arith.addf %get3A_114, %get3A_117 : vector<16xf32>
      %max3A_119 = arith.constant 0.000000e+00 : f32
      %max3A_120 = vector.broadcast %max3A_119 : f32 to vector<16xf32>
      %max3A_121 = arith.maximumf %add3A_118, %max3A_120 : vector<16xf32>
      %swap3A_122 = arith.index_cast %scan3A_61 : i32 to index
      %swap3A_123 = arith.constant 64 : index
      %swap3A_124 = tpu.vector_load %arg15[%swap3A_122, %swap3A_123] {strides = array<i32>} : memref<128x128xf32, #tpu.memory_space<vmem>>, vector<16xf32>,
      tpu.vector_store %arg15[%swap3A_122, %swap3A_123], %max3A_121 {strides = array<i32>} : memref<128x128xf32, #tpu.memory_space<vmem>>, vector<16xf32>,
      %get3A_125 = arith.index_cast %scan3A_61 : i32 to index
      %get3A_126 = arith.constant 80 : index
      %get3A_127 = tpu.vector_load %arg11[%get3A_125, %get3A_126] {strides = array<i32>} : memref<128x128xf32, #tpu.memory_space<vmem>>, vector<16xf32>,
      %get3A_128 = arith.index_cast %scan3A_61 : i32 to index
      %get3A_129 = arith.constant 80 : index
      %get3A_130 = tpu.vector_load %arg13[%get3A_128, %get3A_129] {strides = array<i32>} : memref<128x128xf32, #tpu.memory_space<vmem>>, vector<16xf32>,
      %add3A_131 = arith.addf %get3A_127, %get3A_130 : vector<16xf32>
      %max3A_132 = arith.constant 0.000000e+00 : f32
      %max3A_133 = vector.broadcast %max3A_132 : f32 to vector<16xf32>
      %max3A_134 = arith.maximumf %add3A_131, %max3A_133 : vector<16xf32>
      %swap3A_135 = arith.index_cast %scan3A_61 : i32 to index
      %swap3A_136 = arith.constant 80 : index
      %swap3A_137 = tpu.vector_load %arg15[%swap3A_135, %swap3A_136] {strides = array<i32>} : memref<128x128xf32, #tpu.memory_space<vmem>>, vector<16xf32>,
      tpu.vector_store %arg15[%swap3A_135, %swap3A_136], %max3A_134 {strides = array<i32>} : memref<128x128xf32, #tpu.memory_space<vmem>>, vector<16xf32>,
      %get3A_138 = arith.index_cast %scan3A_61 : i32 to index
      %get3A_139 = arith.constant 96 : index
      %get3A_140 = tpu.vector_load %arg11[%get3A_138, %get3A_139] {strides = array<i32>} : memref<128x128xf32, #tpu.memory_space<vmem>>, vector<16xf32>,
      %get3A_141 = arith.index_cast %scan3A_61 : i32 to index
      %get3A_142 = arith.constant 96 : index
      %get3A_143 = tpu.vector_load %arg13[%get3A_141, %get3A_142] {strides = array<i32>} : memref<128x128xf32, #tpu.memory_space<vmem>>, vector<16xf32>,
      %add3A_144 = arith.addf %get3A_140, %get3A_143 : vector<16xf32>
      %max3A_145 = arith.constant 0.000000e+00 : f32
      %max3A_146 = vector.broadcast %max3A_145 : f32 to vector<16xf32>
      %max3A_147 = arith.maximumf %add3A_144, %max3A_146 : vector<16xf32>
      %swap3A_148 = arith.index_cast %scan3A_61 : i32 to index
      %swap3A_149 = arith.constant 96 : index
      %swap3A_150 = tpu.vector_load %arg15[%swap3A_148, %swap3A_149] {strides = array<i32>} : memref<128x128xf32, #tpu.memory_space<vmem>>, vector<16xf32>,
      tpu.vector_store %arg15[%swap3A_148, %swap3A_149], %max3A_147 {strides = array<i32>} : memref<128x128xf32, #tpu.memory_space<vmem>>, vector<16xf32>,
      %get3A_151 = arith.index_cast %scan3A_61 : i32 to index
      %get3A_152 = arith.constant 112 : index
      %get3A_153 = tpu.vector_load %arg11[%get3A_151, %get3A_152] {strides = array<i32>} : memref<128x128xf32, #tpu.memory_space<vmem>>, vector<16xf32>,
      %get3A_154 = arith.index_cast %scan3A_61 : i32 to index
      %get3A_155 = arith.constant 112 : index
      %get3A_156 = tpu.vector_load %arg13[%get3A_154, %get3A_155] {strides = array<i32>} : memref<128x128xf32, #tpu.memory_space<vmem>>, vector<16xf32>,
      %add3A_157 = arith.addf %get3A_153, %get3A_156 : vector<16xf32>
      %max3A_158 = arith.constant 0.000000e+00 : f32
      %max3A_159 = vector.broadcast %max3A_158 : f32 to vector<16xf32>
      %max3A_160 = arith.maximumf %add3A_157, %max3A_159 : vector<16xf32>
      %swap3A_161 = arith.index_cast %scan3A_61 : i32 to index
      %swap3A_162 = arith.constant 112 : index
      %swap3A_163 = tpu.vector_load %arg15[%swap3A_161, %swap3A_162] {strides = array<i32>} : memref<128x128xf32, #tpu.memory_space<vmem>>, vector<16xf32>,
      tpu.vector_store %arg15[%swap3A_161, %swap3A_162], %max3A_160 {strides = array<i32>} : memref<128x128xf32, #tpu.memory_space<vmem>>, vector<16xf32>,
      %scan3A_164 = arith.constant 0 : i32
      %scan3A_165 = arith.constant 1 : i32
      %scan3A_166 = arith.addi %scan3A_61, %scan3A_165 : i32
      %get3A_167 = arith.index_cast %scan3A_166 : i32 to index
      %get3A_168 = arith.constant 0 : index
      %get3A_169 = tpu.vector_load %arg11[%get3A_167, %get3A_168] {strides = array<i32>} : memref<128x128xf32, #tpu.memory_space<vmem>>, vector<16xf32>,
      %get3A_170 = arith.index_cast %scan3A_166 : i32 to index
      %get3A_171 = arith.constant 0 : index
      %get3A_172 = tpu.vector_load %arg13[%get3A_170, %get3A_171] {strides = array<i32>} : memref<128x128xf32, #tpu.memory_space<vmem>>, vector<16xf32>,
      %add3A_173 = arith.addf %get3A_169, %get3A_172 : vector<16xf32>
      %max3A_174 = arith.constant 0.000000e+00 : f32
      %max3A_175 = vector.broadcast %max3A_174 : f32 to vector<16xf32>
      %max3A_176 = arith.maximumf %add3A_173, %max3A_175 : vector<16xf32>
      %swap3A_177 = arith.index_cast %scan3A_166 : i32 to index
      %swap3A_178 = arith.constant 0 : index
      %swap3A_179 = tpu.vector_load %arg15[%swap3A_177, %swap3A_178] {strides = array<i32>} : memref<128x128xf32, #tpu.memory_space<vmem>>, vector<16xf32>,
      tpu.vector_store %arg15[%swap3A_177, %swap3A_178], %max3A_176 {strides = array<i32>} : memref<128x128xf32, #tpu.memory_space<vmem>>, vector<16xf32>,
      %get3A_180 = arith.index_cast %scan3A_166 : i32 to index
      %get3A_181 = arith.constant 16 : index
      %get3A_182 = tpu.vector_load %arg11[%get3A_180, %get3A_181] {strides = array<i32>} : memref<128x128xf32, #tpu.memory_space<vmem>>, vector<16xf32>,
      %get3A_183 = arith.index_cast %scan3A_166 : i32 to index
      %get3A_184 = arith.constant 16 : index
      %get3A_185 = tpu.vector_load %arg13[%get3A_183, %get3A_184] {strides = array<i32>} : memref<128x128xf32, #tpu.memory_space<vmem>>, vector<16xf32>,
      %add3A_186 = arith.addf %get3A_182, %get3A_185 : vector<16xf32>
      %max3A_187 = arith.constant 0.000000e+00 : f32
      %max3A_188 = vector.broadcast %max3A_187 : f32 to vector<16xf32>
      %max3A_189 = arith.maximumf %add3A_186, %max3A_188 : vector<16xf32>
      %swap3A_190 = arith.index_cast %scan3A_166 : i32 to index
      %swap3A_191 = arith.constant 16 : index
      %swap3A_192 = tpu.vector_load %arg15[%swap3A_190, %swap3A_191] {strides = array<i32>} : memref<128x128xf32, #tpu.memory_space<vmem>>, vector<16xf32>,
      tpu.vector_store %arg15[%swap3A_190, %swap3A_191], %max3A_189 {strides = array<i32>} : memref<128x128xf32, #tpu.memory_space<vmem>>, vector<16xf32>,
      %get3A_193 = arith.index_cast %scan3A_166 : i32 to index
      %get3A_194 = arith.constant 32 : index
      %get3A_195 = tpu.vector_load %arg11[%get3A_193, %get3A_194] {strides = array<i32>} : memref<128x128xf32, #tpu.memory_space<vmem>>, vector<16xf32>,
      %get3A_196 = arith.index_cast %scan3A_166 : i32 to index
      %get3A_197 = arith.constant 32 : index
      %get3A_198 = tpu.vector_load %arg13[%get3A_196, %get3A_197] {strides = array<i32>} : memref<128x128xf32, #tpu.memory_space<vmem>>, vector<16xf32>,
      %add3A_199 = arith.addf %get3A_195, %get3A_198 : vector<16xf32>
      %max3A_200 = arith.constant 0.000000e+00 : f32
      %max3A_201 = vector.broadcast %max3A_200 : f32 to vector<16xf32>
      %max3A_202 = arith.maximumf %add3A_199, %max3A_201 : vector<16xf32>
      %swap3A_203 = arith.index_cast %scan3A_166 : i32 to index
      %swap3A_204 = arith.constant 32 : index
      %swap3A_205 = tpu.vector_load %arg15[%swap3A_203, %swap3A_204] {strides = array<i32>} : memref<128x128xf32, #tpu.memory_space<vmem>>, vector<16xf32>,
      tpu.vector_store %arg15[%swap3A_203, %swap3A_204], %max3A_202 {strides = array<i32>} : memref<128x128xf32, #tpu.memory_space<vmem>>, vector<16xf32>,
      %get3A_206 = arith.index_cast %scan3A_166 : i32 to index
      %get3A_207 = arith.constant 48 : index
      %get3A_208 = tpu.vector_load %arg11[%get3A_206, %get3A_207] {strides = array<i32>} : memref<128x128xf32, #tpu.memory_space<vmem>>, vector<16xf32>,
      %get3A_209 = arith.index_cast %scan3A_166 : i32 to index
      %get3A_210 = arith.constant 48 : index
      %get3A_211 = tpu.vector_load %arg13[%get3A_209, %get3A_210] {strides = array<i32>} : memref<128x128xf32, #tpu.memory_space<vmem>>, vector<16xf32>,
      %add3A_212 = arith.addf %get3A_208, %get3A_211 : vector<16xf32>
      %max3A_213 = arith.constant 0.000000e+00 : f32
      %max3A_214 = vector.broadcast %max3A_213 : f32 to vector<16xf32>
      %max3A_215 = arith.maximumf %add3A_212, %max3A_214 : vector<16xf32>
      %swap3A_216 = arith.index_cast %scan3A_166 : i32 to index
      %swap3A_217 = arith.constant 48 : index
      %swap3A_218 = tpu.vector_load %arg15[%swap3A_216, %swap3A_217] {strides = array<i32>} : memref<128x128xf32, #tpu.memory_space<vmem>>, vector<16xf32>,
      tpu.vector_store %arg15[%swap3A_216, %swap3A_217], %max3A_215 {strides = array<i32>} : memref<128x128xf32, #tpu.memory_space<vmem>>, vector<16xf32>,
      %get3A_219 = arith.index_cast %scan3A_166 : i32 to index
      %get3A_220 = arith.constant 64 : index
      %get3A_221 = tpu.vector_load %arg11[%get3A_219, %get3A_220] {strides = array<i32>} : memref<128x128xf32, #tpu.memory_space<vmem>>, vector<16xf32>,
      %get3A_222 = arith.index_cast %scan3A_166 : i32 to index
      %get3A_223 = arith.constant 64 : index
      %get3A_224 = tpu.vector_load %arg13[%get3A_222, %get3A_223] {strides = array<i32>} : memref<128x128xf32, #tpu.memory_space<vmem>>, vector<16xf32>,
      %add3A_225 = arith.addf %get3A_221, %get3A_224 : vector<16xf32>
      %max3A_226 = arith.constant 0.000000e+00 : f32
      %max3A_227 = vector.broadcast %max3A_226 : f32 to vector<16xf32>
      %max3A_228 = arith.maximumf %add3A_225, %max3A_227 : vector<16xf32>
      %swap3A_229 = arith.index_cast %scan3A_166 : i32 to index
      %swap3A_230 = arith.constant 64 : index
      %swap3A_231 = tpu.vector_load %arg15[%swap3A_229, %swap3A_230] {strides = array<i32>} : memref<128x128xf32, #tpu.memory_space<vmem>>, vector<16xf32>,
      tpu.vector_store %arg15[%swap3A_229, %swap3A_230], %max3A_228 {strides = array<i32>} : memref<128x128xf32, #tpu.memory_space<vmem>>, vector<16xf32>,
      %get3A_232 = arith.index_cast %scan3A_166 : i32 to index
      %get3A_233 = arith.constant 80 : index
      %get3A_234 = tpu.vector_load %arg11[%get3A_232, %get3A_233] {strides = array<i32>} : memref<128x128xf32, #tpu.memory_space<vmem>>, vector<16xf32>,
      %get3A_235 = arith.index_cast %scan3A_166 : i32 to index
      %get3A_236 = arith.constant 80 : index
      %get3A_237 = tpu.vector_load %arg13[%get3A_235, %get3A_236] {strides = array<i32>} : memref<128x128xf32, #tpu.memory_space<vmem>>, vector<16xf32>,
      %add3A_238 = arith.addf %get3A_234, %get3A_237 : vector<16xf32>
      %max3A_239 = arith.constant 0.000000e+00 : f32
      %max3A_240 = vector.broadcast %max3A_239 : f32 to vector<16xf32>
      %max3A_241 = arith.maximumf %add3A_238, %max3A_240 : vector<16xf32>
      %swap3A_242 = arith.index_cast %scan3A_166 : i32 to index
      %swap3A_243 = arith.constant 80 : index
      %swap3A_244 = tpu.vector_load %arg15[%swap3A_242, %swap3A_243] {strides = array<i32>} : memref<128x128xf32, #tpu.memory_space<vmem>>, vector<16xf32>,
      tpu.vector_store %arg15[%swap3A_242, %swap3A_243], %max3A_241 {strides = array<i32>} : memref<128x128xf32, #tpu.memory_space<vmem>>, vector<16xf32>,
      %get3A_245 = arith.index_cast %scan3A_166 : i32 to index
      %get3A_246 = arith.constant 96 : index
      %get3A_247 = tpu.vector_load %arg11[%get3A_245, %get3A_246] {strides = array<i32>} : memref<128x128xf32, #tpu.memory_space<vmem>>, vector<16xf32>,
      %get3A_248 = arith.index_cast %scan3A_166 : i32 to index
      %get3A_249 = arith.constant 96 : index
      %get3A_250 = tpu.vector_load %arg13[%get3A_248, %get3A_249] {strides = array<i32>} : memref<128x128xf32, #tpu.memory_space<vmem>>, vector<16xf32>,
      %add3A_251 = arith.addf %get3A_247, %get3A_250 : vector<16xf32>
      %max3A_252 = arith.constant 0.000000e+00 : f32
      %max3A_253 = vector.broadcast %max3A_252 : f32 to vector<16xf32>
      %max3A_254 = arith.maximumf %add3A_251, %max3A_253 : vector<16xf32>
      %swap3A_255 = arith.index_cast %scan3A_166 : i32 to index
      %swap3A_256 = arith.constant 96 : index
      %swap3A_257 = tpu.vector_load %arg15[%swap3A_255, %swap3A_256] {strides = array<i32>} : memref<128x128xf32, #tpu.memory_space<vmem>>, vector<16xf32>,
      tpu.vector_store %arg15[%swap3A_255, %swap3A_256], %max3A_254 {strides = array<i32>} : memref<128x128xf32, #tpu.memory_space<vmem>>, vector<16xf32>,
      %get3A_258 = arith.index_cast %scan3A_166 : i32 to index
      %get3A_259 = arith.constant 112 : index
      %get3A_260 = tpu.vector_load %arg11[%get3A_258, %get3A_259] {strides = array<i32>} : memref<128x128xf32, #tpu.memory_space<vmem>>, vector<16xf32>,
      %get3A_261 = arith.index_cast %scan3A_166 : i32 to index
      %get3A_262 = arith.constant 112 : index
      %get3A_263 = tpu.vector_load %arg13[%get3A_261, %get3A_262] {strides = array<i32>} : memref<128x128xf32, #tpu.memory_space<vmem>>, vector<16xf32>,
      %add3A_264 = arith.addf %get3A_260, %get3A_263 : vector<16xf32>
      %max3A_265 = arith.constant 0.000000e+00 : f32
      %max3A_266 = vector.broadcast %max3A_265 : f32 to vector<16xf32>
      %max3A_267 = arith.maximumf %add3A_264, %max3A_266 : vector<16xf32>
      %swap3A_268 = arith.index_cast %scan3A_166 : i32 to index
      %swap3A_269 = arith.constant 112 : index
      %swap3A_270 = tpu.vector_load %arg15[%swap3A_268, %swap3A_269] {strides = array<i32>} : memref<128x128xf32, #tpu.memory_space<vmem>>, vector<16xf32>,
      tpu.vector_store %arg15[%swap3A_268, %swap3A_269], %max3A_267 {strides = array<i32>} : memref<128x128xf32, #tpu.memory_space<vmem>>, vector<16xf32>,
      %scan3A_271 = arith.constant 0 : i32
      scf.yield %scan3A_271 : i32
    }
    %scan3A_40 = arith.constant 128 : i32
    %min3A_41 = arith.constant 9984 : i32
    %min3A_42 = arith.constant 9872 : i32
    %min3A_43 = arith.minsi %min3A_41, %min3A_42 : i32
    %add3A_44 = arith.addi %mul3A_2, %min3A_43 : i32
    %dma_start3A_45 = arith.constant 0 : i32
    %dma_start3A_46 = tpu.memref_slice %arg6[%add3A_44, %dma_start3A_45] : memref<320000x128xf32, #tpu.memory_space<hbm>> -> memref<128x128xf32, #tpu.memory_space<hbm>>
    %dma_start3A_47 = arith.constant 0 : i32
    %dma_start3A_48 = tpu.memref_slice %arg6[%add3A_44, %dma_start3A_47] : memref<320000x128xf32, #tpu.memory_space<hbm>> -> memref<128x128xf32, #tpu.memory_space<hbm>>
    tpu.enqueue_dma source(%arg15 : memref<128x128xf32, #tpu.memory_space<vmem>>) target(%dma_start3A_48 : memref<128x128xf32, #tpu.memory_space<hbm>>) target_semaphore(%arg19 : memref<!tpu.dma_semaphore, #tpu.memory_space<semaphore_mem>>)
    %dma_wait3A_49 = arith.constant 0 : i32
    %dma_wait3A_50 = arith.constant 0 : i32
    %dma_wait3A_51 = tpu.memref_slice %arg6[%dma_wait3A_49, %dma_wait3A_50] : memref<320000x128xf32, #tpu.memory_space<hbm>> -> memref<128x128xf32, #tpu.memory_space<hbm>>
    %dma_wait3A_52 = arith.constant 0 : i32
    %dma_wait3A_53 = arith.constant 0 : i32
    %dma_wait3A_54 = tpu.memref_slice %arg6[%dma_wait3A_52, %dma_wait3A_53] : memref<320000x128xf32, #tpu.memory_space<hbm>> -> memref<128x128xf32, #tpu.memory_space<hbm>>
    tpu.wait_dma2 semaphore(%arg19 : memref<!tpu.dma_semaphore, #tpu.memory_space<semaphore_mem>>) src(%arg15 : memref<128x128xf32, #tpu.memory_space<vmem>>) dst(%dma_wait3A_54 : memref<128x128xf32, #tpu.memory_space<hbm>>)
    %dma_wait3A_55 = arith.constant 0 : i32
    %dma_wait3A_56 = arith.constant 0 : i32
    %dma_wait3A_57 = tpu.memref_slice %arg6[%dma_wait3A_55, %dma_wait3A_56] : memref<320000x128xf32, #tpu.memory_space<hbm>> -> memref<128x128xf32, #tpu.memory_space<hbm>>
    %dma_wait3A_58 = arith.constant 0 : i32
    %dma_wait3A_59 = arith.constant 0 : i32
    %dma_wait3A_60 = tpu.memref_slice %arg6[%dma_wait3A_58, %dma_wait3A_59] : memref<320000x128xf32, #tpu.memory_space<hbm>> -> memref<128x128xf32, #tpu.memory_space<hbm>>
    tpu.wait_dma2 semaphore(%arg20 : memref<!tpu.dma_semaphore, #tpu.memory_space<semaphore_mem>>) src(%arg16 : memref<128x128xf32, #tpu.memory_space<vmem>>) dst(%dma_wait3A_60 : memref<128x128xf32, #tpu.memory_space<hbm>>)
    return
  }
}

module attributes {stable_mosaic.version = 14 : i64} {
  func.func @_k1_body(%arg0: i32, %arg1: memref<1000x128xf32, #tpu.memory_space<vmem>>, %arg2: memref<128x128xf32, #tpu.memory_space<vmem>>, %arg3: memref<128x128xf32, #tpu.memory_space<vmem>>, %arg4: memref<1x128xf32, #tpu.memory_space<vmem>>, %arg5: memref<1000x128xf32, #tpu.memory_space<vmem>>, %arg6: memref<1000x128xf32, #tpu.memory_space<vmem>>) attributes {dimension_semantics = [#tpu.dimension_semantics<arbitrary>], iteration_bounds = array<i64: 10>, scalar_prefetch = 0 : i64, scratch_operands = 0 : i64, tpu.core_type = #tpu.core_type<tc>, window_params = [{transform_indices = @transform_0, window_bounds = array<i64: 1000, 128>}, {pipeline_mode = #tpu.pipeline_mode<synchronous>, transform_indices = @transform_1, window_bounds = array<i64: 128, 128>}, {pipeline_mode = #tpu.pipeline_mode<synchronous>, transform_indices = @transform_2, window_bounds = array<i64: 128, 128>}, {pipeline_mode = #tpu.pipeline_mode<synchronous>, transform_indices = @transform_3, window_bounds = array<i64: 1, 128>}, {transform_indices = @transform_4, window_bounds = array<i64: 1000, 128>}, {transform_indices = @transform_5, window_bounds = array<i64: 1000, 128>}]} {
    %get3A = arith.constant 0 : index
    %get3A_0 = arith.constant 0 : index
    %get3A_1 = vector.load %arg1[%get3A, %get3A_0] : memref<1000x128xf32, #tpu.memory_space<vmem>>, vector<1000x128xf32>
    %get3A_2 = arith.constant 0 : index
    %get3A_3 = arith.constant 0 : index
    %get3A_4 = vector.load %arg2[%get3A_2, %get3A_3] : memref<128x128xf32, #tpu.memory_space<vmem>>, vector<128x128xf32>
    %dot_general3A = arith.constant dense<0.000000e+00> : vector<1000x128xf32>
    %dot_general3A_5 = tpu.matmul %get3A_1, %get3A_4, %dot_general3A {dimension_numbers = #tpu.dot_dimension_numbers<[1], [0], [0], [1], [0, 0, 1, 1], [], []>, transpose_lhs_hint = false} : vector<1000x128xf32>, vector<128x128xf32>, vector<1000x128xf32> -> vector<1000x128xf32>
    %get3A_6 = arith.constant 0 : index
    %get3A_7 = arith.constant 0 : index
    %get3A_8 = vector.load %arg4[%get3A_6, %get3A_7] : memref<1x128xf32, #tpu.memory_space<vmem>>, vector<1x128xf32>
    %add3A = vector.broadcast %get3A_8 : vector<1x128xf32> to vector<1000x128xf32>
    %add3A_9 = arith.addf %dot_general3A_5, %add3A : vector<1000x128xf32>
    %swap3A = arith.constant 0 : index
    %swap3A_10 = arith.constant 0 : index
    %swap3A_11 = vector.load %arg5[%swap3A, %swap3A_10] : memref<1000x128xf32, #tpu.memory_space<vmem>>, vector<1000x128xf32>
    tpu.vector_store %arg5[%swap3A, %swap3A_10], %add3A_9 {strides = array<i32>} : memref<1000x128xf32, #tpu.memory_space<vmem>>, vector<1000x128xf32>,
    %get3A_12 = arith.constant 0 : index
    %get3A_13 = arith.constant 0 : index
    %get3A_14 = vector.load %arg3[%get3A_12, %get3A_13] : memref<128x128xf32, #tpu.memory_space<vmem>>, vector<128x128xf32>
    %dot_general3A_15 = arith.constant dense<0.000000e+00> : vector<1000x128xf32>
    %dot_general3A_16 = tpu.matmul %get3A_1, %get3A_14, %dot_general3A_15 {dimension_numbers = #tpu.dot_dimension_numbers<[1], [0], [0], [1], [0, 0, 1, 1], [], []>, transpose_lhs_hint = false} : vector<1000x128xf32>, vector<128x128xf32>, vector<1000x128xf32> -> vector<1000x128xf32>
    %swap3A_17 = arith.constant 0 : index
    %swap3A_18 = arith.constant 0 : index
    %swap3A_19 = vector.load %arg6[%swap3A_17, %swap3A_18] : memref<1000x128xf32, #tpu.memory_space<vmem>>, vector<1000x128xf32>
    tpu.vector_store %arg6[%swap3A_17, %swap3A_18], %dot_general3A_16 {strides = array<i32>} : memref<1000x128xf32, #tpu.memory_space<vmem>>, vector<1000x128xf32>,
    return
  }
  func.func @transform_0(%arg0: i32) -> (i32, i32) {
    %c0_i32 = arith.constant 0 : i32
    %c0_i32_0 = arith.constant 0 : i32
    return %arg0, %c0_i32 : i32, i32
  }
  func.func @transform_1(%arg0: i32) -> (i32, i32) {
    %c0_i32 = arith.constant 0 : i32
    %c0_i32_0 = arith.constant 0 : i32
    %c0_i32_1 = arith.constant 0 : i32
    return %c0_i32, %c0_i32_0 : i32, i32
  }
  func.func @transform_2(%arg0: i32) -> (i32, i32) {
    %c0_i32 = arith.constant 0 : i32
    %c0_i32_0 = arith.constant 0 : i32
    %c0_i32_1 = arith.constant 0 : i32
    return %c0_i32, %c0_i32_0 : i32, i32
  }
  func.func @transform_3(%arg0: i32) -> (i32, i32) {
    %c0_i32 = arith.constant 0 : i32
    %c0_i32_0 = arith.constant 0 : i32
    %c0_i32_1 = arith.constant 0 : i32
    return %c0_i32, %c0_i32_0 : i32, i32
  }
  func.func @transform_4(%arg0: i32) -> (i32, i32) {
    %c0_i32 = arith.constant 0 : i32
    %c0_i32_0 = arith.constant 0 : i32
    return %arg0, %c0_i32 : i32, i32
  }
  func.func @transform_5(%arg0: i32) -> (i32, i32) {
    %c0_i32 = arith.constant 0 : i32
    %c0_i32_0 = arith.constant 0 : i32
    return %arg0, %c0_i32 : i32, i32
  }
}

module attributes {stable_mosaic.version = 14 : i64} {
  func.func @_k3_body(%arg0: i32, %arg1: memref<1280x128xf32, #tpu.memory_space<vmem>>, %arg2: memref<128x128xf32, #tpu.memory_space<vmem>>, %arg3: memref<1x128xf32, #tpu.memory_space<vmem>>, %arg4: memref<1280x128xf32, #tpu.memory_space<vmem>>) attributes {dimension_semantics = [#tpu.dimension_semantics<arbitrary>], iteration_bounds = array<i64: 250>, scalar_prefetch = 0 : i64, scratch_operands = 0 : i64, tpu.core_type = #tpu.core_type<tc>, window_params = [{transform_indices = @transform_0, window_bounds = array<i64: 1280, 128>}, {pipeline_mode = #tpu.pipeline_mode<synchronous>, transform_indices = @transform_1, window_bounds = array<i64: 128, 128>}, {pipeline_mode = #tpu.pipeline_mode<synchronous>, transform_indices = @transform_2, window_bounds = array<i64: 1, 128>}, {transform_indices = @transform_3, window_bounds = array<i64: 1280, 128>}]} {
    %get3A = arith.constant 0 : index
    %get3A_0 = arith.constant 0 : index
    %get3A_1 = vector.load %arg1[%get3A, %get3A_0] : memref<1280x128xf32, #tpu.memory_space<vmem>>, vector<1280x128xf32>
    %get3A_2 = arith.constant 0 : index
    %get3A_3 = arith.constant 0 : index
    %get3A_4 = vector.load %arg2[%get3A_2, %get3A_3] : memref<128x128xf32, #tpu.memory_space<vmem>>, vector<128x128xf32>
    %dot_general3A = arith.constant dense<0.000000e+00> : vector<1280x128xf32>
    %dot_general3A_5 = tpu.matmul %get3A_1, %get3A_4, %dot_general3A {dimension_numbers = #tpu.dot_dimension_numbers<[1], [0], [0], [1], [0, 0, 1, 1], [], []>, transpose_lhs_hint = false} : vector<1280x128xf32>, vector<128x128xf32>, vector<1280x128xf32> -> vector<1280x128xf32>
    %get3A_6 = arith.constant 0 : index
    %get3A_7 = arith.constant 0 : index
    %get3A_8 = vector.load %arg3[%get3A_6, %get3A_7] : memref<1x128xf32, #tpu.memory_space<vmem>>, vector<1x128xf32>
    %add3A = vector.broadcast %get3A_8 : vector<1x128xf32> to vector<1280x128xf32>
    %add3A_9 = arith.addf %dot_general3A_5, %add3A : vector<1280x128xf32>
    %swap3A = arith.constant 0 : index
    %swap3A_10 = arith.constant 0 : index
    %swap3A_11 = vector.load %arg4[%swap3A, %swap3A_10] : memref<1280x128xf32, #tpu.memory_space<vmem>>, vector<1280x128xf32>
    tpu.vector_store %arg4[%swap3A, %swap3A_10], %add3A_9 {strides = array<i32>} : memref<1280x128xf32, #tpu.memory_space<vmem>>, vector<1280x128xf32>,
    return
  }
  func.func @transform_0(%arg0: i32) -> (i32, i32) {
    %c0_i32 = arith.constant 0 : i32
    %c0_i32_0 = arith.constant 0 : i32
    return %arg0, %c0_i32 : i32, i32
  }
  func.func @transform_1(%arg0: i32) -> (i32, i32) {
    %c0_i32 = arith.constant 0 : i32
    %c0_i32_0 = arith.constant 0 : i32
    %c0_i32_1 = arith.constant 0 : i32
    return %c0_i32, %c0_i32_0 : i32, i32
  }
  func.func @transform_2(%arg0: i32) -> (i32, i32) {
    %c0_i32 = arith.constant 0 : i32
    %c0_i32_0 = arith.constant 0 : i32
    %c0_i32_1 = arith.constant 0 : i32
    return %c0_i32, %c0_i32_0 : i32, i32
  }
  func.func @transform_3(%arg0: i32) -> (i32, i32) {
    %c0_i32 = arith.constant 0 : i32
    %c0_i32_0 = arith.constant 0 : i32
    return %arg0, %c0_i32 : i32, i32
  }
}

module attributes {stable_mosaic.version = 14 : i64} {
  func.func @_k5_body(%arg0: memref<10240x128xf32, #tpu.memory_space<vmem>>, %arg1: memref<1x128xf32, #tpu.memory_space<vmem>>, %arg2: memref<1x128xf32, #tpu.memory_space<vmem>>, %arg3: memref<10000x128xf32, #tpu.memory_space<vmem>>) attributes {dimension_semantics = [], scalar_prefetch = 0 : i64, scratch_operands = 0 : i64, tpu.core_type = #tpu.core_type<tc>} {
    %get3A = arith.constant 0 : index
    %get3A_0 = arith.constant 0 : index
    %get3A_1 = vector.load %arg0[%get3A, %get3A_0] : memref<10240x128xf32, #tpu.memory_space<vmem>>, vector<10240x128xf32>
    %eq3A = arith.constant 0xFF800000 : f32
    %eq3A_2 = vector.broadcast %eq3A : f32 to vector<10240x128xf32>
    %eq3A_3 = arith.cmpf oeq, %get3A_1, %eq3A_2 : vector<10240x128xf32>
    %jit3A = arith.constant 0.000000e+00 : f32
    %broadcast_in_dim3A = vector.broadcast %jit3A : f32 to vector<10240x128xf32>
    %select_n3A = arith.select %eq3A_3, %broadcast_in_dim3A, %get3A_1 : vector<10240x128xi1>, vector<10240x128xf32>
    %reduce_sum3A = arith.constant dense<0.000000e+00> : vector<128xf32>
    %reduce_sum3A_4 = vector.multi_reduction <add>, %select_n3A, %reduce_sum3A [0] : vector<10240x128xf32> to vector<128xf32>
    %broadcast_in_dim3A_5 = vector.shape_cast %reduce_sum3A_4 : vector<128xf32> to vector<1x128xf32>
    %mul3A = arith.mulf %select_n3A, %select_n3A : vector<10240x128xf32>
    %reduce_sum3A_6 = arith.constant dense<0.000000e+00> : vector<128xf32>
    %reduce_sum3A_7 = vector.multi_reduction <add>, %mul3A, %reduce_sum3A_6 [0] : vector<10240x128xf32> to vector<128xf32>
    %broadcast_in_dim3A_8 = vector.shape_cast %reduce_sum3A_7 : vector<128xf32> to vector<1x128xf32>
    %div3A = arith.constant 1.000000e+04 : f32
    %div3A_9 = vector.broadcast %div3A : f32 to vector<1x128xf32>
    %div3A_10 = arith.divf %broadcast_in_dim3A_5, %div3A_9 : vector<1x128xf32>
    %div3A_11 = arith.constant 1.000000e+04 : f32
    %div3A_12 = vector.broadcast %div3A_11 : f32 to vector<1x128xf32>
    %div3A_13 = arith.divf %broadcast_in_dim3A_8, %div3A_12 : vector<1x128xf32>
    %mul3A_14 = arith.mulf %div3A_10, %div3A_10 : vector<1x128xf32>
    %sub3A = arith.subf %div3A_13, %mul3A_14 : vector<1x128xf32>
    %slice3A = vector.extract_strided_slice %select_n3A {offsets = [0, 0], sizes = [10000, 128], strides = [1, 1]} : vector<10240x128xf32> to vector<10000x128xf32>
    %sub3A_15 = vector.broadcast %div3A_10 : vector<1x128xf32> to vector<10000x128xf32>
    %sub3A_16 = arith.subf %slice3A, %sub3A_15 : vector<10000x128xf32>
    %add3A = arith.constant 9.99999974E-6 : f32
    %add3A_17 = vector.broadcast %add3A : f32 to vector<1x128xf32>
    %add3A_18 = arith.addf %sub3A, %add3A_17 : vector<1x128xf32>
    %sqrt3A = math.sqrt %add3A_18 : vector<1x128xf32>
    %div3A_19 = vector.broadcast %sqrt3A : vector<1x128xf32> to vector<10000x128xf32>
    %div3A_20 = arith.divf %sub3A_16, %div3A_19 : vector<10000x128xf32>
    %get3A_21 = arith.constant 0 : index
    %get3A_22 = arith.constant 0 : index
    %get3A_23 = vector.load %arg1[%get3A_21, %get3A_22] : memref<1x128xf32, #tpu.memory_space<vmem>>, vector<1x128xf32>
    %mul3A_24 = vector.broadcast %get3A_23 : vector<1x128xf32> to vector<10000x128xf32>
    %mul3A_25 = arith.mulf %div3A_20, %mul3A_24 : vector<10000x128xf32>
    %get3A_26 = arith.constant 0 : index
    %get3A_27 = arith.constant 0 : index
    %get3A_28 = vector.load %arg2[%get3A_26, %get3A_27] : memref<1x128xf32, #tpu.memory_space<vmem>>, vector<1x128xf32>
    %add3A_29 = vector.broadcast %get3A_28 : vector<1x128xf32> to vector<10000x128xf32>
    %add3A_30 = arith.addf %mul3A_25, %add3A_29 : vector<10000x128xf32>
    %swap3A = arith.constant 0 : index
    %swap3A_31 = arith.constant 0 : index
    %swap3A_32 = vector.load %arg3[%swap3A, %swap3A_31] : memref<10000x128xf32, #tpu.memory_space<vmem>>, vector<10000x128xf32>
    tpu.vector_store %arg3[%swap3A, %swap3A_31], %add3A_30 {strides = array<i32>} : memref<10000x128xf32, #tpu.memory_space<vmem>>, vector<10000x128xf32>,
    return
  }
}

</mosaic_0001>

<sc_bundles>
// kernel: kernel.10.cloned.1.call-start
scs
__scs_entry_jumppad:
0x0: {  	(pc) =	sbr.rel $0x88, $3  }
0x1: {  	(tag) =	ssettag $0x0;
	lr =	simm.s32 $0x1  }
0x2: {  	[smem:$0x3F98] =	sst lr;
	_ =	strace $0xD0000000  }
0x3: {  	_ = 	snop  }
0x4: {  	_ = 	snop  }
0x5: {  	_ = 	snop  }
0x6: {  	_ = 	snop  }
0x7: {  	_ = 	snop  }
__scs_overlays_trampoline_lowered:
0x8: {  	[smem:$0x3FA7] =	sst s0  }
0x9: {  	[smem:$0x3FA8] =	sst s1  }
0xa: {  	[smem:$0x3FA9] =	sst s2  }
0xb: {  	[smem:$0x3FAA] =	sst s3  }
0xc: {  	[smem:$0x3FAB] =	sst s4  }
0xd: {  	[smem:$0x3FAC] =	sst s5  }
0xe: {  	[smem:$0x3FAD] =	sst s6  }
0xf: {  	[smem:$0x3FAE] =	sst s7  }
0x10: {  	[smem:$0x3FAF] =	sst s8  }
0x11: {  	[smem:$0x3FB0] =	sst s9;
	s0 =	simm.s32 @!p0 $0x0  }
0x12: {  	s1 =	sld [smem:$0x3F96];
	s0 =	simm.s32 @p0 $0x1  }
0x13: {  	[smem:$0x3FB1] =	sst s0;
	s0 =	simm.s32 @!p1 $0x0  }
0x14: {  	s2 =	sld [smem:$0x3F95];
	s0 =	simm.s32 @p1 $0x1  }
0x15: {  	[smem:$0x3FB2] =	sst s0;
	s0 =	simm.s32 @!p2 $0x0  }
0x16: {  	s3 =	sld [smem:$0x3FDB];
	s0 =	simm.s32 @p2 $0x1  }
0x17: {  	s4 =	simm.s32 $0x1BF5;
	[smem:$0x3FB4] =	sst s0  }
0x18: {  	s0 =	sld [smem:$0x3F97];
	_ =	swait.ge [sflag:s4], $0x0  }
0x19: {  	s7 =	sld [smem:$0x3F98]  }
0x1a: {  	s8 =	sadd.s32 $0xFFFFE003, lr  }
0x1b: {  	s9 =	sadd.s32 $0xFFFFFEF7, lr;
	s5 =	simm.s32 $0xFFFFFFFF;
	p2 =	slt.u32 s8, $0xFFFFF086  }
0x1c: {  	p1 =	slt.u32 s9, $0xF7A;
	s5 =	simm.s32 @!p2 $0x0  }
0x1d: {  	s5 =	simm.s32 @p1 $0x1;
	p0 =	seq.s32 s7, s2  }
0x1e: {  	s7 =	smul.u32 @!p0 $0xF7A, s2;
	p2 =	seq.s32 @!p0 s5, $0x0  }
0x1f: {  	s9 =	smul.u32 $0xF7A, s1;
	s8 =	simm.s32 @!p0 $0x1BF5;
	p2 =	por !p2, p0  }
0x20: {  	[sflag:s8] =	ssyncset.s32 @!p0 $0xFFFFF086;
	s6 =	sadd.s32 @!p0 s3, s7;
	s7 =	simm.s32 @!p0 $0x108  }
0x21: {  	s3 =	sadd.s32 s3, s9;
	s6 =	sadd.s32 @!p0 $0x88, s6;
	s7 =	simm.s32 @p2 $0x1082  }
0x22: {  	[simem:s7], [sflag:s8] =	dma.local @!p0 [hbm:s6], $0xF7A  }
0x23: {  	s9 =	sor.u32 $0xD0000000, s2;
	s6 =	simm.s32 $0x108;
	_ =	swait.ge @!p0 [sflag:s8], $0x0  }
0x24: {  	s3 =	sadd.s32 $0x88, s3;
	s6 =	simm.s32 @!p1 $0x1082;
	[sflag:s4] =	ssyncset.s32 $0xFFFFF086  }
0x25: {  	[simem:s6], [sflag:s4] =	dma.local [hbm:s3], $0xF7A  }
0x26: {  	[smem:$0x3F98] =	sst s1;
	(tag) =	ssettag s2;
	_ =	strace s9  }
0x27: {  	s1 =	sld [smem:$0x3FA8]  }
0x28: {  	s2 =	sld [smem:$0x3FA9]  }
0x29: {  	s4 =	sld [smem:$0x3FAB]  }
0x2a: {  	p0 =	seq.s32 s5, $0x0;
	s5 =	sld [smem:$0x3FAC]  }
0x2b: {  	s6 =	sld [smem:$0x3FAD]  }
0x2c: {  	s7 =	sld [smem:$0x3FAE]  }
0x2d: {  	s3 =	simm.s32 $0x108;
	s8 =	sld [smem:$0x3FAF]  }
0x2e: {  	s3 =	simm.s32 @!p0 $0x1082;
	s9 =	sld [smem:$0x3FB0]  }
0x2f: {  	lr =	sadd.s32 s0, s3;
	s0 =	sld [smem:$0x3FA7]  }
0x30: {  	s3 =	sld [smem:$0x3FAA]  }
0x31: {  	[smem:$0x3FB3] =	sst s10  }
0x32: {  	s10 =	sld [smem:$0x3FB1];
	_ =	sdelay $0x3  }
0x33: {  	p0 =	seq.s32 s10, $0x1;
	s10 =	sld [smem:$0x3FB3];
	_ =	sdelay $0x3  }
0x34: {  	[smem:$0x3FB3] =	sst s10  }
0x35: {  	s10 =	sld [smem:$0x3FB2];
	_ =	sdelay $0x3  }
0x36: {  	p1 =	seq.s32 s10, $0x1;
	s10 =	sld [smem:$0x3FB3];
	_ =	sdelay $0x3  }
0x37: {  	[smem:$0x3FB3] =	sst s10  }
0x38: {  	s10 =	sld [smem:$0x3FB4]  }
0x39: {  	_ = 	snop;
	(pc) =	sbr.ind lr, $3  }
0x3a: {  	_ = 	snop  }
0x3b: {  	_ = 	snop  }
0x3c: {  	p2 =	seq.s32 s10, $0x1;
	s10 =	sld [smem:$0x3FB3]  }
0x3d: {  	_ =	shalt  }
0x3e: {  	_ =	shalt  }
0x3f: {  	_ =	shalt  }
0x40: {  	_ =	shalt  }
0x41: {  	_ =	shalt  }
0x42: {  	_ =	shalt  }
0x43: {  	_ =	shalt  }
0x44: {  	_ =	shalt  }
0x45: {  	_ =	shalt  }
0x46: {  	_ =	shalt  }
0x47: {  	_ =	shalt  }
0x48: {  	_ =	shalt  }
0x49: {  	_ =	shalt  }
0x4a: {  	_ =	shalt  }
0x4b: {  	_ =	shalt  }
0x4c: {  	_ =	shalt  }
0x4d: {  	_ =	shalt  }
0x4e: {  	_ =	shalt  }
0x4f: {  	_ =	shalt  }
0x50: {  	_ =	shalt  }
0x51: {  	_ =	shalt  }
0x52: {  	_ =	shalt  }
0x53: {  	_ =	shalt  }
0x54: {  	_ =	shalt  }
0x55: {  	_ =	shalt  }
0x56: {  	_ =	shalt  }
0x57: {  	_ =	shalt  }
0x58: {  	_ =	shalt  }
0x59: {  	_ =	shalt  }
0x5a: {  	_ =	shalt  }
0x5b: {  	_ =	shalt  }
0x5c: {  	_ =	shalt  }
0x5d: {  	_ =	shalt  }
0x5e: {  	_ =	shalt  }
0x5f: {  	_ =	shalt  }
0x60: {  	_ =	shalt  }
0x61: {  	_ =	shalt  }
0x62: {  	_ =	shalt  }
0x63: {  	_ =	shalt  }
0x64: {  	_ =	shalt  }
0x65: {  	_ =	shalt  }
0x66: {  	_ =	shalt  }
0x67: {  	_ =	shalt  }
0x68: {  	_ =	shalt  }
0x69: {  	_ =	shalt  }
0x6a: {  	_ =	shalt  }
0x6b: {  	_ =	shalt  }
0x6c: {  	_ =	shalt  }
0x6d: {  	_ =	shalt  }
0x6e: {  	_ =	shalt  }
0x6f: {  	_ =	shalt  }
0x70: {  	_ =	shalt  }
0x71: {  	_ =	shalt  }
0x72: {  	_ =	shalt  }
0x73: {  	_ =	shalt  }
0x74: {  	_ =	shalt  }
0x75: {  	_ =	shalt  }
0x76: {  	_ =	shalt  }
0x77: {  	_ =	shalt  }
0x78: {  	_ =	shalt  }
0x79: {  	_ =	shalt  }
0x7a: {  	_ =	shalt  }
0x7b: {  	_ =	shalt  }
0x7c: {  	_ =	shalt  }
0x7d: {  	_ =	shalt  }
0x7e: {  	_ =	shalt  }
0x7f: {  	_ =	shalt  }
0x80: {  	_ =	shalt  }
0x81: {  	_ =	shalt  }
0x82: {  	_ =	shalt  }
0x83: {  	_ =	shalt  }
0x84: {  	_ =	shalt  }
0x85: {  	_ =	shalt  }
0x86: {  	_ =	shalt  }
0x87: {  	_ =	shalt  }
.Lfunc_end0:
.L_simem_size_0:
called_computation.1_lowered:
.L_overlay_start_0:
0x88: {  	s2 =	sld [smem:$0x3FD9]  }
0x89: {  	s3 =	sld [smem:$0x3FFE];
	_ =	sdelay $0x1  }
0x8a: {  	s1 =	srdreg.scid  }
0x8b: {  	s0 =	sand.u32 $0x1, s1  }
0x8c: {  	s14 =	sshll.u32 s0, $0xA;
	s2 =	sadd.s32 s3, s2  }
0x8d: {  	s2 =	sadd.s32 s2, s14  }
0x8e: {  	[smem:$0x3FBF] =	sst s2  }
0x8f: {  	_ = 	snop  }
0x90: {  	s2 =	sld [smem:$0x3FD0];
	_ =	sdelay $0x2  }
0x91: {  	s15 =	simm.s32 $0xA;
	s4 =	simm.s32 $0x10  }
0x92: {  	[smem:s4], [sflag:s15] =	dma.local [hbm:s2], $0x1  }
0x93: {  	_ =	swait.eq [sflag:s15], $0x1  }
0x94: {  	[sflag:s15] =	ssyncset.done $0x0  }
0x95: {  	[sflag:s15] =	ssyncadd.s32 $0xFFFFFFFF  }
0x96: {  	s16 =	sld [smem:$0x12];
	(tm) =	ssettm $0x1  }
0x97: {  	s17 =	sld [smem:$0x3FFB];
	_ =	sdelay $0x3  }
0x98: {  	_ =	strace s17  }
0x99: {  	s3 =	sld [smem:$0x3FFC];
	_ =	sdelay $0x3  }
0x9a: {  	_ =	strace s3  }
0x9b: {  	s3 =	sld [smem:$0x3FFD];
	_ =	sdelay $0x3  }
0x9c: {  	_ =	strace s3  }
0x9d: {  	_ =	strace $0x8FFFFFFF  }
0x9e: {  	s18 =	sld [smem:$0x3FDB];
	_ =	sdelay $0x1  }
0x9f: {  	s19 =	simm.s32 $_scs_section_size  }
0xa0: {  	s5 =	simm.s32 $_size__tile_overlayer_lowered;
	s6 =	simm.s32 $_tile_overlayer_lowered  }
0xa1: {  	s22 =	simm.s32 $0x1BFF;
	s21 =	sshll.u32 s6, $0x1;
	s3 =	sadd.s32 s19, s18  }
0xa2: {  	s7 =	simm.s32 $0x0;
	s20 =	sshll.u32 s5, $0x1;
	s5 =	sadd.s32 s21, s3  }
0xa3: {  	[timem:s7], [sflag:s22] =	dma.local [hbm:s5], s20  }
0xa4: {  	_ =	swait.ge [sflag:s22], s20  }
0xa5: {  	s4 =	ssub.s32 $0x0, s20;
	[sflag:s22] =	ssyncset.done $0x0  }
0xa6: {  	[sflag:s22] =	ssyncadd.s32 s4;
	_ =	sdelay $0x1  }
0xa7: {  	s23 =	simm.s32 $0x1B8B  }
0xa8: {  	_ =	swait.ge [sflag:s23], $0x1  }
0xa9: {  	[sflag:s23] =	ssyncset.done $0x0  }
0xaa: {  	s25 =	simm.s32 $0x1B8E;
	s24 =	sld [smem:$0x3FFE];
	[sflag:s23] =	ssyncadd.s32 $0xFFFFFFFF  }
0xab: {  	s26 =	simm.s32 $execute0_lowered;
	[smem:$0x3FD2] =	sst s25  }
0xac: {  	s5 =	sshll.u32 s26, $0x1;
	_ =	strace $0x80000049;
	[dreg:$0x1] =	wrdreg $0xFFFFFFFF  }
0xad: {  	s28 =	simm.s32 $_size_execute0_lowered;
	s3 =	sadd.s32 s3, s5;
	[dreg:$0x0] =	wrdreg $0x0  }
0xae: {  	s5 =	sshll.u32 s28, $0x1;
	[dreg:$0x2] =	wrdreg s3  }
0xaf: {  	[dreg:$0x3] =	wrdreg s5  }
0xb0: {  	[dreg:$0x4] =	wrdreg $0xC0  }
0xb1: {  	_ =	task [dreg:s7], $0x5FFFF  }
0xb2: {  	[dreg:$0x1] =	wrdreg $0xFFFFFFFF  }
0xb3: {  	[dreg:$0x0] =	wrdreg $0x60  }
0xb4: {  	[dreg:$0x2] =	wrdreg s24  }
0xb5: {  	[dreg:$0x3] =	wrdreg s16  }
0xb6: {  	[dreg:$0x4] =	wrdreg $0x9  }
0xb7: {  	_ =	task.clear_ibuf [dreg:s7], $0x5FFFF;
	_ =	strace $0x90000049  }
0xb8: {  	s29 =	simm.s32 $0x9;
	_ =	strace $0x8000004B  }
0xb9: {  	_ =	swait.ge [sflag:s29], $0x1  }
0xba: {  	[sflag:s29] =	ssyncadd.s32 $0xFFFFFFFF  }
0xbb: {  	_ =	strace $0x9000004B  }
0xbc: {  	_ =	sfence  }
0xbd: {  	s30 =	sld [smem:$0x0];
	_ =	sdelay $0x2  }
0xbe: {  	s31 =	sshll.u32 s1, $0xD;
	s1 =	sshrl.u32 s1, $0x2  }
0xbf: {  	s3 =	sand.u32 $0x4000, s31;
	s1 =	sadd.s32 s1, s30  }
0xc0: {  	s0 =	sor.u32 s3, s0;
	s1 =	sshll.u32 s1, $0x11  }
0xc1: {  	s0 =	sor.u32 s1, s0  }
0xc2: {  	s0 =	sadd.s32 $0x8F2B, s0  }
0xc3: {  	[sflag:s0] =	ssyncadd.remote.s32 $0x1  }
0xc4: {  	_ =	sfence.sel $0xFFFF  }
0xc5: {  	[dreg:$0x0] =	wrdreg $0xFFFFFFFF;
	(pc) =	sbr.abs _section_cstart, $3  }
0xc6: {  	[dreg:$0x1] =	wrdreg $0xFFFFFFFF  }
0xc7: {  	_ =	task.clear_ibuf [dreg:s7], $0x2FFFF;
	_ =	strace $0x9FFFFFFF  }
0xc8: {  	(tm) =	ssettm $0x7FFFFFFF  }
0xc9: {  	_ =	shalt  }
tec
execute0_lowered:
.L_overlay_start_1:
0x0: {  	(tag) =	ssettag $0x1  }
0x1: {  	s1 =	srdreg.scid;
	s4 =	rddreg [dreg:$0x0]  }
0x2: {  	s0 =	stileid.u32;
	s5 =	rddreg [dreg:$0x1];
	s2 =	simm.s32 $0x0  }
0x3: {  	s10 =	simm.s32 $0x14180;
	s3 =	sand.u32 $0x1, s1;
	s1 =	rddreg [dreg:$0x2]  }
0x4: {  	s11 =	simm.s32 $0x0;
	s30 =	sshll.u32 s0, $0x1;
	[smem:$0x7FF] =	sst s2  }
.Ltmp0:
0x5: {  	s6 =	sor.u32 s3, s30;
	_ =	strace $0x8000004A;
	(pc) =	sbr.rel .LBB2_1-.Ltmp0, $4  }
0x6: {  	v1 =	vlaneseq.u32;
	v2 =	vimm.f32 $-Inf;
	s8 =	ssub.s32 $0x2, s3;
	s3 =	sadd.s32 $0x4ED800, s4;
	s7 =	smul.u32 $0x140, s6  }
0x7: {  	v3 =	vimm.s32 $0x0;
	v4 =	vor.u32 $0x10, v1;
	v5 =	vor.u32 $0x20, v1;
	s4 =	sadd.s32 $0x1A00, s4;
	s6 =	smul.u32 $0x1400, s6;
	s9 =	sshrl.u32 s8, $0x1  }
0x8: {  	v6 =	vor.u32 $0x30, v1;
	v7 =	vor.u32 $0x40, v1;
	v8 =	vor.u32 $0x50, v1;
	s31 =	ssub.s32 s8, s9;
	s8 =	simm.s32 $0x1F80;
	s9 =	simm.s32 $0x3F80  }
0x9: {  	v9 =	vor.u32 $0x60, v1;
	v10 =	vor.u32 $0x70, v1;
	v0 =	vmov s7;
	s5 =	sadd.s32 s5, s6;
	s6 =	smax.u32 s31, $0x1;
	s7 =	simm.s32 $0x2  }
.LBB2_43:
0xa: {  	s11 =	sadd.s32 $0x1, s11  }
0xb: {  	p0 =	sne.s32 s11, s6  }
.Ltmp1:
0xc: {  	_ = 	snop;
	(pc) =	sbr.rel @!p0 .LBB2_44-.Ltmp1, $4  }
0xd: {  	[hbm4b:s5+s2] =	stream.linear.scatter [tilespmem:s10], [sflag:$0x2], $0xA000, $0x38;
	[tilespmem:$0x1E200] =	vst v63  }
0xe: {  	_ =	swait.ge [sflag:s7], $0xA000  }
0xf: {  	[sflag:s7] =	ssyncset.done $0x0  }
0x10: {  	[sflag:s7] =	ssyncadd.s32 $0xFFFF6000  }
.LBB2_1:
0x11: {  	s14 =	simm.s32 $0x141A0  }
0x12: {  	[tilespmem:s14+$0xFFFFFFE0] =	vst v2  }
0x13: {  	[tilespmem:s14+$0x10] =	vst v2  }
0x14: {  	s12 =	simm.s32 $0x0;
	s13 =	simm.s32 $0x1FA0;
	[tilespmem:s14+$0x0] =	vst v2  }
.LBB2_2:
0x15: {  	s12 =	sadd.s32 $0x4, s12  }
0x16: {  	[tilespmem:s14+$0xFFFFFFF0] =	vst v2;
	s14 =	sadd.s32 $0x40, s14;
	p0 =	slt.u32 s12, $0xA04  }
.Ltmp2:
0x17: {  	[tilespmem:s14+$0xFFFFFFE0] =	vst v2;
	(pc) =	sbr.rel @p0 .LBB2_2-.Ltmp2, $3  }
0x18: {  	_ =	sdelay $0x1  }
0x19: {  	[tilespmem:s14+$0x10] =	vst v2  }
0x1a: {  	[tilespmem:s14+$0x0] =	vst v2  }
0x1b: {  	s12 =	simm.s32 $0x0  }
0x1c: {  	[tilespmem:s14+$0xFFFFFFF0] =	vst v2;
	s15 =	simm.s32 $0x10;
	s16 =	simm.s32 $0x20;
	s17 =	simm.s32 $0x30;
	v11 =	vor.u32 s12, v1  }
0x1d: {  	s14 =	simm.s32 $0x0;
	v12 =	vor.u32 s15, v1;
	v13 =	vor.u32 s17, v1;
	s15 =	simm.s32 $0x0;
	[tilespmem:s13+$0xFFFFFFE0] =	vst v11;
	v11 =	vor.u32 s16, v1;
	s16 =	simm.s32 $0x1FA0  }
.LBB2_4:
0x1e: {  	s14 =	sadd.s32 $0x4, s14  }
0x1f: {  	[tilespmem:s13+$0x10] =	vst v13;
	s15 =	sadd.s32 $0x40, s15;
	s16 =	sadd.s32 $0x40, s16;
	p0 =	slt.u32 s14, $0x1FC  }
.Ltmp3:
0x20: {  	[tilespmem:s13+$0xFFFFFFF0] =	vst v12;
	(pc) =	sbr.rel @p0 .LBB2_4-.Ltmp3, $3  }
0x21: {  	[tilespmem:s13+$0x0] =	vst v11;
	s13 =	smov.u32 s16;
	_ =	sdelay $0x1  }
0x22: {  	s17 =	sadd.s32 $0x10, s15;
	s18 =	sadd.s32 $0x20, s15;
	s19 =	sadd.s32 $0x30, s15;
	v11 =	vor.u32 s15, v1  }
0x23: {  	v12 =	vor.u32 s17, v1;
	v13 =	vor.u32 s19, v1;
	[tilespmem:s16+$0xFFFFFFE0] =	vst v11;
	v11 =	vor.u32 s18, v1  }
.Ltmp4:
0x24: {  	(pc) =	sbr.rel .LBB2_6-.Ltmp4, $4  }
0x25: {  	_ = 	snop  }
0x26: {  	[tilespmem:s13+$0x10] =	vst v13  }
0x27: {  	[tilespmem:s13+$0xFFFFFFF0] =	vst v12  }
0x28: {  	[tilespmem:s13+$0x0] =	vst v11;
	s13 =	simm.s32 $0x0  }
.LBB2_42:
0x29: {  	s13 =	sadd.s32 $0x1, s13  }
0x2a: {  	p0 =	sne.s32 s13, $0x28  }
.Ltmp5:
0x2b: {  	_ = 	snop;
	(pc) =	sbr.rel @!p0 .LBB2_43-.Ltmp5, $2  }
0x2c: {  	_ =	sdelay $0x2  }
0x2d: {  	s12 =	sadd.s32 $0x1F40, s12  }
.LBB2_6:
0x2e: {  	s14 =	smul.u32 $0x1F40, s13;
	_ =	sdelay $0x1  }
0x2f: {  	s14 =	sshrl.u32 s14, $0x3  }
0x30: {  	s14 =	sadd.s32 s4, s14  }
0x31: {  	[tilespmem:s2], [sflag:$0x2] =	stream.linear.gather [hbm4b:s14+s2], $0x1F40, $0x38;
	[tilespmem:$0x1E200] =	vst v63  }
0x32: {  	_ =	swait.ge [sflag:s7], $0x1F40  }
0x33: {  	s15 =	simm.s32 $0x20;
	[sflag:s7] =	ssyncset.done $0x0  }
0x34: {  	v11 =	vimm.s32 $0x0;
	s16 =	smov.u32 s12;
	s14 =	simm.s32 $0xFFFFFFFC;
	[sflag:s7] =	ssyncadd.s32 $0xFFFFE0C0  }
.LBB2_7:
0x35: {  	v12 =	vld [tilespmem:s15+$0xFFFFFFE0];
	_ =	sdelay $0x4  }
0x36: {  	v12 =	vsub.s32 v12, v0  }
0x37: {  	vm0 =	vlt.u32 v12, $0x140  }
0x38: {  	v12 =	vsel vm0, $0x1, v3  }
0x39: {  	(xrf0) =	vadd.scan.msk.s32 $0xffff, v12;
	_ =	sdelay $0x5  }
0x3a: {  	v12, _, _ =	vpop (xrf0)  }
0x3b: {  	v12 =	vadd.s32 v12, v11  }
0x3c: {  	v12 =	vadd.s32 $0xFFFFFFFF, v12;
	_ =	sdelay $0x3  }
0x3d: {  	v13 =	vor.u32 s16, v1  }
0x3e: {  	[tilespmem:v12+s8+$0x0] =	vst.idx.msk vm0, v13  }
0x3f: {  	v12 =	vld [tilespmem:s15+$0xFFFFFFF0];
	_ =	sdelay $0x4  }
0x40: {  	v12 =	vsub.s32 v12, v0  }
0x41: {  	vm1 =	vlt.u32 v12, $0x140  }
0x42: {  	v12 =	vsel vm1, $0x1, v3  }
0x43: {  	(xrf0) =	vadd.scan.msk.s32 $0xffff, v12;
	_ =	sdelay $0x3  }
0x44: {  	v55 =	vmpcnt.ones.xlane vm0;
	_ =	sdelay $0x1  }
0x45: {  	v11 =	vadd.s32 v11, v55;
	v56, _, _ =	vpop (xrf0)  }
0x46: {  	v12 =	vadd.s32 v56, v11  }
0x47: {  	v12 =	vadd.s32 $0xFFFFFFFF, v12;
	_ =	sdelay $0x2  }
0x48: {  	s17 =	sadd.s32 $0x10, s16  }
0x49: {  	v57 =	vor.u32 s17, v1  }
0x4a: {  	[tilespmem:v12+s8+$0x0] =	vst.idx.msk vm1, v57  }
0x4b: {  	v12 =	vld [tilespmem:s15+$0x0];
	_ =	sdelay $0x4  }
0x4c: {  	v12 =	vsub.s32 v12, v0  }
0x4d: {  	vm14 =	vlt.u32 v12, $0x140  }
0x4e: {  	v12 =	vsel vm14, $0x1, v3  }
0x4f: {  	(xrf0) =	vadd.scan.msk.s32 $0xffff, v12;
	_ =	sdelay $0x3  }
0x50: {  	v58 =	vmpcnt.ones.xlane vm1;
	_ =	sdelay $0x1  }
0x51: {  	v11 =	vadd.s32 v11, v58;
	v59, _, _ =	vpop (xrf0)  }
0x52: {  	v12 =	vadd.s32 v59, v11  }
0x53: {  	v12 =	vadd.s32 $0xFFFFFFFF, v12;
	_ =	sdelay $0x2  }
0x54: {  	s30 =	sadd.s32 $0x20, s16  }
0x55: {  	v60 =	vor.u32 s30, v1  }
0x56: {  	[tilespmem:v12+s8+$0x0] =	vst.idx.msk vm14, v60  }
0x57: {  	v12 =	vld [tilespmem:s15+$0x10];
	_ =	sdelay $0x4  }
0x58: {  	v12 =	vsub.s32 v12, v0  }
0x59: {  	vm15 =	vlt.u32 v12, $0x140  }
0x5a: {  	v12 =	vsel vm15, $0x1, v3  }
0x5b: {  	(xrf0) =	vadd.scan.msk.s32 $0xffff, v12;
	_ =	sdelay $0x3  }
0x5c: {  	v61 =	vmpcnt.ones.xlane vm14;
	_ =	sdelay $0x1  }
0x5d: {  	v11 =	vadd.s32 v11, v61;
	v62, _, _ =	vpop (xrf0)  }
0x5e: {  	s14 =	sadd.s32 $0x4, s14;
	v12 =	vadd.s32 v62, v11  }
0x5f: {  	p0 =	slt.u32 s14, $0x1F0;
	v12 =	vadd.s32 $0xFFFFFFFF, v12  }
.Ltmp6:
0x60: {  	_ = 	snop;
	(pc) =	sbr.rel @p0 .LBB2_7-.Ltmp6, $4  }
0x61: {  	_ = 	snop  }
0x62: {  	s31 =	sadd.s32 $0x30, s16;
	v63 =	vmpcnt.ones.xlane vm15  }
0x63: {  	v14 =	vor.u32 s31, v1  }
0x64: {  	s16 =	sadd.s32 $0x40, s16;
	s15 =	sadd.s32 $0x40, s15;
	v11 =	vadd.s32 v11, v63;
	[tilespmem:v12+s8+$0x0] =	vst.idx.msk vm15, v14  }
0x65: {  	v11 =	vxor.u32 $0x80000000, v11  }
0x66: {  	(xrf0) =	vmax.scan.msk.u32 $0xffff, v11;
	_ =	sdelay $0x5  }
0x67: {  	v11, _, _ =	vpop (xrf0)  }
0x68: {  	(v2sf) =	vpush v11, $0xF;
	_ =	sdelay $0xe  }
0x69: {  	s19 =	spop (v2sf)  }
0x6a: {  	s14 =	sadd.s32 $0x8000007F, s19  }
0x6b: {  	s15 =	sand.u32 $0x7F, s14  }
0x6c: {  	s16 =	sshra.s32 s14, $0x1F;
	p0 =	slt.s32 s14, $0x1;
	p1 =	sne.s32 s15, $0x0  }
0x6d: {  	s29 =	sshrl.u32 s16, $0x19;
	p0 =	por !p0, !p1  }
0x6e: {  	s15 =	simm.s32 $0x1;
	s14 =	sadd.s32 s29, s14;
	p0 =	por !p0, !p0  }
0x6f: {  	s14 =	sshra.s32 s14, $0x7;
	s15 =	simm.s32 @!p0 $0x0  }
0x70: {  	s14 =	ssub.s32 s14, s15  }
0x71: {  	s15 =	sadd.s32 $0x3, s14  }
0x72: {  	s30 =	sand.u32 $0x3, s15  }
0x73: {  	p5 =	slt.s32 s14, $0xFFFFFFFE;
	p6 =	sne.s32 s30, $0x0  }
0x74: {  	s31 =	sshrl.u32 s15, $0x1E;
	p0 =	por !p5, !p6  }
0x75: {  	s16 =	simm.s32 $0x1;
	s15 =	sadd.s32 s31, s15;
	p0 =	por !p0, !p0  }
0x76: {  	s15 =	sshra.s32 s15, $0x2;
	s16 =	simm.s32 @!p0 $0x0  }
0x77: {  	s15 =	ssub.s32 s15, s16  }
0x78: {  	p0 =	slt.s32 s15, $0x1  }
.Ltmp7:
0x79: {  	_ = 	snop;
	(pc) =	sbr.rel @p0 .LBB2_42-.Ltmp7, $1  }
0x7a: {  	_ =	sdelay $0x3  }
.Ltmp8:
0x7b: {  	(pc) =	sbr.rel .LBB2_10-.Ltmp8, $4  }
0x7c: {  	_ = 	snop  }
0x7d: {  	s16 =	sxor.u32 $0x80000000, s19  }
0x7e: {  	s17 =	sadd.s32 $0x7FFFFF80, s19;
	s18 =	sadd.s32 $0x7FFFFF00, s19  }
0x7f: {  	s19 =	sadd.s32 $0x7FFFFE80, s19;
	s20 =	simm.s32 $0x0;
	s21 =	smov.u32 s16  }
.LBB2_35:
0x80: {  	_ = 	snop  }
.LBB2_40:
0x81: {  	_ =	sdelay $0x3  }
0x82: {  	[tilespmem:v12+s10+$0x0] =	vst.idx.msk @p0 $0xffff, v14  }
0x83: {  	[tilespmem:v11+s10+$0x0] =	vst.idx.msk @p0 $0xffff, v15  }
0x84: {  	v11 =	vld.idx.msk [tilespmem:v13+s9+$0x0], $0xffff;
	_ =	sdelay $0x3  }
0x85: {  	s22 =	sshra.s32 s24, $0x2  }
0x86: {  	v12 =	vld [tilespmem:s22+$0x101F0];
	v11 =	vsub.s32 v11, v0  }
0x87: {  	v58 =	vld [tilespmem:s22+$0x101E0];
	v11 =	vmin.u32 v11, $0x140  }
0x88: {  	v14 =	vld [tilespmem:s22+$0x101D0];
	v11 =	vshll.u32 v11, $0x7  }
0x89: {  	v16 =	vld [tilespmem:s22+$0x101C0];
	v59 =	vor.u32 v1, v11  }
0x8a: {  	v18 =	vld [tilespmem:s22+$0x101B0];
	v17 =	vor.u32 v4, v11  }
0x8b: {  	v20 =	vld [tilespmem:s22+$0x101A0];
	v19 =	vor.u32 v5, v11  }
0x8c: {  	v22 =	vld [tilespmem:s22+$0x10190];
	v21 =	vor.u32 v6, v11  }
0x8d: {  	v24 =	vld [tilespmem:s22+$0x10180];
	v23 =	vor.u32 v7, v11  }
0x8e: {  	v26 =	vor.u32 v8, v11;
	v25 =	vld.idx.msk [tilespmem:v59+s10+$0x0], $0xffff  }
0x8f: {  	v28 =	vor.u32 v9, v11;
	v27 =	vld.idx.msk [tilespmem:v17+s10+$0x0], $0xffff  }
0x90: {  	v11 =	vor.u32 v10, v11;
	v29 =	vld.idx.msk [tilespmem:v19+s10+$0x0], $0xffff  }
0x91: {  	v30 =	vld.idx.msk [tilespmem:v21+s10+$0x0], $0xffff  }
0x92: {  	v31 =	vld.idx.msk [tilespmem:v23+s10+$0x0], $0xffff  }
0x93: {  	v32 =	vld.idx.msk [tilespmem:v26+s10+$0x0], $0xffff  }
0x94: {  	v33 =	vld.idx.msk [tilespmem:v28+s10+$0x0], $0xffff;
	v24 =	vmax.f32 v25, v24  }
0x95: {  	v60 =	vld.idx.msk [tilespmem:v11+s10+$0x0], $0xffff;
	v22 =	vmax.f32 v27, v22;
	[tilespmem:v59+s10+$0x0] =	vst.idx.msk $0xffff, v24  }
0x96: {  	v61 =	vmax.f32 v29, v20;
	[tilespmem:v17+s10+$0x0] =	vst.idx.msk $0xffff, v22  }
0x97: {  	v62 =	vmax.f32 v30, v18;
	[tilespmem:v19+s10+$0x0] =	vst.idx.msk $0xffff, v61  }
0x98: {  	v63 =	vmax.f32 v31, v16;
	[tilespmem:v21+s10+$0x0] =	vst.idx.msk $0xffff, v62  }
0x99: {  	v14 =	vmax.f32 v32, v14;
	[tilespmem:v23+s10+$0x0] =	vst.idx.msk $0xffff, v63  }
0x9a: {  	v13 =	vmax.f32 v33, v58;
	[tilespmem:v26+s10+$0x0] =	vst.idx.msk $0xffff, v14  }
0x9b: {  	v12 =	vmax.f32 v60, v12;
	[tilespmem:v28+s10+$0x0] =	vst.idx.msk $0xffff, v13  }
0x9c: {  	[tilespmem:v11+s10+$0x0] =	vst.idx.msk $0xffff, v12  }
.LBB2_41:
0x9d: {  	s20 =	sadd.s32 $0x1, s20  }
0x9e: {  	p0 =	sne.s32 s20, s15  }
.Ltmp9:
0x9f: {  	_ = 	snop;
	(pc) =	sbr.rel @!p0 .LBB2_42-.Ltmp9, $3  }
0xa0: {  	_ =	sdelay $0x1  }
0xa1: {  	s21 =	sadd.s32 $0xFFFFFE00, s21  }
0xa2: {  	s17 =	sadd.s32 $0xFFFFFE00, s17;
	s18 =	sadd.s32 $0xFFFFFE00, s18;
	s19 =	sadd.s32 $0xFFFFFE00, s19  }
.LBB2_10:
0xa3: {  	s22 =	sshll.u32 s20, $0x2  }
0xa4: {  	p3 =	sge.s32 s22, s14  }
0xa5: {  	s23 =	sshll.u32 @!p3 s20, $0xB  }
0xa6: {  	s23 =	sshra.s32 @!p3 s23, $0x2  }
0xa7: {  	s24 =	simm.s32 @!p3 $0x80;
	s25 =	simm.s32 @!p3 $0x4180;
	s23 =	sadd.s32 @!p3 $0x1F80, s23  }
0xa8: {  	[tilespmem:s25], [sflag:$0x1] =	stream.indirect.gather @!p3 [hbm4b:s3+s24], $0x80, s23, s24, $0xb8;
	[tilespmem:$0x1E200] =	vst v63  }
0xa9: {  	s25 =	simm.s32 @!p3 $0x3F80  }
0xaa: {  	[tilespmem:s25], [sflag:$0x1] =	stream.indirect.gather @!p3 [hbm4b:s4+s24], $0x1, s23, s24, $0xb8;
	[tilespmem:$0x1E200] =	vst v63  }
0xab: {  	s25 =	sor.u32 $0x1, s22  }
0xac: {  	p2 =	sge.s32 s25, s14  }
0xad: {  	s23 =	sshll.u32 @!p2 s25, $0x9  }
0xae: {  	s23 =	sshra.s32 @!p2 s23, $0x2  }
0xaf: {  	s24 =	simm.s32 @!p2 $0x80;
	s26 =	simm.s32 @!p2 $0x8180;
	s23 =	sadd.s32 @!p2 $0x1F80, s23  }
0xb0: {  	[tilespmem:s26], [sflag:$0x1] =	stream.indirect.gather @!p2 [hbm4b:s3+s24], $0x80, s23, s24, $0xb8;
	[tilespmem:$0x1E200] =	vst v63  }
0xb1: {  	s26 =	simm.s32 @!p2 $0x4000  }
0xb2: {  	[tilespmem:s26], [sflag:$0x1] =	stream.indirect.gather @!p2 [hbm4b:s4+s24], $0x1, s23, s24, $0xb8;
	[tilespmem:$0x1E200] =	vst v63  }
0xb3: {  	s23 =	sor.u32 $0x2, s22  }
0xb4: {  	p1 =	sge.s32 s23, s14  }
0xb5: {  	s26 =	sshll.u32 @!p1 s23, $0x9  }
0xb6: {  	s22 =	sor.u32 $0x3, s22;
	s26 =	sshra.s32 @!p1 s26, $0x2  }
0xb7: {  	s28 =	simm.s32 @!p1 $0x80;
	s29 =	simm.s32 @!p1 $0xC180;
	s26 =	sadd.s32 @!p1 $0x1F80, s26  }
0xb8: {  	[tilespmem:s29], [sflag:$0x1] =	stream.indirect.gather @!p1 [hbm4b:s3+s28], $0x80, s26, s28, $0xb8;
	[tilespmem:$0x1E200] =	vst v63  }
0xb9: {  	p0 =	sge.s32 s22, s14;
	s29 =	simm.s32 @!p1 $0x4080  }
0xba: {  	[tilespmem:s29], [sflag:$0x1] =	stream.indirect.gather @!p1 [hbm4b:s4+s28], $0x1, s26, s28, $0xb8;
	[tilespmem:$0x1E200] =	vst v63  }
0xbb: {  	s26 =	sshll.u32 @!p0 s22, $0x9  }
0xbc: {  	s26 =	sshra.s32 @!p0 s26, $0x2  }
0xbd: {  	s28 =	simm.s32 @!p0 $0x80;
	s29 =	simm.s32 @!p0 $0x10180;
	s26 =	sadd.s32 @!p0 $0x1F80, s26  }
0xbe: {  	[tilespmem:s29], [sflag:$0x1] =	stream.indirect.gather @!p0 [hbm4b:s3+s28], $0x80, s26, s28, $0xb8;
	[tilespmem:$0x1E200] =	vst v63  }
0xbf: {  	s29 =	simm.s32 @!p0 $0x4100  }
0xc0: {  	[tilespmem:s29], [sflag:$0x1] =	stream.indirect.gather @!p0 [hbm4b:s4+s28], $0x1, s26, s28, $0xb8;
	[tilespmem:$0x1E200] =	vst v63  }
0xc1: {  	s28 =	sshll.u32 @!p3 s20, $0x9  }
0xc2: {  	s28 =	ssub.s32 @!p3 s16, s28  }
0xc3: {  	s26 =	simm.s32 @!p3 $0x1;
	p4 =	slt.s32 @!p3 s28, $0x1  }
0xc4: {  	_ =	swait.ge @!p3 [sflag:s26], $0x4000;
	p4 =	por p3, p4  }
.Ltmp10:
0xc5: {  	[sflag:s26] =	ssyncset.done @!p3 $0x0;
	(pc) =	sbr.rel @p4 .LBB2_17-.Ltmp10, $4  }
0xc6: {  	[sflag:s26] =	ssyncadd.s32 @!p3 $0xFFFFC000  }
0xc7: {  	_ =	swait.ge @!p3 [sflag:s26], $0x80  }
0xc8: {  	[sflag:s26] =	ssyncset.done @!p3 $0x0  }
0xc9: {  	[sflag:s26] =	ssyncadd.s32 @!p3 $0xFFFFFF80  }
0xca: {  	p4 =	sgt.s32 s21, $0x1;
	s26 =	smov.u32 s21  }
0xcb: {  	s26 =	simm.s32 @!p4 $0x1  }
0xcc: {  	s28 =	smin.u32 s26, $0x80  }
0xcd: {  	p4 =	sne.s32 s28, $0x1  }
.Ltmp11:
0xce: {  	_ = 	snop;
	(pc) =	sbr.rel @!p4 .LBB2_12-.Ltmp11, $3  }
0xcf: {  	_ =	sdelay $0x1  }
0xd0: {  	s30 =	simm.s32 @!p3 $0x0  }
0xd1: {  	s29 =	simm.s32 $0x1;
	v13 =	vmov s30;
	s26 =	simm.s32 @!p3 $0x41C0;
	p3 =	por $0x0, $0x0  }
0xd2: {  	_ =	sdelay $0x3  }
0xd3: {  	v11 =	vld.idx.msk [tilespmem:v13+s9+$0x0], $0xffff;
	_ =	sdelay $0x4  }
0xd4: {  	v15 =	vld [tilespmem:s26+$0x30];
	v11 =	vsub.s32 v11, v0  }
0xd5: {  	v14 =	vld [tilespmem:s26+$0x20];
	v11 =	vmin.u32 v11, $0x140  }
0xd6: {  	v13 =	vld [tilespmem:s26+$0x10];
	v11 =	vshll.u32 v11, $0x7  }
0xd7: {  	v17 =	vld [tilespmem:s26+$0x0];
	v16 =	vor.u32 v1, v11  }
0xd8: {  	v19 =	vld [tilespmem:s26+$0xFFFFFFF0];
	v18 =	vor.u32 v4, v11  }
0xd9: {  	v21 =	vld [tilespmem:s26+$0xFFFFFFE0];
	v20 =	vor.u32 v5, v11  }
0xda: {  	v23 =	vld [tilespmem:s26+$0xFFFFFFD0];
	v22 =	vor.u32 v6, v11  }
0xdb: {  	v25 =	vld [tilespmem:s26+$0xFFFFFFC0];
	v24 =	vor.u32 v7, v11  }
0xdc: {  	v27 =	vor.u32 v8, v11;
	v26 =	vld.idx.msk [tilespmem:v16+s10+$0x0], $0xffff  }
0xdd: {  	v12 =	vor.u32 v9, v11;
	v28 =	vld.idx.msk [tilespmem:v18+s10+$0x0], $0xffff  }
0xde: {  	v11 =	vor.u32 v10, v11;
	v29 =	vld.idx.msk [tilespmem:v20+s10+$0x0], $0xffff  }
0xdf: {  	v30 =	vld.idx.msk [tilespmem:v22+s10+$0x0], $0xffff  }
0xe0: {  	v31 =	vld.idx.msk [tilespmem:v24+s10+$0x0], $0xffff  }
0xe1: {  	v32 =	vld.idx.msk [tilespmem:v27+s10+$0x0], $0xffff  }
0xe2: {  	v33 =	vld.idx.msk [tilespmem:v12+s10+$0x0], $0xffff;
	v25 =	vmax.f32 v26, v25  }
0xe3: {  	p4 =	sne.s32 s28, $0x2;
	v62 =	vld.idx.msk [tilespmem:v11+s10+$0x0], $0xffff;
	v23 =	vmax.f32 v28, v23;
	[tilespmem:v16+s10+$0x0] =	vst.idx.msk $0xffff, v25  }
.Ltmp12:
0xe4: {  	v16 =	vmax.f32 v29, v21;
	[tilespmem:v18+s10+$0x0] =	vst.idx.msk $0xffff, v23;
	(pc) =	sbr.rel @!p4 .LBB2_14-.Ltmp12, $4  }
0xe5: {  	v63 =	vmax.f32 v30, v19;
	[tilespmem:v20+s10+$0x0] =	vst.idx.msk $0xffff, v16  }
0xe6: {  	v16 =	vmax.f32 v31, v17;
	v17 =	vmax.f32 v32, v13;
	v13 =	vmov s29;
	[tilespmem:v22+s10+$0x0] =	vst.idx.msk $0xffff, v63  }
0xe7: {  	[tilespmem:v24+s10+$0x0] =	vst.idx.msk $0xffff, v16  }
0xe8: {  	s30 =	simm.s32 $0x2;
	p3 =	por $0x1, $0x1;
	v14 =	vmax.f32 v33, v14;
	v15 =	vmax.f32 v62, v15;
	s29 =	smov.u32 s26;
	[tilespmem:v27+s10+$0x0] =	vst.idx.msk $0xffff, v17  }
.LBB2_15:
0xe9: {  	[tilespmem:v12+s10+$0x0] =	vst.idx.msk $0xffff, v14;
	s29 =	sadd.s32 $0x80, s29;
	s31 =	smov.u32 s30;
	s30 =	sadd.s32 $0x1, s30  }
0xea: {  	p4 =	sne.s32 s28, s30;
	[tilespmem:v11+s10+$0x0] =	vst.idx.msk $0xffff, v15  }
0xeb: {  	v11 =	vld.idx.msk [tilespmem:v13+s9+$0x0], $0xffff;
	_ =	sdelay $0x5  }
0xec: {  	v11 =	vsub.s32 v11, v0;
	v15 =	vld [tilespmem:s29+$0x30]  }
0xed: {  	v11 =	vmin.u32 v11, $0x140;
	v14 =	vld [tilespmem:s29+$0x20]  }
0xee: {  	v11 =	vshll.u32 v11, $0x7;
	v16 =	vld [tilespmem:s29+$0x10]  }
0xef: {  	v13 =	vor.u32 v1, v11;
	v17 =	vld [tilespmem:s29+$0x0]  }
0xf0: {  	v18 =	vor.u32 v4, v11;
	v19 =	vld [tilespmem:s29+$0xFFFFFFF0]  }
0xf1: {  	v20 =	vor.u32 v5, v11;
	v21 =	vld [tilespmem:s29+$0xFFFFFFE0]  }
0xf2: {  	v22 =	vor.u32 v6, v11;
	v23 =	vld [tilespmem:s29+$0xFFFFFFD0]  }
0xf3: {  	v24 =	vor.u32 v7, v11;
	v25 =	vld [tilespmem:s29+$0xFFFFFFC0]  }
0xf4: {  	v27 =	vor.u32 v8, v11;
	v26 =	vld.idx.msk [tilespmem:v13+s10+$0x0], $0xffff  }
0xf5: {  	v12 =	vor.u32 v9, v11;
	v11 =	vor.u32 v10, v11;
	v28 =	vld.idx.msk [tilespmem:v18+s10+$0x0], $0xffff  }
0xf6: {  	v29 =	vld.idx.msk [tilespmem:v20+s10+$0x0], $0xffff  }
0xf7: {  	v30 =	vld.idx.msk [tilespmem:v22+s10+$0x0], $0xffff  }
0xf8: {  	v31 =	vld.idx.msk [tilespmem:v24+s10+$0x0], $0xffff  }
0xf9: {  	v32 =	vld.idx.msk [tilespmem:v27+s10+$0x0], $0xffff  }
0xfa: {  	v25 =	vmax.f32 v26, v25;
	v33 =	vld.idx.msk [tilespmem:v12+s10+$0x0], $0xffff  }
0xfb: {  	v23 =	vmax.f32 v28, v23;
	v26 =	vld.idx.msk [tilespmem:v11+s10+$0x0], $0xffff  }
0xfc: {  	[tilespmem:v13+s10+$0x0] =	vst.idx.msk $0xffff, v25;
	v13 =	vmax.f32 v29, v21  }
.Ltmp13:
0xfd: {  	[tilespmem:v18+s10+$0x0] =	vst.idx.msk $0xffff, v23;
	v18 =	vmax.f32 v30, v19;
	(pc) =	sbr.rel @p4 .LBB2_15-.Ltmp13, $4  }
0xfe: {  	v17 =	vmax.f32 v31, v17;
	[tilespmem:v20+s10+$0x0] =	vst.idx.msk $0xffff, v13  }
0xff: {  	v13 =	vmov s31;
	v16 =	vmax.f32 v32, v16;
	[tilespmem:v22+s10+$0x0] =	vst.idx.msk $0xffff, v18  }
0x100: {  	v14 =	vmax.f32 v33, v14;
	[tilespmem:v24+s10+$0x0] =	vst.idx.msk $0xffff, v17  }
0x101: {  	v15 =	vmax.f32 v26, v15;
	[tilespmem:v27+s10+$0x0] =	vst.idx.msk $0xffff, v16  }
.LBB2_16:
0x102: {  	_ =	sdelay $0x3  }
0x103: {  	[tilespmem:v12+s10+$0x0] =	vst.idx.msk @p3 $0xffff, v14  }
0x104: {  	[tilespmem:v11+s10+$0x0] =	vst.idx.msk @p3 $0xffff, v15  }
0x105: {  	v11 =	vld.idx.msk [tilespmem:v13+s9+$0x0], $0xffff;
	_ =	sdelay $0x2  }
0x106: {  	s28 =	sadd.s32 @p3 $0x80, s29  }
0x107: {  	s26 =	smov.u32 @p3 s28  }
0x108: {  	v12 =	vld [tilespmem:s26+$0x30];
	v11 =	vsub.s32 v11, v0  }
0x109: {  	v58 =	vld [tilespmem:s26+$0x20];
	v11 =	vmin.u32 v11, $0x140  }
0x10a: {  	v14 =	vld [tilespmem:s26+$0x10];
	v11 =	vshll.u32 v11, $0x7  }
0x10b: {  	v16 =	vld [tilespmem:s26+$0x0];
	v59 =	vor.u32 v1, v11  }
0x10c: {  	v18 =	vld [tilespmem:s26+$0xFFFFFFF0];
	v17 =	vor.u32 v4, v11  }
0x10d: {  	v20 =	vld [tilespmem:s26+$0xFFFFFFE0];
	v19 =	vor.u32 v5, v11  }
0x10e: {  	v22 =	vld [tilespmem:s26+$0xFFFFFFD0];
	v21 =	vor.u32 v6, v11  }
0x10f: {  	v24 =	vld [tilespmem:s26+$0xFFFFFFC0];
	v23 =	vor.u32 v7, v11  }
0x110: {  	v26 =	vor.u32 v8, v11;
	v25 =	vld.idx.msk [tilespmem:v59+s10+$0x0], $0xffff  }
0x111: {  	v28 =	vor.u32 v9, v11;
	v27 =	vld.idx.msk [tilespmem:v17+s10+$0x0], $0xffff  }
0x112: {  	v11 =	vor.u32 v10, v11;
	v29 =	vld.idx.msk [tilespmem:v19+s10+$0x0], $0xffff  }
0x113: {  	v30 =	vld.idx.msk [tilespmem:v21+s10+$0x0], $0xffff  }
0x114: {  	v31 =	vld.idx.msk [tilespmem:v23+s10+$0x0], $0xffff  }
0x115: {  	v32 =	vld.idx.msk [tilespmem:v26+s10+$0x0], $0xffff  }
0x116: {  	v33 =	vld.idx.msk [tilespmem:v28+s10+$0x0], $0xffff;
	v24 =	vmax.f32 v25, v24  }
0x117: {  	v60 =	vld.idx.msk [tilespmem:v11+s10+$0x0], $0xffff;
	v22 =	vmax.f32 v27, v22;
	[tilespmem:v59+s10+$0x0] =	vst.idx.msk $0xffff, v24  }
0x118: {  	v61 =	vmax.f32 v29, v20;
	[tilespmem:v17+s10+$0x0] =	vst.idx.msk $0xffff, v22  }
0x119: {  	v62 =	vmax.f32 v30, v18;
	[tilespmem:v19+s10+$0x0] =	vst.idx.msk $0xffff, v61  }
0x11a: {  	v63 =	vmax.f32 v31, v16;
	[tilespmem:v21+s10+$0x0] =	vst.idx.msk $0xffff, v62  }
0x11b: {  	v14 =	vmax.f32 v32, v14;
	[tilespmem:v23+s10+$0x0] =	vst.idx.msk $0xffff, v63  }
0x11c: {  	v13 =	vmax.f32 v33, v58;
	[tilespmem:v26+s10+$0x0] =	vst.idx.msk $0xffff, v14  }
0x11d: {  	v12 =	vmax.f32 v60, v12;
	[tilespmem:v28+s10+$0x0] =	vst.idx.msk $0xffff, v13  }
0x11e: {  	[tilespmem:v11+s10+$0x0] =	vst.idx.msk $0xffff, v12  }
.LBB2_17:
0x11f: {  	s25 =	sshll.u32 @!p2 s25, $0x7  }
0x120: {  	s25 =	ssub.s32 @!p2 s16, s25  }
0x121: {  	s26 =	simm.s32 @!p2 $0x1;
	p3 =	slt.s32 @!p2 s25, $0x1  }
0x122: {  	_ =	swait.ge @!p2 [sflag:s26], $0x4000;
	p3 =	por p2, p3  }
.Ltmp14:
0x123: {  	[sflag:s26] =	ssyncset.done @!p2 $0x0;
	(pc) =	sbr.rel @p3 .LBB2_25-.Ltmp14, $4  }
0x124: {  	[sflag:s26] =	ssyncadd.s32 @!p2 $0xFFFFC000  }
0x125: {  	_ =	swait.ge @!p2 [sflag:s26], $0x80  }
0x126: {  	[sflag:s26] =	ssyncset.done @!p2 $0x0  }
0x127: {  	[sflag:s26] =	ssyncadd.s32 @!p2 $0xFFFFFF80  }
0x128: {  	p3 =	sgt.s32 s17, $0x1;
	s25 =	smov.u32 s17  }
0x129: {  	s25 =	simm.s32 @!p3 $0x1  }
0x12a: {  	s25 =	smin.u32 s25, $0x80  }
0x12b: {  	s25 =	sshll.u32 s25, $0x9  }
0x12c: {  	p3 =	sne.s32 s25, $0x200  }
.Ltmp15:
0x12d: {  	_ = 	snop;
	(pc) =	sbr.rel @!p3 .LBB2_19-.Ltmp15, $2  }
0x12e: {  	_ =	sdelay $0x2  }
0x12f: {  	s28 =	simm.s32 @!p2 $0x0;
	s26 =	simm.s32 $0x200;
	v13 =	vmov s24;
	p2 =	por $0x0, $0x0  }
0x130: {  	_ =	sdelay $0x3  }
0x131: {  	v11 =	vld.idx.msk [tilespmem:v13+s9+$0x0], $0xffff;
	_ =	sdelay $0x3  }
0x132: {  	s24 =	simm.s32 $0x0  }
0x133: {  	v15 =	vld [tilespmem:s24+$0x81F0];
	v11 =	vsub.s32 v11, v0  }
0x134: {  	v14 =	vld [tilespmem:s24+$0x81E0];
	v11 =	vmin.u32 v11, $0x140  }
0x135: {  	v13 =	vld [tilespmem:s24+$0x81D0];
	v11 =	vshll.u32 v11, $0x7  }
0x136: {  	v17 =	vld [tilespmem:s24+$0x81C0];
	v16 =	vor.u32 v1, v11  }
0x137: {  	v19 =	vld [tilespmem:s24+$0x81B0];
	v18 =	vor.u32 v4, v11  }
0x138: {  	v21 =	vld [tilespmem:s24+$0x81A0];
	v20 =	vor.u32 v5, v11  }
0x139: {  	v23 =	vld [tilespmem:s24+$0x8190];
	v22 =	vor.u32 v6, v11  }
0x13a: {  	v25 =	vld [tilespmem:s24+$0x8180];
	v24 =	vor.u32 v7, v11  }
0x13b: {  	v27 =	vor.u32 v8, v11;
	v26 =	vld.idx.msk [tilespmem:v16+s10+$0x0], $0xffff  }
0x13c: {  	v12 =	vor.u32 v9, v11;
	v28 =	vld.idx.msk [tilespmem:v18+s10+$0x0], $0xffff  }
0x13d: {  	v11 =	vor.u32 v10, v11;
	v29 =	vld.idx.msk [tilespmem:v20+s10+$0x0], $0xffff  }
0x13e: {  	v30 =	vld.idx.msk [tilespmem:v22+s10+$0x0], $0xffff  }
0x13f: {  	v31 =	vld.idx.msk [tilespmem:v24+s10+$0x0], $0xffff  }
0x140: {  	v32 =	vld.idx.msk [tilespmem:v27+s10+$0x0], $0xffff  }
0x141: {  	v33 =	vld.idx.msk [tilespmem:v12+s10+$0x0], $0xffff;
	v25 =	vmax.f32 v26, v25  }
0x142: {  	p3 =	sne.s32 s25, $0x400;
	v62 =	vld.idx.msk [tilespmem:v11+s10+$0x0], $0xffff;
	v23 =	vmax.f32 v28, v23;
	[tilespmem:v16+s10+$0x0] =	vst.idx.msk $0xffff, v25  }
.Ltmp16:
0x143: {  	v16 =	vmax.f32 v29, v21;
	[tilespmem:v18+s10+$0x0] =	vst.idx.msk $0xffff, v23;
	(pc) =	sbr.rel @!p3 .LBB2_21-.Ltmp16, $4  }
0x144: {  	s24 =	simm.s32 $0x81;
	v63 =	vmax.f32 v30, v19;
	[tilespmem:v20+s10+$0x0] =	vst.idx.msk $0xffff, v16  }
0x145: {  	v16 =	vmax.f32 v31, v17;
	v17 =	vmax.f32 v32, v13;
	v13 =	vmov s24;
	[tilespmem:v22+s10+$0x0] =	vst.idx.msk $0xffff, v63  }
0x146: {  	[tilespmem:v24+s10+$0x0] =	vst.idx.msk $0xffff, v16  }
0x147: {  	s28 =	simm.s32 $0x400;
	p2 =	por $0x1, $0x1;
	v14 =	vmax.f32 v33, v14;
	v15 =	vmax.f32 v62, v15;
	[tilespmem:v27+s10+$0x0] =	vst.idx.msk $0xffff, v17  }
.LBB2_22:
0x148: {  	[tilespmem:v12+s10+$0x0] =	vst.idx.msk $0xffff, v14;
	s29 =	smov.u32 s28;
	s28 =	sadd.s32 $0x200, s28  }
0x149: {  	p3 =	sne.s32 s25, s28;
	[tilespmem:v11+s10+$0x0] =	vst.idx.msk $0xffff, v15  }
0x14a: {  	v11 =	vld.idx.msk [tilespmem:v13+s9+$0x0], $0xffff;
	_ =	sdelay $0x4  }
0x14b: {  	s30 =	sshra.s32 s26, $0x2;
	s26 =	smov.u32 s29  }
0x14c: {  	v11 =	vsub.s32 v11, v0;
	v15 =	vld [tilespmem:s30+$0x81F0]  }
0x14d: {  	v11 =	vmin.u32 v11, $0x140;
	v14 =	vld [tilespmem:s30+$0x81E0]  }
0x14e: {  	v11 =	vshll.u32 v11, $0x7;
	v16 =	vld [tilespmem:s30+$0x81D0]  }
0x14f: {  	v13 =	vor.u32 v1, v11;
	v17 =	vld [tilespmem:s30+$0x81C0]  }
0x150: {  	v18 =	vor.u32 v4, v11;
	v19 =	vld [tilespmem:s30+$0x81B0]  }
0x151: {  	v20 =	vor.u32 v5, v11;
	v21 =	vld [tilespmem:s30+$0x81A0]  }
0x152: {  	v22 =	vor.u32 v6, v11;
	v23 =	vld [tilespmem:s30+$0x8190]  }
0x153: {  	v24 =	vor.u32 v7, v11;
	v25 =	vld [tilespmem:s30+$0x8180]  }
0x154: {  	v27 =	vor.u32 v8, v11;
	v26 =	vld.idx.msk [tilespmem:v13+s10+$0x0], $0xffff  }
0x155: {  	v12 =	vor.u32 v9, v11;
	v11 =	vor.u32 v10, v11;
	v28 =	vld.idx.msk [tilespmem:v18+s10+$0x0], $0xffff  }
0x156: {  	v29 =	vld.idx.msk [tilespmem:v20+s10+$0x0], $0xffff  }
0x157: {  	v30 =	vld.idx.msk [tilespmem:v22+s10+$0x0], $0xffff  }
0x158: {  	v31 =	vld.idx.msk [tilespmem:v24+s10+$0x0], $0xffff  }
0x159: {  	v32 =	vld.idx.msk [tilespmem:v27+s10+$0x0], $0xffff  }
0x15a: {  	v25 =	vmax.f32 v26, v25;
	v33 =	vld.idx.msk [tilespmem:v12+s10+$0x0], $0xffff  }
0x15b: {  	v23 =	vmax.f32 v28, v23;
	v26 =	vld.idx.msk [tilespmem:v11+s10+$0x0], $0xffff  }
0x15c: {  	[tilespmem:v13+s10+$0x0] =	vst.idx.msk $0xffff, v25;
	v13 =	vmax.f32 v29, v21  }
.Ltmp17:
0x15d: {  	[tilespmem:v18+s10+$0x0] =	vst.idx.msk $0xffff, v23;
	v18 =	vmax.f32 v30, v19;
	(pc) =	sbr.rel @p3 .LBB2_22-.Ltmp17, $4  }
0x15e: {  	s24 =	sadd.s32 $0x1, s24;
	v17 =	vmax.f32 v31, v17;
	[tilespmem:v20+s10+$0x0] =	vst.idx.msk $0xffff, v13  }
0x15f: {  	v13 =	vmov s24;
	v16 =	vmax.f32 v32, v16;
	[tilespmem:v22+s10+$0x0] =	vst.idx.msk $0xffff, v18  }
0x160: {  	v14 =	vmax.f32 v33, v14;
	[tilespmem:v24+s10+$0x0] =	vst.idx.msk $0xffff, v17  }
0x161: {  	v15 =	vmax.f32 v26, v15;
	[tilespmem:v27+s10+$0x0] =	vst.idx.msk $0xffff, v16  }
0x162: {  	s28 =	smov.u32 s26  }
.LBB2_24:
0x163: {  	_ =	sdelay $0x3  }
0x164: {  	[tilespmem:v12+s10+$0x0] =	vst.idx.msk @p2 $0xffff, v14  }
0x165: {  	[tilespmem:v11+s10+$0x0] =	vst.idx.msk @p2 $0xffff, v15  }
0x166: {  	v11 =	vld.idx.msk [tilespmem:v13+s9+$0x0], $0xffff;
	_ =	sdelay $0x3  }
0x167: {  	s24 =	sshra.s32 s28, $0x2  }
0x168: {  	v12 =	vld [tilespmem:s24+$0x81F0];
	v11 =	vsub.s32 v11, v0  }
0x169: {  	v58 =	vld [tilespmem:s24+$0x81E0];
	v11 =	vmin.u32 v11, $0x140  }
0x16a: {  	v14 =	vld [tilespmem:s24+$0x81D0];
	v11 =	vshll.u32 v11, $0x7  }
0x16b: {  	v16 =	vld [tilespmem:s24+$0x81C0];
	v59 =	vor.u32 v1, v11  }
0x16c: {  	v18 =	vld [tilespmem:s24+$0x81B0];
	v17 =	vor.u32 v4, v11  }
0x16d: {  	v20 =	vld [tilespmem:s24+$0x81A0];
	v19 =	vor.u32 v5, v11  }
0x16e: {  	v22 =	vld [tilespmem:s24+$0x8190];
	v21 =	vor.u32 v6, v11  }
0x16f: {  	v24 =	vld [tilespmem:s24+$0x8180];
	v23 =	vor.u32 v7, v11  }
0x170: {  	v26 =	vor.u32 v8, v11;
	v25 =	vld.idx.msk [tilespmem:v59+s10+$0x0], $0xffff  }
0x171: {  	v28 =	vor.u32 v9, v11;
	v27 =	vld.idx.msk [tilespmem:v17+s10+$0x0], $0xffff  }
0x172: {  	v11 =	vor.u32 v10, v11;
	v29 =	vld.idx.msk [tilespmem:v19+s10+$0x0], $0xffff  }
0x173: {  	v30 =	vld.idx.msk [tilespmem:v21+s10+$0x0], $0xffff  }
0x174: {  	v31 =	vld.idx.msk [tilespmem:v23+s10+$0x0], $0xffff  }
0x175: {  	v32 =	vld.idx.msk [tilespmem:v26+s10+$0x0], $0xffff  }
0x176: {  	v33 =	vld.idx.msk [tilespmem:v28+s10+$0x0], $0xffff;
	v24 =	vmax.f32 v25, v24  }
0x177: {  	v60 =	vld.idx.msk [tilespmem:v11+s10+$0x0], $0xffff;
	v22 =	vmax.f32 v27, v22;
	[tilespmem:v59+s10+$0x0] =	vst.idx.msk $0xffff, v24  }
0x178: {  	v61 =	vmax.f32 v29, v20;
	[tilespmem:v17+s10+$0x0] =	vst.idx.msk $0xffff, v22  }
0x179: {  	v62 =	vmax.f32 v30, v18;
	[tilespmem:v19+s10+$0x0] =	vst.idx.msk $0xffff, v61  }
0x17a: {  	v63 =	vmax.f32 v31, v16;
	[tilespmem:v21+s10+$0x0] =	vst.idx.msk $0xffff, v62  }
0x17b: {  	v14 =	vmax.f32 v32, v14;
	[tilespmem:v23+s10+$0x0] =	vst.idx.msk $0xffff, v63  }
0x17c: {  	v13 =	vmax.f32 v33, v58;
	[tilespmem:v26+s10+$0x0] =	vst.idx.msk $0xffff, v14  }
0x17d: {  	v12 =	vmax.f32 v60, v12;
	[tilespmem:v28+s10+$0x0] =	vst.idx.msk $0xffff, v13  }
0x17e: {  	[tilespmem:v11+s10+$0x0] =	vst.idx.msk $0xffff, v12  }
.LBB2_25:
0x17f: {  	s23 =	sshll.u32 @!p1 s23, $0x7  }
0x180: {  	s23 =	ssub.s32 @!p1 s16, s23  }
0x181: {  	s24 =	simm.s32 @!p1 $0x1;
	p2 =	slt.s32 @!p1 s23, $0x1  }
0x182: {  	_ =	swait.ge @!p1 [sflag:s24], $0x4000;
	p2 =	por p1, p2  }
.Ltmp18:
0x183: {  	[sflag:s24] =	ssyncset.done @!p1 $0x0;
	(pc) =	sbr.rel @p2 .LBB2_33-.Ltmp18, $4  }
0x184: {  	[sflag:s24] =	ssyncadd.s32 @!p1 $0xFFFFC000  }
0x185: {  	_ =	swait.ge @!p1 [sflag:s24], $0x80  }
0x186: {  	[sflag:s24] =	ssyncset.done @!p1 $0x0  }
0x187: {  	[sflag:s24] =	ssyncadd.s32 @!p1 $0xFFFFFF80  }
0x188: {  	p2 =	sgt.s32 s18, $0x1;
	s23 =	smov.u32 s18  }
0x189: {  	s23 =	simm.s32 @!p2 $0x1  }
0x18a: {  	s23 =	smin.u32 s23, $0x80  }
0x18b: {  	s23 =	sshll.u32 s23, $0x9  }
0x18c: {  	p2 =	sne.s32 s23, $0x200  }
.Ltmp19:
0x18d: {  	_ = 	snop;
	(pc) =	sbr.rel @!p2 .LBB2_27-.Ltmp19, $3  }
0x18e: {  	_ =	sdelay $0x1  }
0x18f: {  	s26 =	simm.s32 @!p1 $0x100  }
0x190: {  	s25 =	simm.s32 @!p1 $0x0;
	s24 =	simm.s32 $0x200;
	p1 =	por $0x0, $0x0;
	v13 =	vmov s26  }
0x191: {  	_ =	sdelay $0x3  }
0x192: {  	v11 =	vld.idx.msk [tilespmem:v13+s9+$0x0], $0xffff;
	_ =	sdelay $0x3  }
0x193: {  	s25 =	simm.s32 $0x0  }
0x194: {  	v15 =	vld [tilespmem:s25+$0xC1F0];
	v11 =	vsub.s32 v11, v0  }
0x195: {  	v14 =	vld [tilespmem:s25+$0xC1E0];
	v11 =	vmin.u32 v11, $0x140  }
0x196: {  	v13 =	vld [tilespmem:s25+$0xC1D0];
	v11 =	vshll.u32 v11, $0x7  }
0x197: {  	v17 =	vld [tilespmem:s25+$0xC1C0];
	v16 =	vor.u32 v1, v11  }
0x198: {  	v19 =	vld [tilespmem:s25+$0xC1B0];
	v18 =	vor.u32 v4, v11  }
0x199: {  	v21 =	vld [tilespmem:s25+$0xC1A0];
	v20 =	vor.u32 v5, v11  }
0x19a: {  	v23 =	vld [tilespmem:s25+$0xC190];
	v22 =	vor.u32 v6, v11  }
0x19b: {  	v25 =	vld [tilespmem:s25+$0xC180];
	v24 =	vor.u32 v7, v11  }
0x19c: {  	v27 =	vor.u32 v8, v11;
	v26 =	vld.idx.msk [tilespmem:v16+s10+$0x0], $0xffff  }
0x19d: {  	v12 =	vor.u32 v9, v11;
	v28 =	vld.idx.msk [tilespmem:v18+s10+$0x0], $0xffff  }
0x19e: {  	v11 =	vor.u32 v10, v11;
	v29 =	vld.idx.msk [tilespmem:v20+s10+$0x0], $0xffff  }
0x19f: {  	v30 =	vld.idx.msk [tilespmem:v22+s10+$0x0], $0xffff  }
0x1a0: {  	v31 =	vld.idx.msk [tilespmem:v24+s10+$0x0], $0xffff  }
0x1a1: {  	v32 =	vld.idx.msk [tilespmem:v27+s10+$0x0], $0xffff  }
0x1a2: {  	v33 =	vld.idx.msk [tilespmem:v12+s10+$0x0], $0xffff;
	v25 =	vmax.f32 v26, v25  }
0x1a3: {  	p2 =	sne.s32 s23, $0x400;
	v62 =	vld.idx.msk [tilespmem:v11+s10+$0x0], $0xffff;
	v23 =	vmax.f32 v28, v23;
	[tilespmem:v16+s10+$0x0] =	vst.idx.msk $0xffff, v25  }
.Ltmp20:
0x1a4: {  	v16 =	vmax.f32 v29, v21;
	[tilespmem:v18+s10+$0x0] =	vst.idx.msk $0xffff, v23;
	(pc) =	sbr.rel @!p2 .LBB2_29-.Ltmp20, $4  }
0x1a5: {  	s25 =	simm.s32 $0x101;
	v63 =	vmax.f32 v30, v19;
	[tilespmem:v20+s10+$0x0] =	vst.idx.msk $0xffff, v16  }
0x1a6: {  	v16 =	vmax.f32 v31, v17;
	v17 =	vmax.f32 v32, v13;
	v13 =	vmov s25;
	[tilespmem:v22+s10+$0x0] =	vst.idx.msk $0xffff, v63  }
0x1a7: {  	[tilespmem:v24+s10+$0x0] =	vst.idx.msk $0xffff, v16  }
0x1a8: {  	s26 =	simm.s32 $0x400;
	p1 =	por $0x1, $0x1;
	v14 =	vmax.f32 v33, v14;
	v15 =	vmax.f32 v62, v15;
	[tilespmem:v27+s10+$0x0] =	vst.idx.msk $0xffff, v17  }
.LBB2_30:
0x1a9: {  	[tilespmem:v12+s10+$0x0] =	vst.idx.msk $0xffff, v14;
	s28 =	smov.u32 s26;
	s26 =	sadd.s32 $0x200, s26  }
0x1aa: {  	p2 =	sne.s32 s23, s26;
	[tilespmem:v11+s10+$0x0] =	vst.idx.msk $0xffff, v15  }
0x1ab: {  	v11 =	vld.idx.msk [tilespmem:v13+s9+$0x0], $0xffff;
	_ =	sdelay $0x4  }
0x1ac: {  	s29 =	sshra.s32 s24, $0x2;
	s24 =	smov.u32 s28  }
0x1ad: {  	v11 =	vsub.s32 v11, v0;
	v15 =	vld [tilespmem:s29+$0xC1F0]  }
0x1ae: {  	v11 =	vmin.u32 v11, $0x140;
	v14 =	vld [tilespmem:s29+$0xC1E0]  }
0x1af: {  	v11 =	vshll.u32 v11, $0x7;
	v16 =	vld [tilespmem:s29+$0xC1D0]  }
0x1b0: {  	v13 =	vor.u32 v1, v11;
	v17 =	vld [tilespmem:s29+$0xC1C0]  }
0x1b1: {  	v18 =	vor.u32 v4, v11;
	v19 =	vld [tilespmem:s29+$0xC1B0]  }
0x1b2: {  	v20 =	vor.u32 v5, v11;
	v21 =	vld [tilespmem:s29+$0xC1A0]  }
0x1b3: {  	v22 =	vor.u32 v6, v11;
	v23 =	vld [tilespmem:s29+$0xC190]  }
0x1b4: {  	v24 =	vor.u32 v7, v11;
	v25 =	vld [tilespmem:s29+$0xC180]  }
0x1b5: {  	v27 =	vor.u32 v8, v11;
	v26 =	vld.idx.msk [tilespmem:v13+s10+$0x0], $0xffff  }
0x1b6: {  	v12 =	vor.u32 v9, v11;
	v11 =	vor.u32 v10, v11;
	v28 =	vld.idx.msk [tilespmem:v18+s10+$0x0], $0xffff  }
0x1b7: {  	v29 =	vld.idx.msk [tilespmem:v20+s10+$0x0], $0xffff  }
0x1b8: {  	v30 =	vld.idx.msk [tilespmem:v22+s10+$0x0], $0xffff  }
0x1b9: {  	v31 =	vld.idx.msk [tilespmem:v24+s10+$0x0], $0xffff  }
0x1ba: {  	v32 =	vld.idx.msk [tilespmem:v27+s10+$0x0], $0xffff  }
0x1bb: {  	v25 =	vmax.f32 v26, v25;
	v33 =	vld.idx.msk [tilespmem:v12+s10+$0x0], $0xffff  }
0x1bc: {  	v23 =	vmax.f32 v28, v23;
	v26 =	vld.idx.msk [tilespmem:v11+s10+$0x0], $0xffff  }
0x1bd: {  	[tilespmem:v13+s10+$0x0] =	vst.idx.msk $0xffff, v25;
	v13 =	vmax.f32 v29, v21  }
.Ltmp21:
0x1be: {  	[tilespmem:v18+s10+$0x0] =	vst.idx.msk $0xffff, v23;
	v18 =	vmax.f32 v30, v19;
	(pc) =	sbr.rel @p2 .LBB2_30-.Ltmp21, $4  }
0x1bf: {  	s25 =	sadd.s32 $0x1, s25;
	v17 =	vmax.f32 v31, v17;
	[tilespmem:v20+s10+$0x0] =	vst.idx.msk $0xffff, v13  }
0x1c0: {  	v13 =	vmov s25;
	v16 =	vmax.f32 v32, v16;
	[tilespmem:v22+s10+$0x0] =	vst.idx.msk $0xffff, v18  }
0x1c1: {  	v14 =	vmax.f32 v33, v14;
	[tilespmem:v24+s10+$0x0] =	vst.idx.msk $0xffff, v17  }
0x1c2: {  	v15 =	vmax.f32 v26, v15;
	[tilespmem:v27+s10+$0x0] =	vst.idx.msk $0xffff, v16  }
0x1c3: {  	s25 =	smov.u32 s24  }
.LBB2_32:
0x1c4: {  	_ =	sdelay $0x3  }
0x1c5: {  	[tilespmem:v12+s10+$0x0] =	vst.idx.msk @p1 $0xffff, v14  }
0x1c6: {  	[tilespmem:v11+s10+$0x0] =	vst.idx.msk @p1 $0xffff, v15  }
0x1c7: {  	v11 =	vld.idx.msk [tilespmem:v13+s9+$0x0], $0xffff;
	_ =	sdelay $0x3  }
0x1c8: {  	s23 =	sshra.s32 s25, $0x2  }
0x1c9: {  	v12 =	vld [tilespmem:s23+$0xC1F0];
	v11 =	vsub.s32 v11, v0  }
0x1ca: {  	v58 =	vld [tilespmem:s23+$0xC1E0];
	v11 =	vmin.u32 v11, $0x140  }
0x1cb: {  	v14 =	vld [tilespmem:s23+$0xC1D0];
	v11 =	vshll.u32 v11, $0x7  }
0x1cc: {  	v16 =	vld [tilespmem:s23+$0xC1C0];
	v59 =	vor.u32 v1, v11  }
0x1cd: {  	v18 =	vld [tilespmem:s23+$0xC1B0];
	v17 =	vor.u32 v4, v11  }
0x1ce: {  	v20 =	vld [tilespmem:s23+$0xC1A0];
	v19 =	vor.u32 v5, v11  }
0x1cf: {  	v22 =	vld [tilespmem:s23+$0xC190];
	v21 =	vor.u32 v6, v11  }
0x1d0: {  	v24 =	vld [tilespmem:s23+$0xC180];
	v23 =	vor.u32 v7, v11  }
0x1d1: {  	v26 =	vor.u32 v8, v11;
	v25 =	vld.idx.msk [tilespmem:v59+s10+$0x0], $0xffff  }
0x1d2: {  	v28 =	vor.u32 v9, v11;
	v27 =	vld.idx.msk [tilespmem:v17+s10+$0x0], $0xffff  }
0x1d3: {  	v11 =	vor.u32 v10, v11;
	v29 =	vld.idx.msk [tilespmem:v19+s10+$0x0], $0xffff  }
0x1d4: {  	v30 =	vld.idx.msk [tilespmem:v21+s10+$0x0], $0xffff  }
0x1d5: {  	v31 =	vld.idx.msk [tilespmem:v23+s10+$0x0], $0xffff  }
0x1d6: {  	v32 =	vld.idx.msk [tilespmem:v26+s10+$0x0], $0xffff  }
0x1d7: {  	v33 =	vld.idx.msk [tilespmem:v28+s10+$0x0], $0xffff;
	v24 =	vmax.f32 v25, v24  }
0x1d8: {  	v60 =	vld.idx.msk [tilespmem:v11+s10+$0x0], $0xffff;
	v22 =	vmax.f32 v27, v22;
	[tilespmem:v59+s10+$0x0] =	vst.idx.msk $0xffff, v24  }
0x1d9: {  	v61 =	vmax.f32 v29, v20;
	[tilespmem:v17+s10+$0x0] =	vst.idx.msk $0xffff, v22  }
0x1da: {  	v62 =	vmax.f32 v30, v18;
	[tilespmem:v19+s10+$0x0] =	vst.idx.msk $0xffff, v61  }
0x1db: {  	v63 =	vmax.f32 v31, v16;
	[tilespmem:v21+s10+$0x0] =	vst.idx.msk $0xffff, v62  }
0x1dc: {  	v14 =	vmax.f32 v32, v14;
	[tilespmem:v23+s10+$0x0] =	vst.idx.msk $0xffff, v63  }
0x1dd: {  	v13 =	vmax.f32 v33, v58;
	[tilespmem:v26+s10+$0x0] =	vst.idx.msk $0xffff, v14  }
0x1de: {  	v12 =	vmax.f32 v60, v12;
	[tilespmem:v28+s10+$0x0] =	vst.idx.msk $0xffff, v13  }
0x1df: {  	[tilespmem:v11+s10+$0x0] =	vst.idx.msk $0xffff, v12  }
.LBB2_33:
0x1e0: {  	s22 =	sshll.u32 @!p0 s22, $0x7  }
0x1e1: {  	s22 =	ssub.s32 @!p0 s16, s22  }
0x1e2: {  	s23 =	simm.s32 @!p0 $0x1;
	p1 =	slt.s32 @!p0 s22, $0x1  }
0x1e3: {  	_ =	swait.ge @!p0 [sflag:s23], $0x4000;
	p1 =	por p0, p1  }
.Ltmp22:
0x1e4: {  	[sflag:s23] =	ssyncset.done @!p0 $0x0;
	(pc) =	sbr.rel @p1 .LBB2_41-.Ltmp22, $4  }
0x1e5: {  	[sflag:s23] =	ssyncadd.s32 @!p0 $0xFFFFC000  }
0x1e6: {  	_ =	swait.ge @!p0 [sflag:s23], $0x80  }
0x1e7: {  	[sflag:s23] =	ssyncset.done @!p0 $0x0  }
0x1e8: {  	[sflag:s23] =	ssyncadd.s32 @!p0 $0xFFFFFF80  }
0x1e9: {  	p1 =	sgt.s32 s19, $0x1;
	s22 =	smov.u32 s19  }
0x1ea: {  	s22 =	simm.s32 @!p1 $0x1  }
0x1eb: {  	s22 =	smin.u32 s22, $0x80  }
0x1ec: {  	s22 =	sshll.u32 s22, $0x9  }
0x1ed: {  	p1 =	sne.s32 s22, $0x200  }
.Ltmp23:
0x1ee: {  	_ = 	snop;
	(pc) =	sbr.rel @!p1 .LBB2_35-.Ltmp23, $3  }
0x1ef: {  	_ =	sdelay $0x1  }
0x1f0: {  	s25 =	simm.s32 @!p0 $0x180  }
0x1f1: {  	s24 =	simm.s32 @!p0 $0x0;
	s23 =	simm.s32 $0x200;
	p0 =	por $0x0, $0x0;
	v13 =	vmov s25  }
0x1f2: {  	_ =	sdelay $0x3  }
0x1f3: {  	v11 =	vld.idx.msk [tilespmem:v13+s9+$0x0], $0xffff;
	_ =	sdelay $0x3  }
0x1f4: {  	s24 =	simm.s32 $0x0  }
0x1f5: {  	v15 =	vld [tilespmem:s24+$0x101F0];
	v11 =	vsub.s32 v11, v0  }
0x1f6: {  	v14 =	vld [tilespmem:s24+$0x101E0];
	v11 =	vmin.u32 v11, $0x140  }
0x1f7: {  	v13 =	vld [tilespmem:s24+$0x101D0];
	v11 =	vshll.u32 v11, $0x7  }
0x1f8: {  	v17 =	vld [tilespmem:s24+$0x101C0];
	v16 =	vor.u32 v1, v11  }
0x1f9: {  	v19 =	vld [tilespmem:s24+$0x101B0];
	v18 =	vor.u32 v4, v11  }
0x1fa: {  	v21 =	vld [tilespmem:s24+$0x101A0];
	v20 =	vor.u32 v5, v11  }
0x1fb: {  	v23 =	vld [tilespmem:s24+$0x10190];
	v22 =	vor.u32 v6, v11  }
0x1fc: {  	v25 =	vld [tilespmem:s24+$0x10180];
	v24 =	vor.u32 v7, v11  }
0x1fd: {  	v27 =	vor.u32 v8, v11;
	v26 =	vld.idx.msk [tilespmem:v16+s10+$0x0], $0xffff  }
0x1fe: {  	v12 =	vor.u32 v9, v11;
	v28 =	vld.idx.msk [tilespmem:v18+s10+$0x0], $0xffff  }
0x1ff: {  	v11 =	vor.u32 v10, v11;
	v29 =	vld.idx.msk [tilespmem:v20+s10+$0x0], $0xffff  }
0x200: {  	v30 =	vld.idx.msk [tilespmem:v22+s10+$0x0], $0xffff  }
0x201: {  	v31 =	vld.idx.msk [tilespmem:v24+s10+$0x0], $0xffff  }
0x202: {  	v32 =	vld.idx.msk [tilespmem:v27+s10+$0x0], $0xffff  }
0x203: {  	v33 =	vld.idx.msk [tilespmem:v12+s10+$0x0], $0xffff;
	v25 =	vmax.f32 v26, v25  }
0x204: {  	p1 =	sne.s32 s22, $0x400;
	v62 =	vld.idx.msk [tilespmem:v11+s10+$0x0], $0xffff;
	v23 =	vmax.f32 v28, v23;
	[tilespmem:v16+s10+$0x0] =	vst.idx.msk $0xffff, v25  }
.Ltmp24:
0x205: {  	v16 =	vmax.f32 v29, v21;
	[tilespmem:v18+s10+$0x0] =	vst.idx.msk $0xffff, v23;
	(pc) =	sbr.rel @!p1 .LBB2_37-.Ltmp24, $4  }
0x206: {  	s24 =	simm.s32 $0x181;
	v63 =	vmax.f32 v30, v19;
	[tilespmem:v20+s10+$0x0] =	vst.idx.msk $0xffff, v16  }
0x207: {  	v16 =	vmax.f32 v31, v17;
	v17 =	vmax.f32 v32, v13;
	v13 =	vmov s24;
	[tilespmem:v22+s10+$0x0] =	vst.idx.msk $0xffff, v63  }
0x208: {  	[tilespmem:v24+s10+$0x0] =	vst.idx.msk $0xffff, v16  }
0x209: {  	s25 =	simm.s32 $0x400;
	p0 =	por $0x1, $0x1;
	v14 =	vmax.f32 v33, v14;
	v15 =	vmax.f32 v62, v15;
	[tilespmem:v27+s10+$0x0] =	vst.idx.msk $0xffff, v17  }
.LBB2_38:
0x20a: {  	[tilespmem:v12+s10+$0x0] =	vst.idx.msk $0xffff, v14;
	s26 =	smov.u32 s25;
	s25 =	sadd.s32 $0x200, s25  }
0x20b: {  	p1 =	sne.s32 s22, s25;
	[tilespmem:v11+s10+$0x0] =	vst.idx.msk $0xffff, v15  }
0x20c: {  	v11 =	vld.idx.msk [tilespmem:v13+s9+$0x0], $0xffff;
	_ =	sdelay $0x4  }
0x20d: {  	s28 =	sshra.s32 s23, $0x2;
	s23 =	smov.u32 s26  }
0x20e: {  	v11 =	vsub.s32 v11, v0;
	v15 =	vld [tilespmem:s28+$0x101F0]  }
0x20f: {  	v11 =	vmin.u32 v11, $0x140;
	v14 =	vld [tilespmem:s28+$0x101E0]  }
0x210: {  	v11 =	vshll.u32 v11, $0x7;
	v16 =	vld [tilespmem:s28+$0x101D0]  }
0x211: {  	v13 =	vor.u32 v1, v11;
	v17 =	vld [tilespmem:s28+$0x101C0]  }
0x212: {  	v18 =	vor.u32 v4, v11;
	v19 =	vld [tilespmem:s28+$0x101B0]  }
0x213: {  	v20 =	vor.u32 v5, v11;
	v21 =	vld [tilespmem:s28+$0x101A0]  }
0x214: {  	v22 =	vor.u32 v6, v11;
	v23 =	vld [tilespmem:s28+$0x10190]  }
0x215: {  	v24 =	vor.u32 v7, v11;
	v25 =	vld [tilespmem:s28+$0x10180]  }
0x216: {  	v27 =	vor.u32 v8, v11;
	v26 =	vld.idx.msk [tilespmem:v13+s10+$0x0], $0xffff  }
0x217: {  	v12 =	vor.u32 v9, v11;
	v11 =	vor.u32 v10, v11;
	v28 =	vld.idx.msk [tilespmem:v18+s10+$0x0], $0xffff  }
0x218: {  	v29 =	vld.idx.msk [tilespmem:v20+s10+$0x0], $0xffff  }
0x219: {  	v30 =	vld.idx.msk [tilespmem:v22+s10+$0x0], $0xffff  }
0x21a: {  	v31 =	vld.idx.msk [tilespmem:v24+s10+$0x0], $0xffff  }
0x21b: {  	v32 =	vld.idx.msk [tilespmem:v27+s10+$0x0], $0xffff  }
0x21c: {  	v25 =	vmax.f32 v26, v25;
	v33 =	vld.idx.msk [tilespmem:v12+s10+$0x0], $0xffff  }
0x21d: {  	v23 =	vmax.f32 v28, v23;
	v26 =	vld.idx.msk [tilespmem:v11+s10+$0x0], $0xffff  }
0x21e: {  	[tilespmem:v13+s10+$0x0] =	vst.idx.msk $0xffff, v25;
	v13 =	vmax.f32 v29, v21  }
.Ltmp25:
0x21f: {  	[tilespmem:v18+s10+$0x0] =	vst.idx.msk $0xffff, v23;
	v18 =	vmax.f32 v30, v19;
	(pc) =	sbr.rel @p1 .LBB2_38-.Ltmp25, $4  }
0x220: {  	s24 =	sadd.s32 $0x1, s24;
	v17 =	vmax.f32 v31, v17;
	[tilespmem:v20+s10+$0x0] =	vst.idx.msk $0xffff, v13  }
0x221: {  	v13 =	vmov s24;
	v16 =	vmax.f32 v32, v16;
	[tilespmem:v22+s10+$0x0] =	vst.idx.msk $0xffff, v18  }
0x222: {  	v14 =	vmax.f32 v33, v14;
	[tilespmem:v24+s10+$0x0] =	vst.idx.msk $0xffff, v17  }
0x223: {  	v15 =	vmax.f32 v26, v15;
	[tilespmem:v27+s10+$0x0] =	vst.idx.msk $0xffff, v16  }
.Ltmp26:
0x224: {  	(pc) =	sbr.rel .LBB2_40-.Ltmp26, $2  }
0x225: {  	_ =	sdelay $0x2  }
0x226: {  	s24 =	smov.u32 s23  }
.LBB2_12:
.Ltmp27:
0x227: {  	(pc) =	sbr.rel .LBB2_16-.Ltmp27, $2  }
0x228: {  	_ =	sdelay $0x2  }
0x229: {  	s29 =	smov.u32 s26  }
.LBB2_19:
.Ltmp28:
0x22a: {  	(pc) =	sbr.rel .LBB2_24-.Ltmp28, $2  }
0x22b: {  	_ =	sdelay $0x2  }
0x22c: {  	_ = 	snop  }
.LBB2_27:
.Ltmp29:
0x22d: {  	(pc) =	sbr.rel .LBB2_32-.Ltmp29, $2  }
0x22e: {  	_ =	sdelay $0x2  }
0x22f: {  	_ = 	snop  }
.LBB2_14:
.Ltmp30:
0x230: {  	(pc) =	sbr.rel .LBB2_16-.Ltmp30, $2  }
0x231: {  	_ =	sdelay $0x2  }
0x232: {  	s29 =	smov.u32 s26  }
.LBB2_21:
.Ltmp31:
0x233: {  	(pc) =	sbr.rel .LBB2_24-.Ltmp31, $2  }
0x234: {  	_ =	sdelay $0x2  }
0x235: {  	s28 =	simm.s32 $0x200  }
.LBB2_29:
.Ltmp32:
0x236: {  	(pc) =	sbr.rel .LBB2_32-.Ltmp32, $2  }
0x237: {  	_ =	sdelay $0x2  }
0x238: {  	s25 =	simm.s32 $0x200  }
.LBB2_37:
.Ltmp33:
0x239: {  	(pc) =	sbr.rel .LBB2_40-.Ltmp33, $2  }
0x23a: {  	_ =	sdelay $0x2  }
0x23b: {  	s24 =	simm.s32 $0x200  }
.LBB2_44:
0x23c: {  	_ =	sfence.sel $0x180000  }
0x23d: {  	[bflag:$0x0] =	sbarrier.arrive $0xFFFF  }
0x23e: {  	p0 =	sne.s32 s0, $0x0;
	_ =	strace $0x9000004A  }
0x23f: {  	s0 =	sadd.s32 @!p0 $0x100000, s1;
	[bflag:$0x2] =	sbarrier.arrive $0xFFFF  }
0x240: {  	[sflag:s0] =	ssyncadd.tile.s32 @!p0 $0x1;
	_ =	shalt  }
.Lfunc_end2:
_tile_overlayer_lowered:
.L_overlay_start_2:
0x241: {  	(tag) =	ssettag $0x2  }
0x242: {  	s0 =	rddreg [dreg:$0x0];
	s2 =	stileid.u32  }
0x243: {  	s1 =	rddreg [dreg:$0x1];
	p0 =	sne.s32 s2, $0x0  }
0x244: {  	s3 =	rddreg [dreg:$0x2];
	[bflag:$0x3] =	sbarrier.arrive $0xFFFF;
	s2 =	simm.s32 @!p0 $0x1C02  }
0x245: {  	[timem:s3], [sflag:s2] =	dma.local @!p0 [hbm:s0], s1  }
0x246: {  	s0 =	simm.s32 @!p0 $0x2  }
0x247: {  	_ =	swait.ge @!p0 [sflag:s0], s1  }
0x248: {  	s1 =	ssub.s32 @!p0 $0x0, s1;
	[sflag:s0] =	ssyncset.done @!p0 $0x0  }
0x249: {  	[sflag:s0] =	ssyncadd.s32 @!p0 s1  }
0x24a: {  	[bflag:$0x3] =	sbarrier.arrive $0xFFFF  }
0x24b: {  	_ =	shalt  }

// kernel: kernel.7.cloned.1.call-start
scs
__scs_entry_jumppad:
0x0: {  	(pc) =	sbr.rel $0x88, $3  }
0x1: {  	(tag) =	ssettag $0x0;
	lr =	simm.s32 $0x1  }
0x2: {  	[smem:$0x3F98] =	sst lr;
	_ =	strace $0xD0000000  }
0x3: {  	_ = 	snop  }
0x4: {  	_ = 	snop  }
0x5: {  	_ = 	snop  }
0x6: {  	_ = 	snop  }
0x7: {  	_ = 	snop  }
__scs_overlays_trampoline_lowered:
0x8: {  	[smem:$0x3FA7] =	sst s0  }
0x9: {  	[smem:$0x3FA8] =	sst s1  }
0xa: {  	[smem:$0x3FA9] =	sst s2  }
0xb: {  	[smem:$0x3FAA] =	sst s3  }
0xc: {  	[smem:$0x3FAB] =	sst s4  }
0xd: {  	[smem:$0x3FAC] =	sst s5  }
0xe: {  	[smem:$0x3FAD] =	sst s6  }
0xf: {  	[smem:$0x3FAE] =	sst s7  }
0x10: {  	[smem:$0x3FAF] =	sst s8  }
0x11: {  	[smem:$0x3FB0] =	sst s9;
	s0 =	simm.s32 @!p0 $0x0  }
0x12: {  	s1 =	sld [smem:$0x3F96];
	s0 =	simm.s32 @p0 $0x1  }
0x13: {  	[smem:$0x3FB1] =	sst s0;
	s0 =	simm.s32 @!p1 $0x0  }
0x14: {  	s2 =	sld [smem:$0x3F95];
	s0 =	simm.s32 @p1 $0x1  }
0x15: {  	[smem:$0x3FB2] =	sst s0;
	s0 =	simm.s32 @!p2 $0x0  }
0x16: {  	s3 =	sld [smem:$0x3FDB];
	s0 =	simm.s32 @p2 $0x1  }
0x17: {  	s4 =	simm.s32 $0x1BF5;
	[smem:$0x3FB4] =	sst s0  }
0x18: {  	s0 =	sld [smem:$0x3F97];
	_ =	swait.ge [sflag:s4], $0x0  }
0x19: {  	s7 =	sld [smem:$0x3F98]  }
0x1a: {  	s8 =	sadd.s32 $0xFFFFE003, lr  }
0x1b: {  	s9 =	sadd.s32 $0xFFFFFEF7, lr;
	s5 =	simm.s32 $0xFFFFFFFF;
	p2 =	slt.u32 s8, $0xFFFFF086  }
0x1c: {  	p1 =	slt.u32 s9, $0xF7A;
	s5 =	simm.s32 @!p2 $0x0  }
0x1d: {  	s5 =	simm.s32 @p1 $0x1;
	p0 =	seq.s32 s7, s2  }
0x1e: {  	s7 =	smul.u32 @!p0 $0xF7A, s2;
	p2 =	seq.s32 @!p0 s5, $0x0  }
0x1f: {  	s9 =	smul.u32 $0xF7A, s1;
	s8 =	simm.s32 @!p0 $0x1BF5;
	p2 =	por !p2, p0  }
0x20: {  	[sflag:s8] =	ssyncset.s32 @!p0 $0xFFFFF086;
	s6 =	sadd.s32 @!p0 s3, s7;
	s7 =	simm.s32 @!p0 $0x108  }
0x21: {  	s3 =	sadd.s32 s3, s9;
	s6 =	sadd.s32 @!p0 $0x88, s6;
	s7 =	simm.s32 @p2 $0x1082  }
0x22: {  	[simem:s7], [sflag:s8] =	dma.local @!p0 [hbm:s6], $0xF7A  }
0x23: {  	s9 =	sor.u32 $0xD0000000, s2;
	s6 =	simm.s32 $0x108;
	_ =	swait.ge @!p0 [sflag:s8], $0x0  }
0x24: {  	s3 =	sadd.s32 $0x88, s3;
	s6 =	simm.s32 @!p1 $0x1082;
	[sflag:s4] =	ssyncset.s32 $0xFFFFF086  }
0x25: {  	[simem:s6], [sflag:s4] =	dma.local [hbm:s3], $0xF7A  }
0x26: {  	[smem:$0x3F98] =	sst s1;
	(tag) =	ssettag s2;
	_ =	strace s9  }
0x27: {  	s1 =	sld [smem:$0x3FA8]  }
0x28: {  	s2 =	sld [smem:$0x3FA9]  }
0x29: {  	s4 =	sld [smem:$0x3FAB]  }
0x2a: {  	p0 =	seq.s32 s5, $0x0;
	s5 =	sld [smem:$0x3FAC]  }
0x2b: {  	s6 =	sld [smem:$0x3FAD]  }
0x2c: {  	s7 =	sld [smem:$0x3FAE]  }
0x2d: {  	s3 =	simm.s32 $0x108;
	s8 =	sld [smem:$0x3FAF]  }
0x2e: {  	s3 =	simm.s32 @!p0 $0x1082;
	s9 =	sld [smem:$0x3FB0]  }
0x2f: {  	lr =	sadd.s32 s0, s3;
	s0 =	sld [smem:$0x3FA7]  }
0x30: {  	s3 =	sld [smem:$0x3FAA]  }
0x31: {  	[smem:$0x3FB3] =	sst s10  }
0x32: {  	s10 =	sld [smem:$0x3FB1];
	_ =	sdelay $0x3  }
0x33: {  	p0 =	seq.s32 s10, $0x1;
	s10 =	sld [smem:$0x3FB3];
	_ =	sdelay $0x3  }
0x34: {  	[smem:$0x3FB3] =	sst s10  }
0x35: {  	s10 =	sld [smem:$0x3FB2];
	_ =	sdelay $0x3  }
0x36: {  	p1 =	seq.s32 s10, $0x1;
	s10 =	sld [smem:$0x3FB3];
	_ =	sdelay $0x3  }
0x37: {  	[smem:$0x3FB3] =	sst s10  }
0x38: {  	s10 =	sld [smem:$0x3FB4]  }
0x39: {  	_ = 	snop;
	(pc) =	sbr.ind lr, $3  }
0x3a: {  	_ = 	snop  }
0x3b: {  	_ = 	snop  }
0x3c: {  	p2 =	seq.s32 s10, $0x1;
	s10 =	sld [smem:$0x3FB3]  }
0x3d: {  	_ =	shalt  }
0x3e: {  	_ =	shalt  }
0x3f: {  	_ =	shalt  }
0x40: {  	_ =	shalt  }
0x41: {  	_ =	shalt  }
0x42: {  	_ =	shalt  }
0x43: {  	_ =	shalt  }
0x44: {  	_ =	shalt  }
0x45: {  	_ =	shalt  }
0x46: {  	_ =	shalt  }
0x47: {  	_ =	shalt  }
0x48: {  	_ =	shalt  }
0x49: {  	_ =	shalt  }
0x4a: {  	_ =	shalt  }
0x4b: {  	_ =	shalt  }
0x4c: {  	_ =	shalt  }
0x4d: {  	_ =	shalt  }
0x4e: {  	_ =	shalt  }
0x4f: {  	_ =	shalt  }
0x50: {  	_ =	shalt  }
0x51: {  	_ =	shalt  }
0x52: {  	_ =	shalt  }
0x53: {  	_ =	shalt  }
0x54: {  	_ =	shalt  }
0x55: {  	_ =	shalt  }
0x56: {  	_ =	shalt  }
0x57: {  	_ =	shalt  }
0x58: {  	_ =	shalt  }
0x59: {  	_ =	shalt  }
0x5a: {  	_ =	shalt  }
0x5b: {  	_ =	shalt  }
0x5c: {  	_ =	shalt  }
0x5d: {  	_ =	shalt  }
0x5e: {  	_ =	shalt  }
0x5f: {  	_ =	shalt  }
0x60: {  	_ =	shalt  }
0x61: {  	_ =	shalt  }
0x62: {  	_ =	shalt  }
0x63: {  	_ =	shalt  }
0x64: {  	_ =	shalt  }
0x65: {  	_ =	shalt  }
0x66: {  	_ =	shalt  }
0x67: {  	_ =	shalt  }
0x68: {  	_ =	shalt  }
0x69: {  	_ =	shalt  }
0x6a: {  	_ =	shalt  }
0x6b: {  	_ =	shalt  }
0x6c: {  	_ =	shalt  }
0x6d: {  	_ =	shalt  }
0x6e: {  	_ =	shalt  }
0x6f: {  	_ =	shalt  }
0x70: {  	_ =	shalt  }
0x71: {  	_ =	shalt  }
0x72: {  	_ =	shalt  }
0x73: {  	_ =	shalt  }
0x74: {  	_ =	shalt  }
0x75: {  	_ =	shalt  }
0x76: {  	_ =	shalt  }
0x77: {  	_ =	shalt  }
0x78: {  	_ =	shalt  }
0x79: {  	_ =	shalt  }
0x7a: {  	_ =	shalt  }
0x7b: {  	_ =	shalt  }
0x7c: {  	_ =	shalt  }
0x7d: {  	_ =	shalt  }
0x7e: {  	_ =	shalt  }
0x7f: {  	_ =	shalt  }
0x80: {  	_ =	shalt  }
0x81: {  	_ =	shalt  }
0x82: {  	_ =	shalt  }
0x83: {  	_ =	shalt  }
0x84: {  	_ =	shalt  }
0x85: {  	_ =	shalt  }
0x86: {  	_ =	shalt  }
0x87: {  	_ =	shalt  }
.Lfunc_end0:
.L_simem_size_0:
called_computation_lowered:
.L_overlay_start_0:
0x88: {  	s2 =	sld [smem:$0x3FD9]  }
0x89: {  	s3 =	sld [smem:$0x3FFE];
	_ =	sdelay $0x1  }
0x8a: {  	s1 =	srdreg.scid  }
0x8b: {  	s0 =	sand.u32 $0x1, s1  }
0x8c: {  	s14 =	sshll.u32 s0, $0xA;
	s2 =	sadd.s32 s3, s2  }
0x8d: {  	s2 =	sadd.s32 s2, s14  }
0x8e: {  	[smem:$0x3FBF] =	sst s2  }
0x8f: {  	_ = 	snop  }
0x90: {  	s2 =	sld [smem:$0x3FD0];
	_ =	sdelay $0x2  }
0x91: {  	s15 =	simm.s32 $0xA;
	s4 =	simm.s32 $0x10  }
0x92: {  	[smem:s4], [sflag:s15] =	dma.local [hbm:s2], $0x1  }
0x93: {  	_ =	swait.eq [sflag:s15], $0x1  }
0x94: {  	s16 =	sld [smem:$0x10];
	[sflag:s15] =	ssyncset.done $0x0  }
0x95: {  	s17 =	sld [smem:$0x11];
	[sflag:s15] =	ssyncadd.s32 $0xFFFFFFFF  }
0x96: {  	s18 =	sld [smem:$0x12];
	(tm) =	ssettm $0x1  }
0x97: {  	s5 =	sld [smem:$0x3FFB];
	_ =	sdelay $0x3  }
0x98: {  	_ =	strace s5  }
0x99: {  	s5 =	sld [smem:$0x3FFC];
	_ =	sdelay $0x3  }
0x9a: {  	_ =	strace s5  }
0x9b: {  	s5 =	sld [smem:$0x3FFD];
	_ =	sdelay $0x3  }
0x9c: {  	_ =	strace s5  }
0x9d: {  	_ =	strace $0x8FFFFFFF  }
0x9e: {  	s19 =	sld [smem:$0x3FDB];
	_ =	sdelay $0x1  }
0x9f: {  	s6 =	simm.s32 $_scs_section_size  }
0xa0: {  	s7 =	simm.s32 $_size__tile_overlayer_lowered;
	s8 =	simm.s32 $_tile_overlayer_lowered  }
0xa1: {  	s22 =	simm.s32 $0x1BFF;
	s21 =	sshll.u32 s8, $0x1;
	s5 =	sadd.s32 s6, s19  }
0xa2: {  	s9 =	simm.s32 $0x0;
	s20 =	sshll.u32 s7, $0x1;
	s7 =	sadd.s32 s21, s5  }
0xa3: {  	[timem:s9], [sflag:s22] =	dma.local [hbm:s7], s20  }
0xa4: {  	_ =	swait.ge [sflag:s22], s20  }
0xa5: {  	s6 =	ssub.s32 $0x0, s20;
	[sflag:s22] =	ssyncset.done $0x0  }
0xa6: {  	[sflag:s22] =	ssyncadd.s32 s6;
	_ =	sdelay $0x1  }
0xa7: {  	s23 =	simm.s32 $0x1B8B  }
0xa8: {  	_ =	swait.ge [sflag:s23], $0x1  }
0xa9: {  	[sflag:s23] =	ssyncset.done $0x0  }
0xaa: {  	s25 =	simm.s32 $0x1B8E;
	s24 =	sld [smem:$0x3FFE];
	[sflag:s23] =	ssyncadd.s32 $0xFFFFFFFF  }
0xab: {  	s26 =	simm.s32 $execute0_lowered;
	[smem:$0x3FD2] =	sst s25  }
0xac: {  	s7 =	sshll.u32 s26, $0x1;
	_ =	strace $0x80000046;
	[dreg:$0x1] =	wrdreg $0xFFFFFFFF  }
0xad: {  	s28 =	simm.s32 $_size_execute0_lowered;
	s5 =	sadd.s32 s5, s7;
	[dreg:$0x0] =	wrdreg $0x0  }
0xae: {  	s7 =	sshll.u32 s28, $0x1;
	[dreg:$0x2] =	wrdreg s5  }
0xaf: {  	[dreg:$0x3] =	wrdreg s7  }
0xb0: {  	[dreg:$0x4] =	wrdreg $0xC0  }
0xb1: {  	_ =	task [dreg:s9], $0x5FFFF  }
0xb2: {  	[dreg:$0x1] =	wrdreg $0xFFFFFFFF  }
0xb3: {  	[dreg:$0x0] =	wrdreg $0x60  }
0xb4: {  	[dreg:$0x2] =	wrdreg s16  }
0xb5: {  	[dreg:$0x3] =	wrdreg s18  }
0xb6: {  	[dreg:$0x4] =	wrdreg s24  }
0xb7: {  	[dreg:$0x5] =	wrdreg s17  }
0xb8: {  	[dreg:$0x6] =	wrdreg $0x9  }
0xb9: {  	_ =	task.clear_ibuf [dreg:s9], $0x7FFFF;
	_ =	strace $0x90000046  }
0xba: {  	s29 =	simm.s32 $0x9;
	_ =	strace $0x80000048  }
0xbb: {  	_ =	swait.ge [sflag:s29], $0x1  }
0xbc: {  	[sflag:s29] =	ssyncadd.s32 $0xFFFFFFFF  }
0xbd: {  	_ =	strace $0x90000048  }
0xbe: {  	_ =	sfence  }
0xbf: {  	s30 =	sld [smem:$0x0];
	_ =	sdelay $0x2  }
0xc0: {  	s31 =	sshll.u32 s1, $0xD;
	s1 =	sshrl.u32 s1, $0x2  }
0xc1: {  	s3 =	sand.u32 $0x4000, s31;
	s1 =	sadd.s32 s1, s30  }
0xc2: {  	s0 =	sor.u32 s3, s0;
	s1 =	sshll.u32 s1, $0x11  }
0xc3: {  	s0 =	sor.u32 s1, s0  }
0xc4: {  	s0 =	sadd.s32 $0x8F2B, s0  }
0xc5: {  	[sflag:s0] =	ssyncadd.remote.s32 $0x1  }
0xc6: {  	_ =	sfence.sel $0xFFFF  }
0xc7: {  	[dreg:$0x0] =	wrdreg $0xFFFFFFFF;
	(pc) =	sbr.abs _section_cstart, $3  }
0xc8: {  	[dreg:$0x1] =	wrdreg $0xFFFFFFFF  }
0xc9: {  	_ =	task.clear_ibuf [dreg:s9], $0x2FFFF;
	_ =	strace $0x9FFFFFFF  }
0xca: {  	(tm) =	ssettm $0x7FFFFFFF  }
0xcb: {  	_ =	shalt  }
tec
execute0_lowered:
.L_overlay_start_1:
0x0: {  	(tag) =	ssettag $0x1  }
0x1: {  	s1 =	rddreg [dreg:$0x0]  }
0x2: {  	s2 =	rddreg [dreg:$0x1]  }
0x3: {  	s0 =	rddreg [dreg:$0x2]  }
0x4: {  	s4 =	rddreg [dreg:$0x3]  }
0x5: {  	s3 =	srdreg.scid;
	s6 =	stileid.u32;
	s5 =	simm.s32 $0x0  }
0x6: {  	s15 =	simm.s32 $0x5;
	s16 =	simm.s32 $0x100;
	s17 =	simm.s32 $0x80  }
0x7: {  	s18 =	simm.s32 $0x200;
	s19 =	simm.s32 $0x8200;
	s20 =	simm.s32 $0x180  }
0x8: {  	s21 =	simm.s32 $0x4200;
	s22 =	simm.s32 $0xC200;
	s23 =	simm.s32 $0x1  }
0x9: {  	s24 =	simm.s32 $0x10200;
	s3 =	sand.u32 $0x1, s3;
	s6 =	sshll.u32 s6, $0x1  }
0xa: {  	s30 =	simm.s32 $0x0;
	[smem:$0x7FF] =	sst s5;
	s9 =	sor.u32 s3, s6  }
0xb: {  	s7 =	sadd.s32 $0x1A00, s0;
	s3 =	ssub.s32 $0x2, s3;
	s6 =	smul.u32 $0x2710, s9  }
0xc: {  	s8 =	sadd.s32 $0xB800, s0;
	s10 =	sshrl.u32 s3, $0x1;
	s11 =	smul.u32 $0x138800, s9  }
0xd: {  	_ =	strace $0x80000047;
	s9 =	smul.u32 $0x27100, s9;
	s25 =	ssub.s32 s3, s10  }
0xe: {  	s26 =	sshrl.u32 s6, $0x3;
	s29 =	sshrl.u32 s11, $0x3;
	s0 =	smax.u32 s25, $0x1  }
0xf: {  	s11 =	sadd.s32 $0x100, s6;
	s28 =	sadd.s32 s7, s26;
	[dreg:$0x8] =	wrdreg s0  }
0x10: {  	s3 =	sadd.s32 s4, s26;
	s31 =	sadd.s32 s8, s29;
	[dreg:$0x5] =	wrdreg s28  }
0x11: {  	s14 =	sadd.s32 s8, s9;
	[dreg:$0x6] =	wrdreg s3;
	s3 =	sadd.s32 $0x26900, s31  }
0x12: {  	s25 =	simm.s32 $0x2;
	s26 =	simm.s32 $0x14200;
	[dreg:$0x7] =	wrdreg s3  }
.LBB2_1:
0x13: {  	s0 =	rddreg [dreg:$0x5]  }
0x14: {  	[tilespmem:s5], [sflag:$0x5] =	stream.linear.gather [hbm4b:s0+s5], $0x80, $0x38;
	[tilespmem:$0x18200] =	vst v63  }
0x15: {  	_ =	swait.ge [sflag:s15], $0x80  }
0x16: {  	[sflag:s15] =	ssyncset.done $0x0  }
0x17: {  	s29 =	rddreg [dreg:$0x6];
	[sflag:s15] =	ssyncadd.s32 $0xFFFFFF80  }
0x18: {  	[tilespmem:s16], [sflag:$0x5] =	stream.linear.gather [hbm4b:s29+s5], $0x80, $0x38;
	[tilespmem:$0x18200] =	vst v63  }
0x19: {  	_ =	swait.ge [sflag:s15], $0x80  }
0x1a: {  	[sflag:s15] =	ssyncset.done $0x0  }
0x1b: {  	[sflag:s15] =	ssyncadd.s32 $0xFFFFFF80  }
0x1c: {  	[tilespmem:s18], [sflag:$0x1] =	stream.indirect.gather [hbm4b:s1+s17], $0x80, s5, s17, $0xb8;
	[tilespmem:$0x18200] =	vst v63  }
0x1d: {  	s31 =	simm.s32 $0x0  }
0x1e: {  	[tilespmem:s19], [sflag:$0x1] =	stream.indirect.gather [hbm4b:s2+s17], $0x80, s16, s17, $0xb8;
	[tilespmem:$0x18200] =	vst v63  }
.LBB2_2:
0x1f: {  	s0 =	sshllo.u32 s31, $0x1  }
0x20: {  	s3 =	sshll.u32 s0, $0x7  }
0x21: {  	s3 =	sadd.s32 s6, s3  }
0x22: {  	s3 =	sshrl.u32 s3, $0x3  }
0x23: {  	s9 =	sadd.s32 s7, s3  }
0x24: {  	[tilespmem:s17], [sflag:$0x5] =	stream.linear.gather [hbm4b:s9+s5], $0x80, $0x38;
	[tilespmem:$0x18200] =	vst v63  }
0x25: {  	_ =	swait.ge [sflag:s15], $0x80  }
0x26: {  	[sflag:s15] =	ssyncset.done $0x0  }
0x27: {  	s3 =	sadd.s32 s4, s3;
	[sflag:s15] =	ssyncadd.s32 $0xFFFFFF80  }
0x28: {  	[tilespmem:s20], [sflag:$0x5] =	stream.linear.gather [hbm4b:s3+s5], $0x80, $0x38;
	[tilespmem:$0x18200] =	vst v63  }
0x29: {  	_ =	swait.ge [sflag:s15], $0x80  }
0x2a: {  	[sflag:s15] =	ssyncset.done $0x0  }
0x2b: {  	[sflag:s15] =	ssyncadd.s32 $0xFFFFFF80  }
0x2c: {  	[tilespmem:s21], [sflag:$0x2] =	stream.indirect.gather [hbm4b:s1+s17], $0x80, s17, s17, $0xb8;
	[tilespmem:$0x18200] =	vst v63  }
0x2d: {  	_ = 	snop  }
0x2e: {  	[tilespmem:s22], [sflag:$0x2] =	stream.indirect.gather [hbm4b:s2+s17], $0x80, s20, s17, $0xb8;
	[tilespmem:$0x18200] =	vst v63  }
0x2f: {  	_ =	swait.ge [sflag:s23], $0x4000  }
0x30: {  	[sflag:s23] =	ssyncset.done $0x0  }
0x31: {  	[sflag:s23] =	ssyncadd.s32 $0xFFFFC000  }
0x32: {  	_ =	swait.ge [sflag:s23], $0x4000  }
0x33: {  	p0 =	seq.s32 s31, $0x0;
	[sflag:s23] =	ssyncset.done $0x0  }
0x34: {  	s3 =	simm.s32 @!p0 $0x3;
	[sflag:s23] =	ssyncadd.s32 $0xFFFFC000  }
0x35: {  	_ =	swait.ge @!p0 [sflag:s3], $0x4000  }
0x36: {  	[sflag:s3] =	ssyncset.done @!p0 $0x0  }
0x37: {  	[sflag:s3] =	ssyncadd.s32 @!p0 $0xFFFFC000;
	s3 =	simm.s32 $0x280  }
0x38: {  	s9 =	simm.s32 $0x8280;
	v0 =	vld [tilespmem:s3+$0xFFFFFF80]  }
0x39: {  	v1 =	vld [tilespmem:s9+$0xFFFFFF80];
	_ =	sdelay $0x4  }
0x3a: {  	v0 =	vadd.f32 v1, v0;
	_ =	sdelay $0x1  }
0x3b: {  	s10 =	simm.s32 $0x10280;
	v0 =	vmax.f32 v0, $0.0e+00  }
0x3c: {  	[tilespmem:s10+$0xFFFFFF80] =	vst v0  }
0x3d: {  	v0 =	vld [tilespmem:s3+$0xFFFFFF90]  }
0x3e: {  	v1 =	vld [tilespmem:s9+$0xFFFFFF90];
	_ =	sdelay $0x4  }
0x3f: {  	v0 =	vadd.f32 v1, v0;
	_ =	sdelay $0x1  }
0x40: {  	v0 =	vmax.f32 v0, $0.0e+00  }
0x41: {  	[tilespmem:s10+$0xFFFFFF90] =	vst v0  }
0x42: {  	v0 =	vld [tilespmem:s3+$0xFFFFFFA0]  }
0x43: {  	v1 =	vld [tilespmem:s9+$0xFFFFFFA0];
	_ =	sdelay $0x4  }
0x44: {  	v0 =	vadd.f32 v1, v0;
	_ =	sdelay $0x1  }
0x45: {  	v0 =	vmax.f32 v0, $0.0e+00  }
0x46: {  	[tilespmem:s10+$0xFFFFFFA0] =	vst v0  }
0x47: {  	v0 =	vld [tilespmem:s3+$0xFFFFFFB0]  }
0x48: {  	v1 =	vld [tilespmem:s9+$0xFFFFFFB0];
	_ =	sdelay $0x4  }
0x49: {  	v0 =	vadd.f32 v1, v0;
	_ =	sdelay $0x1  }
0x4a: {  	v0 =	vmax.f32 v0, $0.0e+00  }
0x4b: {  	[tilespmem:s10+$0xFFFFFFB0] =	vst v0  }
0x4c: {  	v0 =	vld [tilespmem:s3+$0xFFFFFFC0]  }
0x4d: {  	v1 =	vld [tilespmem:s9+$0xFFFFFFC0];
	_ =	sdelay $0x4  }
0x4e: {  	v0 =	vadd.f32 v1, v0;
	_ =	sdelay $0x1  }
0x4f: {  	v0 =	vmax.f32 v0, $0.0e+00  }
0x50: {  	[tilespmem:s10+$0xFFFFFFC0] =	vst v0  }
0x51: {  	v0 =	vld [tilespmem:s3+$0xFFFFFFD0]  }
0x52: {  	v1 =	vld [tilespmem:s9+$0xFFFFFFD0];
	_ =	sdelay $0x4  }
0x53: {  	v0 =	vadd.f32 v1, v0;
	_ =	sdelay $0x1  }
0x54: {  	v0 =	vmax.f32 v0, $0.0e+00  }
0x55: {  	[tilespmem:s10+$0xFFFFFFD0] =	vst v0  }
0x56: {  	v0 =	vld [tilespmem:s3+$0xFFFFFFE0]  }
0x57: {  	v1 =	vld [tilespmem:s9+$0xFFFFFFE0];
	_ =	sdelay $0x4  }
0x58: {  	v0 =	vadd.f32 v1, v0;
	_ =	sdelay $0x1  }
0x59: {  	v0 =	vmax.f32 v0, $0.0e+00  }
0x5a: {  	[tilespmem:s10+$0xFFFFFFE0] =	vst v0  }
0x5b: {  	v0 =	vld [tilespmem:s3+$0xFFFFFFF0]  }
0x5c: {  	v1 =	vld [tilespmem:s9+$0xFFFFFFF0];
	_ =	sdelay $0x4  }
0x5d: {  	v0 =	vadd.f32 v1, v0;
	_ =	sdelay $0x1  }
0x5e: {  	v0 =	vmax.f32 v0, $0.0e+00  }
0x5f: {  	[tilespmem:s10+$0xFFFFFFF0] =	vst v0  }
0x60: {  	v0 =	vld [tilespmem:s3+$0x0]  }
0x61: {  	v1 =	vld [tilespmem:s9+$0x0];
	_ =	sdelay $0x4  }
0x62: {  	v0 =	vadd.f32 v1, v0;
	_ =	sdelay $0x1  }
0x63: {  	v0 =	vmax.f32 v0, $0.0e+00  }
0x64: {  	[tilespmem:s10+$0x0] =	vst v0  }
0x65: {  	v0 =	vld [tilespmem:s3+$0x10]  }
0x66: {  	v1 =	vld [tilespmem:s9+$0x10];
	_ =	sdelay $0x4  }
0x67: {  	v0 =	vadd.f32 v1, v0;
	_ =	sdelay $0x1  }
0x68: {  	v0 =	vmax.f32 v0, $0.0e+00  }
0x69: {  	[tilespmem:s10+$0x10] =	vst v0  }
0x6a: {  	v0 =	vld [tilespmem:s3+$0x20]  }
0x6b: {  	v1 =	vld [tilespmem:s9+$0x20];
	_ =	sdelay $0x4  }
0x6c: {  	v0 =	vadd.f32 v1, v0;
	_ =	sdelay $0x1  }
0x6d: {  	v0 =	vmax.f32 v0, $0.0e+00  }
0x6e: {  	[tilespmem:s10+$0x20] =	vst v0  }
0x6f: {  	v0 =	vld [tilespmem:s3+$0x30]  }
0x70: {  	v1 =	vld [tilespmem:s9+$0x30];
	_ =	sdelay $0x4  }
0x71: {  	v0 =	vadd.f32 v1, v0;
	_ =	sdelay $0x1  }
0x72: {  	v0 =	vmax.f32 v0, $0.0e+00  }
0x73: {  	[tilespmem:s10+$0x30] =	vst v0  }
0x74: {  	v0 =	vld [tilespmem:s3+$0x40]  }
0x75: {  	v1 =	vld [tilespmem:s9+$0x40];
	_ =	sdelay $0x4  }
0x76: {  	v0 =	vadd.f32 v1, v0;
	_ =	sdelay $0x1  }
0x77: {  	v0 =	vmax.f32 v0, $0.0e+00  }
0x78: {  	[tilespmem:s10+$0x40] =	vst v0  }
0x79: {  	v0 =	vld [tilespmem:s3+$0x50]  }
0x7a: {  	v1 =	vld [tilespmem:s9+$0x50];
	_ =	sdelay $0x4  }
0x7b: {  	v0 =	vadd.f32 v1, v0;
	_ =	sdelay $0x1  }
0x7c: {  	v0 =	vmax.f32 v0, $0.0e+00  }
0x7d: {  	[tilespmem:s10+$0x50] =	vst v0  }
0x7e: {  	v0 =	vld [tilespmem:s3+$0x60]  }
0x7f: {  	v1 =	vld [tilespmem:s9+$0x60]  }
0x80: {  	s13 =	simm.s32 $0x0  }
0x81: {  	s28 =	simm.s32 $0x380;
	s12 =	simm.s32 $0x10280;
	s29 =	simm.s32 $0x8280  }
.LBB2_3:
0x82: {  	s13 =	sadd.s32 $0x2, s13;
	s10 =	sadd.s32 $0x100, s10;
	s9 =	sadd.s32 $0x100, s9  }
0x83: {  	p1 =	slt.u32 s13, $0x7E  }
0x84: {  	v0 =	vadd.f32 v1, v0;
	_ =	sdelay $0x1  }
0x85: {  	v0 =	vmax.f32 v0, $0.0e+00  }
0x86: {  	[tilespmem:s12+$0x60] =	vst v0  }
0x87: {  	v0 =	vld [tilespmem:s3+$0x70];
	s3 =	smov.u32 s28  }
0x88: {  	v1 =	vld [tilespmem:s29+$0x70];
	s29 =	smov.u32 s9;
	_ =	sdelay $0x4  }
0x89: {  	v0 =	vadd.f32 v1, v0;
	_ =	sdelay $0x1  }
0x8a: {  	v0 =	vmax.f32 v0, $0.0e+00  }
0x8b: {  	[tilespmem:s12+$0x70] =	vst v0;
	s12 =	smov.u32 s10  }
0x8c: {  	v0 =	vld [tilespmem:s28+$0xFFFFFF80]  }
0x8d: {  	v1 =	vld [tilespmem:s9+$0xFFFFFF80];
	_ =	sdelay $0x4  }
0x8e: {  	v0 =	vadd.f32 v1, v0;
	_ =	sdelay $0x1  }
0x8f: {  	v0 =	vmax.f32 v0, $0.0e+00  }
0x90: {  	[tilespmem:s10+$0xFFFFFF80] =	vst v0  }
0x91: {  	v0 =	vld [tilespmem:s28+$0xFFFFFF90]  }
0x92: {  	v1 =	vld [tilespmem:s9+$0xFFFFFF90];
	_ =	sdelay $0x4  }
0x93: {  	v0 =	vadd.f32 v1, v0;
	_ =	sdelay $0x1  }
0x94: {  	v0 =	vmax.f32 v0, $0.0e+00  }
0x95: {  	[tilespmem:s10+$0xFFFFFF90] =	vst v0  }
0x96: {  	v0 =	vld [tilespmem:s28+$0xFFFFFFA0]  }
0x97: {  	v1 =	vld [tilespmem:s9+$0xFFFFFFA0];
	_ =	sdelay $0x4  }
0x98: {  	v0 =	vadd.f32 v1, v0;
	_ =	sdelay $0x1  }
0x99: {  	v0 =	vmax.f32 v0, $0.0e+00  }
0x9a: {  	[tilespmem:s10+$0xFFFFFFA0] =	vst v0  }
0x9b: {  	v0 =	vld [tilespmem:s28+$0xFFFFFFB0]  }
0x9c: {  	v1 =	vld [tilespmem:s9+$0xFFFFFFB0];
	_ =	sdelay $0x4  }
0x9d: {  	v0 =	vadd.f32 v1, v0;
	_ =	sdelay $0x1  }
0x9e: {  	v0 =	vmax.f32 v0, $0.0e+00  }
0x9f: {  	[tilespmem:s10+$0xFFFFFFB0] =	vst v0  }
0xa0: {  	v0 =	vld [tilespmem:s28+$0xFFFFFFC0]  }
0xa1: {  	v1 =	vld [tilespmem:s9+$0xFFFFFFC0];
	_ =	sdelay $0x4  }
0xa2: {  	v0 =	vadd.f32 v1, v0;
	_ =	sdelay $0x1  }
0xa3: {  	v0 =	vmax.f32 v0, $0.0e+00  }
0xa4: {  	[tilespmem:s10+$0xFFFFFFC0] =	vst v0  }
0xa5: {  	v0 =	vld [tilespmem:s28+$0xFFFFFFD0]  }
0xa6: {  	v1 =	vld [tilespmem:s9+$0xFFFFFFD0];
	_ =	sdelay $0x4  }
0xa7: {  	v0 =	vadd.f32 v1, v0;
	_ =	sdelay $0x1  }
0xa8: {  	v0 =	vmax.f32 v0, $0.0e+00  }
0xa9: {  	[tilespmem:s10+$0xFFFFFFD0] =	vst v0  }
0xaa: {  	v0 =	vld [tilespmem:s28+$0xFFFFFFE0]  }
0xab: {  	v1 =	vld [tilespmem:s9+$0xFFFFFFE0];
	_ =	sdelay $0x4  }
0xac: {  	v0 =	vadd.f32 v1, v0;
	_ =	sdelay $0x1  }
0xad: {  	v0 =	vmax.f32 v0, $0.0e+00  }
0xae: {  	[tilespmem:s10+$0xFFFFFFE0] =	vst v0  }
0xaf: {  	v0 =	vld [tilespmem:s28+$0xFFFFFFF0]  }
0xb0: {  	v1 =	vld [tilespmem:s9+$0xFFFFFFF0];
	_ =	sdelay $0x4  }
0xb1: {  	v0 =	vadd.f32 v1, v0;
	_ =	sdelay $0x1  }
0xb2: {  	v0 =	vmax.f32 v0, $0.0e+00  }
0xb3: {  	[tilespmem:s10+$0xFFFFFFF0] =	vst v0  }
0xb4: {  	v0 =	vld [tilespmem:s28+$0x0]  }
0xb5: {  	v1 =	vld [tilespmem:s9+$0x0];
	_ =	sdelay $0x4  }
0xb6: {  	v0 =	vadd.f32 v1, v0;
	_ =	sdelay $0x1  }
0xb7: {  	v0 =	vmax.f32 v0, $0.0e+00  }
0xb8: {  	[tilespmem:s10+$0x0] =	vst v0  }
0xb9: {  	v0 =	vld [tilespmem:s28+$0x10]  }
0xba: {  	v1 =	vld [tilespmem:s9+$0x10];
	_ =	sdelay $0x4  }
0xbb: {  	v0 =	vadd.f32 v1, v0;
	_ =	sdelay $0x1  }
0xbc: {  	v0 =	vmax.f32 v0, $0.0e+00  }
0xbd: {  	[tilespmem:s10+$0x10] =	vst v0  }
0xbe: {  	v0 =	vld [tilespmem:s28+$0x20]  }
0xbf: {  	v1 =	vld [tilespmem:s9+$0x20];
	_ =	sdelay $0x4  }
0xc0: {  	v0 =	vadd.f32 v1, v0;
	_ =	sdelay $0x1  }
0xc1: {  	v0 =	vmax.f32 v0, $0.0e+00  }
0xc2: {  	[tilespmem:s10+$0x20] =	vst v0  }
0xc3: {  	v0 =	vld [tilespmem:s28+$0x30]  }
0xc4: {  	v1 =	vld [tilespmem:s9+$0x30];
	_ =	sdelay $0x4  }
0xc5: {  	v0 =	vadd.f32 v1, v0;
	_ =	sdelay $0x1  }
0xc6: {  	v0 =	vmax.f32 v0, $0.0e+00  }
0xc7: {  	[tilespmem:s10+$0x30] =	vst v0  }
0xc8: {  	v0 =	vld [tilespmem:s28+$0x40]  }
0xc9: {  	v1 =	vld [tilespmem:s9+$0x40];
	_ =	sdelay $0x4  }
0xca: {  	v0 =	vadd.f32 v1, v0;
	_ =	sdelay $0x1  }
0xcb: {  	v0 =	vmax.f32 v0, $0.0e+00  }
0xcc: {  	[tilespmem:s10+$0x40] =	vst v0  }
0xcd: {  	v0 =	vld [tilespmem:s28+$0x50]  }
0xce: {  	v1 =	vld [tilespmem:s9+$0x50];
	_ =	sdelay $0x4  }
0xcf: {  	v0 =	vadd.f32 v1, v0;
	_ =	sdelay $0x1  }
0xd0: {  	v0 =	vmax.f32 v0, $0.0e+00  }
.Ltmp0:
0xd1: {  	[tilespmem:s10+$0x50] =	vst v0;
	(pc) =	sbr.rel @p1 .LBB2_3-.Ltmp0, $3  }
0xd2: {  	v0 =	vld [tilespmem:s28+$0x60]  }
0xd3: {  	v1 =	vld [tilespmem:s9+$0x60];
	_ =	sdelay $0x1  }
0xd4: {  	s28 =	sadd.s32 $0x100, s28  }
0xd5: {  	_ =	sdelay $0x1  }
0xd6: {  	v0 =	vadd.f32 v1, v0;
	_ =	sdelay $0x1  }
0xd7: {  	v0 =	vmax.f32 v0, $0.0e+00  }
0xd8: {  	[tilespmem:s12+$0x60] =	vst v0  }
0xd9: {  	v0 =	vld [tilespmem:s3+$0x70]  }
0xda: {  	v1 =	vld [tilespmem:s29+$0x70];
	_ =	sdelay $0x4  }
0xdb: {  	s10 =	sshll.u32 s31, $0x8;
	v0 =	vadd.f32 v1, v0  }
0xdc: {  	s9 =	sadd.s32 s6, s10;
	s3 =	smin.u32 s10, $0x2590  }
0xdd: {  	s9 =	sshll.u32 s9, $0x4;
	s3 =	sadd.s32 s3, s11;
	v0 =	vmax.f32 v0, $0.0e+00  }
0xde: {  	s9 =	sadd.s32 s8, s9;
	s3 =	sshrl.u32 s3, $0x3;
	[tilespmem:s12+$0x70] =	vst v0  }
0xdf: {  	[hbm4b:s9+s5] =	stream.linear.scatter [tilespmem:s24], [sflag:$0x3], $0x4000, $0x38;
	[tilespmem:$0x18200] =	vst v63  }
0xe0: {  	s13 =	sadd.s32 s7, s3  }
0xe1: {  	[tilespmem:s5], [sflag:$0x5] =	stream.linear.gather [hbm4b:s13+s5], $0x80, $0x38;
	[tilespmem:$0x18200] =	vst v63  }
0xe2: {  	_ =	swait.ge [sflag:s15], $0x80  }
0xe3: {  	[sflag:s15] =	ssyncset.done $0x0  }
0xe4: {  	s3 =	sadd.s32 s4, s3;
	[sflag:s15] =	ssyncadd.s32 $0xFFFFFF80  }
0xe5: {  	[tilespmem:s16], [sflag:$0x5] =	stream.linear.gather [hbm4b:s3+s5], $0x80, $0x38;
	[tilespmem:$0x18200] =	vst v63  }
0xe6: {  	_ =	swait.ge [sflag:s15], $0x80  }
0xe7: {  	[sflag:s15] =	ssyncset.done $0x0  }
0xe8: {  	[sflag:s15] =	ssyncadd.s32 $0xFFFFFF80  }
0xe9: {  	[tilespmem:s18], [sflag:$0x1] =	stream.indirect.gather [hbm4b:s1+s17], $0x80, s5, s17, $0xb8;
	[tilespmem:$0x18200] =	vst v63  }
0xea: {  	_ = 	snop  }
0xeb: {  	[tilespmem:s19], [sflag:$0x1] =	stream.indirect.gather [hbm4b:s2+s17], $0x80, s16, s17, $0xb8;
	[tilespmem:$0x18200] =	vst v63  }
0xec: {  	_ =	swait.ge [sflag:s25], $0x4000  }
0xed: {  	[sflag:s25] =	ssyncset.done $0x0  }
0xee: {  	[sflag:s25] =	ssyncadd.s32 $0xFFFFC000  }
0xef: {  	_ =	swait.ge [sflag:s25], $0x4000  }
0xf0: {  	[sflag:s25] =	ssyncset.done $0x0  }
0xf1: {  	s3 =	simm.s32 @!p0 $0x4;
	[sflag:s25] =	ssyncadd.s32 $0xFFFFC000  }
0xf2: {  	_ =	swait.ge @!p0 [sflag:s3], $0x4000  }
0xf3: {  	[sflag:s3] =	ssyncset.done @!p0 $0x0  }
0xf4: {  	[sflag:s3] =	ssyncadd.s32 @!p0 $0xFFFFC000;
	s3 =	simm.s32 $0x4280  }
0xf5: {  	s9 =	simm.s32 $0xC280;
	v0 =	vld [tilespmem:s3+$0xFFFFFF80]  }
0xf6: {  	v1 =	vld [tilespmem:s9+$0xFFFFFF80];
	_ =	sdelay $0x4  }
0xf7: {  	v0 =	vadd.f32 v1, v0;
	_ =	sdelay $0x1  }
0xf8: {  	s10 =	simm.s32 $0x14280;
	v0 =	vmax.f32 v0, $0.0e+00  }
0xf9: {  	[tilespmem:s10+$0xFFFFFF80] =	vst v0  }
0xfa: {  	v0 =	vld [tilespmem:s3+$0xFFFFFF90]  }
0xfb: {  	v1 =	vld [tilespmem:s9+$0xFFFFFF90];
	_ =	sdelay $0x4  }
0xfc: {  	v0 =	vadd.f32 v1, v0;
	_ =	sdelay $0x1  }
0xfd: {  	v0 =	vmax.f32 v0, $0.0e+00  }
0xfe: {  	[tilespmem:s10+$0xFFFFFF90] =	vst v0  }
0xff: {  	v0 =	vld [tilespmem:s3+$0xFFFFFFA0]  }
0x100: {  	v1 =	vld [tilespmem:s9+$0xFFFFFFA0];
	_ =	sdelay $0x4  }
0x101: {  	v0 =	vadd.f32 v1, v0;
	_ =	sdelay $0x1  }
0x102: {  	v0 =	vmax.f32 v0, $0.0e+00  }
0x103: {  	[tilespmem:s10+$0xFFFFFFA0] =	vst v0  }
0x104: {  	v0 =	vld [tilespmem:s3+$0xFFFFFFB0]  }
0x105: {  	v1 =	vld [tilespmem:s9+$0xFFFFFFB0];
	_ =	sdelay $0x4  }
0x106: {  	v0 =	vadd.f32 v1, v0;
	_ =	sdelay $0x1  }
0x107: {  	v0 =	vmax.f32 v0, $0.0e+00  }
0x108: {  	[tilespmem:s10+$0xFFFFFFB0] =	vst v0  }
0x109: {  	v0 =	vld [tilespmem:s3+$0xFFFFFFC0]  }
0x10a: {  	v1 =	vld [tilespmem:s9+$0xFFFFFFC0];
	_ =	sdelay $0x4  }
0x10b: {  	v0 =	vadd.f32 v1, v0;
	_ =	sdelay $0x1  }
0x10c: {  	v0 =	vmax.f32 v0, $0.0e+00  }
0x10d: {  	[tilespmem:s10+$0xFFFFFFC0] =	vst v0  }
0x10e: {  	v0 =	vld [tilespmem:s3+$0xFFFFFFD0]  }
0x10f: {  	v1 =	vld [tilespmem:s9+$0xFFFFFFD0];
	_ =	sdelay $0x4  }
0x110: {  	v0 =	vadd.f32 v1, v0;
	_ =	sdelay $0x1  }
0x111: {  	v0 =	vmax.f32 v0, $0.0e+00  }
0x112: {  	[tilespmem:s10+$0xFFFFFFD0] =	vst v0  }
0x113: {  	v0 =	vld [tilespmem:s3+$0xFFFFFFE0]  }
0x114: {  	v1 =	vld [tilespmem:s9+$0xFFFFFFE0];
	_ =	sdelay $0x4  }
0x115: {  	v0 =	vadd.f32 v1, v0;
	_ =	sdelay $0x1  }
0x116: {  	v0 =	vmax.f32 v0, $0.0e+00  }
0x117: {  	[tilespmem:s10+$0xFFFFFFE0] =	vst v0  }
0x118: {  	v0 =	vld [tilespmem:s3+$0xFFFFFFF0]  }
0x119: {  	v1 =	vld [tilespmem:s9+$0xFFFFFFF0];
	_ =	sdelay $0x4  }
0x11a: {  	v0 =	vadd.f32 v1, v0;
	_ =	sdelay $0x1  }
0x11b: {  	v0 =	vmax.f32 v0, $0.0e+00  }
0x11c: {  	[tilespmem:s10+$0xFFFFFFF0] =	vst v0  }
0x11d: {  	v0 =	vld [tilespmem:s3+$0x0]  }
0x11e: {  	v1 =	vld [tilespmem:s9+$0x0];
	_ =	sdelay $0x4  }
0x11f: {  	v0 =	vadd.f32 v1, v0;
	_ =	sdelay $0x1  }
0x120: {  	v0 =	vmax.f32 v0, $0.0e+00  }
0x121: {  	[tilespmem:s10+$0x0] =	vst v0  }
0x122: {  	v0 =	vld [tilespmem:s3+$0x10]  }
0x123: {  	v1 =	vld [tilespmem:s9+$0x10];
	_ =	sdelay $0x4  }
0x124: {  	v0 =	vadd.f32 v1, v0;
	_ =	sdelay $0x1  }
0x125: {  	v0 =	vmax.f32 v0, $0.0e+00  }
0x126: {  	[tilespmem:s10+$0x10] =	vst v0  }
0x127: {  	v0 =	vld [tilespmem:s3+$0x20]  }
0x128: {  	v1 =	vld [tilespmem:s9+$0x20];
	_ =	sdelay $0x4  }
0x129: {  	v0 =	vadd.f32 v1, v0;
	_ =	sdelay $0x1  }
0x12a: {  	v0 =	vmax.f32 v0, $0.0e+00  }
0x12b: {  	[tilespmem:s10+$0x20] =	vst v0  }
0x12c: {  	v0 =	vld [tilespmem:s3+$0x30]  }
0x12d: {  	v1 =	vld [tilespmem:s9+$0x30];
	_ =	sdelay $0x4  }
0x12e: {  	v0 =	vadd.f32 v1, v0;
	_ =	sdelay $0x1  }
0x12f: {  	v0 =	vmax.f32 v0, $0.0e+00  }
0x130: {  	[tilespmem:s10+$0x30] =	vst v0  }
0x131: {  	v0 =	vld [tilespmem:s3+$0x40]  }
0x132: {  	v1 =	vld [tilespmem:s9+$0x40];
	_ =	sdelay $0x4  }
0x133: {  	v0 =	vadd.f32 v1, v0;
	_ =	sdelay $0x1  }
0x134: {  	v0 =	vmax.f32 v0, $0.0e+00  }
0x135: {  	[tilespmem:s10+$0x40] =	vst v0  }
0x136: {  	v0 =	vld [tilespmem:s3+$0x50]  }
0x137: {  	v1 =	vld [tilespmem:s9+$0x50];
	_ =	sdelay $0x4  }
0x138: {  	v0 =	vadd.f32 v1, v0;
	_ =	sdelay $0x1  }
0x139: {  	v0 =	vmax.f32 v0, $0.0e+00  }
0x13a: {  	[tilespmem:s10+$0x50] =	vst v0  }
0x13b: {  	v0 =	vld [tilespmem:s3+$0x60]  }
0x13c: {  	v1 =	vld [tilespmem:s9+$0x60]  }
0x13d: {  	s28 =	simm.s32 $0x4380  }
0x13e: {  	s29 =	simm.s32 $0xC280;
	s12 =	simm.s32 $0x14280;
	s13 =	simm.s32 $0x0  }
.LBB2_5:
0x13f: {  	s13 =	sadd.s32 $0x2, s13;
	s10 =	sadd.s32 $0x100, s10;
	s9 =	sadd.s32 $0x100, s9  }
0x140: {  	p0 =	slt.u32 s13, $0x7E  }
0x141: {  	v0 =	vadd.f32 v1, v0;
	_ =	sdelay $0x1  }
0x142: {  	v0 =	vmax.f32 v0, $0.0e+00  }
0x143: {  	[tilespmem:s12+$0x60] =	vst v0  }
0x144: {  	v0 =	vld [tilespmem:s3+$0x70];
	s3 =	smov.u32 s28  }
0x145: {  	v1 =	vld [tilespmem:s29+$0x70];
	s29 =	smov.u32 s9;
	_ =	sdelay $0x4  }
0x146: {  	v0 =	vadd.f32 v1, v0;
	_ =	sdelay $0x1  }
0x147: {  	v0 =	vmax.f32 v0, $0.0e+00  }
0x148: {  	[tilespmem:s12+$0x70] =	vst v0;
	s12 =	smov.u32 s10  }
0x149: {  	v0 =	vld [tilespmem:s28+$0xFFFFFF80]  }
0x14a: {  	v1 =	vld [tilespmem:s9+$0xFFFFFF80];
	_ =	sdelay $0x4  }
0x14b: {  	v0 =	vadd.f32 v1, v0;
	_ =	sdelay $0x1  }
0x14c: {  	v0 =	vmax.f32 v0, $0.0e+00  }
0x14d: {  	[tilespmem:s10+$0xFFFFFF80] =	vst v0  }
0x14e: {  	v0 =	vld [tilespmem:s28+$0xFFFFFF90]  }
0x14f: {  	v1 =	vld [tilespmem:s9+$0xFFFFFF90];
	_ =	sdelay $0x4  }
0x150: {  	v0 =	vadd.f32 v1, v0;
	_ =	sdelay $0x1  }
0x151: {  	v0 =	vmax.f32 v0, $0.0e+00  }
0x152: {  	[tilespmem:s10+$0xFFFFFF90] =	vst v0  }
0x153: {  	v0 =	vld [tilespmem:s28+$0xFFFFFFA0]  }
0x154: {  	v1 =	vld [tilespmem:s9+$0xFFFFFFA0];
	_ =	sdelay $0x4  }
0x155: {  	v0 =	vadd.f32 v1, v0;
	_ =	sdelay $0x1  }
0x156: {  	v0 =	vmax.f32 v0, $0.0e+00  }
0x157: {  	[tilespmem:s10+$0xFFFFFFA0] =	vst v0  }
0x158: {  	v0 =	vld [tilespmem:s28+$0xFFFFFFB0]  }
0x159: {  	v1 =	vld [tilespmem:s9+$0xFFFFFFB0];
	_ =	sdelay $0x4  }
0x15a: {  	v0 =	vadd.f32 v1, v0;
	_ =	sdelay $0x1  }
0x15b: {  	v0 =	vmax.f32 v0, $0.0e+00  }
0x15c: {  	[tilespmem:s10+$0xFFFFFFB0] =	vst v0  }
0x15d: {  	v0 =	vld [tilespmem:s28+$0xFFFFFFC0]  }
0x15e: {  	v1 =	vld [tilespmem:s9+$0xFFFFFFC0];
	_ =	sdelay $0x4  }
0x15f: {  	v0 =	vadd.f32 v1, v0;
	_ =	sdelay $0x1  }
0x160: {  	v0 =	vmax.f32 v0, $0.0e+00  }
0x161: {  	[tilespmem:s10+$0xFFFFFFC0] =	vst v0  }
0x162: {  	v0 =	vld [tilespmem:s28+$0xFFFFFFD0]  }
0x163: {  	v1 =	vld [tilespmem:s9+$0xFFFFFFD0];
	_ =	sdelay $0x4  }
0x164: {  	v0 =	vadd.f32 v1, v0;
	_ =	sdelay $0x1  }
0x165: {  	v0 =	vmax.f32 v0, $0.0e+00  }
0x166: {  	[tilespmem:s10+$0xFFFFFFD0] =	vst v0  }
0x167: {  	v0 =	vld [tilespmem:s28+$0xFFFFFFE0]  }
0x168: {  	v1 =	vld [tilespmem:s9+$0xFFFFFFE0];
	_ =	sdelay $0x4  }
0x169: {  	v0 =	vadd.f32 v1, v0;
	_ =	sdelay $0x1  }
0x16a: {  	v0 =	vmax.f32 v0, $0.0e+00  }
0x16b: {  	[tilespmem:s10+$0xFFFFFFE0] =	vst v0  }
0x16c: {  	v0 =	vld [tilespmem:s28+$0xFFFFFFF0]  }
0x16d: {  	v1 =	vld [tilespmem:s9+$0xFFFFFFF0];
	_ =	sdelay $0x4  }
0x16e: {  	v0 =	vadd.f32 v1, v0;
	_ =	sdelay $0x1  }
0x16f: {  	v0 =	vmax.f32 v0, $0.0e+00  }
0x170: {  	[tilespmem:s10+$0xFFFFFFF0] =	vst v0  }
0x171: {  	v0 =	vld [tilespmem:s28+$0x0]  }
0x172: {  	v1 =	vld [tilespmem:s9+$0x0];
	_ =	sdelay $0x4  }
0x173: {  	v0 =	vadd.f32 v1, v0;
	_ =	sdelay $0x1  }
0x174: {  	v0 =	vmax.f32 v0, $0.0e+00  }
0x175: {  	[tilespmem:s10+$0x0] =	vst v0  }
0x176: {  	v0 =	vld [tilespmem:s28+$0x10]  }
0x177: {  	v1 =	vld [tilespmem:s9+$0x10];
	_ =	sdelay $0x4  }
0x178: {  	v0 =	vadd.f32 v1, v0;
	_ =	sdelay $0x1  }
0x179: {  	v0 =	vmax.f32 v0, $0.0e+00  }
0x17a: {  	[tilespmem:s10+$0x10] =	vst v0  }
0x17b: {  	v0 =	vld [tilespmem:s28+$0x20]  }
0x17c: {  	v1 =	vld [tilespmem:s9+$0x20];
	_ =	sdelay $0x4  }
0x17d: {  	v0 =	vadd.f32 v1, v0;
	_ =	sdelay $0x1  }
0x17e: {  	v0 =	vmax.f32 v0, $0.0e+00  }
0x17f: {  	[tilespmem:s10+$0x20] =	vst v0  }
0x180: {  	v0 =	vld [tilespmem:s28+$0x30]  }
0x181: {  	v1 =	vld [tilespmem:s9+$0x30];
	_ =	sdelay $0x4  }
0x182: {  	v0 =	vadd.f32 v1, v0;
	_ =	sdelay $0x1  }
0x183: {  	v0 =	vmax.f32 v0, $0.0e+00  }
0x184: {  	[tilespmem:s10+$0x30] =	vst v0  }
0x185: {  	v0 =	vld [tilespmem:s28+$0x40]  }
0x186: {  	v1 =	vld [tilespmem:s9+$0x40];
	_ =	sdelay $0x4  }
0x187: {  	v0 =	vadd.f32 v1, v0;
	_ =	sdelay $0x1  }
0x188: {  	v0 =	vmax.f32 v0, $0.0e+00  }
0x189: {  	[tilespmem:s10+$0x40] =	vst v0  }
0x18a: {  	v0 =	vld [tilespmem:s28+$0x50]  }
0x18b: {  	v1 =	vld [tilespmem:s9+$0x50];
	_ =	sdelay $0x4  }
0x18c: {  	v0 =	vadd.f32 v1, v0;
	_ =	sdelay $0x1  }
0x18d: {  	v0 =	vmax.f32 v0, $0.0e+00  }
.Ltmp1:
0x18e: {  	[tilespmem:s10+$0x50] =	vst v0;
	(pc) =	sbr.rel @p0 .LBB2_5-.Ltmp1, $3  }
0x18f: {  	v0 =	vld [tilespmem:s28+$0x60]  }
0x190: {  	v1 =	vld [tilespmem:s9+$0x60];
	_ =	sdelay $0x1  }
0x191: {  	s28 =	sadd.s32 $0x100, s28  }
0x192: {  	_ =	sdelay $0x1  }
0x193: {  	v0 =	vadd.f32 v1, v0;
	_ =	sdelay $0x1  }
0x194: {  	v0 =	vmax.f32 v0, $0.0e+00  }
0x195: {  	[tilespmem:s12+$0x60] =	vst v0  }
0x196: {  	v0 =	vld [tilespmem:s3+$0x70]  }
0x197: {  	v63 =	vld [tilespmem:s29+$0x70];
	_ =	sdelay $0x2  }
0x198: {  	s31 =	sadd.s32 $0x1, s31  }
0x199: {  	p0 =	sne.s32 s31, $0x27  }
.Ltmp2:
0x19a: {  	v0 =	vadd.f32 v63, v0;
	(pc) =	sbr.rel @p0 .LBB2_2-.Ltmp2, $4  }
0x19b: {  	_ = 	snop  }
0x19c: {  	s0 =	sshll.u32 s0, $0xB;
	v0 =	vmax.f32 v0, $0.0e+00  }
0x19d: {  	s0 =	sadd.s32 s14, s0;
	[tilespmem:s12+$0x70] =	vst v0  }
0x19e: {  	[hbm4b:s0+s5] =	stream.linear.scatter [tilespmem:s26], [sflag:$0x4], $0x4000, $0x38;
	[tilespmem:$0x18200] =	vst v63  }
0x19f: {  	_ =	swait.ge [sflag:s23], $0x4000  }
0x1a0: {  	[sflag:s23] =	ssyncset.done $0x0  }
0x1a1: {  	[sflag:s23] =	ssyncadd.s32 $0xFFFFC000  }
0x1a2: {  	_ =	swait.ge [sflag:s23], $0x4000  }
0x1a3: {  	[sflag:s23] =	ssyncset.done $0x0  }
0x1a4: {  	s29 =	simm.s32 $0x3;
	[sflag:s23] =	ssyncadd.s32 $0xFFFFC000  }
0x1a5: {  	_ =	swait.ge [sflag:s29], $0x4000  }
0x1a6: {  	[sflag:s29] =	ssyncset.done $0x0  }
0x1a7: {  	s0 =	simm.s32 $0x280;
	[sflag:s29] =	ssyncadd.s32 $0xFFFFC000  }
0x1a8: {  	s3 =	simm.s32 $0x8280;
	v0 =	vld [tilespmem:s0+$0xFFFFFF80]  }
0x1a9: {  	v1 =	vld [tilespmem:s3+$0xFFFFFF80];
	_ =	sdelay $0x4  }
0x1aa: {  	v0 =	vadd.f32 v1, v0;
	_ =	sdelay $0x1  }
0x1ab: {  	s9 =	simm.s32 $0x10280;
	v0 =	vmax.f32 v0, $0.0e+00  }
0x1ac: {  	[tilespmem:s9+$0xFFFFFF80] =	vst v0  }
0x1ad: {  	v0 =	vld [tilespmem:s0+$0xFFFFFF90]  }
0x1ae: {  	v1 =	vld [tilespmem:s3+$0xFFFFFF90];
	_ =	sdelay $0x4  }
0x1af: {  	v0 =	vadd.f32 v1, v0;
	_ =	sdelay $0x1  }
0x1b0: {  	v0 =	vmax.f32 v0, $0.0e+00  }
0x1b1: {  	[tilespmem:s9+$0xFFFFFF90] =	vst v0  }
0x1b2: {  	v0 =	vld [tilespmem:s0+$0xFFFFFFA0]  }
0x1b3: {  	v1 =	vld [tilespmem:s3+$0xFFFFFFA0];
	_ =	sdelay $0x4  }
0x1b4: {  	v0 =	vadd.f32 v1, v0;
	_ =	sdelay $0x1  }
0x1b5: {  	v0 =	vmax.f32 v0, $0.0e+00  }
0x1b6: {  	[tilespmem:s9+$0xFFFFFFA0] =	vst v0  }
0x1b7: {  	v0 =	vld [tilespmem:s0+$0xFFFFFFB0]  }
0x1b8: {  	v1 =	vld [tilespmem:s3+$0xFFFFFFB0];
	_ =	sdelay $0x4  }
0x1b9: {  	v0 =	vadd.f32 v1, v0;
	_ =	sdelay $0x1  }
0x1ba: {  	v0 =	vmax.f32 v0, $0.0e+00  }
0x1bb: {  	[tilespmem:s9+$0xFFFFFFB0] =	vst v0  }
0x1bc: {  	v0 =	vld [tilespmem:s0+$0xFFFFFFC0]  }
0x1bd: {  	v1 =	vld [tilespmem:s3+$0xFFFFFFC0];
	_ =	sdelay $0x4  }
0x1be: {  	v0 =	vadd.f32 v1, v0;
	_ =	sdelay $0x1  }
0x1bf: {  	v0 =	vmax.f32 v0, $0.0e+00  }
0x1c0: {  	[tilespmem:s9+$0xFFFFFFC0] =	vst v0  }
0x1c1: {  	v0 =	vld [tilespmem:s0+$0xFFFFFFD0]  }
0x1c2: {  	v1 =	vld [tilespmem:s3+$0xFFFFFFD0];
	_ =	sdelay $0x4  }
0x1c3: {  	v0 =	vadd.f32 v1, v0;
	_ =	sdelay $0x1  }
0x1c4: {  	v0 =	vmax.f32 v0, $0.0e+00  }
0x1c5: {  	[tilespmem:s9+$0xFFFFFFD0] =	vst v0  }
0x1c6: {  	v0 =	vld [tilespmem:s0+$0xFFFFFFE0]  }
0x1c7: {  	v1 =	vld [tilespmem:s3+$0xFFFFFFE0];
	_ =	sdelay $0x4  }
0x1c8: {  	v0 =	vadd.f32 v1, v0;
	_ =	sdelay $0x1  }
0x1c9: {  	v0 =	vmax.f32 v0, $0.0e+00  }
0x1ca: {  	[tilespmem:s9+$0xFFFFFFE0] =	vst v0  }
0x1cb: {  	v0 =	vld [tilespmem:s0+$0xFFFFFFF0]  }
0x1cc: {  	v1 =	vld [tilespmem:s3+$0xFFFFFFF0];
	_ =	sdelay $0x4  }
0x1cd: {  	v0 =	vadd.f32 v1, v0;
	_ =	sdelay $0x1  }
0x1ce: {  	v0 =	vmax.f32 v0, $0.0e+00  }
0x1cf: {  	[tilespmem:s9+$0xFFFFFFF0] =	vst v0  }
0x1d0: {  	v0 =	vld [tilespmem:s0+$0x0]  }
0x1d1: {  	v1 =	vld [tilespmem:s3+$0x0];
	_ =	sdelay $0x4  }
0x1d2: {  	v0 =	vadd.f32 v1, v0;
	_ =	sdelay $0x1  }
0x1d3: {  	v0 =	vmax.f32 v0, $0.0e+00  }
0x1d4: {  	[tilespmem:s9+$0x0] =	vst v0  }
0x1d5: {  	v0 =	vld [tilespmem:s0+$0x10]  }
0x1d6: {  	v1 =	vld [tilespmem:s3+$0x10];
	_ =	sdelay $0x4  }
0x1d7: {  	v0 =	vadd.f32 v1, v0;
	_ =	sdelay $0x1  }
0x1d8: {  	v0 =	vmax.f32 v0, $0.0e+00  }
0x1d9: {  	[tilespmem:s9+$0x10] =	vst v0  }
0x1da: {  	v0 =	vld [tilespmem:s0+$0x20]  }
0x1db: {  	v1 =	vld [tilespmem:s3+$0x20];
	_ =	sdelay $0x4  }
0x1dc: {  	v0 =	vadd.f32 v1, v0;
	_ =	sdelay $0x1  }
0x1dd: {  	v0 =	vmax.f32 v0, $0.0e+00  }
0x1de: {  	[tilespmem:s9+$0x20] =	vst v0  }
0x1df: {  	v0 =	vld [tilespmem:s0+$0x30]  }
0x1e0: {  	v1 =	vld [tilespmem:s3+$0x30];
	_ =	sdelay $0x4  }
0x1e1: {  	v0 =	vadd.f32 v1, v0;
	_ =	sdelay $0x1  }
0x1e2: {  	v0 =	vmax.f32 v0, $0.0e+00  }
0x1e3: {  	[tilespmem:s9+$0x30] =	vst v0  }
0x1e4: {  	v0 =	vld [tilespmem:s0+$0x40]  }
0x1e5: {  	v1 =	vld [tilespmem:s3+$0x40];
	_ =	sdelay $0x4  }
0x1e6: {  	v0 =	vadd.f32 v1, v0;
	_ =	sdelay $0x1  }
0x1e7: {  	v0 =	vmax.f32 v0, $0.0e+00  }
0x1e8: {  	[tilespmem:s9+$0x40] =	vst v0  }
0x1e9: {  	v0 =	vld [tilespmem:s0+$0x50]  }
0x1ea: {  	v1 =	vld [tilespmem:s3+$0x50];
	_ =	sdelay $0x4  }
0x1eb: {  	v0 =	vadd.f32 v1, v0;
	_ =	sdelay $0x1  }
0x1ec: {  	v0 =	vmax.f32 v0, $0.0e+00  }
0x1ed: {  	[tilespmem:s9+$0x50] =	vst v0  }
0x1ee: {  	v0 =	vld [tilespmem:s0+$0x60]  }
0x1ef: {  	v1 =	vld [tilespmem:s3+$0x60]  }
0x1f0: {  	s12 =	simm.s32 $0x0  }
0x1f1: {  	s28 =	simm.s32 $0x380;
	s10 =	simm.s32 $0x10280;
	s13 =	simm.s32 $0x8280  }
.LBB2_8:
0x1f2: {  	s12 =	sadd.s32 $0x2, s12;
	s9 =	sadd.s32 $0x100, s9;
	s3 =	sadd.s32 $0x100, s3  }
0x1f3: {  	p0 =	slt.u32 s12, $0x7E  }
0x1f4: {  	v0 =	vadd.f32 v1, v0;
	_ =	sdelay $0x1  }
0x1f5: {  	v0 =	vmax.f32 v0, $0.0e+00  }
0x1f6: {  	[tilespmem:s10+$0x60] =	vst v0  }
0x1f7: {  	v0 =	vld [tilespmem:s0+$0x70];
	s0 =	smov.u32 s28  }
0x1f8: {  	v1 =	vld [tilespmem:s13+$0x70];
	s13 =	smov.u32 s3;
	_ =	sdelay $0x4  }
0x1f9: {  	v0 =	vadd.f32 v1, v0;
	_ =	sdelay $0x1  }
0x1fa: {  	v0 =	vmax.f32 v0, $0.0e+00  }
0x1fb: {  	[tilespmem:s10+$0x70] =	vst v0;
	s10 =	smov.u32 s9  }
0x1fc: {  	v0 =	vld [tilespmem:s28+$0xFFFFFF80]  }
0x1fd: {  	v1 =	vld [tilespmem:s3+$0xFFFFFF80];
	_ =	sdelay $0x4  }
0x1fe: {  	v0 =	vadd.f32 v1, v0;
	_ =	sdelay $0x1  }
0x1ff: {  	v0 =	vmax.f32 v0, $0.0e+00  }
0x200: {  	[tilespmem:s9+$0xFFFFFF80] =	vst v0  }
0x201: {  	v0 =	vld [tilespmem:s28+$0xFFFFFF90]  }
0x202: {  	v1 =	vld [tilespmem:s3+$0xFFFFFF90];
	_ =	sdelay $0x4  }
0x203: {  	v0 =	vadd.f32 v1, v0;
	_ =	sdelay $0x1  }
0x204: {  	v0 =	vmax.f32 v0, $0.0e+00  }
0x205: {  	[tilespmem:s9+$0xFFFFFF90] =	vst v0  }
0x206: {  	v0 =	vld [tilespmem:s28+$0xFFFFFFA0]  }
0x207: {  	v1 =	vld [tilespmem:s3+$0xFFFFFFA0];
	_ =	sdelay $0x4  }
0x208: {  	v0 =	vadd.f32 v1, v0;
	_ =	sdelay $0x1  }
0x209: {  	v0 =	vmax.f32 v0, $0.0e+00  }
0x20a: {  	[tilespmem:s9+$0xFFFFFFA0] =	vst v0  }
0x20b: {  	v0 =	vld [tilespmem:s28+$0xFFFFFFB0]  }
0x20c: {  	v1 =	vld [tilespmem:s3+$0xFFFFFFB0];
	_ =	sdelay $0x4  }
0x20d: {  	v0 =	vadd.f32 v1, v0;
	_ =	sdelay $0x1  }
0x20e: {  	v0 =	vmax.f32 v0, $0.0e+00  }
0x20f: {  	[tilespmem:s9+$0xFFFFFFB0] =	vst v0  }
0x210: {  	v0 =	vld [tilespmem:s28+$0xFFFFFFC0]  }
0x211: {  	v1 =	vld [tilespmem:s3+$0xFFFFFFC0];
	_ =	sdelay $0x4  }
0x212: {  	v0 =	vadd.f32 v1, v0;
	_ =	sdelay $0x1  }
0x213: {  	v0 =	vmax.f32 v0, $0.0e+00  }
0x214: {  	[tilespmem:s9+$0xFFFFFFC0] =	vst v0  }
0x215: {  	v0 =	vld [tilespmem:s28+$0xFFFFFFD0]  }
0x216: {  	v1 =	vld [tilespmem:s3+$0xFFFFFFD0];
	_ =	sdelay $0x4  }
0x217: {  	v0 =	vadd.f32 v1, v0;
	_ =	sdelay $0x1  }
0x218: {  	v0 =	vmax.f32 v0, $0.0e+00  }
0x219: {  	[tilespmem:s9+$0xFFFFFFD0] =	vst v0  }
0x21a: {  	v0 =	vld [tilespmem:s28+$0xFFFFFFE0]  }
0x21b: {  	v1 =	vld [tilespmem:s3+$0xFFFFFFE0];
	_ =	sdelay $0x4  }
0x21c: {  	v0 =	vadd.f32 v1, v0;
	_ =	sdelay $0x1  }
0x21d: {  	v0 =	vmax.f32 v0, $0.0e+00  }
0x21e: {  	[tilespmem:s9+$0xFFFFFFE0] =	vst v0  }
0x21f: {  	v0 =	vld [tilespmem:s28+$0xFFFFFFF0]  }
0x220: {  	v1 =	vld [tilespmem:s3+$0xFFFFFFF0];
	_ =	sdelay $0x4  }
0x221: {  	v0 =	vadd.f32 v1, v0;
	_ =	sdelay $0x1  }
0x222: {  	v0 =	vmax.f32 v0, $0.0e+00  }
0x223: {  	[tilespmem:s9+$0xFFFFFFF0] =	vst v0  }
0x224: {  	v0 =	vld [tilespmem:s28+$0x0]  }
0x225: {  	v1 =	vld [tilespmem:s3+$0x0];
	_ =	sdelay $0x4  }
0x226: {  	v0 =	vadd.f32 v1, v0;
	_ =	sdelay $0x1  }
0x227: {  	v0 =	vmax.f32 v0, $0.0e+00  }
0x228: {  	[tilespmem:s9+$0x0] =	vst v0  }
0x229: {  	v0 =	vld [tilespmem:s28+$0x10]  }
0x22a: {  	v1 =	vld [tilespmem:s3+$0x10];
	_ =	sdelay $0x4  }
0x22b: {  	v0 =	vadd.f32 v1, v0;
	_ =	sdelay $0x1  }
0x22c: {  	v0 =	vmax.f32 v0, $0.0e+00  }
0x22d: {  	[tilespmem:s9+$0x10] =	vst v0  }
0x22e: {  	v0 =	vld [tilespmem:s28+$0x20]  }
0x22f: {  	v1 =	vld [tilespmem:s3+$0x20];
	_ =	sdelay $0x4  }
0x230: {  	v0 =	vadd.f32 v1, v0;
	_ =	sdelay $0x1  }
0x231: {  	v0 =	vmax.f32 v0, $0.0e+00  }
0x232: {  	[tilespmem:s9+$0x20] =	vst v0  }
0x233: {  	v0 =	vld [tilespmem:s28+$0x30]  }
0x234: {  	v1 =	vld [tilespmem:s3+$0x30];
	_ =	sdelay $0x4  }
0x235: {  	v0 =	vadd.f32 v1, v0;
	_ =	sdelay $0x1  }
0x236: {  	v0 =	vmax.f32 v0, $0.0e+00  }
0x237: {  	[tilespmem:s9+$0x30] =	vst v0  }
0x238: {  	v0 =	vld [tilespmem:s28+$0x40]  }
0x239: {  	v1 =	vld [tilespmem:s3+$0x40];
	_ =	sdelay $0x4  }
0x23a: {  	v0 =	vadd.f32 v1, v0;
	_ =	sdelay $0x1  }
0x23b: {  	v0 =	vmax.f32 v0, $0.0e+00  }
0x23c: {  	[tilespmem:s9+$0x40] =	vst v0  }
0x23d: {  	v0 =	vld [tilespmem:s28+$0x50]  }
0x23e: {  	v1 =	vld [tilespmem:s3+$0x50];
	_ =	sdelay $0x4  }
0x23f: {  	v0 =	vadd.f32 v1, v0;
	_ =	sdelay $0x1  }
0x240: {  	v0 =	vmax.f32 v0, $0.0e+00  }
.Ltmp3:
0x241: {  	[tilespmem:s9+$0x50] =	vst v0;
	(pc) =	sbr.rel @p0 .LBB2_8-.Ltmp3, $3  }
0x242: {  	v0 =	vld [tilespmem:s28+$0x60]  }
0x243: {  	v1 =	vld [tilespmem:s3+$0x60];
	_ =	sdelay $0x1  }
0x244: {  	s28 =	sadd.s32 $0x100, s28  }
0x245: {  	_ =	sdelay $0x1  }
0x246: {  	v0 =	vadd.f32 v1, v0;
	_ =	sdelay $0x1  }
0x247: {  	v0 =	vmax.f32 v0, $0.0e+00  }
0x248: {  	[tilespmem:s10+$0x60] =	vst v0  }
0x249: {  	v0 =	vld [tilespmem:s0+$0x70]  }
0x24a: {  	v63 =	vld [tilespmem:s13+$0x70];
	_ =	sdelay $0x4  }
0x24b: {  	v0 =	vadd.f32 v63, v0;
	_ =	sdelay $0x1  }
0x24c: {  	v0 =	vmax.f32 v0, $0.0e+00  }
0x24d: {  	s28 =	rddreg [dreg:$0x7];
	[tilespmem:s10+$0x70] =	vst v0  }
0x24e: {  	[hbm4b:s28+s5] =	stream.linear.scatter [tilespmem:s24], [sflag:$0x3], $0x4000, $0x38;
	[tilespmem:$0x18200] =	vst v63  }
0x24f: {  	_ =	swait.ge [sflag:s29], $0x4000  }
0x250: {  	[sflag:s29] =	ssyncset.done $0x0  }
0x251: {  	s3 =	simm.s32 $0x4;
	[sflag:s29] =	ssyncadd.s32 $0xFFFFC000  }
0x252: {  	_ =	swait.ge [sflag:s3], $0x4000  }
0x253: {  	s30 =	sadd.s32 $0x1, s30;
	s31 =	rddreg [dreg:$0x8]  }
0x254: {  	p0 =	sne.s32 s30, s31  }
.Ltmp4:
0x255: {  	_ = 	snop;
	(pc) =	sbr.rel @p0 .LBB2_1-.Ltmp4, $3  }
0x256: {  	_ =	sdelay $0x1  }
0x257: {  	[sflag:s3] =	ssyncset.done $0x0  }
0x258: {  	[sflag:s3] =	ssyncadd.s32 $0xFFFFC000  }
0x259: {  	_ =	sfence.sel $0x180000  }
0x25a: {  	[bflag:$0x0] =	sbarrier.arrive $0xFFFF  }
0x25b: {  	_ =	strace $0x90000047  }
0x25c: {  	s0 =	stileid.u32;
	[bflag:$0x2] =	sbarrier.arrive $0xFFFF  }
0x25d: {  	p0 =	sne.s32 s0, $0x0;
	s0 =	rddreg [dreg:$0x4]  }
0x25e: {  	s0 =	sadd.s32 @!p0 $0x100000, s0  }
0x25f: {  	[sflag:s0] =	ssyncadd.tile.s32 @!p0 $0x1;
	_ =	shalt  }
.Lfunc_end2:
_tile_overlayer_lowered:
.L_overlay_start_2:
0x260: {  	(tag) =	ssettag $0x2  }
0x261: {  	s0 =	rddreg [dreg:$0x0];
	s2 =	stileid.u32  }
0x262: {  	s1 =	rddreg [dreg:$0x1];
	p0 =	sne.s32 s2, $0x0  }
0x263: {  	s3 =	rddreg [dreg:$0x2];
	[bflag:$0x3] =	sbarrier.arrive $0xFFFF;
	s2 =	simm.s32 @!p0 $0x1C05  }
0x264: {  	[timem:s3], [sflag:s2] =	dma.local @!p0 [hbm:s0], s1  }
0x265: {  	s0 =	simm.s32 @!p0 $0x5  }
0x266: {  	_ =	swait.ge @!p0 [sflag:s0], s1  }
0x267: {  	s1 =	ssub.s32 @!p0 $0x0, s1;
	[sflag:s0] =	ssyncset.done @!p0 $0x0  }
0x268: {  	[sflag:s0] =	ssyncadd.s32 @!p0 s1  }
0x269: {  	[bflag:$0x3] =	sbarrier.arrive $0xFFFF  }
0x26a: {  	_ =	shalt  }

</sc_bundles>
